<compile_context>
chip_gen: v7x
topology: tpu7x:2x2x1
jax: 0.10.2.dev20260603
libtpu: 0.0.44.dev20260713+nightly
codegen_flags: <defaults>
</compile_context>

<pallas_src>
import functools

import jax
import jax.numpy as jnp
from jax import lax
from jax.experimental import pallas as pl
from jax.experimental.pallas import tpu as pltpu
from jax.experimental.pallas import tpu_sc as plsc

B = 16
N = 20000
C = 80
M = 1000
S = 8000

L = 16
NSTEP = S // L
CAP = 1008
NBLKCAP = CAP // L
GW = 16
UNROLL = 4
BSL = 10240


def _body(boxes_t_hbm, scores_t_hbm, b_hbm, x_hbm, l_hbm,
          num_out, boxes_out, s0_out, s1_out, classes_out,
          bbuf, xbuf, lbuf, posbuf, bslab, boxg, rowbuf, shalf,
          clsout, cntbuf, sem):
    cid = lax.axis_index("c")
    b = lax.axis_index("s")
    lanes = lax.iota(jnp.int32, L)
    b_splat = lax.broadcast(b, (L,))

    pltpu.sync_copy(b_hbm, bbuf)
    pltpu.sync_copy(x_hbm, xbuf)
    pltpu.sync_copy(l_hbm, lbuf)

    def scan_step(jj, cnt_cur):
        for u in range(UNROLL):
            j = jj * UNROLL + u
            bv = bbuf[pl.ds(j * L, L)]
            m = bv == b_splat
            pref = plsc.cumsum(m.astype(jnp.int32))
            dest = jnp.where(m, cnt_cur + pref - 1, jnp.int32(S + L) + lanes)
            plsc.store_scatter(posbuf, [dest], lanes + j * L)
            cnt_cur = cnt_cur + plsc.all_reduce_population_count(m)
        return cnt_cur

    cnt_splat = lax.fori_loop(0, NSTEP // UNROLL, scan_step,
                              jnp.zeros((L,), jnp.int32))
    cntbuf[...] = cnt_splat
    cnt_m = jnp.minimum(cnt_splat, M)
    cnt_sc = jnp.max(jnp.minimum(cnt_splat, M))
    nblk = lax.shift_right_logical(cnt_sc + (L - 1), 4)

    def slot_meta(kb):
        slot = lanes + kb * L
        valid = slot < cnt_m
        posv = plsc.load_gather(posbuf, [jnp.where(valid, slot, 0)])
        posv = jnp.where(valid, posv, 0)
        xv = plsc.load_gather(xbuf, [posv])
        lv = plsc.load_gather(lbuf, [posv])
        return valid, posv, jnp.where(valid, xv, 0), jnp.where(valid, lv, 0)

    def zero_step(k, _):
        shalf[pl.ds(k * L, L)] = jnp.zeros((L,), jnp.float32)
        return 0

    lax.fori_loop(0, NBLKCAP, zero_step, 0)

    q = nblk // 3
    nmine = jnp.where(cid == 0, q, nblk - q)
    kstart = jnp.where(cid == 0, nblk - q, 0)

    def issue_block(kb, slot0):
        _, _, xv, lv = slot_meta(kb)
        for j in range(GW):
            lb = pl.multiple_of(
                lax.shift_left(lax.shift_right_logical(lv[j], 3), 3), 8)
            nb = pl.multiple_of(
                lax.shift_left(lax.shift_right_logical(xv[j], 7), 7), 128)
            pltpu.async_copy(
                scores_t_hbm.at[b, pl.ds(lb, 8), pl.ds(nb, 128)],
                rowbuf.at[slot0 + j], sem)

    def extract_block(kb, slot0):
        valid, _, xv, lv = slot_meta(kb)
        dummy = scores_t_hbm.at[0, pl.ds(0, 8), pl.ds(0, 128)]
        for j in range(GW):
            pltpu.make_async_copy(dummy, rowbuf.at[slot0 + j], sem).wait()
        sv = plsc.load_gather(
            rowbuf, [lax.broadcast(slot0, (L,)) + lanes,
                     jnp.bitwise_and(lv, 7), jnp.bitwise_and(xv, 127)])
        shalf[pl.ds(kb * L, L)] = jnp.where(valid, sv, jnp.float32(0))

    def sc_step(i, carry):
        issue_block(kstart + i, jnp.bitwise_and(i, 1) * GW)

        @pl.when(i > 0)
        def _():
            extract_block(kstart + i - 1, jnp.bitwise_and(i - 1, 1) * GW)

        return carry

    lax.fori_loop(0, nmine, sc_step, 0)

    @pl.when(nmine > 0)
    def _tail():
        il = nmine - 1
        extract_block(kstart + il, jnp.bitwise_and(il, 1) * GW)

    @pl.when(cid == 0)
    def _even():
        pltpu.sync_copy(shalf, s0_out.at[b])

    @pl.when(cid == 1)
    def _odd():
        pltpu.sync_copy(shalf, s1_out.at[b])

    @pl.when(cid == 0)
    def _boxes():
        zero = jnp.zeros((L,), jnp.float32)

        def box_pass(h, off, sz, hi):
            if h == 2:
                off_d = pl.multiple_of(cnt_sc * 0 + off, 128)
            else:
                off_d = off
            pltpu.sync_copy(boxes_t_hbm.at[b, :, pl.ds(off_d, sz)],
                            bslab.at[:, pl.ds(0, sz)])

            def box_step(k, _):
                valid, _, xv, _ = slot_meta(k)
                slot = lanes + k * L
                inhalf = valid & (xv >= off) & (xv < hi)
                xl = jnp.where(inhalf, xv - off, 0)
                for c in range(4):
                    vc = plsc.load_gather(
                        bslab, [lax.broadcast(jnp.int32(c), (L,)), xl])
                    if h == 0:
                        prev = jnp.float32(0)
                    else:
                        prev = plsc.load_gather(boxg, [slot * 8 + c])
                    plsc.store_scatter(boxg, [slot * 8 + c],
                                       jnp.where(inhalf, vc, prev))
                if h == 0:
                    for c in range(4, 8):
                        plsc.store_scatter(boxg, [slot * 8 + c], zero)
                return 0

            lax.fori_loop(0, NBLKCAP, box_step, 0)

        box_pass(0, 0, BSL, BSL)
        box_pass(1, 19968 - BSL, BSL, 19968)
        box_pass(2, 19968, 128, N)
        pltpu.sync_copy(boxg, boxes_out.at[b])

    @pl.when(cid == 1)
    def _cls():
        def cls_step(k, _):
            valid, _, _, lv = slot_meta(k)
            clsout[pl.ds(k * L, L)] = jnp.where(valid, lv, 0)
            return 0

        lax.fori_loop(0, NBLKCAP, cls_step, 0)
        pltpu.sync_copy(clsout, classes_out.at[b])
        pltpu.sync_copy(cntbuf, num_out.at[b])


@functools.partial(
    pl.kernel,
    out_type=(
        jax.ShapeDtypeStruct((B, L), jnp.int32),
        jax.ShapeDtypeStruct((B, CAP * 8), jnp.float32),
        jax.ShapeDtypeStruct((B, CAP), jnp.float32),
        jax.ShapeDtypeStruct((B, CAP), jnp.float32),
        jax.ShapeDtypeStruct((B, CAP), jnp.int32),
    ),
    mesh=plsc.VectorSubcoreMesh(
        core_axis_name="c", subcore_axis_name="s", num_cores=2,
        num_subcores=16),
    compiler_params=pltpu.CompilerParams(
        needs_layout_passes=False, use_tc_tiling_on_sc=True),
    scratch_types=(
        pltpu.VMEM((S,), jnp.int32),
        pltpu.VMEM((S,), jnp.int32),
        pltpu.VMEM((S,), jnp.int32),
        pltpu.VMEM((S + 2 * L,), jnp.int32),
        pltpu.VMEM((4, BSL), jnp.float32),
        pltpu.VMEM((CAP * 8,), jnp.float32),
        pltpu.VMEM((2 * GW, 8, 128), jnp.float32),
        pltpu.VMEM((CAP,), jnp.float32),
        pltpu.VMEM((CAP,), jnp.int32),
        pltpu.VMEM((L,), jnp.int32),
        pltpu.SemaphoreType.DMA,
    ),
)
def _sc_pick(boxes_t_hbm, scores_t_hbm, b_hbm, x_hbm, l_hbm,
             num_out, boxes_out, s0_out, s1_out, classes_out,
             *scratch):
    _body(boxes_t_hbm, scores_t_hbm, b_hbm, x_hbm, l_hbm,
          num_out, boxes_out, s0_out, s1_out, classes_out, *scratch)


@jax.jit
def kernel(pred_boxes, pred_scores, selected_indexes):
    sel = selected_indexes.astype(jnp.int32)
    bi = sel[:, 0]
    li = sel[:, 1]
    xi = sel[:, 2]
    boxes_t = jnp.transpose(pred_boxes, (0, 2, 1))
    scores_t = jnp.transpose(pred_scores, (0, 2, 1))
    num, ob, s0, s1, ocl = _sc_pick(boxes_t, scores_t, bi, xi, li)
    cm = jnp.minimum(num[:, :1], M)
    nblk = (cm + (L - 1)) // L
    boundary = (nblk - nblk // 3) * L
    cols = jnp.arange(CAP)[None, :]
    scores = jnp.where(cols < boundary, s1, s0)
    return (num[:, :1], ob.reshape(B, CAP, 8)[:, :M, :4], scores[:, :M],
            ocl[:, :M])

# --- scband reference (transcript-rebuilt; emitter-appended) ---
"""Pipeline reference for scband-pick-nmspredictions-and-return-as-batched-result-16406775071466 (READ-ONLY COPY).

The authoritative reference and input builder live on the scoring server;
editing this copy changes nothing except your own understanding.
"""

import jax, jax.numpy as jnp
import numpy as np

B = 16
N = 20000
C = 80
M = 1000
S = 8000


def setup_inputs(seed: int = 0) -> dict:
    key = jax.random.key(seed)
    k1, k2, k3, k4, k5 = jax.random.split(key, 5)
    pred_boxes = jax.random.uniform(k1, (B, N, 4), dtype=jnp.float32)
    pred_scores = jax.random.uniform(k2, (B, N, C), dtype=jnp.float32)
    bi = jax.random.randint(k3, (S, 1), 0, B)
    li = jax.random.randint(k4, (S, 1), 0, C)
    xi = jax.random.randint(k5, (S, 1), 0, N)
    selected_indexes = jnp.concatenate([bi, li, xi], axis=1)
    return {"pred_boxes": pred_boxes, "pred_scores": pred_scores, "selected_indexes": selected_indexes}


def _forward(pred_boxes, pred_scores, selected_indexes):
    dtype = pred_boxes.dtype
    batch_idx = selected_indexes[:, 0]
    label_idx = selected_indexes[:, 1]
    box_idx = selected_indexes[:, 2]
    # gather selected boxes and scores
    selected_boxes = pred_boxes[batch_idx, box_idx]                       # [S, 4]
    selected_scores = pred_scores[batch_idx, box_idx, label_idx]          # [S]
    predictions = jnp.concatenate([
        batch_idx[:, None].astype(dtype),
        selected_boxes,
        selected_scores[:, None],
        label_idx[:, None].astype(dtype),
    ], axis=1)                                                            # [S, 7]
    T = B * M
    pad_rows = T - predictions.shape[0]
    predictions = jnp.pad(predictions, ((0, pad_rows), (0, 0)), constant_values=-1.0)  # [T, 7]
    b_col = predictions[:, 0]
    # masks[i, j] = (batch i == predictions[j, 0])
    masks = jnp.arange(B, dtype=dtype)[:, None] == b_col[None, :]         # [B, T]
    num_predictions = jnp.sum(masks, axis=1).astype(jnp.int32)            # [B]
    # rank within batch: number of earlier rows with the same batch index
    onehot = (b_col[:, None] == jnp.arange(B, dtype=dtype)[None, :]).astype(jnp.int32)  # [T, B]
    csum = jnp.cumsum(onehot, axis=0)
    valid = b_col >= 0
    bint = jnp.clip(b_col.astype(jnp.int32), 0, B - 1)
    rank = jnp.take_along_axis(csum, bint[:, None], axis=1)[:, 0] - 1     # [T]
    dest_r = jnp.where(valid, rank, M)  # invalid / padded rows go out of range -> dropped
    batch_predictions = jnp.zeros((B, M, 6), dtype=dtype).at[bint, dest_r].set(predictions[:, 1:], mode='drop')
    out_boxes = batch_predictions[:, :, 0:4]
    out_scores = batch_predictions[:, :, 4]
    out_classes = batch_predictions[:, :, 5].astype(jnp.int32)
    return num_predictions[:, None], out_boxes, out_scores, out_classes


def reference(pred_boxes, pred_scores, selected_indexes):
    return _forward(pred_boxes, pred_scores, selected_indexes)

if __name__ == "__main__":
    import jax
    _d = setup_inputs()
    print(jax.jit(kernel)(*tuple(_d.values())))

</pallas_src>

<mosaic_0001>
#map = affine_map<(d0, d1) -> (0, 0, 0)>
#map1 = affine_map<(d0, d1) -> (0)>
#map2 = affine_map<(d0, d1) -> (0, 0)>
module attributes {stable_mosaic.version = 14 : i64} {
  func.func @_sc_pick(%arg0: i32, %arg1: i32, %arg2: memref<16x4x20000xf32, #tpu.memory_space<hbm>>, %arg3: memref<16x80x20000xf32, #tpu.memory_space<hbm>>, %arg4: memref<8000xi32, #tpu.memory_space<hbm>>, %arg5: memref<8000xi32, #tpu.memory_space<hbm>>, %arg6: memref<8000xi32, #tpu.memory_space<hbm>>, %arg7: memref<16x16xi32, #tpu.memory_space<hbm>>, %arg8: memref<16x8064xf32, #tpu.memory_space<hbm>>, %arg9: memref<16x1008xf32, #tpu.memory_space<hbm>>, %arg10: memref<16x1008xf32, #tpu.memory_space<hbm>>, %arg11: memref<16x1008xi32, #tpu.memory_space<hbm>>, %arg12: memref<8000xi32, #tpu.memory_space<vmem>>, %arg13: memref<8000xi32, #tpu.memory_space<vmem>>, %arg14: memref<8000xi32, #tpu.memory_space<vmem>>, %arg15: memref<8032xi32, #tpu.memory_space<vmem>>, %arg16: memref<4x10240xf32, #tpu.memory_space<vmem>>, %arg17: memref<8064xf32, #tpu.memory_space<vmem>>, %arg18: memref<32x8x128xf32, #tpu.memory_space<vmem>>, %arg19: memref<1008xf32, #tpu.memory_space<vmem>>, %arg20: memref<1008xi32, #tpu.memory_space<vmem>>, %arg21: memref<16xi32, #tpu.memory_space<vmem>>, %arg22: memref<!tpu.dma_semaphore, #tpu.memory_space<semaphore_mem>>) attributes {dimension_semantics = [#tpu.dimension_semantics<core_parallel>, #tpu.dimension_semantics<subcore_parallel>], iteration_bounds = array<i64: 2, 16>, scalar_prefetch = 0 : i64, scratch_operands = 11 : i64, tpu.core_type = #tpu.core_type<sc_vector_subcore>, window_params = [{transform_indices = #map}, {transform_indices = #map}, {transform_indices = #map1}, {transform_indices = #map1}, {transform_indices = #map1}, {transform_indices = #map2}, {transform_indices = #map2}, {transform_indices = #map2}, {transform_indices = #map2}, {transform_indices = #map2}]} {
    %iota3A = tpu.iota {dimensions = array<i32: 0>} : vector<16xi32>
    %broadcast_in_dim3A = vector.broadcast %arg1 : i32 to vector<16xi32>
    "tpu.region"() ({
      %run_scoped3A = tpu.sem_alloc : memref<!tpu.dma_semaphore, #tpu.memory_space<semaphore_mem>>
      tpu.enqueue_dma source(%arg4 : memref<8000xi32, #tpu.memory_space<hbm>>) target(%arg12 : memref<8000xi32, #tpu.memory_space<vmem>>) target_semaphore(%run_scoped3A : memref<!tpu.dma_semaphore, #tpu.memory_space<semaphore_mem>>)
      tpu.wait_dma2 semaphore(%run_scoped3A : memref<!tpu.dma_semaphore, #tpu.memory_space<semaphore_mem>>) src(%arg4 : memref<8000xi32, #tpu.memory_space<hbm>>) dst(%arg12 : memref<8000xi32, #tpu.memory_space<vmem>>)
      tpu.yield
    }) : () -> ()
    "tpu.region"() ({
      %run_scoped3A = tpu.sem_alloc : memref<!tpu.dma_semaphore, #tpu.memory_space<semaphore_mem>>
      tpu.enqueue_dma source(%arg5 : memref<8000xi32, #tpu.memory_space<hbm>>) target(%arg13 : memref<8000xi32, #tpu.memory_space<vmem>>) target_semaphore(%run_scoped3A : memref<!tpu.dma_semaphore, #tpu.memory_space<semaphore_mem>>)
      tpu.wait_dma2 semaphore(%run_scoped3A : memref<!tpu.dma_semaphore, #tpu.memory_space<semaphore_mem>>) src(%arg5 : memref<8000xi32, #tpu.memory_space<hbm>>) dst(%arg13 : memref<8000xi32, #tpu.memory_space<vmem>>)
      tpu.yield
    }) : () -> ()
    "tpu.region"() ({
      %run_scoped3A = tpu.sem_alloc : memref<!tpu.dma_semaphore, #tpu.memory_space<semaphore_mem>>
      tpu.enqueue_dma source(%arg6 : memref<8000xi32, #tpu.memory_space<hbm>>) target(%arg14 : memref<8000xi32, #tpu.memory_space<vmem>>) target_semaphore(%run_scoped3A : memref<!tpu.dma_semaphore, #tpu.memory_space<semaphore_mem>>)
      tpu.wait_dma2 semaphore(%run_scoped3A : memref<!tpu.dma_semaphore, #tpu.memory_space<semaphore_mem>>) src(%arg6 : memref<8000xi32, #tpu.memory_space<hbm>>) dst(%arg14 : memref<8000xi32, #tpu.memory_space<vmem>>)
      tpu.yield
    }) : () -> ()
    %broadcast_in_dim3A_0 = arith.constant 0 : i32
    %broadcast_in_dim3A_1 = vector.broadcast %broadcast_in_dim3A_0 : i32 to vector<16xi32>
    %scan3A = arith.constant 0 : i32
    %scan3A_2 = arith.constant 125 : i32
    %scan3A_3 = arith.addi %scan3A, %scan3A_2 : i32
    %scan3A_4 = arith.constant 1 : i32
    %scan3A_5 = scf.for %scan3A_84 = %scan3A to %scan3A_3 step %scan3A_4 iter_args(%scan3A_85 = %broadcast_in_dim3A_1) -> (vector<16xi32>)  : i32 {
      %mul3A = arith.constant 4 : i32
      %mul3A_86 = arith.muli %scan3A_84, %mul3A : i32
      %add3A_87 = arith.constant 0 : i32
      %add3A_88 = arith.addi %mul3A_86, %add3A_87 : i32
      %mul3A_89 = arith.constant 16 : i32
      %mul3A_90 = arith.muli %add3A_88, %mul3A_89 : i32
      %get3A = arith.index_cast %mul3A_90 : i32 to index
      %get3A_91 = tpu.vector_load %arg12[%get3A] {strides = array<i32>} : memref<8000xi32, #tpu.memory_space<vmem>>, vector<16xi32>,
      %eq3A_92 = arith.cmpi eq, %get3A_91, %broadcast_in_dim3A : vector<16xi32>
      %convert_element_type3A_93 = arith.extui %eq3A_92 : vector<16xi1> to vector<16xi32>
      %broadcast_in_dim3A_94 = arith.constant true
      %broadcast_in_dim3A_95 = vector.broadcast %broadcast_in_dim3A_94 : i1 to vector<16xi1>
      %masked_cumsum3A = tpu.scan <sum>, %convert_element_type3A_93 masked %broadcast_in_dim3A_95 : vector<16xi32>, vector<16xi1> -> vector<16xi32>
      %add3A_96 = arith.addi %scan3A_85, %masked_cumsum3A : vector<16xi32>
      %sub3A_97 = arith.constant 1 : i32
      %sub3A_98 = vector.broadcast %sub3A_97 : i32 to vector<16xi32>
      %sub3A_99 = arith.subi %add3A_96, %sub3A_98 : vector<16xi32>
      %add3A_100 = arith.constant 8016 : i32
      %add3A_101 = vector.broadcast %add3A_100 : i32 to vector<16xi32>
      %add3A_102 = arith.addi %add3A_101, %iota3A : vector<16xi32>
      %select_n3A_103 = arith.select %eq3A_92, %sub3A_99, %add3A_102 : vector<16xi1>, vector<16xi32>
      %mul3A_104 = arith.constant 16 : i32
      %mul3A_105 = arith.muli %add3A_88, %mul3A_104 : i32
      %add3A_106 = vector.broadcast %mul3A_105 : i32 to vector<16xi32>
      %add3A_107 = arith.addi %iota3A, %add3A_106 : vector<16xi32>
      tpu.vector_store_idx %arg15[%select_n3A_103], %add3A_107 : memref<8032xi32, #tpu.memory_space<vmem>>[vector<16xi32>], vector<16xi32>,
      %all_reduce_population_count3A = tpu.all_reduce %eq3A_92 {dim = 0 : i64, kind = #tpu.reduction_kind<sum>} : vector<16xi1> -> vector<16xi32>
      %add3A_108 = arith.addi %scan3A_85, %all_reduce_population_count3A : vector<16xi32>
      %mul3A_109 = arith.constant 4 : i32
      %mul3A_110 = arith.muli %scan3A_84, %mul3A_109 : i32
      %add3A_111 = arith.constant 1 : i32
      %add3A_112 = arith.addi %mul3A_110, %add3A_111 : i32
      %mul3A_113 = arith.constant 16 : i32
      %mul3A_114 = arith.muli %add3A_112, %mul3A_113 : i32
      %get3A_115 = arith.index_cast %mul3A_114 : i32 to index
      %get3A_116 = tpu.vector_load %arg12[%get3A_115] {strides = array<i32>} : memref<8000xi32, #tpu.memory_space<vmem>>, vector<16xi32>,
      %eq3A_117 = arith.cmpi eq, %get3A_116, %broadcast_in_dim3A : vector<16xi32>
      %convert_element_type3A_118 = arith.extui %eq3A_117 : vector<16xi1> to vector<16xi32>
      %broadcast_in_dim3A_119 = arith.constant true
      %broadcast_in_dim3A_120 = vector.broadcast %broadcast_in_dim3A_119 : i1 to vector<16xi1>
      %masked_cumsum3A_121 = tpu.scan <sum>, %convert_element_type3A_118 masked %broadcast_in_dim3A_120 : vector<16xi32>, vector<16xi1> -> vector<16xi32>
      %add3A_122 = arith.addi %add3A_108, %masked_cumsum3A_121 : vector<16xi32>
      %sub3A_123 = arith.constant 1 : i32
      %sub3A_124 = vector.broadcast %sub3A_123 : i32 to vector<16xi32>
      %sub3A_125 = arith.subi %add3A_122, %sub3A_124 : vector<16xi32>
      %add3A_126 = arith.constant 8016 : i32
      %add3A_127 = vector.broadcast %add3A_126 : i32 to vector<16xi32>
      %add3A_128 = arith.addi %add3A_127, %iota3A : vector<16xi32>
      %select_n3A_129 = arith.select %eq3A_117, %sub3A_125, %add3A_128 : vector<16xi1>, vector<16xi32>
      %mul3A_130 = arith.constant 16 : i32
      %mul3A_131 = arith.muli %add3A_112, %mul3A_130 : i32
      %add3A_132 = vector.broadcast %mul3A_131 : i32 to vector<16xi32>
      %add3A_133 = arith.addi %iota3A, %add3A_132 : vector<16xi32>
      tpu.vector_store_idx %arg15[%select_n3A_129], %add3A_133 : memref<8032xi32, #tpu.memory_space<vmem>>[vector<16xi32>], vector<16xi32>,
      %all_reduce_population_count3A_134 = tpu.all_reduce %eq3A_117 {dim = 0 : i64, kind = #tpu.reduction_kind<sum>} : vector<16xi1> -> vector<16xi32>
      %add3A_135 = arith.addi %add3A_108, %all_reduce_population_count3A_134 : vector<16xi32>
      %mul3A_136 = arith.constant 4 : i32
      %mul3A_137 = arith.muli %scan3A_84, %mul3A_136 : i32
      %add3A_138 = arith.constant 2 : i32
      %add3A_139 = arith.addi %mul3A_137, %add3A_138 : i32
      %mul3A_140 = arith.constant 16 : i32
      %mul3A_141 = arith.muli %add3A_139, %mul3A_140 : i32
      %get3A_142 = arith.index_cast %mul3A_141 : i32 to index
      %get3A_143 = tpu.vector_load %arg12[%get3A_142] {strides = array<i32>} : memref<8000xi32, #tpu.memory_space<vmem>>, vector<16xi32>,
      %eq3A_144 = arith.cmpi eq, %get3A_143, %broadcast_in_dim3A : vector<16xi32>
      %convert_element_type3A_145 = arith.extui %eq3A_144 : vector<16xi1> to vector<16xi32>
      %broadcast_in_dim3A_146 = arith.constant true
      %broadcast_in_dim3A_147 = vector.broadcast %broadcast_in_dim3A_146 : i1 to vector<16xi1>
      %masked_cumsum3A_148 = tpu.scan <sum>, %convert_element_type3A_145 masked %broadcast_in_dim3A_147 : vector<16xi32>, vector<16xi1> -> vector<16xi32>
      %add3A_149 = arith.addi %add3A_135, %masked_cumsum3A_148 : vector<16xi32>
      %sub3A_150 = arith.constant 1 : i32
      %sub3A_151 = vector.broadcast %sub3A_150 : i32 to vector<16xi32>
      %sub3A_152 = arith.subi %add3A_149, %sub3A_151 : vector<16xi32>
      %add3A_153 = arith.constant 8016 : i32
      %add3A_154 = vector.broadcast %add3A_153 : i32 to vector<16xi32>
      %add3A_155 = arith.addi %add3A_154, %iota3A : vector<16xi32>
      %select_n3A_156 = arith.select %eq3A_144, %sub3A_152, %add3A_155 : vector<16xi1>, vector<16xi32>
      %mul3A_157 = arith.constant 16 : i32
      %mul3A_158 = arith.muli %add3A_139, %mul3A_157 : i32
      %add3A_159 = vector.broadcast %mul3A_158 : i32 to vector<16xi32>
      %add3A_160 = arith.addi %iota3A, %add3A_159 : vector<16xi32>
      tpu.vector_store_idx %arg15[%select_n3A_156], %add3A_160 : memref<8032xi32, #tpu.memory_space<vmem>>[vector<16xi32>], vector<16xi32>,
      %all_reduce_population_count3A_161 = tpu.all_reduce %eq3A_144 {dim = 0 : i64, kind = #tpu.reduction_kind<sum>} : vector<16xi1> -> vector<16xi32>
      %add3A_162 = arith.addi %add3A_135, %all_reduce_population_count3A_161 : vector<16xi32>
      %mul3A_163 = arith.constant 4 : i32
      %mul3A_164 = arith.muli %scan3A_84, %mul3A_163 : i32
      %add3A_165 = arith.constant 3 : i32
      %add3A_166 = arith.addi %mul3A_164, %add3A_165 : i32
      %mul3A_167 = arith.constant 16 : i32
      %mul3A_168 = arith.muli %add3A_166, %mul3A_167 : i32
      %get3A_169 = arith.index_cast %mul3A_168 : i32 to index
      %get3A_170 = tpu.vector_load %arg12[%get3A_169] {strides = array<i32>} : memref<8000xi32, #tpu.memory_space<vmem>>, vector<16xi32>,
      %eq3A_171 = arith.cmpi eq, %get3A_170, %broadcast_in_dim3A : vector<16xi32>
      %convert_element_type3A_172 = arith.extui %eq3A_171 : vector<16xi1> to vector<16xi32>
      %broadcast_in_dim3A_173 = arith.constant true
      %broadcast_in_dim3A_174 = vector.broadcast %broadcast_in_dim3A_173 : i1 to vector<16xi1>
      %masked_cumsum3A_175 = tpu.scan <sum>, %convert_element_type3A_172 masked %broadcast_in_dim3A_174 : vector<16xi32>, vector<16xi1> -> vector<16xi32>
      %add3A_176 = arith.addi %add3A_162, %masked_cumsum3A_175 : vector<16xi32>
      %sub3A_177 = arith.constant 1 : i32
      %sub3A_178 = vector.broadcast %sub3A_177 : i32 to vector<16xi32>
      %sub3A_179 = arith.subi %add3A_176, %sub3A_178 : vector<16xi32>
      %add3A_180 = arith.constant 8016 : i32
      %add3A_181 = vector.broadcast %add3A_180 : i32 to vector<16xi32>
      %add3A_182 = arith.addi %add3A_181, %iota3A : vector<16xi32>
      %select_n3A_183 = arith.select %eq3A_171, %sub3A_179, %add3A_182 : vector<16xi1>, vector<16xi32>
      %mul3A_184 = arith.constant 16 : i32
      %mul3A_185 = arith.muli %add3A_166, %mul3A_184 : i32
      %add3A_186 = vector.broadcast %mul3A_185 : i32 to vector<16xi32>
      %add3A_187 = arith.addi %iota3A, %add3A_186 : vector<16xi32>
      tpu.vector_store_idx %arg15[%select_n3A_183], %add3A_187 : memref<8032xi32, #tpu.memory_space<vmem>>[vector<16xi32>], vector<16xi32>,
      %all_reduce_population_count3A_188 = tpu.all_reduce %eq3A_171 {dim = 0 : i64, kind = #tpu.reduction_kind<sum>} : vector<16xi1> -> vector<16xi32>
      %add3A_189 = arith.addi %add3A_162, %all_reduce_population_count3A_188 : vector<16xi32>
      scf.yield %add3A_189 : vector<16xi32>
    }
    %scan3A_6 = arith.constant 125 : i32
    %swap3A = arith.constant 0 : index
    %swap3A_7 = tpu.vector_load %arg21[%swap3A] {strides = array<i32>} : memref<16xi32, #tpu.memory_space<vmem>>, vector<16xi32>,
    tpu.vector_store %arg21[%swap3A], %scan3A_5 {strides = array<i32>} : memref<16xi32, #tpu.memory_space<vmem>>, vector<16xi32>,
    %min3A = arith.constant 1000 : i32
    %min3A_8 = vector.broadcast %min3A : i32 to vector<16xi32>
    %min3A_9 = arith.minsi %scan3A_5, %min3A_8 : vector<16xi32>
    %min3A_10 = arith.constant 1000 : i32
    %min3A_11 = vector.broadcast %min3A_10 : i32 to vector<16xi32>
    %min3A_12 = arith.minsi %scan3A_5, %min3A_11 : vector<16xi32>
    %reduce_max3A = arith.constant true
    %reduce_max3A_13 = vector.broadcast %reduce_max3A : i1 to vector<16xi1>
    %reduce_max3A_14 = arith.constant -2147483648 : i32
    %reduce_max3A_15 = vector.broadcast %reduce_max3A_14 : i32 to vector<16xi32>
    %reduce_max3A_16 = arith.xori %min3A_12, %reduce_max3A_15 : vector<16xi32>
    %reduce_max3A_17 = tpu.scan <max>, %reduce_max3A_16 masked %reduce_max3A_13 : vector<16xi32>, vector<16xi1> -> vector<16xi32>
    %reduce_max3A_18 = arith.xori %reduce_max3A_17, %reduce_max3A_15 : vector<16xi32>
    %reduce_max3A_19 = vector.extract %reduce_max3A_18[15] : i32 from vector<16xi32>
    %add3A = arith.constant 15 : i32
    %add3A_20 = arith.addi %reduce_max3A_19, %add3A : i32
    %shift_right_logical3A = arith.constant 4 : i32
    %shift_right_logical3A_21 = arith.shrui %add3A_20, %shift_right_logical3A : i32
    %scan3A_22 = arith.constant 0 : i32
    %scan3A_23 = arith.constant 0 : i32
    %scan3A_24 = arith.constant 63 : i32
    %scan3A_25 = arith.addi %scan3A_23, %scan3A_24 : i32
    %scan3A_26 = arith.constant 1 : i32
    %scan3A_27 = scf.for %scan3A_84 = %scan3A_23 to %scan3A_25 step %scan3A_26 iter_args(%scan3A_85 = %scan3A_22) -> (i32)  : i32 {
      %broadcast_in_dim3A_86 = arith.constant 0.000000e+00 : f32
      %broadcast_in_dim3A_87 = vector.broadcast %broadcast_in_dim3A_86 : f32 to vector<16xf32>
      %mul3A = arith.constant 16 : i32
      %mul3A_88 = arith.muli %scan3A_84, %mul3A : i32
      %swap3A_89 = arith.index_cast %mul3A_88 : i32 to index
      %swap3A_90 = tpu.vector_load %arg19[%swap3A_89] {strides = array<i32>} : memref<1008xf32, #tpu.memory_space<vmem>>, vector<16xf32>,
      tpu.vector_store %arg19[%swap3A_89], %broadcast_in_dim3A_87 {strides = array<i32>} : memref<1008xf32, #tpu.memory_space<vmem>>, vector<16xf32>,
      %scan3A_91 = arith.constant 0 : i32
      scf.yield %scan3A_91 : i32
    }
    %scan3A_28 = arith.constant 63 : i32
    %jit3A = arith.constant 3 : i32
    %div3A = arith.divsi %shift_right_logical3A_21, %jit3A : i32
    %sign3A = arith.constant 0 : i32
    %sign3A_29 = arith.cmpi sgt, %shift_right_logical3A_21, %sign3A : i32
    %sign3A_30 = arith.extui %sign3A_29 : i1 to i32
    %sign3A_31 = arith.constant 0 : i32
    %sign3A_32 = arith.cmpi slt, %shift_right_logical3A_21, %sign3A_31 : i32
    %sign3A_33 = arith.extui %sign3A_32 : i1 to i32
    %sign3A_34 = arith.subi %sign3A_30, %sign3A_33 : i32
    %sign3A_35 = arith.constant 0 : i32
    %sign3A_36 = arith.cmpi sgt, %jit3A, %sign3A_35 : i32
    %sign3A_37 = arith.extui %sign3A_36 : i1 to i32
    %sign3A_38 = arith.constant 0 : i32
    %sign3A_39 = arith.cmpi slt, %jit3A, %sign3A_38 : i32
    %sign3A_40 = arith.extui %sign3A_39 : i1 to i32
    %sign3A_41 = arith.subi %sign3A_37, %sign3A_40 : i32
    %ne3A = arith.cmpi ne, %sign3A_34, %sign3A_41 : i32
    %rem3A = arith.remsi %shift_right_logical3A_21, %jit3A : i32
    %ne3A_42 = arith.constant 0 : i32
    %ne3A_43 = arith.cmpi ne, %rem3A, %ne3A_42 : i32
    %and3A = arith.andi %ne3A, %ne3A_43 : i1
    %sub3A = arith.constant 1 : i32
    %sub3A_44 = arith.subi %div3A, %sub3A : i32
    %select_n3A = arith.select %and3A, %sub3A_44, %div3A : i32
    %eq3A = arith.constant 0 : i32
    %eq3A_45 = arith.cmpi eq, %arg0, %eq3A : i32
    %sub3A_46 = arith.subi %shift_right_logical3A_21, %select_n3A : i32
    %select_n3A_47 = arith.select %eq3A_45, %select_n3A, %sub3A_46 : i32
    %eq3A_48 = arith.constant 0 : i32
    %eq3A_49 = arith.cmpi eq, %arg0, %eq3A_48 : i32
    %sub3A_50 = arith.subi %shift_right_logical3A_21, %select_n3A : i32
    %jit3A_51 = arith.constant 0 : i32
    %select_n3A_52 = arith.select %eq3A_49, %sub3A_50, %jit3A_51 : i32
    %while3A = arith.constant 0 : i32
    %while3A_53 = arith.constant 0 : i32
    %while3A_54 = arith.subi %select_n3A_47, %while3A_53 : i32
    %while3A_55 = arith.addi %while3A_53, %while3A_54 : i32
    %while3A_56 = arith.constant 1 : i32
    %while3A_57 = arith.divsi %while3A_54, %while3A_56 : i32
    %while3A_58 = arith.muli %while3A_57, %while3A_56 : i32
    %while3A_59 = arith.addi %while3A_53, %while3A_58 : i32
    %while3A_60 = arith.constant 1 : i32
    scf.for %while3A_84 = %while3A_53 to %while3A_59 step %while3A_60  : i32 {
      %add3A_85 = arith.addi %select_n3A_52, %while3A_84 : i32
      %and3A_86 = arith.constant 1 : i32
      %and3A_87 = arith.andi %while3A_84, %and3A_86 : i32
      %mul3A = arith.constant 16 : i32
      %mul3A_88 = arith.muli %and3A_87, %mul3A : i32
      %mul3A_89 = arith.constant 16 : i32
      %mul3A_90 = arith.muli %add3A_85, %mul3A_89 : i32
      %add3A_91 = vector.broadcast %mul3A_90 : i32 to vector<16xi32>
      %add3A_92 = arith.addi %iota3A, %add3A_91 : vector<16xi32>
      %lt3A = arith.cmpi slt, %add3A_92, %min3A_9 : vector<16xi32>
      %jit3A_93 = arith.constant 0 : i32
      %broadcast_in_dim3A_94 = vector.broadcast %jit3A_93 : i32 to vector<16xi32>
      %select_n3A_95 = arith.select %lt3A, %add3A_92, %broadcast_in_dim3A_94 : vector<16xi1>, vector<16xi32>
      %gather3A = tpu.vector_load_idx %arg15[%select_n3A_95] : memref<8032xi32, #tpu.memory_space<vmem>>[vector<16xi32>], vector<16xi32>,
      %jit3A_96 = arith.constant 0 : i32
      %broadcast_in_dim3A_97 = vector.broadcast %jit3A_96 : i32 to vector<16xi32>
      %select_n3A_98 = arith.select %lt3A, %gather3A, %broadcast_in_dim3A_97 : vector<16xi1>, vector<16xi32>
      %gather3A_99 = tpu.vector_load_idx %arg13[%select_n3A_98] : memref<8000xi32, #tpu.memory_space<vmem>>[vector<16xi32>], vector<16xi32>,
      %gather3A_100 = tpu.vector_load_idx %arg14[%select_n3A_98] : memref<8000xi32, #tpu.memory_space<vmem>>[vector<16xi32>], vector<16xi32>,
      %jit3A_101 = arith.constant 0 : i32
      %broadcast_in_dim3A_102 = vector.broadcast %jit3A_101 : i32 to vector<16xi32>
      %select_n3A_103 = arith.select %lt3A, %gather3A_99, %broadcast_in_dim3A_102 : vector<16xi1>, vector<16xi32>
      %jit3A_104 = arith.constant 0 : i32
      %broadcast_in_dim3A_105 = vector.broadcast %jit3A_104 : i32 to vector<16xi32>
      %select_n3A_106 = arith.select %lt3A, %gather3A_100, %broadcast_in_dim3A_105 : vector<16xi1>, vector<16xi32>
      %slice3A = vector.extract_strided_slice %select_n3A_106 {offsets = [0], sizes = [1], strides = [1]} : vector<16xi32> to vector<1xi32>
      %squeeze3A = vector.extract %slice3A[0] : i32 from vector<1xi32>
      %shift_right_logical3A_107 = arith.constant 3 : i32
      %shift_right_logical3A_108 = arith.shrui %squeeze3A, %shift_right_logical3A_107 : i32
      %shift_left3A = arith.constant 3 : i32
      %shift_left3A_109 = arith.shli %shift_right_logical3A_108, %shift_left3A : i32
      %multiple_of3A = tpu.assume_multiple %shift_left3A_109, 8 : i32
      %slice3A_110 = vector.extract_strided_slice %select_n3A_103 {offsets = [0], sizes = [1], strides = [1]} : vector<16xi32> to vector<1xi32>
      %squeeze3A_111 = vector.extract %slice3A_110[0] : i32 from vector<1xi32>
      %shift_right_logical3A_112 = arith.constant 7 : i32
      %shift_right_logical3A_113 = arith.shrui %squeeze3A_111, %shift_right_logical3A_112 : i32
      %shift_left3A_114 = arith.constant 7 : i32
      %shift_left3A_115 = arith.shli %shift_right_logical3A_113, %shift_left3A_114 : i32
      %multiple_of3A_116 = tpu.assume_multiple %shift_left3A_115, 128 : i32
      %add3A_117 = arith.constant 0 : i32
      %add3A_118 = arith.addi %mul3A_88, %add3A_117 : i32
      %dma_start3A = arith.constant 0 : i32
      %dma_start3A_119 = arith.constant 0 : i32
      %dma_start3A_120 = tpu.memref_slice %arg18[%add3A_118, %dma_start3A, %dma_start3A_119] : memref<32x8x128xf32, #tpu.memory_space<vmem>> -> memref<1x8x128xf32, #tpu.memory_space<vmem>>
      %dma_start3A_121 = tpu.memref_squeeze %dma_start3A_120 : memref<1x8x128xf32, #tpu.memory_space<vmem>> -> memref<8x128xf32, #tpu.memory_space<vmem>>
      %dma_start3A_122 = tpu.memref_slice %arg3[%arg1, %multiple_of3A, %multiple_of3A_116] : memref<16x80x20000xf32, #tpu.memory_space<hbm>> -> memref<1x8x128xf32, #tpu.memory_space<hbm>>
      %dma_start3A_123 = tpu.memref_squeeze %dma_start3A_122 : memref<1x8x128xf32, #tpu.memory_space<hbm>> -> memref<8x128xf32, #tpu.memory_space<hbm>>
      %dma_start3A_124 = arith.constant 0 : i32
      %dma_start3A_125 = arith.constant 0 : i32
      %dma_start3A_126 = tpu.memref_slice %arg18[%add3A_118, %dma_start3A_124, %dma_start3A_125] : memref<32x8x128xf32, #tpu.memory_space<vmem>> -> memref<1x8x128xf32, #tpu.memory_space<vmem>>
      %dma_start3A_127 = tpu.memref_squeeze %dma_start3A_126 : memref<1x8x128xf32, #tpu.memory_space<vmem>> -> memref<8x128xf32, #tpu.memory_space<vmem>>
      %dma_start3A_128 = tpu.memref_slice %arg3[%arg1, %multiple_of3A, %multiple_of3A_116] : memref<16x80x20000xf32, #tpu.memory_space<hbm>> -> memref<1x8x128xf32, #tpu.memory_space<hbm>>
      %dma_start3A_129 = tpu.memref_squeeze %dma_start3A_128 : memref<1x8x128xf32, #tpu.memory_space<hbm>> -> memref<8x128xf32, #tpu.memory_space<hbm>>
      tpu.enqueue_dma source(%dma_start3A_129 : memref<8x128xf32, #tpu.memory_space<hbm>>) target(%dma_start3A_127 : memref<8x128xf32, #tpu.memory_space<vmem>>) target_semaphore(%arg22 : memref<!tpu.dma_semaphore, #tpu.memory_space<semaphore_mem>>)
      %slice3A_130 = vector.extract_strided_slice %select_n3A_106 {offsets = [1], sizes = [1], strides = [1]} : vector<16xi32> to vector<1xi32>
      %squeeze3A_131 = vector.extract %slice3A_130[0] : i32 from vector<1xi32>
      %shift_right_logical3A_132 = arith.constant 3 : i32
      %shift_right_logical3A_133 = arith.shrui %squeeze3A_131, %shift_right_logical3A_132 : i32
      %shift_left3A_134 = arith.constant 3 : i32
      %shift_left3A_135 = arith.shli %shift_right_logical3A_133, %shift_left3A_134 : i32
      %multiple_of3A_136 = tpu.assume_multiple %shift_left3A_135, 8 : i32
      %slice3A_137 = vector.extract_strided_slice %select_n3A_103 {offsets = [1], sizes = [1], strides = [1]} : vector<16xi32> to vector<1xi32>
      %squeeze3A_138 = vector.extract %slice3A_137[0] : i32 from vector<1xi32>
      %shift_right_logical3A_139 = arith.constant 7 : i32
      %shift_right_logical3A_140 = arith.shrui %squeeze3A_138, %shift_right_logical3A_139 : i32
      %shift_left3A_141 = arith.constant 7 : i32
      %shift_left3A_142 = arith.shli %shift_right_logical3A_140, %shift_left3A_141 : i32
      %multiple_of3A_143 = tpu.assume_multiple %shift_left3A_142, 128 : i32
      %add3A_144 = arith.constant 1 : i32
      %add3A_145 = arith.addi %mul3A_88, %add3A_144 : i32
      %dma_start3A_146 = arith.constant 0 : i32
      %dma_start3A_147 = arith.constant 0 : i32
      %dma_start3A_148 = tpu.memref_slice %arg18[%add3A_145, %dma_start3A_146, %dma_start3A_147] : memref<32x8x128xf32, #tpu.memory_space<vmem>> -> memref<1x8x128xf32, #tpu.memory_space<vmem>>
      %dma_start3A_149 = tpu.memref_squeeze %dma_start3A_148 : memref<1x8x128xf32, #tpu.memory_space<vmem>> -> memref<8x128xf32, #tpu.memory_space<vmem>>
      %dma_start3A_150 = tpu.memref_slice %arg3[%arg1, %multiple_of3A_136, %multiple_of3A_143] : memref<16x80x20000xf32, #tpu.memory_space<hbm>> -> memref<1x8x128xf32, #tpu.memory_space<hbm>>
      %dma_start3A_151 = tpu.memref_squeeze %dma_start3A_150 : memref<1x8x128xf32, #tpu.memory_space<hbm>> -> memref<8x128xf32, #tpu.memory_space<hbm>>
      %dma_start3A_152 = arith.constant 0 : i32
      %dma_start3A_153 = arith.constant 0 : i32
      %dma_start3A_154 = tpu.memref_slice %arg18[%add3A_145, %dma_start3A_152, %dma_start3A_153] : memref<32x8x128xf32, #tpu.memory_space<vmem>> -> memref<1x8x128xf32, #tpu.memory_space<vmem>>
      %dma_start3A_155 = tpu.memref_squeeze %dma_start3A_154 : memref<1x8x128xf32, #tpu.memory_space<vmem>> -> memref<8x128xf32, #tpu.memory_space<vmem>>
      %dma_start3A_156 = tpu.memref_slice %arg3[%arg1, %multiple_of3A_136, %multiple_of3A_143] : memref<16x80x20000xf32, #tpu.memory_space<hbm>> -> memref<1x8x128xf32, #tpu.memory_space<hbm>>
      %dma_start3A_157 = tpu.memref_squeeze %dma_start3A_156 : memref<1x8x128xf32, #tpu.memory_space<hbm>> -> memref<8x128xf32, #tpu.memory_space<hbm>>
      tpu.enqueue_dma source(%dma_start3A_157 : memref<8x128xf32, #tpu.memory_space<hbm>>) target(%dma_start3A_155 : memref<8x128xf32, #tpu.memory_space<vmem>>) target_semaphore(%arg22 : memref<!tpu.dma_semaphore, #tpu.memory_space<semaphore_mem>>)
      %slice3A_158 = vector.extract_strided_slice %select_n3A_106 {offsets = [2], sizes = [1], strides = [1]} : vector<16xi32> to vector<1xi32>
      %squeeze3A_159 = vector.extract %slice3A_158[0] : i32 from vector<1xi32>
      %shift_right_logical3A_160 = arith.constant 3 : i32
      %shift_right_logical3A_161 = arith.shrui %squeeze3A_159, %shift_right_logical3A_160 : i32
      %shift_left3A_162 = arith.constant 3 : i32
      %shift_left3A_163 = arith.shli %shift_right_logical3A_161, %shift_left3A_162 : i32
      %multiple_of3A_164 = tpu.assume_multiple %shift_left3A_163, 8 : i32
      %slice3A_165 = vector.extract_strided_slice %select_n3A_103 {offsets = [2], sizes = [1], strides = [1]} : vector<16xi32> to vector<1xi32>
      %squeeze3A_166 = vector.extract %slice3A_165[0] : i32 from vector<1xi32>
      %shift_right_logical3A_167 = arith.constant 7 : i32
      %shift_right_logical3A_168 = arith.shrui %squeeze3A_166, %shift_right_logical3A_167 : i32
      %shift_left3A_169 = arith.constant 7 : i32
      %shift_left3A_170 = arith.shli %shift_right_logical3A_168, %shift_left3A_169 : i32
      %multiple_of3A_171 = tpu.assume_multiple %shift_left3A_170, 128 : i32
      %add3A_172 = arith.constant 2 : i32
      %add3A_173 = arith.addi %mul3A_88, %add3A_172 : i32
      %dma_start3A_174 = arith.constant 0 : i32
      %dma_start3A_175 = arith.constant 0 : i32
      %dma_start3A_176 = tpu.memref_slice %arg18[%add3A_173, %dma_start3A_174, %dma_start3A_175] : memref<32x8x128xf32, #tpu.memory_space<vmem>> -> memref<1x8x128xf32, #tpu.memory_space<vmem>>
      %dma_start3A_177 = tpu.memref_squeeze %dma_start3A_176 : memref<1x8x128xf32, #tpu.memory_space<vmem>> -> memref<8x128xf32, #tpu.memory_space<vmem>>
      %dma_start3A_178 = tpu.memref_slice %arg3[%arg1, %multiple_of3A_164, %multiple_of3A_171] : memref<16x80x20000xf32, #tpu.memory_space<hbm>> -> memref<1x8x128xf32, #tpu.memory_space<hbm>>
      %dma_start3A_179 = tpu.memref_squeeze %dma_start3A_178 : memref<1x8x128xf32, #tpu.memory_space<hbm>> -> memref<8x128xf32, #tpu.memory_space<hbm>>
      %dma_start3A_180 = arith.constant 0 : i32
      %dma_start3A_181 = arith.constant 0 : i32
      %dma_start3A_182 = tpu.memref_slice %arg18[%add3A_173, %dma_start3A_180, %dma_start3A_181] : memref<32x8x128xf32, #tpu.memory_space<vmem>> -> memref<1x8x128xf32, #tpu.memory_space<vmem>>
      %dma_start3A_183 = tpu.memref_squeeze %dma_start3A_182 : memref<1x8x128xf32, #tpu.memory_space<vmem>> -> memref<8x128xf32, #tpu.memory_space<vmem>>
      %dma_start3A_184 = tpu.memref_slice %arg3[%arg1, %multiple_of3A_164, %multiple_of3A_171] : memref<16x80x20000xf32, #tpu.memory_space<hbm>> -> memref<1x8x128xf32, #tpu.memory_space<hbm>>
      %dma_start3A_185 = tpu.memref_squeeze %dma_start3A_184 : memref<1x8x128xf32, #tpu.memory_space<hbm>> -> memref<8x128xf32, #tpu.memory_space<hbm>>
      tpu.enqueue_dma source(%dma_start3A_185 : memref<8x128xf32, #tpu.memory_space<hbm>>) target(%dma_start3A_183 : memref<8x128xf32, #tpu.memory_space<vmem>>) target_semaphore(%arg22 : memref<!tpu.dma_semaphore, #tpu.memory_space<semaphore_mem>>)
      %slice3A_186 = vector.extract_strided_slice %select_n3A_106 {offsets = [3], sizes = [1], strides = [1]} : vector<16xi32> to vector<1xi32>
      %squeeze3A_187 = vector.extract %slice3A_186[0] : i32 from vector<1xi32>
      %shift_right_logical3A_188 = arith.constant 3 : i32
      %shift_right_logical3A_189 = arith.shrui %squeeze3A_187, %shift_right_logical3A_188 : i32
      %shift_left3A_190 = arith.constant 3 : i32
      %shift_left3A_191 = arith.shli %shift_right_logical3A_189, %shift_left3A_190 : i32
      %multiple_of3A_192 = tpu.assume_multiple %shift_left3A_191, 8 : i32
      %slice3A_193 = vector.extract_strided_slice %select_n3A_103 {offsets = [3], sizes = [1], strides = [1]} : vector<16xi32> to vector<1xi32>
      %squeeze3A_194 = vector.extract %slice3A_193[0] : i32 from vector<1xi32>
      %shift_right_logical3A_195 = arith.constant 7 : i32
      %shift_right_logical3A_196 = arith.shrui %squeeze3A_194, %shift_right_logical3A_195 : i32
      %shift_left3A_197 = arith.constant 7 : i32
      %shift_left3A_198 = arith.shli %shift_right_logical3A_196, %shift_left3A_197 : i32
      %multiple_of3A_199 = tpu.assume_multiple %shift_left3A_198, 128 : i32
      %add3A_200 = arith.constant 3 : i32
      %add3A_201 = arith.addi %mul3A_88, %add3A_200 : i32
      %dma_start3A_202 = arith.constant 0 : i32
      %dma_start3A_203 = arith.constant 0 : i32
      %dma_start3A_204 = tpu.memref_slice %arg18[%add3A_201, %dma_start3A_202, %dma_start3A_203] : memref<32x8x128xf32, #tpu.memory_space<vmem>> -> memref<1x8x128xf32, #tpu.memory_space<vmem>>
      %dma_start3A_205 = tpu.memref_squeeze %dma_start3A_204 : memref<1x8x128xf32, #tpu.memory_space<vmem>> -> memref<8x128xf32, #tpu.memory_space<vmem>>
      %dma_start3A_206 = tpu.memref_slice %arg3[%arg1, %multiple_of3A_192, %multiple_of3A_199] : memref<16x80x20000xf32, #tpu.memory_space<hbm>> -> memref<1x8x128xf32, #tpu.memory_space<hbm>>
      %dma_start3A_207 = tpu.memref_squeeze %dma_start3A_206 : memref<1x8x128xf32, #tpu.memory_space<hbm>> -> memref<8x128xf32, #tpu.memory_space<hbm>>
      %dma_start3A_208 = arith.constant 0 : i32
      %dma_start3A_209 = arith.constant 0 : i32
      %dma_start3A_210 = tpu.memref_slice %arg18[%add3A_201, %dma_start3A_208, %dma_start3A_209] : memref<32x8x128xf32, #tpu.memory_space<vmem>> -> memref<1x8x128xf32, #tpu.memory_space<vmem>>
      %dma_start3A_211 = tpu.memref_squeeze %dma_start3A_210 : memref<1x8x128xf32, #tpu.memory_space<vmem>> -> memref<8x128xf32, #tpu.memory_space<vmem>>
      %dma_start3A_212 = tpu.memref_slice %arg3[%arg1, %multiple_of3A_192, %multiple_of3A_199] : memref<16x80x20000xf32, #tpu.memory_space<hbm>> -> memref<1x8x128xf32, #tpu.memory_space<hbm>>
      %dma_start3A_213 = tpu.memref_squeeze %dma_start3A_212 : memref<1x8x128xf32, #tpu.memory_space<hbm>> -> memref<8x128xf32, #tpu.memory_space<hbm>>
      tpu.enqueue_dma source(%dma_start3A_213 : memref<8x128xf32, #tpu.memory_space<hbm>>) target(%dma_start3A_211 : memref<8x128xf32, #tpu.memory_space<vmem>>) target_semaphore(%arg22 : memref<!tpu.dma_semaphore, #tpu.memory_space<semaphore_mem>>)
      %slice3A_214 = vector.extract_strided_slice %select_n3A_106 {offsets = [4], sizes = [1], strides = [1]} : vector<16xi32> to vector<1xi32>
      %squeeze3A_215 = vector.extract %slice3A_214[0] : i32 from vector<1xi32>
      %shift_right_logical3A_216 = arith.constant 3 : i32
      %shift_right_logical3A_217 = arith.shrui %squeeze3A_215, %shift_right_logical3A_216 : i32
      %shift_left3A_218 = arith.constant 3 : i32
      %shift_left3A_219 = arith.shli %shift_right_logical3A_217, %shift_left3A_218 : i32
      %multiple_of3A_220 = tpu.assume_multiple %shift_left3A_219, 8 : i32
      %slice3A_221 = vector.extract_strided_slice %select_n3A_103 {offsets = [4], sizes = [1], strides = [1]} : vector<16xi32> to vector<1xi32>
      %squeeze3A_222 = vector.extract %slice3A_221[0] : i32 from vector<1xi32>
      %shift_right_logical3A_223 = arith.constant 7 : i32
      %shift_right_logical3A_224 = arith.shrui %squeeze3A_222, %shift_right_logical3A_223 : i32
      %shift_left3A_225 = arith.constant 7 : i32
      %shift_left3A_226 = arith.shli %shift_right_logical3A_224, %shift_left3A_225 : i32
      %multiple_of3A_227 = tpu.assume_multiple %shift_left3A_226, 128 : i32
      %add3A_228 = arith.constant 4 : i32
      %add3A_229 = arith.addi %mul3A_88, %add3A_228 : i32
      %dma_start3A_230 = arith.constant 0 : i32
      %dma_start3A_231 = arith.constant 0 : i32
      %dma_start3A_232 = tpu.memref_slice %arg18[%add3A_229, %dma_start3A_230, %dma_start3A_231] : memref<32x8x128xf32, #tpu.memory_space<vmem>> -> memref<1x8x128xf32, #tpu.memory_space<vmem>>
      %dma_start3A_233 = tpu.memref_squeeze %dma_start3A_232 : memref<1x8x128xf32, #tpu.memory_space<vmem>> -> memref<8x128xf32, #tpu.memory_space<vmem>>
      %dma_start3A_234 = tpu.memref_slice %arg3[%arg1, %multiple_of3A_220, %multiple_of3A_227] : memref<16x80x20000xf32, #tpu.memory_space<hbm>> -> memref<1x8x128xf32, #tpu.memory_space<hbm>>
      %dma_start3A_235 = tpu.memref_squeeze %dma_start3A_234 : memref<1x8x128xf32, #tpu.memory_space<hbm>> -> memref<8x128xf32, #tpu.memory_space<hbm>>
      %dma_start3A_236 = arith.constant 0 : i32
      %dma_start3A_237 = arith.constant 0 : i32
      %dma_start3A_238 = tpu.memref_slice %arg18[%add3A_229, %dma_start3A_236, %dma_start3A_237] : memref<32x8x128xf32, #tpu.memory_space<vmem>> -> memref<1x8x128xf32, #tpu.memory_space<vmem>>
      %dma_start3A_239 = tpu.memref_squeeze %dma_start3A_238 : memref<1x8x128xf32, #tpu.memory_space<vmem>> -> memref<8x128xf32, #tpu.memory_space<vmem>>
      %dma_start3A_240 = tpu.memref_slice %arg3[%arg1, %multiple_of3A_220, %multiple_of3A_227] : memref<16x80x20000xf32, #tpu.memory_space<hbm>> -> memref<1x8x128xf32, #tpu.memory_space<hbm>>
      %dma_start3A_241 = tpu.memref_squeeze %dma_start3A_240 : memref<1x8x128xf32, #tpu.memory_space<hbm>> -> memref<8x128xf32, #tpu.memory_space<hbm>>
      tpu.enqueue_dma source(%dma_start3A_241 : memref<8x128xf32, #tpu.memory_space<hbm>>) target(%dma_start3A_239 : memref<8x128xf32, #tpu.memory_space<vmem>>) target_semaphore(%arg22 : memref<!tpu.dma_semaphore, #tpu.memory_space<semaphore_mem>>)
      %slice3A_242 = vector.extract_strided_slice %select_n3A_106 {offsets = [5], sizes = [1], strides = [1]} : vector<16xi32> to vector<1xi32>
      %squeeze3A_243 = vector.extract %slice3A_242[0] : i32 from vector<1xi32>
      %shift_right_logical3A_244 = arith.constant 3 : i32
      %shift_right_logical3A_245 = arith.shrui %squeeze3A_243, %shift_right_logical3A_244 : i32
      %shift_left3A_246 = arith.constant 3 : i32
      %shift_left3A_247 = arith.shli %shift_right_logical3A_245, %shift_left3A_246 : i32
      %multiple_of3A_248 = tpu.assume_multiple %shift_left3A_247, 8 : i32
      %slice3A_249 = vector.extract_strided_slice %select_n3A_103 {offsets = [5], sizes = [1], strides = [1]} : vector<16xi32> to vector<1xi32>
      %squeeze3A_250 = vector.extract %slice3A_249[0] : i32 from vector<1xi32>
      %shift_right_logical3A_251 = arith.constant 7 : i32
      %shift_right_logical3A_252 = arith.shrui %squeeze3A_250, %shift_right_logical3A_251 : i32
      %shift_left3A_253 = arith.constant 7 : i32
      %shift_left3A_254 = arith.shli %shift_right_logical3A_252, %shift_left3A_253 : i32
      %multiple_of3A_255 = tpu.assume_multiple %shift_left3A_254, 128 : i32
      %add3A_256 = arith.constant 5 : i32
      %add3A_257 = arith.addi %mul3A_88, %add3A_256 : i32
      %dma_start3A_258 = arith.constant 0 : i32
      %dma_start3A_259 = arith.constant 0 : i32
      %dma_start3A_260 = tpu.memref_slice %arg18[%add3A_257, %dma_start3A_258, %dma_start3A_259] : memref<32x8x128xf32, #tpu.memory_space<vmem>> -> memref<1x8x128xf32, #tpu.memory_space<vmem>>
      %dma_start3A_261 = tpu.memref_squeeze %dma_start3A_260 : memref<1x8x128xf32, #tpu.memory_space<vmem>> -> memref<8x128xf32, #tpu.memory_space<vmem>>
      %dma_start3A_262 = tpu.memref_slice %arg3[%arg1, %multiple_of3A_248, %multiple_of3A_255] : memref<16x80x20000xf32, #tpu.memory_space<hbm>> -> memref<1x8x128xf32, #tpu.memory_space<hbm>>
      %dma_start3A_263 = tpu.memref_squeeze %dma_start3A_262 : memref<1x8x128xf32, #tpu.memory_space<hbm>> -> memref<8x128xf32, #tpu.memory_space<hbm>>
      %dma_start3A_264 = arith.constant 0 : i32
      %dma_start3A_265 = arith.constant 0 : i32
      %dma_start3A_266 = tpu.memref_slice %arg18[%add3A_257, %dma_start3A_264, %dma_start3A_265] : memref<32x8x128xf32, #tpu.memory_space<vmem>> -> memref<1x8x128xf32, #tpu.memory_space<vmem>>
      %dma_start3A_267 = tpu.memref_squeeze %dma_start3A_266 : memref<1x8x128xf32, #tpu.memory_space<vmem>> -> memref<8x128xf32, #tpu.memory_space<vmem>>
      %dma_start3A_268 = tpu.memref_slice %arg3[%arg1, %multiple_of3A_248, %multiple_of3A_255] : memref<16x80x20000xf32, #tpu.memory_space<hbm>> -> memref<1x8x128xf32, #tpu.memory_space<hbm>>
      %dma_start3A_269 = tpu.memref_squeeze %dma_start3A_268 : memref<1x8x128xf32, #tpu.memory_space<hbm>> -> memref<8x128xf32, #tpu.memory_space<hbm>>
      tpu.enqueue_dma source(%dma_start3A_269 : memref<8x128xf32, #tpu.memory_space<hbm>>) target(%dma_start3A_267 : memref<8x128xf32, #tpu.memory_space<vmem>>) target_semaphore(%arg22 : memref<!tpu.dma_semaphore, #tpu.memory_space<semaphore_mem>>)
      %slice3A_270 = vector.extract_strided_slice %select_n3A_106 {offsets = [6], sizes = [1], strides = [1]} : vector<16xi32> to vector<1xi32>
      %squeeze3A_271 = vector.extract %slice3A_270[0] : i32 from vector<1xi32>
      %shift_right_logical3A_272 = arith.constant 3 : i32
      %shift_right_logical3A_273 = arith.shrui %squeeze3A_271, %shift_right_logical3A_272 : i32
      %shift_left3A_274 = arith.constant 3 : i32
      %shift_left3A_275 = arith.shli %shift_right_logical3A_273, %shift_left3A_274 : i32
      %multiple_of3A_276 = tpu.assume_multiple %shift_left3A_275, 8 : i32
      %slice3A_277 = vector.extract_strided_slice %select_n3A_103 {offsets = [6], sizes = [1], strides = [1]} : vector<16xi32> to vector<1xi32>
      %squeeze3A_278 = vector.extract %slice3A_277[0] : i32 from vector<1xi32>
      %shift_right_logical3A_279 = arith.constant 7 : i32
      %shift_right_logical3A_280 = arith.shrui %squeeze3A_278, %shift_right_logical3A_279 : i32
      %shift_left3A_281 = arith.constant 7 : i32
      %shift_left3A_282 = arith.shli %shift_right_logical3A_280, %shift_left3A_281 : i32
      %multiple_of3A_283 = tpu.assume_multiple %shift_left3A_282, 128 : i32
      %add3A_284 = arith.constant 6 : i32
      %add3A_285 = arith.addi %mul3A_88, %add3A_284 : i32
      %dma_start3A_286 = arith.constant 0 : i32
      %dma_start3A_287 = arith.constant 0 : i32
      %dma_start3A_288 = tpu.memref_slice %arg18[%add3A_285, %dma_start3A_286, %dma_start3A_287] : memref<32x8x128xf32, #tpu.memory_space<vmem>> -> memref<1x8x128xf32, #tpu.memory_space<vmem>>
      %dma_start3A_289 = tpu.memref_squeeze %dma_start3A_288 : memref<1x8x128xf32, #tpu.memory_space<vmem>> -> memref<8x128xf32, #tpu.memory_space<vmem>>
      %dma_start3A_290 = tpu.memref_slice %arg3[%arg1, %multiple_of3A_276, %multiple_of3A_283] : memref<16x80x20000xf32, #tpu.memory_space<hbm>> -> memref<1x8x128xf32, #tpu.memory_space<hbm>>
      %dma_start3A_291 = tpu.memref_squeeze %dma_start3A_290 : memref<1x8x128xf32, #tpu.memory_space<hbm>> -> memref<8x128xf32, #tpu.memory_space<hbm>>
      %dma_start3A_292 = arith.constant 0 : i32
      %dma_start3A_293 = arith.constant 0 : i32
      %dma_start3A_294 = tpu.memref_slice %arg18[%add3A_285, %dma_start3A_292, %dma_start3A_293] : memref<32x8x128xf32, #tpu.memory_space<vmem>> -> memref<1x8x128xf32, #tpu.memory_space<vmem>>
      %dma_start3A_295 = tpu.memref_squeeze %dma_start3A_294 : memref<1x8x128xf32, #tpu.memory_space<vmem>> -> memref<8x128xf32, #tpu.memory_space<vmem>>
      %dma_start3A_296 = tpu.memref_slice %arg3[%arg1, %multiple_of3A_276, %multiple_of3A_283] : memref<16x80x20000xf32, #tpu.memory_space<hbm>> -> memref<1x8x128xf32, #tpu.memory_space<hbm>>
      %dma_start3A_297 = tpu.memref_squeeze %dma_start3A_296 : memref<1x8x128xf32, #tpu.memory_space<hbm>> -> memref<8x128xf32, #tpu.memory_space<hbm>>
      tpu.enqueue_dma source(%dma_start3A_297 : memref<8x128xf32, #tpu.memory_space<hbm>>) target(%dma_start3A_295 : memref<8x128xf32, #tpu.memory_space<vmem>>) target_semaphore(%arg22 : memref<!tpu.dma_semaphore, #tpu.memory_space<semaphore_mem>>)
      %slice3A_298 = vector.extract_strided_slice %select_n3A_106 {offsets = [7], sizes = [1], strides = [1]} : vector<16xi32> to vector<1xi32>
      %squeeze3A_299 = vector.extract %slice3A_298[0] : i32 from vector<1xi32>
      %shift_right_logical3A_300 = arith.constant 3 : i32
      %shift_right_logical3A_301 = arith.shrui %squeeze3A_299, %shift_right_logical3A_300 : i32
      %shift_left3A_302 = arith.constant 3 : i32
      %shift_left3A_303 = arith.shli %shift_right_logical3A_301, %shift_left3A_302 : i32
      %multiple_of3A_304 = tpu.assume_multiple %shift_left3A_303, 8 : i32
      %slice3A_305 = vector.extract_strided_slice %select_n3A_103 {offsets = [7], sizes = [1], strides = [1]} : vector<16xi32> to vector<1xi32>
      %squeeze3A_306 = vector.extract %slice3A_305[0] : i32 from vector<1xi32>
      %shift_right_logical3A_307 = arith.constant 7 : i32
      %shift_right_logical3A_308 = arith.shrui %squeeze3A_306, %shift_right_logical3A_307 : i32
      %shift_left3A_309 = arith.constant 7 : i32
      %shift_left3A_310 = arith.shli %shift_right_logical3A_308, %shift_left3A_309 : i32
      %multiple_of3A_311 = tpu.assume_multiple %shift_left3A_310, 128 : i32
      %add3A_312 = arith.constant 7 : i32
      %add3A_313 = arith.addi %mul3A_88, %add3A_312 : i32
      %dma_start3A_314 = arith.constant 0 : i32
      %dma_start3A_315 = arith.constant 0 : i32
      %dma_start3A_316 = tpu.memref_slice %arg18[%add3A_313, %dma_start3A_314, %dma_start3A_315] : memref<32x8x128xf32, #tpu.memory_space<vmem>> -> memref<1x8x128xf32, #tpu.memory_space<vmem>>
      %dma_start3A_317 = tpu.memref_squeeze %dma_start3A_316 : memref<1x8x128xf32, #tpu.memory_space<vmem>> -> memref<8x128xf32, #tpu.memory_space<vmem>>
      %dma_start3A_318 = tpu.memref_slice %arg3[%arg1, %multiple_of3A_304, %multiple_of3A_311] : memref<16x80x20000xf32, #tpu.memory_space<hbm>> -> memref<1x8x128xf32, #tpu.memory_space<hbm>>
      %dma_start3A_319 = tpu.memref_squeeze %dma_start3A_318 : memref<1x8x128xf32, #tpu.memory_space<hbm>> -> memref<8x128xf32, #tpu.memory_space<hbm>>
      %dma_start3A_320 = arith.constant 0 : i32
      %dma_start3A_321 = arith.constant 0 : i32
      %dma_start3A_322 = tpu.memref_slice %arg18[%add3A_313, %dma_start3A_320, %dma_start3A_321] : memref<32x8x128xf32, #tpu.memory_space<vmem>> -> memref<1x8x128xf32, #tpu.memory_space<vmem>>
      %dma_start3A_323 = tpu.memref_squeeze %dma_start3A_322 : memref<1x8x128xf32, #tpu.memory_space<vmem>> -> memref<8x128xf32, #tpu.memory_space<vmem>>
      %dma_start3A_324 = tpu.memref_slice %arg3[%arg1, %multiple_of3A_304, %multiple_of3A_311] : memref<16x80x20000xf32, #tpu.memory_space<hbm>> -> memref<1x8x128xf32, #tpu.memory_space<hbm>>
      %dma_start3A_325 = tpu.memref_squeeze %dma_start3A_324 : memref<1x8x128xf32, #tpu.memory_space<hbm>> -> memref<8x128xf32, #tpu.memory_space<hbm>>
      tpu.enqueue_dma source(%dma_start3A_325 : memref<8x128xf32, #tpu.memory_space<hbm>>) target(%dma_start3A_323 : memref<8x128xf32, #tpu.memory_space<vmem>>) target_semaphore(%arg22 : memref<!tpu.dma_semaphore, #tpu.memory_space<semaphore_mem>>)
      %slice3A_326 = vector.extract_strided_slice %select_n3A_106 {offsets = [8], sizes = [1], strides = [1]} : vector<16xi32> to vector<1xi32>
      %squeeze3A_327 = vector.extract %slice3A_326[0] : i32 from vector<1xi32>
      %shift_right_logical3A_328 = arith.constant 3 : i32
      %shift_right_logical3A_329 = arith.shrui %squeeze3A_327, %shift_right_logical3A_328 : i32
      %shift_left3A_330 = arith.constant 3 : i32
      %shift_left3A_331 = arith.shli %shift_right_logical3A_329, %shift_left3A_330 : i32
      %multiple_of3A_332 = tpu.assume_multiple %shift_left3A_331, 8 : i32
      %slice3A_333 = vector.extract_strided_slice %select_n3A_103 {offsets = [8], sizes = [1], strides = [1]} : vector<16xi32> to vector<1xi32>
      %squeeze3A_334 = vector.extract %slice3A_333[0] : i32 from vector<1xi32>
      %shift_right_logical3A_335 = arith.constant 7 : i32
      %shift_right_logical3A_336 = arith.shrui %squeeze3A_334, %shift_right_logical3A_335 : i32
      %shift_left3A_337 = arith.constant 7 : i32
      %shift_left3A_338 = arith.shli %shift_right_logical3A_336, %shift_left3A_337 : i32
      %multiple_of3A_339 = tpu.assume_multiple %shift_left3A_338, 128 : i32
      %add3A_340 = arith.constant 8 : i32
      %add3A_341 = arith.addi %mul3A_88, %add3A_340 : i32
      %dma_start3A_342 = arith.constant 0 : i32
      %dma_start3A_343 = arith.constant 0 : i32
      %dma_start3A_344 = tpu.memref_slice %arg18[%add3A_341, %dma_start3A_342, %dma_start3A_343] : memref<32x8x128xf32, #tpu.memory_space<vmem>> -> memref<1x8x128xf32, #tpu.memory_space<vmem>>
      %dma_start3A_345 = tpu.memref_squeeze %dma_start3A_344 : memref<1x8x128xf32, #tpu.memory_space<vmem>> -> memref<8x128xf32, #tpu.memory_space<vmem>>
      %dma_start3A_346 = tpu.memref_slice %arg3[%arg1, %multiple_of3A_332, %multiple_of3A_339] : memref<16x80x20000xf32, #tpu.memory_space<hbm>> -> memref<1x8x128xf32, #tpu.memory_space<hbm>>
      %dma_start3A_347 = tpu.memref_squeeze %dma_start3A_346 : memref<1x8x128xf32, #tpu.memory_space<hbm>> -> memref<8x128xf32, #tpu.memory_space<hbm>>
      %dma_start3A_348 = arith.constant 0 : i32
      %dma_start3A_349 = arith.constant 0 : i32
      %dma_start3A_350 = tpu.memref_slice %arg18[%add3A_341, %dma_start3A_348, %dma_start3A_349] : memref<32x8x128xf32, #tpu.memory_space<vmem>> -> memref<1x8x128xf32, #tpu.memory_space<vmem>>
      %dma_start3A_351 = tpu.memref_squeeze %dma_start3A_350 : memref<1x8x128xf32, #tpu.memory_space<vmem>> -> memref<8x128xf32, #tpu.memory_space<vmem>>
      %dma_start3A_352 = tpu.memref_slice %arg3[%arg1, %multiple_of3A_332, %multiple_of3A_339] : memref<16x80x20000xf32, #tpu.memory_space<hbm>> -> memref<1x8x128xf32, #tpu.memory_space<hbm>>
      %dma_start3A_353 = tpu.memref_squeeze %dma_start3A_352 : memref<1x8x128xf32, #tpu.memory_space<hbm>> -> memref<8x128xf32, #tpu.memory_space<hbm>>
      tpu.enqueue_dma source(%dma_start3A_353 : memref<8x128xf32, #tpu.memory_space<hbm>>) target(%dma_start3A_351 : memref<8x128xf32, #tpu.memory_space<vmem>>) target_semaphore(%arg22 : memref<!tpu.dma_semaphore, #tpu.memory_space<semaphore_mem>>)
      %slice3A_354 = vector.extract_strided_slice %select_n3A_106 {offsets = [9], sizes = [1], strides = [1]} : vector<16xi32> to vector<1xi32>
      %squeeze3A_355 = vector.extract %slice3A_354[0] : i32 from vector<1xi32>
      %shift_right_logical3A_356 = arith.constant 3 : i32
      %shift_right_logical3A_357 = arith.shrui %squeeze3A_355, %shift_right_logical3A_356 : i32
      %shift_left3A_358 = arith.constant 3 : i32
      %shift_left3A_359 = arith.shli %shift_right_logical3A_357, %shift_left3A_358 : i32
      %multiple_of3A_360 = tpu.assume_multiple %shift_left3A_359, 8 : i32
      %slice3A_361 = vector.extract_strided_slice %select_n3A_103 {offsets = [9], sizes = [1], strides = [1]} : vector<16xi32> to vector<1xi32>
      %squeeze3A_362 = vector.extract %slice3A_361[0] : i32 from vector<1xi32>
      %shift_right_logical3A_363 = arith.constant 7 : i32
      %shift_right_logical3A_364 = arith.shrui %squeeze3A_362, %shift_right_logical3A_363 : i32
      %shift_left3A_365 = arith.constant 7 : i32
      %shift_left3A_366 = arith.shli %shift_right_logical3A_364, %shift_left3A_365 : i32
      %multiple_of3A_367 = tpu.assume_multiple %shift_left3A_366, 128 : i32
      %add3A_368 = arith.constant 9 : i32
      %add3A_369 = arith.addi %mul3A_88, %add3A_368 : i32
      %dma_start3A_370 = arith.constant 0 : i32
      %dma_start3A_371 = arith.constant 0 : i32
      %dma_start3A_372 = tpu.memref_slice %arg18[%add3A_369, %dma_start3A_370, %dma_start3A_371] : memref<32x8x128xf32, #tpu.memory_space<vmem>> -> memref<1x8x128xf32, #tpu.memory_space<vmem>>
      %dma_start3A_373 = tpu.memref_squeeze %dma_start3A_372 : memref<1x8x128xf32, #tpu.memory_space<vmem>> -> memref<8x128xf32, #tpu.memory_space<vmem>>
      %dma_start3A_374 = tpu.memref_slice %arg3[%arg1, %multiple_of3A_360, %multiple_of3A_367] : memref<16x80x20000xf32, #tpu.memory_space<hbm>> -> memref<1x8x128xf32, #tpu.memory_space<hbm>>
      %dma_start3A_375 = tpu.memref_squeeze %dma_start3A_374 : memref<1x8x128xf32, #tpu.memory_space<hbm>> -> memref<8x128xf32, #tpu.memory_space<hbm>>
      %dma_start3A_376 = arith.constant 0 : i32
      %dma_start3A_377 = arith.constant 0 : i32
      %dma_start3A_378 = tpu.memref_slice %arg18[%add3A_369, %dma_start3A_376, %dma_start3A_377] : memref<32x8x128xf32, #tpu.memory_space<vmem>> -> memref<1x8x128xf32, #tpu.memory_space<vmem>>
      %dma_start3A_379 = tpu.memref_squeeze %dma_start3A_378 : memref<1x8x128xf32, #tpu.memory_space<vmem>> -> memref<8x128xf32, #tpu.memory_space<vmem>>
      %dma_start3A_380 = tpu.memref_slice %arg3[%arg1, %multiple_of3A_360, %multiple_of3A_367] : memref<16x80x20000xf32, #tpu.memory_space<hbm>> -> memref<1x8x128xf32, #tpu.memory_space<hbm>>
      %dma_start3A_381 = tpu.memref_squeeze %dma_start3A_380 : memref<1x8x128xf32, #tpu.memory_space<hbm>> -> memref<8x128xf32, #tpu.memory_space<hbm>>
      tpu.enqueue_dma source(%dma_start3A_381 : memref<8x128xf32, #tpu.memory_space<hbm>>) target(%dma_start3A_379 : memref<8x128xf32, #tpu.memory_space<vmem>>) target_semaphore(%arg22 : memref<!tpu.dma_semaphore, #tpu.memory_space<semaphore_mem>>)
      %slice3A_382 = vector.extract_strided_slice %select_n3A_106 {offsets = [10], sizes = [1], strides = [1]} : vector<16xi32> to vector<1xi32>
      %squeeze3A_383 = vector.extract %slice3A_382[0] : i32 from vector<1xi32>
      %shift_right_logical3A_384 = arith.constant 3 : i32
      %shift_right_logical3A_385 = arith.shrui %squeeze3A_383, %shift_right_logical3A_384 : i32
      %shift_left3A_386 = arith.constant 3 : i32
      %shift_left3A_387 = arith.shli %shift_right_logical3A_385, %shift_left3A_386 : i32
      %multiple_of3A_388 = tpu.assume_multiple %shift_left3A_387, 8 : i32
      %slice3A_389 = vector.extract_strided_slice %select_n3A_103 {offsets = [10], sizes = [1], strides = [1]} : vector<16xi32> to vector<1xi32>
      %squeeze3A_390 = vector.extract %slice3A_389[0] : i32 from vector<1xi32>
      %shift_right_logical3A_391 = arith.constant 7 : i32
      %shift_right_logical3A_392 = arith.shrui %squeeze3A_390, %shift_right_logical3A_391 : i32
      %shift_left3A_393 = arith.constant 7 : i32
      %shift_left3A_394 = arith.shli %shift_right_logical3A_392, %shift_left3A_393 : i32
      %multiple_of3A_395 = tpu.assume_multiple %shift_left3A_394, 128 : i32
      %add3A_396 = arith.constant 10 : i32
      %add3A_397 = arith.addi %mul3A_88, %add3A_396 : i32
      %dma_start3A_398 = arith.constant 0 : i32
      %dma_start3A_399 = arith.constant 0 : i32
      %dma_start3A_400 = tpu.memref_slice %arg18[%add3A_397, %dma_start3A_398, %dma_start3A_399] : memref<32x8x128xf32, #tpu.memory_space<vmem>> -> memref<1x8x128xf32, #tpu.memory_space<vmem>>
      %dma_start3A_401 = tpu.memref_squeeze %dma_start3A_400 : memref<1x8x128xf32, #tpu.memory_space<vmem>> -> memref<8x128xf32, #tpu.memory_space<vmem>>
      %dma_start3A_402 = tpu.memref_slice %arg3[%arg1, %multiple_of3A_388, %multiple_of3A_395] : memref<16x80x20000xf32, #tpu.memory_space<hbm>> -> memref<1x8x128xf32, #tpu.memory_space<hbm>>
      %dma_start3A_403 = tpu.memref_squeeze %dma_start3A_402 : memref<1x8x128xf32, #tpu.memory_space<hbm>> -> memref<8x128xf32, #tpu.memory_space<hbm>>
      %dma_start3A_404 = arith.constant 0 : i32
      %dma_start3A_405 = arith.constant 0 : i32
      %dma_start3A_406 = tpu.memref_slice %arg18[%add3A_397, %dma_start3A_404, %dma_start3A_405] : memref<32x8x128xf32, #tpu.memory_space<vmem>> -> memref<1x8x128xf32, #tpu.memory_space<vmem>>
      %dma_start3A_407 = tpu.memref_squeeze %dma_start3A_406 : memref<1x8x128xf32, #tpu.memory_space<vmem>> -> memref<8x128xf32, #tpu.memory_space<vmem>>
      %dma_start3A_408 = tpu.memref_slice %arg3[%arg1, %multiple_of3A_388, %multiple_of3A_395] : memref<16x80x20000xf32, #tpu.memory_space<hbm>> -> memref<1x8x128xf32, #tpu.memory_space<hbm>>
      %dma_start3A_409 = tpu.memref_squeeze %dma_start3A_408 : memref<1x8x128xf32, #tpu.memory_space<hbm>> -> memref<8x128xf32, #tpu.memory_space<hbm>>
      tpu.enqueue_dma source(%dma_start3A_409 : memref<8x128xf32, #tpu.memory_space<hbm>>) target(%dma_start3A_407 : memref<8x128xf32, #tpu.memory_space<vmem>>) target_semaphore(%arg22 : memref<!tpu.dma_semaphore, #tpu.memory_space<semaphore_mem>>)
      %slice3A_410 = vector.extract_strided_slice %select_n3A_106 {offsets = [11], sizes = [1], strides = [1]} : vector<16xi32> to vector<1xi32>
      %squeeze3A_411 = vector.extract %slice3A_410[0] : i32 from vector<1xi32>
      %shift_right_logical3A_412 = arith.constant 3 : i32
      %shift_right_logical3A_413 = arith.shrui %squeeze3A_411, %shift_right_logical3A_412 : i32
      %shift_left3A_414 = arith.constant 3 : i32
      %shift_left3A_415 = arith.shli %shift_right_logical3A_413, %shift_left3A_414 : i32
      %multiple_of3A_416 = tpu.assume_multiple %shift_left3A_415, 8 : i32
      %slice3A_417 = vector.extract_strided_slice %select_n3A_103 {offsets = [11], sizes = [1], strides = [1]} : vector<16xi32> to vector<1xi32>
      %squeeze3A_418 = vector.extract %slice3A_417[0] : i32 from vector<1xi32>
      %shift_right_logical3A_419 = arith.constant 7 : i32
      %shift_right_logical3A_420 = arith.shrui %squeeze3A_418, %shift_right_logical3A_419 : i32
      %shift_left3A_421 = arith.constant 7 : i32
      %shift_left3A_422 = arith.shli %shift_right_logical3A_420, %shift_left3A_421 : i32
      %multiple_of3A_423 = tpu.assume_multiple %shift_left3A_422, 128 : i32
      %add3A_424 = arith.constant 11 : i32
      %add3A_425 = arith.addi %mul3A_88, %add3A_424 : i32
      %dma_start3A_426 = arith.constant 0 : i32
      %dma_start3A_427 = arith.constant 0 : i32
      %dma_start3A_428 = tpu.memref_slice %arg18[%add3A_425, %dma_start3A_426, %dma_start3A_427] : memref<32x8x128xf32, #tpu.memory_space<vmem>> -> memref<1x8x128xf32, #tpu.memory_space<vmem>>
      %dma_start3A_429 = tpu.memref_squeeze %dma_start3A_428 : memref<1x8x128xf32, #tpu.memory_space<vmem>> -> memref<8x128xf32, #tpu.memory_space<vmem>>
      %dma_start3A_430 = tpu.memref_slice %arg3[%arg1, %multiple_of3A_416, %multiple_of3A_423] : memref<16x80x20000xf32, #tpu.memory_space<hbm>> -> memref<1x8x128xf32, #tpu.memory_space<hbm>>
      %dma_start3A_431 = tpu.memref_squeeze %dma_start3A_430 : memref<1x8x128xf32, #tpu.memory_space<hbm>> -> memref<8x128xf32, #tpu.memory_space<hbm>>
      %dma_start3A_432 = arith.constant 0 : i32
      %dma_start3A_433 = arith.constant 0 : i32
      %dma_start3A_434 = tpu.memref_slice %arg18[%add3A_425, %dma_start3A_432, %dma_start3A_433] : memref<32x8x128xf32, #tpu.memory_space<vmem>> -> memref<1x8x128xf32, #tpu.memory_space<vmem>>
      %dma_start3A_435 = tpu.memref_squeeze %dma_start3A_434 : memref<1x8x128xf32, #tpu.memory_space<vmem>> -> memref<8x128xf32, #tpu.memory_space<vmem>>
      %dma_start3A_436 = tpu.memref_slice %arg3[%arg1, %multiple_of3A_416, %multiple_of3A_423] : memref<16x80x20000xf32, #tpu.memory_space<hbm>> -> memref<1x8x128xf32, #tpu.memory_space<hbm>>
      %dma_start3A_437 = tpu.memref_squeeze %dma_start3A_436 : memref<1x8x128xf32, #tpu.memory_space<hbm>> -> memref<8x128xf32, #tpu.memory_space<hbm>>
      tpu.enqueue_dma source(%dma_start3A_437 : memref<8x128xf32, #tpu.memory_space<hbm>>) target(%dma_start3A_435 : memref<8x128xf32, #tpu.memory_space<vmem>>) target_semaphore(%arg22 : memref<!tpu.dma_semaphore, #tpu.memory_space<semaphore_mem>>)
      %slice3A_438 = vector.extract_strided_slice %select_n3A_106 {offsets = [12], sizes = [1], strides = [1]} : vector<16xi32> to vector<1xi32>
      %squeeze3A_439 = vector.extract %slice3A_438[0] : i32 from vector<1xi32>
      %shift_right_logical3A_440 = arith.constant 3 : i32
      %shift_right_logical3A_441 = arith.shrui %squeeze3A_439, %shift_right_logical3A_440 : i32
      %shift_left3A_442 = arith.constant 3 : i32
      %shift_left3A_443 = arith.shli %shift_right_logical3A_441, %shift_left3A_442 : i32
      %multiple_of3A_444 = tpu.assume_multiple %shift_left3A_443, 8 : i32
      %slice3A_445 = vector.extract_strided_slice %select_n3A_103 {offsets = [12], sizes = [1], strides = [1]} : vector<16xi32> to vector<1xi32>
      %squeeze3A_446 = vector.extract %slice3A_445[0] : i32 from vector<1xi32>
      %shift_right_logical3A_447 = arith.constant 7 : i32
      %shift_right_logical3A_448 = arith.shrui %squeeze3A_446, %shift_right_logical3A_447 : i32
      %shift_left3A_449 = arith.constant 7 : i32
      %shift_left3A_450 = arith.shli %shift_right_logical3A_448, %shift_left3A_449 : i32
      %multiple_of3A_451 = tpu.assume_multiple %shift_left3A_450, 128 : i32
      %add3A_452 = arith.constant 12 : i32
      %add3A_453 = arith.addi %mul3A_88, %add3A_452 : i32
      %dma_start3A_454 = arith.constant 0 : i32
      %dma_start3A_455 = arith.constant 0 : i32
      %dma_start3A_456 = tpu.memref_slice %arg18[%add3A_453, %dma_start3A_454, %dma_start3A_455] : memref<32x8x128xf32, #tpu.memory_space<vmem>> -> memref<1x8x128xf32, #tpu.memory_space<vmem>>
      %dma_start3A_457 = tpu.memref_squeeze %dma_start3A_456 : memref<1x8x128xf32, #tpu.memory_space<vmem>> -> memref<8x128xf32, #tpu.memory_space<vmem>>
      %dma_start3A_458 = tpu.memref_slice %arg3[%arg1, %multiple_of3A_444, %multiple_of3A_451] : memref<16x80x20000xf32, #tpu.memory_space<hbm>> -> memref<1x8x128xf32, #tpu.memory_space<hbm>>
      %dma_start3A_459 = tpu.memref_squeeze %dma_start3A_458 : memref<1x8x128xf32, #tpu.memory_space<hbm>> -> memref<8x128xf32, #tpu.memory_space<hbm>>
      %dma_start3A_460 = arith.constant 0 : i32
      %dma_start3A_461 = arith.constant 0 : i32
      %dma_start3A_462 = tpu.memref_slice %arg18[%add3A_453, %dma_start3A_460, %dma_start3A_461] : memref<32x8x128xf32, #tpu.memory_space<vmem>> -> memref<1x8x128xf32, #tpu.memory_space<vmem>>
      %dma_start3A_463 = tpu.memref_squeeze %dma_start3A_462 : memref<1x8x128xf32, #tpu.memory_space<vmem>> -> memref<8x128xf32, #tpu.memory_space<vmem>>
      %dma_start3A_464 = tpu.memref_slice %arg3[%arg1, %multiple_of3A_444, %multiple_of3A_451] : memref<16x80x20000xf32, #tpu.memory_space<hbm>> -> memref<1x8x128xf32, #tpu.memory_space<hbm>>
      %dma_start3A_465 = tpu.memref_squeeze %dma_start3A_464 : memref<1x8x128xf32, #tpu.memory_space<hbm>> -> memref<8x128xf32, #tpu.memory_space<hbm>>
      tpu.enqueue_dma source(%dma_start3A_465 : memref<8x128xf32, #tpu.memory_space<hbm>>) target(%dma_start3A_463 : memref<8x128xf32, #tpu.memory_space<vmem>>) target_semaphore(%arg22 : memref<!tpu.dma_semaphore, #tpu.memory_space<semaphore_mem>>)
      %slice3A_466 = vector.extract_strided_slice %select_n3A_106 {offsets = [13], sizes = [1], strides = [1]} : vector<16xi32> to vector<1xi32>
      %squeeze3A_467 = vector.extract %slice3A_466[0] : i32 from vector<1xi32>
      %shift_right_logical3A_468 = arith.constant 3 : i32
      %shift_right_logical3A_469 = arith.shrui %squeeze3A_467, %shift_right_logical3A_468 : i32
      %shift_left3A_470 = arith.constant 3 : i32
      %shift_left3A_471 = arith.shli %shift_right_logical3A_469, %shift_left3A_470 : i32
      %multiple_of3A_472 = tpu.assume_multiple %shift_left3A_471, 8 : i32
      %slice3A_473 = vector.extract_strided_slice %select_n3A_103 {offsets = [13], sizes = [1], strides = [1]} : vector<16xi32> to vector<1xi32>
      %squeeze3A_474 = vector.extract %slice3A_473[0] : i32 from vector<1xi32>
      %shift_right_logical3A_475 = arith.constant 7 : i32
      %shift_right_logical3A_476 = arith.shrui %squeeze3A_474, %shift_right_logical3A_475 : i32
      %shift_left3A_477 = arith.constant 7 : i32
      %shift_left3A_478 = arith.shli %shift_right_logical3A_476, %shift_left3A_477 : i32
      %multiple_of3A_479 = tpu.assume_multiple %shift_left3A_478, 128 : i32
      %add3A_480 = arith.constant 13 : i32
      %add3A_481 = arith.addi %mul3A_88, %add3A_480 : i32
      %dma_start3A_482 = arith.constant 0 : i32
      %dma_start3A_483 = arith.constant 0 : i32
      %dma_start3A_484 = tpu.memref_slice %arg18[%add3A_481, %dma_start3A_482, %dma_start3A_483] : memref<32x8x128xf32, #tpu.memory_space<vmem>> -> memref<1x8x128xf32, #tpu.memory_space<vmem>>
      %dma_start3A_485 = tpu.memref_squeeze %dma_start3A_484 : memref<1x8x128xf32, #tpu.memory_space<vmem>> -> memref<8x128xf32, #tpu.memory_space<vmem>>
      %dma_start3A_486 = tpu.memref_slice %arg3[%arg1, %multiple_of3A_472, %multiple_of3A_479] : memref<16x80x20000xf32, #tpu.memory_space<hbm>> -> memref<1x8x128xf32, #tpu.memory_space<hbm>>
      %dma_start3A_487 = tpu.memref_squeeze %dma_start3A_486 : memref<1x8x128xf32, #tpu.memory_space<hbm>> -> memref<8x128xf32, #tpu.memory_space<hbm>>
      %dma_start3A_488 = arith.constant 0 : i32
      %dma_start3A_489 = arith.constant 0 : i32
      %dma_start3A_490 = tpu.memref_slice %arg18[%add3A_481, %dma_start3A_488, %dma_start3A_489] : memref<32x8x128xf32, #tpu.memory_space<vmem>> -> memref<1x8x128xf32, #tpu.memory_space<vmem>>
      %dma_start3A_491 = tpu.memref_squeeze %dma_start3A_490 : memref<1x8x128xf32, #tpu.memory_space<vmem>> -> memref<8x128xf32, #tpu.memory_space<vmem>>
      %dma_start3A_492 = tpu.memref_slice %arg3[%arg1, %multiple_of3A_472, %multiple_of3A_479] : memref<16x80x20000xf32, #tpu.memory_space<hbm>> -> memref<1x8x128xf32, #tpu.memory_space<hbm>>
      %dma_start3A_493 = tpu.memref_squeeze %dma_start3A_492 : memref<1x8x128xf32, #tpu.memory_space<hbm>> -> memref<8x128xf32, #tpu.memory_space<hbm>>
      tpu.enqueue_dma source(%dma_start3A_493 : memref<8x128xf32, #tpu.memory_space<hbm>>) target(%dma_start3A_491 : memref<8x128xf32, #tpu.memory_space<vmem>>) target_semaphore(%arg22 : memref<!tpu.dma_semaphore, #tpu.memory_space<semaphore_mem>>)
      %slice3A_494 = vector.extract_strided_slice %select_n3A_106 {offsets = [14], sizes = [1], strides = [1]} : vector<16xi32> to vector<1xi32>
      %squeeze3A_495 = vector.extract %slice3A_494[0] : i32 from vector<1xi32>
      %shift_right_logical3A_496 = arith.constant 3 : i32
      %shift_right_logical3A_497 = arith.shrui %squeeze3A_495, %shift_right_logical3A_496 : i32
      %shift_left3A_498 = arith.constant 3 : i32
      %shift_left3A_499 = arith.shli %shift_right_logical3A_497, %shift_left3A_498 : i32
      %multiple_of3A_500 = tpu.assume_multiple %shift_left3A_499, 8 : i32
      %slice3A_501 = vector.extract_strided_slice %select_n3A_103 {offsets = [14], sizes = [1], strides = [1]} : vector<16xi32> to vector<1xi32>
      %squeeze3A_502 = vector.extract %slice3A_501[0] : i32 from vector<1xi32>
      %shift_right_logical3A_503 = arith.constant 7 : i32
      %shift_right_logical3A_504 = arith.shrui %squeeze3A_502, %shift_right_logical3A_503 : i32
      %shift_left3A_505 = arith.constant 7 : i32
      %shift_left3A_506 = arith.shli %shift_right_logical3A_504, %shift_left3A_505 : i32
      %multiple_of3A_507 = tpu.assume_multiple %shift_left3A_506, 128 : i32
      %add3A_508 = arith.constant 14 : i32
      %add3A_509 = arith.addi %mul3A_88, %add3A_508 : i32
      %dma_start3A_510 = arith.constant 0 : i32
      %dma_start3A_511 = arith.constant 0 : i32
      %dma_start3A_512 = tpu.memref_slice %arg18[%add3A_509, %dma_start3A_510, %dma_start3A_511] : memref<32x8x128xf32, #tpu.memory_space<vmem>> -> memref<1x8x128xf32, #tpu.memory_space<vmem>>
      %dma_start3A_513 = tpu.memref_squeeze %dma_start3A_512 : memref<1x8x128xf32, #tpu.memory_space<vmem>> -> memref<8x128xf32, #tpu.memory_space<vmem>>
      %dma_start3A_514 = tpu.memref_slice %arg3[%arg1, %multiple_of3A_500, %multiple_of3A_507] : memref<16x80x20000xf32, #tpu.memory_space<hbm>> -> memref<1x8x128xf32, #tpu.memory_space<hbm>>
      %dma_start3A_515 = tpu.memref_squeeze %dma_start3A_514 : memref<1x8x128xf32, #tpu.memory_space<hbm>> -> memref<8x128xf32, #tpu.memory_space<hbm>>
      %dma_start3A_516 = arith.constant 0 : i32
      %dma_start3A_517 = arith.constant 0 : i32
      %dma_start3A_518 = tpu.memref_slice %arg18[%add3A_509, %dma_start3A_516, %dma_start3A_517] : memref<32x8x128xf32, #tpu.memory_space<vmem>> -> memref<1x8x128xf32, #tpu.memory_space<vmem>>
      %dma_start3A_519 = tpu.memref_squeeze %dma_start3A_518 : memref<1x8x128xf32, #tpu.memory_space<vmem>> -> memref<8x128xf32, #tpu.memory_space<vmem>>
      %dma_start3A_520 = tpu.memref_slice %arg3[%arg1, %multiple_of3A_500, %multiple_of3A_507] : memref<16x80x20000xf32, #tpu.memory_space<hbm>> -> memref<1x8x128xf32, #tpu.memory_space<hbm>>
      %dma_start3A_521 = tpu.memref_squeeze %dma_start3A_520 : memref<1x8x128xf32, #tpu.memory_space<hbm>> -> memref<8x128xf32, #tpu.memory_space<hbm>>
      tpu.enqueue_dma source(%dma_start3A_521 : memref<8x128xf32, #tpu.memory_space<hbm>>) target(%dma_start3A_519 : memref<8x128xf32, #tpu.memory_space<vmem>>) target_semaphore(%arg22 : memref<!tpu.dma_semaphore, #tpu.memory_space<semaphore_mem>>)
      %slice3A_522 = vector.extract_strided_slice %select_n3A_106 {offsets = [15], sizes = [1], strides = [1]} : vector<16xi32> to vector<1xi32>
      %squeeze3A_523 = vector.extract %slice3A_522[0] : i32 from vector<1xi32>
      %shift_right_logical3A_524 = arith.constant 3 : i32
      %shift_right_logical3A_525 = arith.shrui %squeeze3A_523, %shift_right_logical3A_524 : i32
      %shift_left3A_526 = arith.constant 3 : i32
      %shift_left3A_527 = arith.shli %shift_right_logical3A_525, %shift_left3A_526 : i32
      %multiple_of3A_528 = tpu.assume_multiple %shift_left3A_527, 8 : i32
      %slice3A_529 = vector.extract_strided_slice %select_n3A_103 {offsets = [15], sizes = [1], strides = [1]} : vector<16xi32> to vector<1xi32>
      %squeeze3A_530 = vector.extract %slice3A_529[0] : i32 from vector<1xi32>
      %shift_right_logical3A_531 = arith.constant 7 : i32
      %shift_right_logical3A_532 = arith.shrui %squeeze3A_530, %shift_right_logical3A_531 : i32
      %shift_left3A_533 = arith.constant 7 : i32
      %shift_left3A_534 = arith.shli %shift_right_logical3A_532, %shift_left3A_533 : i32
      %multiple_of3A_535 = tpu.assume_multiple %shift_left3A_534, 128 : i32
      %add3A_536 = arith.constant 15 : i32
      %add3A_537 = arith.addi %mul3A_88, %add3A_536 : i32
      %dma_start3A_538 = arith.constant 0 : i32
      %dma_start3A_539 = arith.constant 0 : i32
      %dma_start3A_540 = tpu.memref_slice %arg18[%add3A_537, %dma_start3A_538, %dma_start3A_539] : memref<32x8x128xf32, #tpu.memory_space<vmem>> -> memref<1x8x128xf32, #tpu.memory_space<vmem>>
      %dma_start3A_541 = tpu.memref_squeeze %dma_start3A_540 : memref<1x8x128xf32, #tpu.memory_space<vmem>> -> memref<8x128xf32, #tpu.memory_space<vmem>>
      %dma_start3A_542 = tpu.memref_slice %arg3[%arg1, %multiple_of3A_528, %multiple_of3A_535] : memref<16x80x20000xf32, #tpu.memory_space<hbm>> -> memref<1x8x128xf32, #tpu.memory_space<hbm>>
      %dma_start3A_543 = tpu.memref_squeeze %dma_start3A_542 : memref<1x8x128xf32, #tpu.memory_space<hbm>> -> memref<8x128xf32, #tpu.memory_space<hbm>>
      %dma_start3A_544 = arith.constant 0 : i32
      %dma_start3A_545 = arith.constant 0 : i32
      %dma_start3A_546 = tpu.memref_slice %arg18[%add3A_537, %dma_start3A_544, %dma_start3A_545] : memref<32x8x128xf32, #tpu.memory_space<vmem>> -> memref<1x8x128xf32, #tpu.memory_space<vmem>>
      %dma_start3A_547 = tpu.memref_squeeze %dma_start3A_546 : memref<1x8x128xf32, #tpu.memory_space<vmem>> -> memref<8x128xf32, #tpu.memory_space<vmem>>
      %dma_start3A_548 = tpu.memref_slice %arg3[%arg1, %multiple_of3A_528, %multiple_of3A_535] : memref<16x80x20000xf32, #tpu.memory_space<hbm>> -> memref<1x8x128xf32, #tpu.memory_space<hbm>>
      %dma_start3A_549 = tpu.memref_squeeze %dma_start3A_548 : memref<1x8x128xf32, #tpu.memory_space<hbm>> -> memref<8x128xf32, #tpu.memory_space<hbm>>
      tpu.enqueue_dma source(%dma_start3A_549 : memref<8x128xf32, #tpu.memory_space<hbm>>) target(%dma_start3A_547 : memref<8x128xf32, #tpu.memory_space<vmem>>) target_semaphore(%arg22 : memref<!tpu.dma_semaphore, #tpu.memory_space<semaphore_mem>>)
      %gt3A_550 = arith.constant 0 : i32
      %gt3A_551 = arith.cmpi sgt, %while3A_84, %gt3A_550 : i32
      %convert_element_type3A_552 = arith.extui %gt3A_551 : i1 to i32
      %cond3A_553 = arith.constant 0 : i32
      %cond3A_554 = arith.cmpi ne, %convert_element_type3A_552, %cond3A_553 : i32
      scf.if %cond3A_554 {
        %add3A_555 = arith.addi %select_n3A_52, %while3A_84 : i32
        %sub3A_556 = arith.constant 1 : i32
        %sub3A_557 = arith.subi %add3A_555, %sub3A_556 : i32
        %sub3A_558 = arith.constant 1 : i32
        %sub3A_559 = arith.subi %while3A_84, %sub3A_558 : i32
        %and3A_560 = arith.constant 1 : i32
        %and3A_561 = arith.andi %sub3A_559, %and3A_560 : i32
        %mul3A_562 = arith.constant 16 : i32
        %mul3A_563 = arith.muli %and3A_561, %mul3A_562 : i32
        %mul3A_564 = arith.constant 16 : i32
        %mul3A_565 = arith.muli %sub3A_557, %mul3A_564 : i32
        %add3A_566 = vector.broadcast %mul3A_565 : i32 to vector<16xi32>
        %add3A_567 = arith.addi %iota3A, %add3A_566 : vector<16xi32>
        %lt3A_568 = arith.cmpi slt, %add3A_567, %min3A_9 : vector<16xi32>
        %jit3A_569 = arith.constant 0 : i32
        %broadcast_in_dim3A_570 = vector.broadcast %jit3A_569 : i32 to vector<16xi32>
        %select_n3A_571 = arith.select %lt3A_568, %add3A_567, %broadcast_in_dim3A_570 : vector<16xi1>, vector<16xi32>
        %gather3A_572 = tpu.vector_load_idx %arg15[%select_n3A_571] : memref<8032xi32, #tpu.memory_space<vmem>>[vector<16xi32>], vector<16xi32>,
        %jit3A_573 = arith.constant 0 : i32
        %broadcast_in_dim3A_574 = vector.broadcast %jit3A_573 : i32 to vector<16xi32>
        %select_n3A_575 = arith.select %lt3A_568, %gather3A_572, %broadcast_in_dim3A_574 : vector<16xi1>, vector<16xi32>
        %gather3A_576 = tpu.vector_load_idx %arg13[%select_n3A_575] : memref<8000xi32, #tpu.memory_space<vmem>>[vector<16xi32>], vector<16xi32>,
        %gather3A_577 = tpu.vector_load_idx %arg14[%select_n3A_575] : memref<8000xi32, #tpu.memory_space<vmem>>[vector<16xi32>], vector<16xi32>,
        %jit3A_578 = arith.constant 0 : i32
        %broadcast_in_dim3A_579 = vector.broadcast %jit3A_578 : i32 to vector<16xi32>
        %select_n3A_580 = arith.select %lt3A_568, %gather3A_576, %broadcast_in_dim3A_579 : vector<16xi1>, vector<16xi32>
        %jit3A_581 = arith.constant 0 : i32
        %broadcast_in_dim3A_582 = vector.broadcast %jit3A_581 : i32 to vector<16xi32>
        %select_n3A_583 = arith.select %lt3A_568, %gather3A_577, %broadcast_in_dim3A_582 : vector<16xi1>, vector<16xi32>
        %add3A_584 = arith.constant 0 : i32
        %add3A_585 = arith.addi %mul3A_563, %add3A_584 : i32
        %dma_wait3A = arith.constant 0 : i32
        %dma_wait3A_586 = arith.constant 0 : i32
        %dma_wait3A_587 = arith.constant 0 : i32
        %dma_wait3A_588 = tpu.memref_slice %arg18[%add3A_585, %dma_wait3A_586, %dma_wait3A_587] : memref<32x8x128xf32, #tpu.memory_space<vmem>> -> memref<1x8x128xf32, #tpu.memory_space<vmem>>
        %dma_wait3A_589 = tpu.memref_squeeze %dma_wait3A_588 : memref<1x8x128xf32, #tpu.memory_space<vmem>> -> memref<8x128xf32, #tpu.memory_space<vmem>>
        %dma_wait3A_590 = arith.constant 0 : i32
        %dma_wait3A_591 = arith.constant 0 : i32
        %dma_wait3A_592 = tpu.memref_slice %arg3[%dma_wait3A, %dma_wait3A_590, %dma_wait3A_591] : memref<16x80x20000xf32, #tpu.memory_space<hbm>> -> memref<1x8x128xf32, #tpu.memory_space<hbm>>
        %dma_wait3A_593 = tpu.memref_squeeze %dma_wait3A_592 : memref<1x8x128xf32, #tpu.memory_space<hbm>> -> memref<8x128xf32, #tpu.memory_space<hbm>>
        %dma_wait3A_594 = arith.constant 0 : i32
        %dma_wait3A_595 = arith.constant 0 : i32
        %dma_wait3A_596 = tpu.memref_slice %arg18[%add3A_585, %dma_wait3A_594, %dma_wait3A_595] : memref<32x8x128xf32, #tpu.memory_space<vmem>> -> memref<1x8x128xf32, #tpu.memory_space<vmem>>
        %dma_wait3A_597 = tpu.memref_squeeze %dma_wait3A_596 : memref<1x8x128xf32, #tpu.memory_space<vmem>> -> memref<8x128xf32, #tpu.memory_space<vmem>>
        %dma_wait3A_598 = arith.constant 0 : i32
        %dma_wait3A_599 = arith.constant 0 : i32
        %dma_wait3A_600 = tpu.memref_slice %arg3[%dma_wait3A, %dma_wait3A_598, %dma_wait3A_599] : memref<16x80x20000xf32, #tpu.memory_space<hbm>> -> memref<1x8x128xf32, #tpu.memory_space<hbm>>
        %dma_wait3A_601 = tpu.memref_squeeze %dma_wait3A_600 : memref<1x8x128xf32, #tpu.memory_space<hbm>> -> memref<8x128xf32, #tpu.memory_space<hbm>>
        tpu.wait_dma2 semaphore(%arg22 : memref<!tpu.dma_semaphore, #tpu.memory_space<semaphore_mem>>) src(%dma_wait3A_601 : memref<8x128xf32, #tpu.memory_space<hbm>>) dst(%dma_wait3A_597 : memref<8x128xf32, #tpu.memory_space<vmem>>)
        %add3A_602 = arith.constant 1 : i32
        %add3A_603 = arith.addi %mul3A_563, %add3A_602 : i32
        %dma_wait3A_604 = arith.constant 0 : i32
        %dma_wait3A_605 = arith.constant 0 : i32
        %dma_wait3A_606 = arith.constant 0 : i32
        %dma_wait3A_607 = tpu.memref_slice %arg18[%add3A_603, %dma_wait3A_605, %dma_wait3A_606] : memref<32x8x128xf32, #tpu.memory_space<vmem>> -> memref<1x8x128xf32, #tpu.memory_space<vmem>>
        %dma_wait3A_608 = tpu.memref_squeeze %dma_wait3A_607 : memref<1x8x128xf32, #tpu.memory_space<vmem>> -> memref<8x128xf32, #tpu.memory_space<vmem>>
        %dma_wait3A_609 = arith.constant 0 : i32
        %dma_wait3A_610 = arith.constant 0 : i32
        %dma_wait3A_611 = tpu.memref_slice %arg3[%dma_wait3A_604, %dma_wait3A_609, %dma_wait3A_610] : memref<16x80x20000xf32, #tpu.memory_space<hbm>> -> memref<1x8x128xf32, #tpu.memory_space<hbm>>
        %dma_wait3A_612 = tpu.memref_squeeze %dma_wait3A_611 : memref<1x8x128xf32, #tpu.memory_space<hbm>> -> memref<8x128xf32, #tpu.memory_space<hbm>>
        %dma_wait3A_613 = arith.constant 0 : i32
        %dma_wait3A_614 = arith.constant 0 : i32
        %dma_wait3A_615 = tpu.memref_slice %arg18[%add3A_603, %dma_wait3A_613, %dma_wait3A_614] : memref<32x8x128xf32, #tpu.memory_space<vmem>> -> memref<1x8x128xf32, #tpu.memory_space<vmem>>
        %dma_wait3A_616 = tpu.memref_squeeze %dma_wait3A_615 : memref<1x8x128xf32, #tpu.memory_space<vmem>> -> memref<8x128xf32, #tpu.memory_space<vmem>>
        %dma_wait3A_617 = arith.constant 0 : i32
        %dma_wait3A_618 = arith.constant 0 : i32
        %dma_wait3A_619 = tpu.memref_slice %arg3[%dma_wait3A_604, %dma_wait3A_617, %dma_wait3A_618] : memref<16x80x20000xf32, #tpu.memory_space<hbm>> -> memref<1x8x128xf32, #tpu.memory_space<hbm>>
        %dma_wait3A_620 = tpu.memref_squeeze %dma_wait3A_619 : memref<1x8x128xf32, #tpu.memory_space<hbm>> -> memref<8x128xf32, #tpu.memory_space<hbm>>
        tpu.wait_dma2 semaphore(%arg22 : memref<!tpu.dma_semaphore, #tpu.memory_space<semaphore_mem>>) src(%dma_wait3A_620 : memref<8x128xf32, #tpu.memory_space<hbm>>) dst(%dma_wait3A_616 : memref<8x128xf32, #tpu.memory_space<vmem>>)
        %add3A_621 = arith.constant 2 : i32
        %add3A_622 = arith.addi %mul3A_563, %add3A_621 : i32
        %dma_wait3A_623 = arith.constant 0 : i32
        %dma_wait3A_624 = arith.constant 0 : i32
        %dma_wait3A_625 = arith.constant 0 : i32
        %dma_wait3A_626 = tpu.memref_slice %arg18[%add3A_622, %dma_wait3A_624, %dma_wait3A_625] : memref<32x8x128xf32, #tpu.memory_space<vmem>> -> memref<1x8x128xf32, #tpu.memory_space<vmem>>
        %dma_wait3A_627 = tpu.memref_squeeze %dma_wait3A_626 : memref<1x8x128xf32, #tpu.memory_space<vmem>> -> memref<8x128xf32, #tpu.memory_space<vmem>>
        %dma_wait3A_628 = arith.constant 0 : i32
        %dma_wait3A_629 = arith.constant 0 : i32
        %dma_wait3A_630 = tpu.memref_slice %arg3[%dma_wait3A_623, %dma_wait3A_628, %dma_wait3A_629] : memref<16x80x20000xf32, #tpu.memory_space<hbm>> -> memref<1x8x128xf32, #tpu.memory_space<hbm>>
        %dma_wait3A_631 = tpu.memref_squeeze %dma_wait3A_630 : memref<1x8x128xf32, #tpu.memory_space<hbm>> -> memref<8x128xf32, #tpu.memory_space<hbm>>
        %dma_wait3A_632 = arith.constant 0 : i32
        %dma_wait3A_633 = arith.constant 0 : i32
        %dma_wait3A_634 = tpu.memref_slice %arg18[%add3A_622, %dma_wait3A_632, %dma_wait3A_633] : memref<32x8x128xf32, #tpu.memory_space<vmem>> -> memref<1x8x128xf32, #tpu.memory_space<vmem>>
        %dma_wait3A_635 = tpu.memref_squeeze %dma_wait3A_634 : memref<1x8x128xf32, #tpu.memory_space<vmem>> -> memref<8x128xf32, #tpu.memory_space<vmem>>
        %dma_wait3A_636 = arith.constant 0 : i32
        %dma_wait3A_637 = arith.constant 0 : i32
        %dma_wait3A_638 = tpu.memref_slice %arg3[%dma_wait3A_623, %dma_wait3A_636, %dma_wait3A_637] : memref<16x80x20000xf32, #tpu.memory_space<hbm>> -> memref<1x8x128xf32, #tpu.memory_space<hbm>>
        %dma_wait3A_639 = tpu.memref_squeeze %dma_wait3A_638 : memref<1x8x128xf32, #tpu.memory_space<hbm>> -> memref<8x128xf32, #tpu.memory_space<hbm>>
        tpu.wait_dma2 semaphore(%arg22 : memref<!tpu.dma_semaphore, #tpu.memory_space<semaphore_mem>>) src(%dma_wait3A_639 : memref<8x128xf32, #tpu.memory_space<hbm>>) dst(%dma_wait3A_635 : memref<8x128xf32, #tpu.memory_space<vmem>>)
        %add3A_640 = arith.constant 3 : i32
        %add3A_641 = arith.addi %mul3A_563, %add3A_640 : i32
        %dma_wait3A_642 = arith.constant 0 : i32
        %dma_wait3A_643 = arith.constant 0 : i32
        %dma_wait3A_644 = arith.constant 0 : i32
        %dma_wait3A_645 = tpu.memref_slice %arg18[%add3A_641, %dma_wait3A_643, %dma_wait3A_644] : memref<32x8x128xf32, #tpu.memory_space<vmem>> -> memref<1x8x128xf32, #tpu.memory_space<vmem>>
        %dma_wait3A_646 = tpu.memref_squeeze %dma_wait3A_645 : memref<1x8x128xf32, #tpu.memory_space<vmem>> -> memref<8x128xf32, #tpu.memory_space<vmem>>
        %dma_wait3A_647 = arith.constant 0 : i32
        %dma_wait3A_648 = arith.constant 0 : i32
        %dma_wait3A_649 = tpu.memref_slice %arg3[%dma_wait3A_642, %dma_wait3A_647, %dma_wait3A_648] : memref<16x80x20000xf32, #tpu.memory_space<hbm>> -> memref<1x8x128xf32, #tpu.memory_space<hbm>>
        %dma_wait3A_650 = tpu.memref_squeeze %dma_wait3A_649 : memref<1x8x128xf32, #tpu.memory_space<hbm>> -> memref<8x128xf32, #tpu.memory_space<hbm>>
        %dma_wait3A_651 = arith.constant 0 : i32
        %dma_wait3A_652 = arith.constant 0 : i32
        %dma_wait3A_653 = tpu.memref_slice %arg18[%add3A_641, %dma_wait3A_651, %dma_wait3A_652] : memref<32x8x128xf32, #tpu.memory_space<vmem>> -> memref<1x8x128xf32, #tpu.memory_space<vmem>>
        %dma_wait3A_654 = tpu.memref_squeeze %dma_wait3A_653 : memref<1x8x128xf32, #tpu.memory_space<vmem>> -> memref<8x128xf32, #tpu.memory_space<vmem>>
        %dma_wait3A_655 = arith.constant 0 : i32
        %dma_wait3A_656 = arith.constant 0 : i32
        %dma_wait3A_657 = tpu.memref_slice %arg3[%dma_wait3A_642, %dma_wait3A_655, %dma_wait3A_656] : memref<16x80x20000xf32, #tpu.memory_space<hbm>> -> memref<1x8x128xf32, #tpu.memory_space<hbm>>
        %dma_wait3A_658 = tpu.memref_squeeze %dma_wait3A_657 : memref<1x8x128xf32, #tpu.memory_space<hbm>> -> memref<8x128xf32, #tpu.memory_space<hbm>>
        tpu.wait_dma2 semaphore(%arg22 : memref<!tpu.dma_semaphore, #tpu.memory_space<semaphore_mem>>) src(%dma_wait3A_658 : memref<8x128xf32, #tpu.memory_space<hbm>>) dst(%dma_wait3A_654 : memref<8x128xf32, #tpu.memory_space<vmem>>)
        %add3A_659 = arith.constant 4 : i32
        %add3A_660 = arith.addi %mul3A_563, %add3A_659 : i32
        %dma_wait3A_661 = arith.constant 0 : i32
        %dma_wait3A_662 = arith.constant 0 : i32
        %dma_wait3A_663 = arith.constant 0 : i32
        %dma_wait3A_664 = tpu.memref_slice %arg18[%add3A_660, %dma_wait3A_662, %dma_wait3A_663] : memref<32x8x128xf32, #tpu.memory_space<vmem>> -> memref<1x8x128xf32, #tpu.memory_space<vmem>>
        %dma_wait3A_665 = tpu.memref_squeeze %dma_wait3A_664 : memref<1x8x128xf32, #tpu.memory_space<vmem>> -> memref<8x128xf32, #tpu.memory_space<vmem>>
        %dma_wait3A_666 = arith.constant 0 : i32
        %dma_wait3A_667 = arith.constant 0 : i32
        %dma_wait3A_668 = tpu.memref_slice %arg3[%dma_wait3A_661, %dma_wait3A_666, %dma_wait3A_667] : memref<16x80x20000xf32, #tpu.memory_space<hbm>> -> memref<1x8x128xf32, #tpu.memory_space<hbm>>
        %dma_wait3A_669 = tpu.memref_squeeze %dma_wait3A_668 : memref<1x8x128xf32, #tpu.memory_space<hbm>> -> memref<8x128xf32, #tpu.memory_space<hbm>>
        %dma_wait3A_670 = arith.constant 0 : i32
        %dma_wait3A_671 = arith.constant 0 : i32
        %dma_wait3A_672 = tpu.memref_slice %arg18[%add3A_660, %dma_wait3A_670, %dma_wait3A_671] : memref<32x8x128xf32, #tpu.memory_space<vmem>> -> memref<1x8x128xf32, #tpu.memory_space<vmem>>
        %dma_wait3A_673 = tpu.memref_squeeze %dma_wait3A_672 : memref<1x8x128xf32, #tpu.memory_space<vmem>> -> memref<8x128xf32, #tpu.memory_space<vmem>>
        %dma_wait3A_674 = arith.constant 0 : i32
        %dma_wait3A_675 = arith.constant 0 : i32
        %dma_wait3A_676 = tpu.memref_slice %arg3[%dma_wait3A_661, %dma_wait3A_674, %dma_wait3A_675] : memref<16x80x20000xf32, #tpu.memory_space<hbm>> -> memref<1x8x128xf32, #tpu.memory_space<hbm>>
        %dma_wait3A_677 = tpu.memref_squeeze %dma_wait3A_676 : memref<1x8x128xf32, #tpu.memory_space<hbm>> -> memref<8x128xf32, #tpu.memory_space<hbm>>
        tpu.wait_dma2 semaphore(%arg22 : memref<!tpu.dma_semaphore, #tpu.memory_space<semaphore_mem>>) src(%dma_wait3A_677 : memref<8x128xf32, #tpu.memory_space<hbm>>) dst(%dma_wait3A_673 : memref<8x128xf32, #tpu.memory_space<vmem>>)
        %add3A_678 = arith.constant 5 : i32
        %add3A_679 = arith.addi %mul3A_563, %add3A_678 : i32
        %dma_wait3A_680 = arith.constant 0 : i32
        %dma_wait3A_681 = arith.constant 0 : i32
        %dma_wait3A_682 = arith.constant 0 : i32
        %dma_wait3A_683 = tpu.memref_slice %arg18[%add3A_679, %dma_wait3A_681, %dma_wait3A_682] : memref<32x8x128xf32, #tpu.memory_space<vmem>> -> memref<1x8x128xf32, #tpu.memory_space<vmem>>
        %dma_wait3A_684 = tpu.memref_squeeze %dma_wait3A_683 : memref<1x8x128xf32, #tpu.memory_space<vmem>> -> memref<8x128xf32, #tpu.memory_space<vmem>>
        %dma_wait3A_685 = arith.constant 0 : i32
        %dma_wait3A_686 = arith.constant 0 : i32
        %dma_wait3A_687 = tpu.memref_slice %arg3[%dma_wait3A_680, %dma_wait3A_685, %dma_wait3A_686] : memref<16x80x20000xf32, #tpu.memory_space<hbm>> -> memref<1x8x128xf32, #tpu.memory_space<hbm>>
        %dma_wait3A_688 = tpu.memref_squeeze %dma_wait3A_687 : memref<1x8x128xf32, #tpu.memory_space<hbm>> -> memref<8x128xf32, #tpu.memory_space<hbm>>
        %dma_wait3A_689 = arith.constant 0 : i32
        %dma_wait3A_690 = arith.constant 0 : i32
        %dma_wait3A_691 = tpu.memref_slice %arg18[%add3A_679, %dma_wait3A_689, %dma_wait3A_690] : memref<32x8x128xf32, #tpu.memory_space<vmem>> -> memref<1x8x128xf32, #tpu.memory_space<vmem>>
        %dma_wait3A_692 = tpu.memref_squeeze %dma_wait3A_691 : memref<1x8x128xf32, #tpu.memory_space<vmem>> -> memref<8x128xf32, #tpu.memory_space<vmem>>
        %dma_wait3A_693 = arith.constant 0 : i32
        %dma_wait3A_694 = arith.constant 0 : i32
        %dma_wait3A_695 = tpu.memref_slice %arg3[%dma_wait3A_680, %dma_wait3A_693, %dma_wait3A_694] : memref<16x80x20000xf32, #tpu.memory_space<hbm>> -> memref<1x8x128xf32, #tpu.memory_space<hbm>>
        %dma_wait3A_696 = tpu.memref_squeeze %dma_wait3A_695 : memref<1x8x128xf32, #tpu.memory_space<hbm>> -> memref<8x128xf32, #tpu.memory_space<hbm>>
        tpu.wait_dma2 semaphore(%arg22 : memref<!tpu.dma_semaphore, #tpu.memory_space<semaphore_mem>>) src(%dma_wait3A_696 : memref<8x128xf32, #tpu.memory_space<hbm>>) dst(%dma_wait3A_692 : memref<8x128xf32, #tpu.memory_space<vmem>>)
        %add3A_697 = arith.constant 6 : i32
        %add3A_698 = arith.addi %mul3A_563, %add3A_697 : i32
        %dma_wait3A_699 = arith.constant 0 : i32
        %dma_wait3A_700 = arith.constant 0 : i32
        %dma_wait3A_701 = arith.constant 0 : i32
        %dma_wait3A_702 = tpu.memref_slice %arg18[%add3A_698, %dma_wait3A_700, %dma_wait3A_701] : memref<32x8x128xf32, #tpu.memory_space<vmem>> -> memref<1x8x128xf32, #tpu.memory_space<vmem>>
        %dma_wait3A_703 = tpu.memref_squeeze %dma_wait3A_702 : memref<1x8x128xf32, #tpu.memory_space<vmem>> -> memref<8x128xf32, #tpu.memory_space<vmem>>
        %dma_wait3A_704 = arith.constant 0 : i32
        %dma_wait3A_705 = arith.constant 0 : i32
        %dma_wait3A_706 = tpu.memref_slice %arg3[%dma_wait3A_699, %dma_wait3A_704, %dma_wait3A_705] : memref<16x80x20000xf32, #tpu.memory_space<hbm>> -> memref<1x8x128xf32, #tpu.memory_space<hbm>>
        %dma_wait3A_707 = tpu.memref_squeeze %dma_wait3A_706 : memref<1x8x128xf32, #tpu.memory_space<hbm>> -> memref<8x128xf32, #tpu.memory_space<hbm>>
        %dma_wait3A_708 = arith.constant 0 : i32
        %dma_wait3A_709 = arith.constant 0 : i32
        %dma_wait3A_710 = tpu.memref_slice %arg18[%add3A_698, %dma_wait3A_708, %dma_wait3A_709] : memref<32x8x128xf32, #tpu.memory_space<vmem>> -> memref<1x8x128xf32, #tpu.memory_space<vmem>>
        %dma_wait3A_711 = tpu.memref_squeeze %dma_wait3A_710 : memref<1x8x128xf32, #tpu.memory_space<vmem>> -> memref<8x128xf32, #tpu.memory_space<vmem>>
        %dma_wait3A_712 = arith.constant 0 : i32
        %dma_wait3A_713 = arith.constant 0 : i32
        %dma_wait3A_714 = tpu.memref_slice %arg3[%dma_wait3A_699, %dma_wait3A_712, %dma_wait3A_713] : memref<16x80x20000xf32, #tpu.memory_space<hbm>> -> memref<1x8x128xf32, #tpu.memory_space<hbm>>
        %dma_wait3A_715 = tpu.memref_squeeze %dma_wait3A_714 : memref<1x8x128xf32, #tpu.memory_space<hbm>> -> memref<8x128xf32, #tpu.memory_space<hbm>>
        tpu.wait_dma2 semaphore(%arg22 : memref<!tpu.dma_semaphore, #tpu.memory_space<semaphore_mem>>) src(%dma_wait3A_715 : memref<8x128xf32, #tpu.memory_space<hbm>>) dst(%dma_wait3A_711 : memref<8x128xf32, #tpu.memory_space<vmem>>)
        %add3A_716 = arith.constant 7 : i32
        %add3A_717 = arith.addi %mul3A_563, %add3A_716 : i32
        %dma_wait3A_718 = arith.constant 0 : i32
        %dma_wait3A_719 = arith.constant 0 : i32
        %dma_wait3A_720 = arith.constant 0 : i32
        %dma_wait3A_721 = tpu.memref_slice %arg18[%add3A_717, %dma_wait3A_719, %dma_wait3A_720] : memref<32x8x128xf32, #tpu.memory_space<vmem>> -> memref<1x8x128xf32, #tpu.memory_space<vmem>>
        %dma_wait3A_722 = tpu.memref_squeeze %dma_wait3A_721 : memref<1x8x128xf32, #tpu.memory_space<vmem>> -> memref<8x128xf32, #tpu.memory_space<vmem>>
        %dma_wait3A_723 = arith.constant 0 : i32
        %dma_wait3A_724 = arith.constant 0 : i32
        %dma_wait3A_725 = tpu.memref_slice %arg3[%dma_wait3A_718, %dma_wait3A_723, %dma_wait3A_724] : memref<16x80x20000xf32, #tpu.memory_space<hbm>> -> memref<1x8x128xf32, #tpu.memory_space<hbm>>
        %dma_wait3A_726 = tpu.memref_squeeze %dma_wait3A_725 : memref<1x8x128xf32, #tpu.memory_space<hbm>> -> memref<8x128xf32, #tpu.memory_space<hbm>>
        %dma_wait3A_727 = arith.constant 0 : i32
        %dma_wait3A_728 = arith.constant 0 : i32
        %dma_wait3A_729 = tpu.memref_slice %arg18[%add3A_717, %dma_wait3A_727, %dma_wait3A_728] : memref<32x8x128xf32, #tpu.memory_space<vmem>> -> memref<1x8x128xf32, #tpu.memory_space<vmem>>
        %dma_wait3A_730 = tpu.memref_squeeze %dma_wait3A_729 : memref<1x8x128xf32, #tpu.memory_space<vmem>> -> memref<8x128xf32, #tpu.memory_space<vmem>>
        %dma_wait3A_731 = arith.constant 0 : i32
        %dma_wait3A_732 = arith.constant 0 : i32
        %dma_wait3A_733 = tpu.memref_slice %arg3[%dma_wait3A_718, %dma_wait3A_731, %dma_wait3A_732] : memref<16x80x20000xf32, #tpu.memory_space<hbm>> -> memref<1x8x128xf32, #tpu.memory_space<hbm>>
        %dma_wait3A_734 = tpu.memref_squeeze %dma_wait3A_733 : memref<1x8x128xf32, #tpu.memory_space<hbm>> -> memref<8x128xf32, #tpu.memory_space<hbm>>
        tpu.wait_dma2 semaphore(%arg22 : memref<!tpu.dma_semaphore, #tpu.memory_space<semaphore_mem>>) src(%dma_wait3A_734 : memref<8x128xf32, #tpu.memory_space<hbm>>) dst(%dma_wait3A_730 : memref<8x128xf32, #tpu.memory_space<vmem>>)
        %add3A_735 = arith.constant 8 : i32
        %add3A_736 = arith.addi %mul3A_563, %add3A_735 : i32
        %dma_wait3A_737 = arith.constant 0 : i32
        %dma_wait3A_738 = arith.constant 0 : i32
        %dma_wait3A_739 = arith.constant 0 : i32
        %dma_wait3A_740 = tpu.memref_slice %arg18[%add3A_736, %dma_wait3A_738, %dma_wait3A_739] : memref<32x8x128xf32, #tpu.memory_space<vmem>> -> memref<1x8x128xf32, #tpu.memory_space<vmem>>
        %dma_wait3A_741 = tpu.memref_squeeze %dma_wait3A_740 : memref<1x8x128xf32, #tpu.memory_space<vmem>> -> memref<8x128xf32, #tpu.memory_space<vmem>>
        %dma_wait3A_742 = arith.constant 0 : i32
        %dma_wait3A_743 = arith.constant 0 : i32
        %dma_wait3A_744 = tpu.memref_slice %arg3[%dma_wait3A_737, %dma_wait3A_742, %dma_wait3A_743] : memref<16x80x20000xf32, #tpu.memory_space<hbm>> -> memref<1x8x128xf32, #tpu.memory_space<hbm>>
        %dma_wait3A_745 = tpu.memref_squeeze %dma_wait3A_744 : memref<1x8x128xf32, #tpu.memory_space<hbm>> -> memref<8x128xf32, #tpu.memory_space<hbm>>
        %dma_wait3A_746 = arith.constant 0 : i32
        %dma_wait3A_747 = arith.constant 0 : i32
        %dma_wait3A_748 = tpu.memref_slice %arg18[%add3A_736, %dma_wait3A_746, %dma_wait3A_747] : memref<32x8x128xf32, #tpu.memory_space<vmem>> -> memref<1x8x128xf32, #tpu.memory_space<vmem>>
        %dma_wait3A_749 = tpu.memref_squeeze %dma_wait3A_748 : memref<1x8x128xf32, #tpu.memory_space<vmem>> -> memref<8x128xf32, #tpu.memory_space<vmem>>
        %dma_wait3A_750 = arith.constant 0 : i32
        %dma_wait3A_751 = arith.constant 0 : i32
        %dma_wait3A_752 = tpu.memref_slice %arg3[%dma_wait3A_737, %dma_wait3A_750, %dma_wait3A_751] : memref<16x80x20000xf32, #tpu.memory_space<hbm>> -> memref<1x8x128xf32, #tpu.memory_space<hbm>>
        %dma_wait3A_753 = tpu.memref_squeeze %dma_wait3A_752 : memref<1x8x128xf32, #tpu.memory_space<hbm>> -> memref<8x128xf32, #tpu.memory_space<hbm>>
        tpu.wait_dma2 semaphore(%arg22 : memref<!tpu.dma_semaphore, #tpu.memory_space<semaphore_mem>>) src(%dma_wait3A_753 : memref<8x128xf32, #tpu.memory_space<hbm>>) dst(%dma_wait3A_749 : memref<8x128xf32, #tpu.memory_space<vmem>>)
        %add3A_754 = arith.constant 9 : i32
        %add3A_755 = arith.addi %mul3A_563, %add3A_754 : i32
        %dma_wait3A_756 = arith.constant 0 : i32
        %dma_wait3A_757 = arith.constant 0 : i32
        %dma_wait3A_758 = arith.constant 0 : i32
        %dma_wait3A_759 = tpu.memref_slice %arg18[%add3A_755, %dma_wait3A_757, %dma_wait3A_758] : memref<32x8x128xf32, #tpu.memory_space<vmem>> -> memref<1x8x128xf32, #tpu.memory_space<vmem>>
        %dma_wait3A_760 = tpu.memref_squeeze %dma_wait3A_759 : memref<1x8x128xf32, #tpu.memory_space<vmem>> -> memref<8x128xf32, #tpu.memory_space<vmem>>
        %dma_wait3A_761 = arith.constant 0 : i32
        %dma_wait3A_762 = arith.constant 0 : i32
        %dma_wait3A_763 = tpu.memref_slice %arg3[%dma_wait3A_756, %dma_wait3A_761, %dma_wait3A_762] : memref<16x80x20000xf32, #tpu.memory_space<hbm>> -> memref<1x8x128xf32, #tpu.memory_space<hbm>>
        %dma_wait3A_764 = tpu.memref_squeeze %dma_wait3A_763 : memref<1x8x128xf32, #tpu.memory_space<hbm>> -> memref<8x128xf32, #tpu.memory_space<hbm>>
        %dma_wait3A_765 = arith.constant 0 : i32
        %dma_wait3A_766 = arith.constant 0 : i32
        %dma_wait3A_767 = tpu.memref_slice %arg18[%add3A_755, %dma_wait3A_765, %dma_wait3A_766] : memref<32x8x128xf32, #tpu.memory_space<vmem>> -> memref<1x8x128xf32, #tpu.memory_space<vmem>>
        %dma_wait3A_768 = tpu.memref_squeeze %dma_wait3A_767 : memref<1x8x128xf32, #tpu.memory_space<vmem>> -> memref<8x128xf32, #tpu.memory_space<vmem>>
        %dma_wait3A_769 = arith.constant 0 : i32
        %dma_wait3A_770 = arith.constant 0 : i32
        %dma_wait3A_771 = tpu.memref_slice %arg3[%dma_wait3A_756, %dma_wait3A_769, %dma_wait3A_770] : memref<16x80x20000xf32, #tpu.memory_space<hbm>> -> memref<1x8x128xf32, #tpu.memory_space<hbm>>
        %dma_wait3A_772 = tpu.memref_squeeze %dma_wait3A_771 : memref<1x8x128xf32, #tpu.memory_space<hbm>> -> memref<8x128xf32, #tpu.memory_space<hbm>>
        tpu.wait_dma2 semaphore(%arg22 : memref<!tpu.dma_semaphore, #tpu.memory_space<semaphore_mem>>) src(%dma_wait3A_772 : memref<8x128xf32, #tpu.memory_space<hbm>>) dst(%dma_wait3A_768 : memref<8x128xf32, #tpu.memory_space<vmem>>)
        %add3A_773 = arith.constant 10 : i32
        %add3A_774 = arith.addi %mul3A_563, %add3A_773 : i32
        %dma_wait3A_775 = arith.constant 0 : i32
        %dma_wait3A_776 = arith.constant 0 : i32
        %dma_wait3A_777 = arith.constant 0 : i32
        %dma_wait3A_778 = tpu.memref_slice %arg18[%add3A_774, %dma_wait3A_776, %dma_wait3A_777] : memref<32x8x128xf32, #tpu.memory_space<vmem>> -> memref<1x8x128xf32, #tpu.memory_space<vmem>>
        %dma_wait3A_779 = tpu.memref_squeeze %dma_wait3A_778 : memref<1x8x128xf32, #tpu.memory_space<vmem>> -> memref<8x128xf32, #tpu.memory_space<vmem>>
        %dma_wait3A_780 = arith.constant 0 : i32
        %dma_wait3A_781 = arith.constant 0 : i32
        %dma_wait3A_782 = tpu.memref_slice %arg3[%dma_wait3A_775, %dma_wait3A_780, %dma_wait3A_781] : memref<16x80x20000xf32, #tpu.memory_space<hbm>> -> memref<1x8x128xf32, #tpu.memory_space<hbm>>
        %dma_wait3A_783 = tpu.memref_squeeze %dma_wait3A_782 : memref<1x8x128xf32, #tpu.memory_space<hbm>> -> memref<8x128xf32, #tpu.memory_space<hbm>>
        %dma_wait3A_784 = arith.constant 0 : i32
        %dma_wait3A_785 = arith.constant 0 : i32
        %dma_wait3A_786 = tpu.memref_slice %arg18[%add3A_774, %dma_wait3A_784, %dma_wait3A_785] : memref<32x8x128xf32, #tpu.memory_space<vmem>> -> memref<1x8x128xf32, #tpu.memory_space<vmem>>
        %dma_wait3A_787 = tpu.memref_squeeze %dma_wait3A_786 : memref<1x8x128xf32, #tpu.memory_space<vmem>> -> memref<8x128xf32, #tpu.memory_space<vmem>>
        %dma_wait3A_788 = arith.constant 0 : i32
        %dma_wait3A_789 = arith.constant 0 : i32
        %dma_wait3A_790 = tpu.memref_slice %arg3[%dma_wait3A_775, %dma_wait3A_788, %dma_wait3A_789] : memref<16x80x20000xf32, #tpu.memory_space<hbm>> -> memref<1x8x128xf32, #tpu.memory_space<hbm>>
        %dma_wait3A_791 = tpu.memref_squeeze %dma_wait3A_790 : memref<1x8x128xf32, #tpu.memory_space<hbm>> -> memref<8x128xf32, #tpu.memory_space<hbm>>
        tpu.wait_dma2 semaphore(%arg22 : memref<!tpu.dma_semaphore, #tpu.memory_space<semaphore_mem>>) src(%dma_wait3A_791 : memref<8x128xf32, #tpu.memory_space<hbm>>) dst(%dma_wait3A_787 : memref<8x128xf32, #tpu.memory_space<vmem>>)
        %add3A_792 = arith.constant 11 : i32
        %add3A_793 = arith.addi %mul3A_563, %add3A_792 : i32
        %dma_wait3A_794 = arith.constant 0 : i32
        %dma_wait3A_795 = arith.constant 0 : i32
        %dma_wait3A_796 = arith.constant 0 : i32
        %dma_wait3A_797 = tpu.memref_slice %arg18[%add3A_793, %dma_wait3A_795, %dma_wait3A_796] : memref<32x8x128xf32, #tpu.memory_space<vmem>> -> memref<1x8x128xf32, #tpu.memory_space<vmem>>
        %dma_wait3A_798 = tpu.memref_squeeze %dma_wait3A_797 : memref<1x8x128xf32, #tpu.memory_space<vmem>> -> memref<8x128xf32, #tpu.memory_space<vmem>>
        %dma_wait3A_799 = arith.constant 0 : i32
        %dma_wait3A_800 = arith.constant 0 : i32
        %dma_wait3A_801 = tpu.memref_slice %arg3[%dma_wait3A_794, %dma_wait3A_799, %dma_wait3A_800] : memref<16x80x20000xf32, #tpu.memory_space<hbm>> -> memref<1x8x128xf32, #tpu.memory_space<hbm>>
        %dma_wait3A_802 = tpu.memref_squeeze %dma_wait3A_801 : memref<1x8x128xf32, #tpu.memory_space<hbm>> -> memref<8x128xf32, #tpu.memory_space<hbm>>
        %dma_wait3A_803 = arith.constant 0 : i32
        %dma_wait3A_804 = arith.constant 0 : i32
        %dma_wait3A_805 = tpu.memref_slice %arg18[%add3A_793, %dma_wait3A_803, %dma_wait3A_804] : memref<32x8x128xf32, #tpu.memory_space<vmem>> -> memref<1x8x128xf32, #tpu.memory_space<vmem>>
        %dma_wait3A_806 = tpu.memref_squeeze %dma_wait3A_805 : memref<1x8x128xf32, #tpu.memory_space<vmem>> -> memref<8x128xf32, #tpu.memory_space<vmem>>
        %dma_wait3A_807 = arith.constant 0 : i32
        %dma_wait3A_808 = arith.constant 0 : i32
        %dma_wait3A_809 = tpu.memref_slice %arg3[%dma_wait3A_794, %dma_wait3A_807, %dma_wait3A_808] : memref<16x80x20000xf32, #tpu.memory_space<hbm>> -> memref<1x8x128xf32, #tpu.memory_space<hbm>>
        %dma_wait3A_810 = tpu.memref_squeeze %dma_wait3A_809 : memref<1x8x128xf32, #tpu.memory_space<hbm>> -> memref<8x128xf32, #tpu.memory_space<hbm>>
        tpu.wait_dma2 semaphore(%arg22 : memref<!tpu.dma_semaphore, #tpu.memory_space<semaphore_mem>>) src(%dma_wait3A_810 : memref<8x128xf32, #tpu.memory_space<hbm>>) dst(%dma_wait3A_806 : memref<8x128xf32, #tpu.memory_space<vmem>>)
        %add3A_811 = arith.constant 12 : i32
        %add3A_812 = arith.addi %mul3A_563, %add3A_811 : i32
        %dma_wait3A_813 = arith.constant 0 : i32
        %dma_wait3A_814 = arith.constant 0 : i32
        %dma_wait3A_815 = arith.constant 0 : i32
        %dma_wait3A_816 = tpu.memref_slice %arg18[%add3A_812, %dma_wait3A_814, %dma_wait3A_815] : memref<32x8x128xf32, #tpu.memory_space<vmem>> -> memref<1x8x128xf32, #tpu.memory_space<vmem>>
        %dma_wait3A_817 = tpu.memref_squeeze %dma_wait3A_816 : memref<1x8x128xf32, #tpu.memory_space<vmem>> -> memref<8x128xf32, #tpu.memory_space<vmem>>
        %dma_wait3A_818 = arith.constant 0 : i32
        %dma_wait3A_819 = arith.constant 0 : i32
        %dma_wait3A_820 = tpu.memref_slice %arg3[%dma_wait3A_813, %dma_wait3A_818, %dma_wait3A_819] : memref<16x80x20000xf32, #tpu.memory_space<hbm>> -> memref<1x8x128xf32, #tpu.memory_space<hbm>>
        %dma_wait3A_821 = tpu.memref_squeeze %dma_wait3A_820 : memref<1x8x128xf32, #tpu.memory_space<hbm>> -> memref<8x128xf32, #tpu.memory_space<hbm>>
        %dma_wait3A_822 = arith.constant 0 : i32
        %dma_wait3A_823 = arith.constant 0 : i32
        %dma_wait3A_824 = tpu.memref_slice %arg18[%add3A_812, %dma_wait3A_822, %dma_wait3A_823] : memref<32x8x128xf32, #tpu.memory_space<vmem>> -> memref<1x8x128xf32, #tpu.memory_space<vmem>>
        %dma_wait3A_825 = tpu.memref_squeeze %dma_wait3A_824 : memref<1x8x128xf32, #tpu.memory_space<vmem>> -> memref<8x128xf32, #tpu.memory_space<vmem>>
        %dma_wait3A_826 = arith.constant 0 : i32
        %dma_wait3A_827 = arith.constant 0 : i32
        %dma_wait3A_828 = tpu.memref_slice %arg3[%dma_wait3A_813, %dma_wait3A_826, %dma_wait3A_827] : memref<16x80x20000xf32, #tpu.memory_space<hbm>> -> memref<1x8x128xf32, #tpu.memory_space<hbm>>
        %dma_wait3A_829 = tpu.memref_squeeze %dma_wait3A_828 : memref<1x8x128xf32, #tpu.memory_space<hbm>> -> memref<8x128xf32, #tpu.memory_space<hbm>>
        tpu.wait_dma2 semaphore(%arg22 : memref<!tpu.dma_semaphore, #tpu.memory_space<semaphore_mem>>) src(%dma_wait3A_829 : memref<8x128xf32, #tpu.memory_space<hbm>>) dst(%dma_wait3A_825 : memref<8x128xf32, #tpu.memory_space<vmem>>)
        %add3A_830 = arith.constant 13 : i32
        %add3A_831 = arith.addi %mul3A_563, %add3A_830 : i32
        %dma_wait3A_832 = arith.constant 0 : i32
        %dma_wait3A_833 = arith.constant 0 : i32
        %dma_wait3A_834 = arith.constant 0 : i32
        %dma_wait3A_835 = tpu.memref_slice %arg18[%add3A_831, %dma_wait3A_833, %dma_wait3A_834] : memref<32x8x128xf32, #tpu.memory_space<vmem>> -> memref<1x8x128xf32, #tpu.memory_space<vmem>>
        %dma_wait3A_836 = tpu.memref_squeeze %dma_wait3A_835 : memref<1x8x128xf32, #tpu.memory_space<vmem>> -> memref<8x128xf32, #tpu.memory_space<vmem>>
        %dma_wait3A_837 = arith.constant 0 : i32
        %dma_wait3A_838 = arith.constant 0 : i32
        %dma_wait3A_839 = tpu.memref_slice %arg3[%dma_wait3A_832, %dma_wait3A_837, %dma_wait3A_838] : memref<16x80x20000xf32, #tpu.memory_space<hbm>> -> memref<1x8x128xf32, #tpu.memory_space<hbm>>
        %dma_wait3A_840 = tpu.memref_squeeze %dma_wait3A_839 : memref<1x8x128xf32, #tpu.memory_space<hbm>> -> memref<8x128xf32, #tpu.memory_space<hbm>>
        %dma_wait3A_841 = arith.constant 0 : i32
        %dma_wait3A_842 = arith.constant 0 : i32
        %dma_wait3A_843 = tpu.memref_slice %arg18[%add3A_831, %dma_wait3A_841, %dma_wait3A_842] : memref<32x8x128xf32, #tpu.memory_space<vmem>> -> memref<1x8x128xf32, #tpu.memory_space<vmem>>
        %dma_wait3A_844 = tpu.memref_squeeze %dma_wait3A_843 : memref<1x8x128xf32, #tpu.memory_space<vmem>> -> memref<8x128xf32, #tpu.memory_space<vmem>>
        %dma_wait3A_845 = arith.constant 0 : i32
        %dma_wait3A_846 = arith.constant 0 : i32
        %dma_wait3A_847 = tpu.memref_slice %arg3[%dma_wait3A_832, %dma_wait3A_845, %dma_wait3A_846] : memref<16x80x20000xf32, #tpu.memory_space<hbm>> -> memref<1x8x128xf32, #tpu.memory_space<hbm>>
        %dma_wait3A_848 = tpu.memref_squeeze %dma_wait3A_847 : memref<1x8x128xf32, #tpu.memory_space<hbm>> -> memref<8x128xf32, #tpu.memory_space<hbm>>
        tpu.wait_dma2 semaphore(%arg22 : memref<!tpu.dma_semaphore, #tpu.memory_space<semaphore_mem>>) src(%dma_wait3A_848 : memref<8x128xf32, #tpu.memory_space<hbm>>) dst(%dma_wait3A_844 : memref<8x128xf32, #tpu.memory_space<vmem>>)
        %add3A_849 = arith.constant 14 : i32
        %add3A_850 = arith.addi %mul3A_563, %add3A_849 : i32
        %dma_wait3A_851 = arith.constant 0 : i32
        %dma_wait3A_852 = arith.constant 0 : i32
        %dma_wait3A_853 = arith.constant 0 : i32
        %dma_wait3A_854 = tpu.memref_slice %arg18[%add3A_850, %dma_wait3A_852, %dma_wait3A_853] : memref<32x8x128xf32, #tpu.memory_space<vmem>> -> memref<1x8x128xf32, #tpu.memory_space<vmem>>
        %dma_wait3A_855 = tpu.memref_squeeze %dma_wait3A_854 : memref<1x8x128xf32, #tpu.memory_space<vmem>> -> memref<8x128xf32, #tpu.memory_space<vmem>>
        %dma_wait3A_856 = arith.constant 0 : i32
        %dma_wait3A_857 = arith.constant 0 : i32
        %dma_wait3A_858 = tpu.memref_slice %arg3[%dma_wait3A_851, %dma_wait3A_856, %dma_wait3A_857] : memref<16x80x20000xf32, #tpu.memory_space<hbm>> -> memref<1x8x128xf32, #tpu.memory_space<hbm>>
        %dma_wait3A_859 = tpu.memref_squeeze %dma_wait3A_858 : memref<1x8x128xf32, #tpu.memory_space<hbm>> -> memref<8x128xf32, #tpu.memory_space<hbm>>
        %dma_wait3A_860 = arith.constant 0 : i32
        %dma_wait3A_861 = arith.constant 0 : i32
        %dma_wait3A_862 = tpu.memref_slice %arg18[%add3A_850, %dma_wait3A_860, %dma_wait3A_861] : memref<32x8x128xf32, #tpu.memory_space<vmem>> -> memref<1x8x128xf32, #tpu.memory_space<vmem>>
        %dma_wait3A_863 = tpu.memref_squeeze %dma_wait3A_862 : memref<1x8x128xf32, #tpu.memory_space<vmem>> -> memref<8x128xf32, #tpu.memory_space<vmem>>
        %dma_wait3A_864 = arith.constant 0 : i32
        %dma_wait3A_865 = arith.constant 0 : i32
        %dma_wait3A_866 = tpu.memref_slice %arg3[%dma_wait3A_851, %dma_wait3A_864, %dma_wait3A_865] : memref<16x80x20000xf32, #tpu.memory_space<hbm>> -> memref<1x8x128xf32, #tpu.memory_space<hbm>>
        %dma_wait3A_867 = tpu.memref_squeeze %dma_wait3A_866 : memref<1x8x128xf32, #tpu.memory_space<hbm>> -> memref<8x128xf32, #tpu.memory_space<hbm>>
        tpu.wait_dma2 semaphore(%arg22 : memref<!tpu.dma_semaphore, #tpu.memory_space<semaphore_mem>>) src(%dma_wait3A_867 : memref<8x128xf32, #tpu.memory_space<hbm>>) dst(%dma_wait3A_863 : memref<8x128xf32, #tpu.memory_space<vmem>>)
        %add3A_868 = arith.constant 15 : i32
        %add3A_869 = arith.addi %mul3A_563, %add3A_868 : i32
        %dma_wait3A_870 = arith.constant 0 : i32
        %dma_wait3A_871 = arith.constant 0 : i32
        %dma_wait3A_872 = arith.constant 0 : i32
        %dma_wait3A_873 = tpu.memref_slice %arg18[%add3A_869, %dma_wait3A_871, %dma_wait3A_872] : memref<32x8x128xf32, #tpu.memory_space<vmem>> -> memref<1x8x128xf32, #tpu.memory_space<vmem>>
        %dma_wait3A_874 = tpu.memref_squeeze %dma_wait3A_873 : memref<1x8x128xf32, #tpu.memory_space<vmem>> -> memref<8x128xf32, #tpu.memory_space<vmem>>
        %dma_wait3A_875 = arith.constant 0 : i32
        %dma_wait3A_876 = arith.constant 0 : i32
        %dma_wait3A_877 = tpu.memref_slice %arg3[%dma_wait3A_870, %dma_wait3A_875, %dma_wait3A_876] : memref<16x80x20000xf32, #tpu.memory_space<hbm>> -> memref<1x8x128xf32, #tpu.memory_space<hbm>>
        %dma_wait3A_878 = tpu.memref_squeeze %dma_wait3A_877 : memref<1x8x128xf32, #tpu.memory_space<hbm>> -> memref<8x128xf32, #tpu.memory_space<hbm>>
        %dma_wait3A_879 = arith.constant 0 : i32
        %dma_wait3A_880 = arith.constant 0 : i32
        %dma_wait3A_881 = tpu.memref_slice %arg18[%add3A_869, %dma_wait3A_879, %dma_wait3A_880] : memref<32x8x128xf32, #tpu.memory_space<vmem>> -> memref<1x8x128xf32, #tpu.memory_space<vmem>>
        %dma_wait3A_882 = tpu.memref_squeeze %dma_wait3A_881 : memref<1x8x128xf32, #tpu.memory_space<vmem>> -> memref<8x128xf32, #tpu.memory_space<vmem>>
        %dma_wait3A_883 = arith.constant 0 : i32
        %dma_wait3A_884 = arith.constant 0 : i32
        %dma_wait3A_885 = tpu.memref_slice %arg3[%dma_wait3A_870, %dma_wait3A_883, %dma_wait3A_884] : memref<16x80x20000xf32, #tpu.memory_space<hbm>> -> memref<1x8x128xf32, #tpu.memory_space<hbm>>
        %dma_wait3A_886 = tpu.memref_squeeze %dma_wait3A_885 : memref<1x8x128xf32, #tpu.memory_space<hbm>> -> memref<8x128xf32, #tpu.memory_space<hbm>>
        tpu.wait_dma2 semaphore(%arg22 : memref<!tpu.dma_semaphore, #tpu.memory_space<semaphore_mem>>) src(%dma_wait3A_886 : memref<8x128xf32, #tpu.memory_space<hbm>>) dst(%dma_wait3A_882 : memref<8x128xf32, #tpu.memory_space<vmem>>)
        %broadcast_in_dim3A_887 = vector.broadcast %mul3A_563 : i32 to vector<16xi32>
        %add3A_888 = arith.addi %broadcast_in_dim3A_887, %iota3A : vector<16xi32>
        %and3A_889 = arith.constant 7 : i32
        %and3A_890 = vector.broadcast %and3A_889 : i32 to vector<16xi32>
        %and3A_891 = arith.andi %select_n3A_583, %and3A_890 : vector<16xi32>
        %and3A_892 = arith.constant 127 : i32
        %and3A_893 = vector.broadcast %and3A_892 : i32 to vector<16xi32>
        %and3A_894 = arith.andi %select_n3A_580, %and3A_893 : vector<16xi32>
        %gather3A_895 = tpu.vector_load_idx %arg18[%add3A_888, %and3A_891, %and3A_894] : memref<32x8x128xf32, #tpu.memory_space<vmem>>[vector<16xi32>, vector<16xi32>, vector<16xi32>], vector<16xf32>,
        %jit3A_896 = arith.constant 0.000000e+00 : f32
        %broadcast_in_dim3A_897 = vector.broadcast %jit3A_896 : f32 to vector<16xf32>
        %select_n3A_898 = arith.select %lt3A_568, %gather3A_895, %broadcast_in_dim3A_897 : vector<16xi1>, vector<16xf32>
        %mul3A_899 = arith.constant 16 : i32
        %mul3A_900 = arith.muli %sub3A_557, %mul3A_899 : i32
        %swap3A_901 = arith.index_cast %mul3A_900 : i32 to index
        %swap3A_902 = tpu.vector_load %arg19[%swap3A_901] {strides = array<i32>} : memref<1008xf32, #tpu.memory_space<vmem>>, vector<16xf32>,
        tpu.vector_store %arg19[%swap3A_901], %select_n3A_898 {strides = array<i32>} : memref<1008xf32, #tpu.memory_space<vmem>>, vector<16xf32>,
      } else {
      }
    }
    %while3A_61 = arith.constant 1 : i32
    scf.for %while3A_84 = %while3A_59 to %while3A_55 step %while3A_61  : i32 {
      %add3A_85 = arith.addi %select_n3A_52, %while3A_84 : i32
      %and3A_86 = arith.constant 1 : i32
      %and3A_87 = arith.andi %while3A_84, %and3A_86 : i32
      %mul3A = arith.constant 16 : i32
      %mul3A_88 = arith.muli %and3A_87, %mul3A : i32
      %mul3A_89 = arith.constant 16 : i32
      %mul3A_90 = arith.muli %add3A_85, %mul3A_89 : i32
      %add3A_91 = vector.broadcast %mul3A_90 : i32 to vector<16xi32>
      %add3A_92 = arith.addi %iota3A, %add3A_91 : vector<16xi32>
      %lt3A = arith.cmpi slt, %add3A_92, %min3A_9 : vector<16xi32>
      %jit3A_93 = arith.constant 0 : i32
      %broadcast_in_dim3A_94 = vector.broadcast %jit3A_93 : i32 to vector<16xi32>
      %select_n3A_95 = arith.select %lt3A, %add3A_92, %broadcast_in_dim3A_94 : vector<16xi1>, vector<16xi32>
      %gather3A = tpu.vector_load_idx %arg15[%select_n3A_95] : memref<8032xi32, #tpu.memory_space<vmem>>[vector<16xi32>], vector<16xi32>,
      %jit3A_96 = arith.constant 0 : i32
      %broadcast_in_dim3A_97 = vector.broadcast %jit3A_96 : i32 to vector<16xi32>
      %select_n3A_98 = arith.select %lt3A, %gather3A, %broadcast_in_dim3A_97 : vector<16xi1>, vector<16xi32>
      %gather3A_99 = tpu.vector_load_idx %arg13[%select_n3A_98] : memref<8000xi32, #tpu.memory_space<vmem>>[vector<16xi32>], vector<16xi32>,
      %gather3A_100 = tpu.vector_load_idx %arg14[%select_n3A_98] : memref<8000xi32, #tpu.memory_space<vmem>>[vector<16xi32>], vector<16xi32>,
      %jit3A_101 = arith.constant 0 : i32
      %broadcast_in_dim3A_102 = vector.broadcast %jit3A_101 : i32 to vector<16xi32>
      %select_n3A_103 = arith.select %lt3A, %gather3A_99, %broadcast_in_dim3A_102 : vector<16xi1>, vector<16xi32>
      %jit3A_104 = arith.constant 0 : i32
      %broadcast_in_dim3A_105 = vector.broadcast %jit3A_104 : i32 to vector<16xi32>
      %select_n3A_106 = arith.select %lt3A, %gather3A_100, %broadcast_in_dim3A_105 : vector<16xi1>, vector<16xi32>
      %slice3A = vector.extract_strided_slice %select_n3A_106 {offsets = [0], sizes = [1], strides = [1]} : vector<16xi32> to vector<1xi32>
      %squeeze3A = vector.extract %slice3A[0] : i32 from vector<1xi32>
      %shift_right_logical3A_107 = arith.constant 3 : i32
      %shift_right_logical3A_108 = arith.shrui %squeeze3A, %shift_right_logical3A_107 : i32
      %shift_left3A = arith.constant 3 : i32
      %shift_left3A_109 = arith.shli %shift_right_logical3A_108, %shift_left3A : i32
      %multiple_of3A = tpu.assume_multiple %shift_left3A_109, 8 : i32
      %slice3A_110 = vector.extract_strided_slice %select_n3A_103 {offsets = [0], sizes = [1], strides = [1]} : vector<16xi32> to vector<1xi32>
      %squeeze3A_111 = vector.extract %slice3A_110[0] : i32 from vector<1xi32>
      %shift_right_logical3A_112 = arith.constant 7 : i32
      %shift_right_logical3A_113 = arith.shrui %squeeze3A_111, %shift_right_logical3A_112 : i32
      %shift_left3A_114 = arith.constant 7 : i32
      %shift_left3A_115 = arith.shli %shift_right_logical3A_113, %shift_left3A_114 : i32
      %multiple_of3A_116 = tpu.assume_multiple %shift_left3A_115, 128 : i32
      %add3A_117 = arith.constant 0 : i32
      %add3A_118 = arith.addi %mul3A_88, %add3A_117 : i32
      %dma_start3A = arith.constant 0 : i32
      %dma_start3A_119 = arith.constant 0 : i32
      %dma_start3A_120 = tpu.memref_slice %arg18[%add3A_118, %dma_start3A, %dma_start3A_119] : memref<32x8x128xf32, #tpu.memory_space<vmem>> -> memref<1x8x128xf32, #tpu.memory_space<vmem>>
      %dma_start3A_121 = tpu.memref_squeeze %dma_start3A_120 : memref<1x8x128xf32, #tpu.memory_space<vmem>> -> memref<8x128xf32, #tpu.memory_space<vmem>>
      %dma_start3A_122 = tpu.memref_slice %arg3[%arg1, %multiple_of3A, %multiple_of3A_116] : memref<16x80x20000xf32, #tpu.memory_space<hbm>> -> memref<1x8x128xf32, #tpu.memory_space<hbm>>
      %dma_start3A_123 = tpu.memref_squeeze %dma_start3A_122 : memref<1x8x128xf32, #tpu.memory_space<hbm>> -> memref<8x128xf32, #tpu.memory_space<hbm>>
      %dma_start3A_124 = arith.constant 0 : i32
      %dma_start3A_125 = arith.constant 0 : i32
      %dma_start3A_126 = tpu.memref_slice %arg18[%add3A_118, %dma_start3A_124, %dma_start3A_125] : memref<32x8x128xf32, #tpu.memory_space<vmem>> -> memref<1x8x128xf32, #tpu.memory_space<vmem>>
      %dma_start3A_127 = tpu.memref_squeeze %dma_start3A_126 : memref<1x8x128xf32, #tpu.memory_space<vmem>> -> memref<8x128xf32, #tpu.memory_space<vmem>>
      %dma_start3A_128 = tpu.memref_slice %arg3[%arg1, %multiple_of3A, %multiple_of3A_116] : memref<16x80x20000xf32, #tpu.memory_space<hbm>> -> memref<1x8x128xf32, #tpu.memory_space<hbm>>
      %dma_start3A_129 = tpu.memref_squeeze %dma_start3A_128 : memref<1x8x128xf32, #tpu.memory_space<hbm>> -> memref<8x128xf32, #tpu.memory_space<hbm>>
      tpu.enqueue_dma source(%dma_start3A_129 : memref<8x128xf32, #tpu.memory_space<hbm>>) target(%dma_start3A_127 : memref<8x128xf32, #tpu.memory_space<vmem>>) target_semaphore(%arg22 : memref<!tpu.dma_semaphore, #tpu.memory_space<semaphore_mem>>)
      %slice3A_130 = vector.extract_strided_slice %select_n3A_106 {offsets = [1], sizes = [1], strides = [1]} : vector<16xi32> to vector<1xi32>
      %squeeze3A_131 = vector.extract %slice3A_130[0] : i32 from vector<1xi32>
      %shift_right_logical3A_132 = arith.constant 3 : i32
      %shift_right_logical3A_133 = arith.shrui %squeeze3A_131, %shift_right_logical3A_132 : i32
      %shift_left3A_134 = arith.constant 3 : i32
      %shift_left3A_135 = arith.shli %shift_right_logical3A_133, %shift_left3A_134 : i32
      %multiple_of3A_136 = tpu.assume_multiple %shift_left3A_135, 8 : i32
      %slice3A_137 = vector.extract_strided_slice %select_n3A_103 {offsets = [1], sizes = [1], strides = [1]} : vector<16xi32> to vector<1xi32>
      %squeeze3A_138 = vector.extract %slice3A_137[0] : i32 from vector<1xi32>
      %shift_right_logical3A_139 = arith.constant 7 : i32
      %shift_right_logical3A_140 = arith.shrui %squeeze3A_138, %shift_right_logical3A_139 : i32
      %shift_left3A_141 = arith.constant 7 : i32
      %shift_left3A_142 = arith.shli %shift_right_logical3A_140, %shift_left3A_141 : i32
      %multiple_of3A_143 = tpu.assume_multiple %shift_left3A_142, 128 : i32
      %add3A_144 = arith.constant 1 : i32
      %add3A_145 = arith.addi %mul3A_88, %add3A_144 : i32
      %dma_start3A_146 = arith.constant 0 : i32
      %dma_start3A_147 = arith.constant 0 : i32
      %dma_start3A_148 = tpu.memref_slice %arg18[%add3A_145, %dma_start3A_146, %dma_start3A_147] : memref<32x8x128xf32, #tpu.memory_space<vmem>> -> memref<1x8x128xf32, #tpu.memory_space<vmem>>
      %dma_start3A_149 = tpu.memref_squeeze %dma_start3A_148 : memref<1x8x128xf32, #tpu.memory_space<vmem>> -> memref<8x128xf32, #tpu.memory_space<vmem>>
      %dma_start3A_150 = tpu.memref_slice %arg3[%arg1, %multiple_of3A_136, %multiple_of3A_143] : memref<16x80x20000xf32, #tpu.memory_space<hbm>> -> memref<1x8x128xf32, #tpu.memory_space<hbm>>
      %dma_start3A_151 = tpu.memref_squeeze %dma_start3A_150 : memref<1x8x128xf32, #tpu.memory_space<hbm>> -> memref<8x128xf32, #tpu.memory_space<hbm>>
      %dma_start3A_152 = arith.constant 0 : i32
      %dma_start3A_153 = arith.constant 0 : i32
      %dma_start3A_154 = tpu.memref_slice %arg18[%add3A_145, %dma_start3A_152, %dma_start3A_153] : memref<32x8x128xf32, #tpu.memory_space<vmem>> -> memref<1x8x128xf32, #tpu.memory_space<vmem>>
      %dma_start3A_155 = tpu.memref_squeeze %dma_start3A_154 : memref<1x8x128xf32, #tpu.memory_space<vmem>> -> memref<8x128xf32, #tpu.memory_space<vmem>>
      %dma_start3A_156 = tpu.memref_slice %arg3[%arg1, %multiple_of3A_136, %multiple_of3A_143] : memref<16x80x20000xf32, #tpu.memory_space<hbm>> -> memref<1x8x128xf32, #tpu.memory_space<hbm>>
      %dma_start3A_157 = tpu.memref_squeeze %dma_start3A_156 : memref<1x8x128xf32, #tpu.memory_space<hbm>> -> memref<8x128xf32, #tpu.memory_space<hbm>>
      tpu.enqueue_dma source(%dma_start3A_157 : memref<8x128xf32, #tpu.memory_space<hbm>>) target(%dma_start3A_155 : memref<8x128xf32, #tpu.memory_space<vmem>>) target_semaphore(%arg22 : memref<!tpu.dma_semaphore, #tpu.memory_space<semaphore_mem>>)
      %slice3A_158 = vector.extract_strided_slice %select_n3A_106 {offsets = [2], sizes = [1], strides = [1]} : vector<16xi32> to vector<1xi32>
      %squeeze3A_159 = vector.extract %slice3A_158[0] : i32 from vector<1xi32>
      %shift_right_logical3A_160 = arith.constant 3 : i32
      %shift_right_logical3A_161 = arith.shrui %squeeze3A_159, %shift_right_logical3A_160 : i32
      %shift_left3A_162 = arith.constant 3 : i32
      %shift_left3A_163 = arith.shli %shift_right_logical3A_161, %shift_left3A_162 : i32
      %multiple_of3A_164 = tpu.assume_multiple %shift_left3A_163, 8 : i32
      %slice3A_165 = vector.extract_strided_slice %select_n3A_103 {offsets = [2], sizes = [1], strides = [1]} : vector<16xi32> to vector<1xi32>
      %squeeze3A_166 = vector.extract %slice3A_165[0] : i32 from vector<1xi32>
      %shift_right_logical3A_167 = arith.constant 7 : i32
      %shift_right_logical3A_168 = arith.shrui %squeeze3A_166, %shift_right_logical3A_167 : i32
      %shift_left3A_169 = arith.constant 7 : i32
      %shift_left3A_170 = arith.shli %shift_right_logical3A_168, %shift_left3A_169 : i32
      %multiple_of3A_171 = tpu.assume_multiple %shift_left3A_170, 128 : i32
      %add3A_172 = arith.constant 2 : i32
      %add3A_173 = arith.addi %mul3A_88, %add3A_172 : i32
      %dma_start3A_174 = arith.constant 0 : i32
      %dma_start3A_175 = arith.constant 0 : i32
      %dma_start3A_176 = tpu.memref_slice %arg18[%add3A_173, %dma_start3A_174, %dma_start3A_175] : memref<32x8x128xf32, #tpu.memory_space<vmem>> -> memref<1x8x128xf32, #tpu.memory_space<vmem>>
      %dma_start3A_177 = tpu.memref_squeeze %dma_start3A_176 : memref<1x8x128xf32, #tpu.memory_space<vmem>> -> memref<8x128xf32, #tpu.memory_space<vmem>>
      %dma_start3A_178 = tpu.memref_slice %arg3[%arg1, %multiple_of3A_164, %multiple_of3A_171] : memref<16x80x20000xf32, #tpu.memory_space<hbm>> -> memref<1x8x128xf32, #tpu.memory_space<hbm>>
      %dma_start3A_179 = tpu.memref_squeeze %dma_start3A_178 : memref<1x8x128xf32, #tpu.memory_space<hbm>> -> memref<8x128xf32, #tpu.memory_space<hbm>>
      %dma_start3A_180 = arith.constant 0 : i32
      %dma_start3A_181 = arith.constant 0 : i32
      %dma_start3A_182 = tpu.memref_slice %arg18[%add3A_173, %dma_start3A_180, %dma_start3A_181] : memref<32x8x128xf32, #tpu.memory_space<vmem>> -> memref<1x8x128xf32, #tpu.memory_space<vmem>>
      %dma_start3A_183 = tpu.memref_squeeze %dma_start3A_182 : memref<1x8x128xf32, #tpu.memory_space<vmem>> -> memref<8x128xf32, #tpu.memory_space<vmem>>
      %dma_start3A_184 = tpu.memref_slice %arg3[%arg1, %multiple_of3A_164, %multiple_of3A_171] : memref<16x80x20000xf32, #tpu.memory_space<hbm>> -> memref<1x8x128xf32, #tpu.memory_space<hbm>>
      %dma_start3A_185 = tpu.memref_squeeze %dma_start3A_184 : memref<1x8x128xf32, #tpu.memory_space<hbm>> -> memref<8x128xf32, #tpu.memory_space<hbm>>
      tpu.enqueue_dma source(%dma_start3A_185 : memref<8x128xf32, #tpu.memory_space<hbm>>) target(%dma_start3A_183 : memref<8x128xf32, #tpu.memory_space<vmem>>) target_semaphore(%arg22 : memref<!tpu.dma_semaphore, #tpu.memory_space<semaphore_mem>>)
      %slice3A_186 = vector.extract_strided_slice %select_n3A_106 {offsets = [3], sizes = [1], strides = [1]} : vector<16xi32> to vector<1xi32>
      %squeeze3A_187 = vector.extract %slice3A_186[0] : i32 from vector<1xi32>
      %shift_right_logical3A_188 = arith.constant 3 : i32
      %shift_right_logical3A_189 = arith.shrui %squeeze3A_187, %shift_right_logical3A_188 : i32
      %shift_left3A_190 = arith.constant 3 : i32
      %shift_left3A_191 = arith.shli %shift_right_logical3A_189, %shift_left3A_190 : i32
      %multiple_of3A_192 = tpu.assume_multiple %shift_left3A_191, 8 : i32
      %slice3A_193 = vector.extract_strided_slice %select_n3A_103 {offsets = [3], sizes = [1], strides = [1]} : vector<16xi32> to vector<1xi32>
      %squeeze3A_194 = vector.extract %slice3A_193[0] : i32 from vector<1xi32>
      %shift_right_logical3A_195 = arith.constant 7 : i32
      %shift_right_logical3A_196 = arith.shrui %squeeze3A_194, %shift_right_logical3A_195 : i32
      %shift_left3A_197 = arith.constant 7 : i32
      %shift_left3A_198 = arith.shli %shift_right_logical3A_196, %shift_left3A_197 : i32
      %multiple_of3A_199 = tpu.assume_multiple %shift_left3A_198, 128 : i32
      %add3A_200 = arith.constant 3 : i32
      %add3A_201 = arith.addi %mul3A_88, %add3A_200 : i32
      %dma_start3A_202 = arith.constant 0 : i32
      %dma_start3A_203 = arith.constant 0 : i32
      %dma_start3A_204 = tpu.memref_slice %arg18[%add3A_201, %dma_start3A_202, %dma_start3A_203] : memref<32x8x128xf32, #tpu.memory_space<vmem>> -> memref<1x8x128xf32, #tpu.memory_space<vmem>>
      %dma_start3A_205 = tpu.memref_squeeze %dma_start3A_204 : memref<1x8x128xf32, #tpu.memory_space<vmem>> -> memref<8x128xf32, #tpu.memory_space<vmem>>
      %dma_start3A_206 = tpu.memref_slice %arg3[%arg1, %multiple_of3A_192, %multiple_of3A_199] : memref<16x80x20000xf32, #tpu.memory_space<hbm>> -> memref<1x8x128xf32, #tpu.memory_space<hbm>>
      %dma_start3A_207 = tpu.memref_squeeze %dma_start3A_206 : memref<1x8x128xf32, #tpu.memory_space<hbm>> -> memref<8x128xf32, #tpu.memory_space<hbm>>
      %dma_start3A_208 = arith.constant 0 : i32
      %dma_start3A_209 = arith.constant 0 : i32
      %dma_start3A_210 = tpu.memref_slice %arg18[%add3A_201, %dma_start3A_208, %dma_start3A_209] : memref<32x8x128xf32, #tpu.memory_space<vmem>> -> memref<1x8x128xf32, #tpu.memory_space<vmem>>
      %dma_start3A_211 = tpu.memref_squeeze %dma_start3A_210 : memref<1x8x128xf32, #tpu.memory_space<vmem>> -> memref<8x128xf32, #tpu.memory_space<vmem>>
      %dma_start3A_212 = tpu.memref_slice %arg3[%arg1, %multiple_of3A_192, %multiple_of3A_199] : memref<16x80x20000xf32, #tpu.memory_space<hbm>> -> memref<1x8x128xf32, #tpu.memory_space<hbm>>
      %dma_start3A_213 = tpu.memref_squeeze %dma_start3A_212 : memref<1x8x128xf32, #tpu.memory_space<hbm>> -> memref<8x128xf32, #tpu.memory_space<hbm>>
      tpu.enqueue_dma source(%dma_start3A_213 : memref<8x128xf32, #tpu.memory_space<hbm>>) target(%dma_start3A_211 : memref<8x128xf32, #tpu.memory_space<vmem>>) target_semaphore(%arg22 : memref<!tpu.dma_semaphore, #tpu.memory_space<semaphore_mem>>)
      %slice3A_214 = vector.extract_strided_slice %select_n3A_106 {offsets = [4], sizes = [1], strides = [1]} : vector<16xi32> to vector<1xi32>
      %squeeze3A_215 = vector.extract %slice3A_214[0] : i32 from vector<1xi32>
      %shift_right_logical3A_216 = arith.constant 3 : i32
      %shift_right_logical3A_217 = arith.shrui %squeeze3A_215, %shift_right_logical3A_216 : i32
      %shift_left3A_218 = arith.constant 3 : i32
      %shift_left3A_219 = arith.shli %shift_right_logical3A_217, %shift_left3A_218 : i32
      %multiple_of3A_220 = tpu.assume_multiple %shift_left3A_219, 8 : i32
      %slice3A_221 = vector.extract_strided_slice %select_n3A_103 {offsets = [4], sizes = [1], strides = [1]} : vector<16xi32> to vector<1xi32>
      %squeeze3A_222 = vector.extract %slice3A_221[0] : i32 from vector<1xi32>
      %shift_right_logical3A_223 = arith.constant 7 : i32
      %shift_right_logical3A_224 = arith.shrui %squeeze3A_222, %shift_right_logical3A_223 : i32
      %shift_left3A_225 = arith.constant 7 : i32
      %shift_left3A_226 = arith.shli %shift_right_logical3A_224, %shift_left3A_225 : i32
      %multiple_of3A_227 = tpu.assume_multiple %shift_left3A_226, 128 : i32
      %add3A_228 = arith.constant 4 : i32
      %add3A_229 = arith.addi %mul3A_88, %add3A_228 : i32
      %dma_start3A_230 = arith.constant 0 : i32
      %dma_start3A_231 = arith.constant 0 : i32
      %dma_start3A_232 = tpu.memref_slice %arg18[%add3A_229, %dma_start3A_230, %dma_start3A_231] : memref<32x8x128xf32, #tpu.memory_space<vmem>> -> memref<1x8x128xf32, #tpu.memory_space<vmem>>
      %dma_start3A_233 = tpu.memref_squeeze %dma_start3A_232 : memref<1x8x128xf32, #tpu.memory_space<vmem>> -> memref<8x128xf32, #tpu.memory_space<vmem>>
      %dma_start3A_234 = tpu.memref_slice %arg3[%arg1, %multiple_of3A_220, %multiple_of3A_227] : memref<16x80x20000xf32, #tpu.memory_space<hbm>> -> memref<1x8x128xf32, #tpu.memory_space<hbm>>
      %dma_start3A_235 = tpu.memref_squeeze %dma_start3A_234 : memref<1x8x128xf32, #tpu.memory_space<hbm>> -> memref<8x128xf32, #tpu.memory_space<hbm>>
      %dma_start3A_236 = arith.constant 0 : i32
      %dma_start3A_237 = arith.constant 0 : i32
      %dma_start3A_238 = tpu.memref_slice %arg18[%add3A_229, %dma_start3A_236, %dma_start3A_237] : memref<32x8x128xf32, #tpu.memory_space<vmem>> -> memref<1x8x128xf32, #tpu.memory_space<vmem>>
      %dma_start3A_239 = tpu.memref_squeeze %dma_start3A_238 : memref<1x8x128xf32, #tpu.memory_space<vmem>> -> memref<8x128xf32, #tpu.memory_space<vmem>>
      %dma_start3A_240 = tpu.memref_slice %arg3[%arg1, %multiple_of3A_220, %multiple_of3A_227] : memref<16x80x20000xf32, #tpu.memory_space<hbm>> -> memref<1x8x128xf32, #tpu.memory_space<hbm>>
      %dma_start3A_241 = tpu.memref_squeeze %dma_start3A_240 : memref<1x8x128xf32, #tpu.memory_space<hbm>> -> memref<8x128xf32, #tpu.memory_space<hbm>>
      tpu.enqueue_dma source(%dma_start3A_241 : memref<8x128xf32, #tpu.memory_space<hbm>>) target(%dma_start3A_239 : memref<8x128xf32, #tpu.memory_space<vmem>>) target_semaphore(%arg22 : memref<!tpu.dma_semaphore, #tpu.memory_space<semaphore_mem>>)
      %slice3A_242 = vector.extract_strided_slice %select_n3A_106 {offsets = [5], sizes = [1], strides = [1]} : vector<16xi32> to vector<1xi32>
      %squeeze3A_243 = vector.extract %slice3A_242[0] : i32 from vector<1xi32>
      %shift_right_logical3A_244 = arith.constant 3 : i32
      %shift_right_logical3A_245 = arith.shrui %squeeze3A_243, %shift_right_logical3A_244 : i32
      %shift_left3A_246 = arith.constant 3 : i32
      %shift_left3A_247 = arith.shli %shift_right_logical3A_245, %shift_left3A_246 : i32
      %multiple_of3A_248 = tpu.assume_multiple %shift_left3A_247, 8 : i32
      %slice3A_249 = vector.extract_strided_slice %select_n3A_103 {offsets = [5], sizes = [1], strides = [1]} : vector<16xi32> to vector<1xi32>
      %squeeze3A_250 = vector.extract %slice3A_249[0] : i32 from vector<1xi32>
      %shift_right_logical3A_251 = arith.constant 7 : i32
      %shift_right_logical3A_252 = arith.shrui %squeeze3A_250, %shift_right_logical3A_251 : i32
      %shift_left3A_253 = arith.constant 7 : i32
      %shift_left3A_254 = arith.shli %shift_right_logical3A_252, %shift_left3A_253 : i32
      %multiple_of3A_255 = tpu.assume_multiple %shift_left3A_254, 128 : i32
      %add3A_256 = arith.constant 5 : i32
      %add3A_257 = arith.addi %mul3A_88, %add3A_256 : i32
      %dma_start3A_258 = arith.constant 0 : i32
      %dma_start3A_259 = arith.constant 0 : i32
      %dma_start3A_260 = tpu.memref_slice %arg18[%add3A_257, %dma_start3A_258, %dma_start3A_259] : memref<32x8x128xf32, #tpu.memory_space<vmem>> -> memref<1x8x128xf32, #tpu.memory_space<vmem>>
      %dma_start3A_261 = tpu.memref_squeeze %dma_start3A_260 : memref<1x8x128xf32, #tpu.memory_space<vmem>> -> memref<8x128xf32, #tpu.memory_space<vmem>>
      %dma_start3A_262 = tpu.memref_slice %arg3[%arg1, %multiple_of3A_248, %multiple_of3A_255] : memref<16x80x20000xf32, #tpu.memory_space<hbm>> -> memref<1x8x128xf32, #tpu.memory_space<hbm>>
      %dma_start3A_263 = tpu.memref_squeeze %dma_start3A_262 : memref<1x8x128xf32, #tpu.memory_space<hbm>> -> memref<8x128xf32, #tpu.memory_space<hbm>>
      %dma_start3A_264 = arith.constant 0 : i32
      %dma_start3A_265 = arith.constant 0 : i32
      %dma_start3A_266 = tpu.memref_slice %arg18[%add3A_257, %dma_start3A_264, %dma_start3A_265] : memref<32x8x128xf32, #tpu.memory_space<vmem>> -> memref<1x8x128xf32, #tpu.memory_space<vmem>>
      %dma_start3A_267 = tpu.memref_squeeze %dma_start3A_266 : memref<1x8x128xf32, #tpu.memory_space<vmem>> -> memref<8x128xf32, #tpu.memory_space<vmem>>
      %dma_start3A_268 = tpu.memref_slice %arg3[%arg1, %multiple_of3A_248, %multiple_of3A_255] : memref<16x80x20000xf32, #tpu.memory_space<hbm>> -> memref<1x8x128xf32, #tpu.memory_space<hbm>>
      %dma_start3A_269 = tpu.memref_squeeze %dma_start3A_268 : memref<1x8x128xf32, #tpu.memory_space<hbm>> -> memref<8x128xf32, #tpu.memory_space<hbm>>
      tpu.enqueue_dma source(%dma_start3A_269 : memref<8x128xf32, #tpu.memory_space<hbm>>) target(%dma_start3A_267 : memref<8x128xf32, #tpu.memory_space<vmem>>) target_semaphore(%arg22 : memref<!tpu.dma_semaphore, #tpu.memory_space<semaphore_mem>>)
      %slice3A_270 = vector.extract_strided_slice %select_n3A_106 {offsets = [6], sizes = [1], strides = [1]} : vector<16xi32> to vector<1xi32>
      %squeeze3A_271 = vector.extract %slice3A_270[0] : i32 from vector<1xi32>
      %shift_right_logical3A_272 = arith.constant 3 : i32
      %shift_right_logical3A_273 = arith.shrui %squeeze3A_271, %shift_right_logical3A_272 : i32
      %shift_left3A_274 = arith.constant 3 : i32
      %shift_left3A_275 = arith.shli %shift_right_logical3A_273, %shift_left3A_274 : i32
      %multiple_of3A_276 = tpu.assume_multiple %shift_left3A_275, 8 : i32
      %slice3A_277 = vector.extract_strided_slice %select_n3A_103 {offsets = [6], sizes = [1], strides = [1]} : vector<16xi32> to vector<1xi32>
      %squeeze3A_278 = vector.extract %slice3A_277[0] : i32 from vector<1xi32>
      %shift_right_logical3A_279 = arith.constant 7 : i32
      %shift_right_logical3A_280 = arith.shrui %squeeze3A_278, %shift_right_logical3A_279 : i32
      %shift_left3A_281 = arith.constant 7 : i32
      %shift_left3A_282 = arith.shli %shift_right_logical3A_280, %shift_left3A_281 : i32
      %multiple_of3A_283 = tpu.assume_multiple %shift_left3A_282, 128 : i32
      %add3A_284 = arith.constant 6 : i32
      %add3A_285 = arith.addi %mul3A_88, %add3A_284 : i32
      %dma_start3A_286 = arith.constant 0 : i32
      %dma_start3A_287 = arith.constant 0 : i32
      %dma_start3A_288 = tpu.memref_slice %arg18[%add3A_285, %dma_start3A_286, %dma_start3A_287] : memref<32x8x128xf32, #tpu.memory_space<vmem>> -> memref<1x8x128xf32, #tpu.memory_space<vmem>>
      %dma_start3A_289 = tpu.memref_squeeze %dma_start3A_288 : memref<1x8x128xf32, #tpu.memory_space<vmem>> -> memref<8x128xf32, #tpu.memory_space<vmem>>
      %dma_start3A_290 = tpu.memref_slice %arg3[%arg1, %multiple_of3A_276, %multiple_of3A_283] : memref<16x80x20000xf32, #tpu.memory_space<hbm>> -> memref<1x8x128xf32, #tpu.memory_space<hbm>>
      %dma_start3A_291 = tpu.memref_squeeze %dma_start3A_290 : memref<1x8x128xf32, #tpu.memory_space<hbm>> -> memref<8x128xf32, #tpu.memory_space<hbm>>
      %dma_start3A_292 = arith.constant 0 : i32
      %dma_start3A_293 = arith.constant 0 : i32
      %dma_start3A_294 = tpu.memref_slice %arg18[%add3A_285, %dma_start3A_292, %dma_start3A_293] : memref<32x8x128xf32, #tpu.memory_space<vmem>> -> memref<1x8x128xf32, #tpu.memory_space<vmem>>
      %dma_start3A_295 = tpu.memref_squeeze %dma_start3A_294 : memref<1x8x128xf32, #tpu.memory_space<vmem>> -> memref<8x128xf32, #tpu.memory_space<vmem>>
      %dma_start3A_296 = tpu.memref_slice %arg3[%arg1, %multiple_of3A_276, %multiple_of3A_283] : memref<16x80x20000xf32, #tpu.memory_space<hbm>> -> memref<1x8x128xf32, #tpu.memory_space<hbm>>
      %dma_start3A_297 = tpu.memref_squeeze %dma_start3A_296 : memref<1x8x128xf32, #tpu.memory_space<hbm>> -> memref<8x128xf32, #tpu.memory_space<hbm>>
      tpu.enqueue_dma source(%dma_start3A_297 : memref<8x128xf32, #tpu.memory_space<hbm>>) target(%dma_start3A_295 : memref<8x128xf32, #tpu.memory_space<vmem>>) target_semaphore(%arg22 : memref<!tpu.dma_semaphore, #tpu.memory_space<semaphore_mem>>)
      %slice3A_298 = vector.extract_strided_slice %select_n3A_106 {offsets = [7], sizes = [1], strides = [1]} : vector<16xi32> to vector<1xi32>
      %squeeze3A_299 = vector.extract %slice3A_298[0] : i32 from vector<1xi32>
      %shift_right_logical3A_300 = arith.constant 3 : i32
      %shift_right_logical3A_301 = arith.shrui %squeeze3A_299, %shift_right_logical3A_300 : i32
      %shift_left3A_302 = arith.constant 3 : i32
      %shift_left3A_303 = arith.shli %shift_right_logical3A_301, %shift_left3A_302 : i32
      %multiple_of3A_304 = tpu.assume_multiple %shift_left3A_303, 8 : i32
      %slice3A_305 = vector.extract_strided_slice %select_n3A_103 {offsets = [7], sizes = [1], strides = [1]} : vector<16xi32> to vector<1xi32>
      %squeeze3A_306 = vector.extract %slice3A_305[0] : i32 from vector<1xi32>
      %shift_right_logical3A_307 = arith.constant 7 : i32
      %shift_right_logical3A_308 = arith.shrui %squeeze3A_306, %shift_right_logical3A_307 : i32
      %shift_left3A_309 = arith.constant 7 : i32
      %shift_left3A_310 = arith.shli %shift_right_logical3A_308, %shift_left3A_309 : i32
      %multiple_of3A_311 = tpu.assume_multiple %shift_left3A_310, 128 : i32
      %add3A_312 = arith.constant 7 : i32
      %add3A_313 = arith.addi %mul3A_88, %add3A_312 : i32
      %dma_start3A_314 = arith.constant 0 : i32
      %dma_start3A_315 = arith.constant 0 : i32
      %dma_start3A_316 = tpu.memref_slice %arg18[%add3A_313, %dma_start3A_314, %dma_start3A_315] : memref<32x8x128xf32, #tpu.memory_space<vmem>> -> memref<1x8x128xf32, #tpu.memory_space<vmem>>
      %dma_start3A_317 = tpu.memref_squeeze %dma_start3A_316 : memref<1x8x128xf32, #tpu.memory_space<vmem>> -> memref<8x128xf32, #tpu.memory_space<vmem>>
      %dma_start3A_318 = tpu.memref_slice %arg3[%arg1, %multiple_of3A_304, %multiple_of3A_311] : memref<16x80x20000xf32, #tpu.memory_space<hbm>> -> memref<1x8x128xf32, #tpu.memory_space<hbm>>
      %dma_start3A_319 = tpu.memref_squeeze %dma_start3A_318 : memref<1x8x128xf32, #tpu.memory_space<hbm>> -> memref<8x128xf32, #tpu.memory_space<hbm>>
      %dma_start3A_320 = arith.constant 0 : i32
      %dma_start3A_321 = arith.constant 0 : i32
      %dma_start3A_322 = tpu.memref_slice %arg18[%add3A_313, %dma_start3A_320, %dma_start3A_321] : memref<32x8x128xf32, #tpu.memory_space<vmem>> -> memref<1x8x128xf32, #tpu.memory_space<vmem>>
      %dma_start3A_323 = tpu.memref_squeeze %dma_start3A_322 : memref<1x8x128xf32, #tpu.memory_space<vmem>> -> memref<8x128xf32, #tpu.memory_space<vmem>>
      %dma_start3A_324 = tpu.memref_slice %arg3[%arg1, %multiple_of3A_304, %multiple_of3A_311] : memref<16x80x20000xf32, #tpu.memory_space<hbm>> -> memref<1x8x128xf32, #tpu.memory_space<hbm>>
      %dma_start3A_325 = tpu.memref_squeeze %dma_start3A_324 : memref<1x8x128xf32, #tpu.memory_space<hbm>> -> memref<8x128xf32, #tpu.memory_space<hbm>>
      tpu.enqueue_dma source(%dma_start3A_325 : memref<8x128xf32, #tpu.memory_space<hbm>>) target(%dma_start3A_323 : memref<8x128xf32, #tpu.memory_space<vmem>>) target_semaphore(%arg22 : memref<!tpu.dma_semaphore, #tpu.memory_space<semaphore_mem>>)
      %slice3A_326 = vector.extract_strided_slice %select_n3A_106 {offsets = [8], sizes = [1], strides = [1]} : vector<16xi32> to vector<1xi32>
      %squeeze3A_327 = vector.extract %slice3A_326[0] : i32 from vector<1xi32>
      %shift_right_logical3A_328 = arith.constant 3 : i32
      %shift_right_logical3A_329 = arith.shrui %squeeze3A_327, %shift_right_logical3A_328 : i32
      %shift_left3A_330 = arith.constant 3 : i32
      %shift_left3A_331 = arith.shli %shift_right_logical3A_329, %shift_left3A_330 : i32
      %multiple_of3A_332 = tpu.assume_multiple %shift_left3A_331, 8 : i32
      %slice3A_333 = vector.extract_strided_slice %select_n3A_103 {offsets = [8], sizes = [1], strides = [1]} : vector<16xi32> to vector<1xi32>
      %squeeze3A_334 = vector.extract %slice3A_333[0] : i32 from vector<1xi32>
      %shift_right_logical3A_335 = arith.constant 7 : i32
      %shift_right_logical3A_336 = arith.shrui %squeeze3A_334, %shift_right_logical3A_335 : i32
      %shift_left3A_337 = arith.constant 7 : i32
      %shift_left3A_338 = arith.shli %shift_right_logical3A_336, %shift_left3A_337 : i32
      %multiple_of3A_339 = tpu.assume_multiple %shift_left3A_338, 128 : i32
      %add3A_340 = arith.constant 8 : i32
      %add3A_341 = arith.addi %mul3A_88, %add3A_340 : i32
      %dma_start3A_342 = arith.constant 0 : i32
      %dma_start3A_343 = arith.constant 0 : i32
      %dma_start3A_344 = tpu.memref_slice %arg18[%add3A_341, %dma_start3A_342, %dma_start3A_343] : memref<32x8x128xf32, #tpu.memory_space<vmem>> -> memref<1x8x128xf32, #tpu.memory_space<vmem>>
      %dma_start3A_345 = tpu.memref_squeeze %dma_start3A_344 : memref<1x8x128xf32, #tpu.memory_space<vmem>> -> memref<8x128xf32, #tpu.memory_space<vmem>>
      %dma_start3A_346 = tpu.memref_slice %arg3[%arg1, %multiple_of3A_332, %multiple_of3A_339] : memref<16x80x20000xf32, #tpu.memory_space<hbm>> -> memref<1x8x128xf32, #tpu.memory_space<hbm>>
      %dma_start3A_347 = tpu.memref_squeeze %dma_start3A_346 : memref<1x8x128xf32, #tpu.memory_space<hbm>> -> memref<8x128xf32, #tpu.memory_space<hbm>>
      %dma_start3A_348 = arith.constant 0 : i32
      %dma_start3A_349 = arith.constant 0 : i32
      %dma_start3A_350 = tpu.memref_slice %arg18[%add3A_341, %dma_start3A_348, %dma_start3A_349] : memref<32x8x128xf32, #tpu.memory_space<vmem>> -> memref<1x8x128xf32, #tpu.memory_space<vmem>>
      %dma_start3A_351 = tpu.memref_squeeze %dma_start3A_350 : memref<1x8x128xf32, #tpu.memory_space<vmem>> -> memref<8x128xf32, #tpu.memory_space<vmem>>
      %dma_start3A_352 = tpu.memref_slice %arg3[%arg1, %multiple_of3A_332, %multiple_of3A_339] : memref<16x80x20000xf32, #tpu.memory_space<hbm>> -> memref<1x8x128xf32, #tpu.memory_space<hbm>>
      %dma_start3A_353 = tpu.memref_squeeze %dma_start3A_352 : memref<1x8x128xf32, #tpu.memory_space<hbm>> -> memref<8x128xf32, #tpu.memory_space<hbm>>
      tpu.enqueue_dma source(%dma_start3A_353 : memref<8x128xf32, #tpu.memory_space<hbm>>) target(%dma_start3A_351 : memref<8x128xf32, #tpu.memory_space<vmem>>) target_semaphore(%arg22 : memref<!tpu.dma_semaphore, #tpu.memory_space<semaphore_mem>>)
      %slice3A_354 = vector.extract_strided_slice %select_n3A_106 {offsets = [9], sizes = [1], strides = [1]} : vector<16xi32> to vector<1xi32>
      %squeeze3A_355 = vector.extract %slice3A_354[0] : i32 from vector<1xi32>
      %shift_right_logical3A_356 = arith.constant 3 : i32
      %shift_right_logical3A_357 = arith.shrui %squeeze3A_355, %shift_right_logical3A_356 : i32
      %shift_left3A_358 = arith.constant 3 : i32
      %shift_left3A_359 = arith.shli %shift_right_logical3A_357, %shift_left3A_358 : i32
      %multiple_of3A_360 = tpu.assume_multiple %shift_left3A_359, 8 : i32
      %slice3A_361 = vector.extract_strided_slice %select_n3A_103 {offsets = [9], sizes = [1], strides = [1]} : vector<16xi32> to vector<1xi32>
      %squeeze3A_362 = vector.extract %slice3A_361[0] : i32 from vector<1xi32>
      %shift_right_logical3A_363 = arith.constant 7 : i32
      %shift_right_logical3A_364 = arith.shrui %squeeze3A_362, %shift_right_logical3A_363 : i32
      %shift_left3A_365 = arith.constant 7 : i32
      %shift_left3A_366 = arith.shli %shift_right_logical3A_364, %shift_left3A_365 : i32
      %multiple_of3A_367 = tpu.assume_multiple %shift_left3A_366, 128 : i32
      %add3A_368 = arith.constant 9 : i32
      %add3A_369 = arith.addi %mul3A_88, %add3A_368 : i32
      %dma_start3A_370 = arith.constant 0 : i32
      %dma_start3A_371 = arith.constant 0 : i32
      %dma_start3A_372 = tpu.memref_slice %arg18[%add3A_369, %dma_start3A_370, %dma_start3A_371] : memref<32x8x128xf32, #tpu.memory_space<vmem>> -> memref<1x8x128xf32, #tpu.memory_space<vmem>>
      %dma_start3A_373 = tpu.memref_squeeze %dma_start3A_372 : memref<1x8x128xf32, #tpu.memory_space<vmem>> -> memref<8x128xf32, #tpu.memory_space<vmem>>
      %dma_start3A_374 = tpu.memref_slice %arg3[%arg1, %multiple_of3A_360, %multiple_of3A_367] : memref<16x80x20000xf32, #tpu.memory_space<hbm>> -> memref<1x8x128xf32, #tpu.memory_space<hbm>>
      %dma_start3A_375 = tpu.memref_squeeze %dma_start3A_374 : memref<1x8x128xf32, #tpu.memory_space<hbm>> -> memref<8x128xf32, #tpu.memory_space<hbm>>
      %dma_start3A_376 = arith.constant 0 : i32
      %dma_start3A_377 = arith.constant 0 : i32
      %dma_start3A_378 = tpu.memref_slice %arg18[%add3A_369, %dma_start3A_376, %dma_start3A_377] : memref<32x8x128xf32, #tpu.memory_space<vmem>> -> memref<1x8x128xf32, #tpu.memory_space<vmem>>
      %dma_start3A_379 = tpu.memref_squeeze %dma_start3A_378 : memref<1x8x128xf32, #tpu.memory_space<vmem>> -> memref<8x128xf32, #tpu.memory_space<vmem>>
      %dma_start3A_380 = tpu.memref_slice %arg3[%arg1, %multiple_of3A_360, %multiple_of3A_367] : memref<16x80x20000xf32, #tpu.memory_space<hbm>> -> memref<1x8x128xf32, #tpu.memory_space<hbm>>
      %dma_start3A_381 = tpu.memref_squeeze %dma_start3A_380 : memref<1x8x128xf32, #tpu.memory_space<hbm>> -> memref<8x128xf32, #tpu.memory_space<hbm>>
      tpu.enqueue_dma source(%dma_start3A_381 : memref<8x128xf32, #tpu.memory_space<hbm>>) target(%dma_start3A_379 : memref<8x128xf32, #tpu.memory_space<vmem>>) target_semaphore(%arg22 : memref<!tpu.dma_semaphore, #tpu.memory_space<semaphore_mem>>)
      %slice3A_382 = vector.extract_strided_slice %select_n3A_106 {offsets = [10], sizes = [1], strides = [1]} : vector<16xi32> to vector<1xi32>
      %squeeze3A_383 = vector.extract %slice3A_382[0] : i32 from vector<1xi32>
      %shift_right_logical3A_384 = arith.constant 3 : i32
      %shift_right_logical3A_385 = arith.shrui %squeeze3A_383, %shift_right_logical3A_384 : i32
      %shift_left3A_386 = arith.constant 3 : i32
      %shift_left3A_387 = arith.shli %shift_right_logical3A_385, %shift_left3A_386 : i32
      %multiple_of3A_388 = tpu.assume_multiple %shift_left3A_387, 8 : i32
      %slice3A_389 = vector.extract_strided_slice %select_n3A_103 {offsets = [10], sizes = [1], strides = [1]} : vector<16xi32> to vector<1xi32>
      %squeeze3A_390 = vector.extract %slice3A_389[0] : i32 from vector<1xi32>
      %shift_right_logical3A_391 = arith.constant 7 : i32
      %shift_right_logical3A_392 = arith.shrui %squeeze3A_390, %shift_right_logical3A_391 : i32
      %shift_left3A_393 = arith.constant 7 : i32
      %shift_left3A_394 = arith.shli %shift_right_logical3A_392, %shift_left3A_393 : i32
      %multiple_of3A_395 = tpu.assume_multiple %shift_left3A_394, 128 : i32
      %add3A_396 = arith.constant 10 : i32
      %add3A_397 = arith.addi %mul3A_88, %add3A_396 : i32
      %dma_start3A_398 = arith.constant 0 : i32
      %dma_start3A_399 = arith.constant 0 : i32
      %dma_start3A_400 = tpu.memref_slice %arg18[%add3A_397, %dma_start3A_398, %dma_start3A_399] : memref<32x8x128xf32, #tpu.memory_space<vmem>> -> memref<1x8x128xf32, #tpu.memory_space<vmem>>
      %dma_start3A_401 = tpu.memref_squeeze %dma_start3A_400 : memref<1x8x128xf32, #tpu.memory_space<vmem>> -> memref<8x128xf32, #tpu.memory_space<vmem>>
      %dma_start3A_402 = tpu.memref_slice %arg3[%arg1, %multiple_of3A_388, %multiple_of3A_395] : memref<16x80x20000xf32, #tpu.memory_space<hbm>> -> memref<1x8x128xf32, #tpu.memory_space<hbm>>
      %dma_start3A_403 = tpu.memref_squeeze %dma_start3A_402 : memref<1x8x128xf32, #tpu.memory_space<hbm>> -> memref<8x128xf32, #tpu.memory_space<hbm>>
      %dma_start3A_404 = arith.constant 0 : i32
      %dma_start3A_405 = arith.constant 0 : i32
      %dma_start3A_406 = tpu.memref_slice %arg18[%add3A_397, %dma_start3A_404, %dma_start3A_405] : memref<32x8x128xf32, #tpu.memory_space<vmem>> -> memref<1x8x128xf32, #tpu.memory_space<vmem>>
      %dma_start3A_407 = tpu.memref_squeeze %dma_start3A_406 : memref<1x8x128xf32, #tpu.memory_space<vmem>> -> memref<8x128xf32, #tpu.memory_space<vmem>>
      %dma_start3A_408 = tpu.memref_slice %arg3[%arg1, %multiple_of3A_388, %multiple_of3A_395] : memref<16x80x20000xf32, #tpu.memory_space<hbm>> -> memref<1x8x128xf32, #tpu.memory_space<hbm>>
      %dma_start3A_409 = tpu.memref_squeeze %dma_start3A_408 : memref<1x8x128xf32, #tpu.memory_space<hbm>> -> memref<8x128xf32, #tpu.memory_space<hbm>>
      tpu.enqueue_dma source(%dma_start3A_409 : memref<8x128xf32, #tpu.memory_space<hbm>>) target(%dma_start3A_407 : memref<8x128xf32, #tpu.memory_space<vmem>>) target_semaphore(%arg22 : memref<!tpu.dma_semaphore, #tpu.memory_space<semaphore_mem>>)
      %slice3A_410 = vector.extract_strided_slice %select_n3A_106 {offsets = [11], sizes = [1], strides = [1]} : vector<16xi32> to vector<1xi32>
      %squeeze3A_411 = vector.extract %slice3A_410[0] : i32 from vector<1xi32>
      %shift_right_logical3A_412 = arith.constant 3 : i32
      %shift_right_logical3A_413 = arith.shrui %squeeze3A_411, %shift_right_logical3A_412 : i32
      %shift_left3A_414 = arith.constant 3 : i32
      %shift_left3A_415 = arith.shli %shift_right_logical3A_413, %shift_left3A_414 : i32
      %multiple_of3A_416 = tpu.assume_multiple %shift_left3A_415, 8 : i32
      %slice3A_417 = vector.extract_strided_slice %select_n3A_103 {offsets = [11], sizes = [1], strides = [1]} : vector<16xi32> to vector<1xi32>
      %squeeze3A_418 = vector.extract %slice3A_417[0] : i32 from vector<1xi32>
      %shift_right_logical3A_419 = arith.constant 7 : i32
      %shift_right_logical3A_420 = arith.shrui %squeeze3A_418, %shift_right_logical3A_419 : i32
      %shift_left3A_421 = arith.constant 7 : i32
      %shift_left3A_422 = arith.shli %shift_right_logical3A_420, %shift_left3A_421 : i32
      %multiple_of3A_423 = tpu.assume_multiple %shift_left3A_422, 128 : i32
      %add3A_424 = arith.constant 11 : i32
      %add3A_425 = arith.addi %mul3A_88, %add3A_424 : i32
      %dma_start3A_426 = arith.constant 0 : i32
      %dma_start3A_427 = arith.constant 0 : i32
      %dma_start3A_428 = tpu.memref_slice %arg18[%add3A_425, %dma_start3A_426, %dma_start3A_427] : memref<32x8x128xf32, #tpu.memory_space<vmem>> -> memref<1x8x128xf32, #tpu.memory_space<vmem>>
      %dma_start3A_429 = tpu.memref_squeeze %dma_start3A_428 : memref<1x8x128xf32, #tpu.memory_space<vmem>> -> memref<8x128xf32, #tpu.memory_space<vmem>>
      %dma_start3A_430 = tpu.memref_slice %arg3[%arg1, %multiple_of3A_416, %multiple_of3A_423] : memref<16x80x20000xf32, #tpu.memory_space<hbm>> -> memref<1x8x128xf32, #tpu.memory_space<hbm>>
      %dma_start3A_431 = tpu.memref_squeeze %dma_start3A_430 : memref<1x8x128xf32, #tpu.memory_space<hbm>> -> memref<8x128xf32, #tpu.memory_space<hbm>>
      %dma_start3A_432 = arith.constant 0 : i32
      %dma_start3A_433 = arith.constant 0 : i32
      %dma_start3A_434 = tpu.memref_slice %arg18[%add3A_425, %dma_start3A_432, %dma_start3A_433] : memref<32x8x128xf32, #tpu.memory_space<vmem>> -> memref<1x8x128xf32, #tpu.memory_space<vmem>>
      %dma_start3A_435 = tpu.memref_squeeze %dma_start3A_434 : memref<1x8x128xf32, #tpu.memory_space<vmem>> -> memref<8x128xf32, #tpu.memory_space<vmem>>
      %dma_start3A_436 = tpu.memref_slice %arg3[%arg1, %multiple_of3A_416, %multiple_of3A_423] : memref<16x80x20000xf32, #tpu.memory_space<hbm>> -> memref<1x8x128xf32, #tpu.memory_space<hbm>>
      %dma_start3A_437 = tpu.memref_squeeze %dma_start3A_436 : memref<1x8x128xf32, #tpu.memory_space<hbm>> -> memref<8x128xf32, #tpu.memory_space<hbm>>
      tpu.enqueue_dma source(%dma_start3A_437 : memref<8x128xf32, #tpu.memory_space<hbm>>) target(%dma_start3A_435 : memref<8x128xf32, #tpu.memory_space<vmem>>) target_semaphore(%arg22 : memref<!tpu.dma_semaphore, #tpu.memory_space<semaphore_mem>>)
      %slice3A_438 = vector.extract_strided_slice %select_n3A_106 {offsets = [12], sizes = [1], strides = [1]} : vector<16xi32> to vector<1xi32>
      %squeeze3A_439 = vector.extract %slice3A_438[0] : i32 from vector<1xi32>
      %shift_right_logical3A_440 = arith.constant 3 : i32
      %shift_right_logical3A_441 = arith.shrui %squeeze3A_439, %shift_right_logical3A_440 : i32
      %shift_left3A_442 = arith.constant 3 : i32
      %shift_left3A_443 = arith.shli %shift_right_logical3A_441, %shift_left3A_442 : i32
      %multiple_of3A_444 = tpu.assume_multiple %shift_left3A_443, 8 : i32
      %slice3A_445 = vector.extract_strided_slice %select_n3A_103 {offsets = [12], sizes = [1], strides = [1]} : vector<16xi32> to vector<1xi32>
      %squeeze3A_446 = vector.extract %slice3A_445[0] : i32 from vector<1xi32>
      %shift_right_logical3A_447 = arith.constant 7 : i32
      %shift_right_logical3A_448 = arith.shrui %squeeze3A_446, %shift_right_logical3A_447 : i32
      %shift_left3A_449 = arith.constant 7 : i32
      %shift_left3A_450 = arith.shli %shift_right_logical3A_448, %shift_left3A_449 : i32
      %multiple_of3A_451 = tpu.assume_multiple %shift_left3A_450, 128 : i32
      %add3A_452 = arith.constant 12 : i32
      %add3A_453 = arith.addi %mul3A_88, %add3A_452 : i32
      %dma_start3A_454 = arith.constant 0 : i32
      %dma_start3A_455 = arith.constant 0 : i32
      %dma_start3A_456 = tpu.memref_slice %arg18[%add3A_453, %dma_start3A_454, %dma_start3A_455] : memref<32x8x128xf32, #tpu.memory_space<vmem>> -> memref<1x8x128xf32, #tpu.memory_space<vmem>>
      %dma_start3A_457 = tpu.memref_squeeze %dma_start3A_456 : memref<1x8x128xf32, #tpu.memory_space<vmem>> -> memref<8x128xf32, #tpu.memory_space<vmem>>
      %dma_start3A_458 = tpu.memref_slice %arg3[%arg1, %multiple_of3A_444, %multiple_of3A_451] : memref<16x80x20000xf32, #tpu.memory_space<hbm>> -> memref<1x8x128xf32, #tpu.memory_space<hbm>>
      %dma_start3A_459 = tpu.memref_squeeze %dma_start3A_458 : memref<1x8x128xf32, #tpu.memory_space<hbm>> -> memref<8x128xf32, #tpu.memory_space<hbm>>
      %dma_start3A_460 = arith.constant 0 : i32
      %dma_start3A_461 = arith.constant 0 : i32
      %dma_start3A_462 = tpu.memref_slice %arg18[%add3A_453, %dma_start3A_460, %dma_start3A_461] : memref<32x8x128xf32, #tpu.memory_space<vmem>> -> memref<1x8x128xf32, #tpu.memory_space<vmem>>
      %dma_start3A_463 = tpu.memref_squeeze %dma_start3A_462 : memref<1x8x128xf32, #tpu.memory_space<vmem>> -> memref<8x128xf32, #tpu.memory_space<vmem>>
      %dma_start3A_464 = tpu.memref_slice %arg3[%arg1, %multiple_of3A_444, %multiple_of3A_451] : memref<16x80x20000xf32, #tpu.memory_space<hbm>> -> memref<1x8x128xf32, #tpu.memory_space<hbm>>
      %dma_start3A_465 = tpu.memref_squeeze %dma_start3A_464 : memref<1x8x128xf32, #tpu.memory_space<hbm>> -> memref<8x128xf32, #tpu.memory_space<hbm>>
      tpu.enqueue_dma source(%dma_start3A_465 : memref<8x128xf32, #tpu.memory_space<hbm>>) target(%dma_start3A_463 : memref<8x128xf32, #tpu.memory_space<vmem>>) target_semaphore(%arg22 : memref<!tpu.dma_semaphore, #tpu.memory_space<semaphore_mem>>)
      %slice3A_466 = vector.extract_strided_slice %select_n3A_106 {offsets = [13], sizes = [1], strides = [1]} : vector<16xi32> to vector<1xi32>
      %squeeze3A_467 = vector.extract %slice3A_466[0] : i32 from vector<1xi32>
      %shift_right_logical3A_468 = arith.constant 3 : i32
      %shift_right_logical3A_469 = arith.shrui %squeeze3A_467, %shift_right_logical3A_468 : i32
      %shift_left3A_470 = arith.constant 3 : i32
      %shift_left3A_471 = arith.shli %shift_right_logical3A_469, %shift_left3A_470 : i32
      %multiple_of3A_472 = tpu.assume_multiple %shift_left3A_471, 8 : i32
      %slice3A_473 = vector.extract_strided_slice %select_n3A_103 {offsets = [13], sizes = [1], strides = [1]} : vector<16xi32> to vector<1xi32>
      %squeeze3A_474 = vector.extract %slice3A_473[0] : i32 from vector<1xi32>
      %shift_right_logical3A_475 = arith.constant 7 : i32
      %shift_right_logical3A_476 = arith.shrui %squeeze3A_474, %shift_right_logical3A_475 : i32
      %shift_left3A_477 = arith.constant 7 : i32
      %shift_left3A_478 = arith.shli %shift_right_logical3A_476, %shift_left3A_477 : i32
      %multiple_of3A_479 = tpu.assume_multiple %shift_left3A_478, 128 : i32
      %add3A_480 = arith.constant 13 : i32
      %add3A_481 = arith.addi %mul3A_88, %add3A_480 : i32
      %dma_start3A_482 = arith.constant 0 : i32
      %dma_start3A_483 = arith.constant 0 : i32
      %dma_start3A_484 = tpu.memref_slice %arg18[%add3A_481, %dma_start3A_482, %dma_start3A_483] : memref<32x8x128xf32, #tpu.memory_space<vmem>> -> memref<1x8x128xf32, #tpu.memory_space<vmem>>
      %dma_start3A_485 = tpu.memref_squeeze %dma_start3A_484 : memref<1x8x128xf32, #tpu.memory_space<vmem>> -> memref<8x128xf32, #tpu.memory_space<vmem>>
      %dma_start3A_486 = tpu.memref_slice %arg3[%arg1, %multiple_of3A_472, %multiple_of3A_479] : memref<16x80x20000xf32, #tpu.memory_space<hbm>> -> memref<1x8x128xf32, #tpu.memory_space<hbm>>
      %dma_start3A_487 = tpu.memref_squeeze %dma_start3A_486 : memref<1x8x128xf32, #tpu.memory_space<hbm>> -> memref<8x128xf32, #tpu.memory_space<hbm>>
      %dma_start3A_488 = arith.constant 0 : i32
      %dma_start3A_489 = arith.constant 0 : i32
      %dma_start3A_490 = tpu.memref_slice %arg18[%add3A_481, %dma_start3A_488, %dma_start3A_489] : memref<32x8x128xf32, #tpu.memory_space<vmem>> -> memref<1x8x128xf32, #tpu.memory_space<vmem>>
      %dma_start3A_491 = tpu.memref_squeeze %dma_start3A_490 : memref<1x8x128xf32, #tpu.memory_space<vmem>> -> memref<8x128xf32, #tpu.memory_space<vmem>>
      %dma_start3A_492 = tpu.memref_slice %arg3[%arg1, %multiple_of3A_472, %multiple_of3A_479] : memref<16x80x20000xf32, #tpu.memory_space<hbm>> -> memref<1x8x128xf32, #tpu.memory_space<hbm>>
      %dma_start3A_493 = tpu.memref_squeeze %dma_start3A_492 : memref<1x8x128xf32, #tpu.memory_space<hbm>> -> memref<8x128xf32, #tpu.memory_space<hbm>>
      tpu.enqueue_dma source(%dma_start3A_493 : memref<8x128xf32, #tpu.memory_space<hbm>>) target(%dma_start3A_491 : memref<8x128xf32, #tpu.memory_space<vmem>>) target_semaphore(%arg22 : memref<!tpu.dma_semaphore, #tpu.memory_space<semaphore_mem>>)
      %slice3A_494 = vector.extract_strided_slice %select_n3A_106 {offsets = [14], sizes = [1], strides = [1]} : vector<16xi32> to vector<1xi32>
      %squeeze3A_495 = vector.extract %slice3A_494[0] : i32 from vector<1xi32>
      %shift_right_logical3A_496 = arith.constant 3 : i32
      %shift_right_logical3A_497 = arith.shrui %squeeze3A_495, %shift_right_logical3A_496 : i32
      %shift_left3A_498 = arith.constant 3 : i32
      %shift_left3A_499 = arith.shli %shift_right_logical3A_497, %shift_left3A_498 : i32
      %multiple_of3A_500 = tpu.assume_multiple %shift_left3A_499, 8 : i32
      %slice3A_501 = vector.extract_strided_slice %select_n3A_103 {offsets = [14], sizes = [1], strides = [1]} : vector<16xi32> to vector<1xi32>
      %squeeze3A_502 = vector.extract %slice3A_501[0] : i32 from vector<1xi32>
      %shift_right_logical3A_503 = arith.constant 7 : i32
      %shift_right_logical3A_504 = arith.shrui %squeeze3A_502, %shift_right_logical3A_503 : i32
      %shift_left3A_505 = arith.constant 7 : i32
      %shift_left3A_506 = arith.shli %shift_right_logical3A_504, %shift_left3A_505 : i32
      %multiple_of3A_507 = tpu.assume_multiple %shift_left3A_506, 128 : i32
      %add3A_508 = arith.constant 14 : i32
      %add3A_509 = arith.addi %mul3A_88, %add3A_508 : i32
      %dma_start3A_510 = arith.constant 0 : i32
      %dma_start3A_511 = arith.constant 0 : i32
      %dma_start3A_512 = tpu.memref_slice %arg18[%add3A_509, %dma_start3A_510, %dma_start3A_511] : memref<32x8x128xf32, #tpu.memory_space<vmem>> -> memref<1x8x128xf32, #tpu.memory_space<vmem>>
      %dma_start3A_513 = tpu.memref_squeeze %dma_start3A_512 : memref<1x8x128xf32, #tpu.memory_space<vmem>> -> memref<8x128xf32, #tpu.memory_space<vmem>>
      %dma_start3A_514 = tpu.memref_slice %arg3[%arg1, %multiple_of3A_500, %multiple_of3A_507] : memref<16x80x20000xf32, #tpu.memory_space<hbm>> -> memref<1x8x128xf32, #tpu.memory_space<hbm>>
      %dma_start3A_515 = tpu.memref_squeeze %dma_start3A_514 : memref<1x8x128xf32, #tpu.memory_space<hbm>> -> memref<8x128xf32, #tpu.memory_space<hbm>>
      %dma_start3A_516 = arith.constant 0 : i32
      %dma_start3A_517 = arith.constant 0 : i32
      %dma_start3A_518 = tpu.memref_slice %arg18[%add3A_509, %dma_start3A_516, %dma_start3A_517] : memref<32x8x128xf32, #tpu.memory_space<vmem>> -> memref<1x8x128xf32, #tpu.memory_space<vmem>>
      %dma_start3A_519 = tpu.memref_squeeze %dma_start3A_518 : memref<1x8x128xf32, #tpu.memory_space<vmem>> -> memref<8x128xf32, #tpu.memory_space<vmem>>
      %dma_start3A_520 = tpu.memref_slice %arg3[%arg1, %multiple_of3A_500, %multiple_of3A_507] : memref<16x80x20000xf32, #tpu.memory_space<hbm>> -> memref<1x8x128xf32, #tpu.memory_space<hbm>>
      %dma_start3A_521 = tpu.memref_squeeze %dma_start3A_520 : memref<1x8x128xf32, #tpu.memory_space<hbm>> -> memref<8x128xf32, #tpu.memory_space<hbm>>
      tpu.enqueue_dma source(%dma_start3A_521 : memref<8x128xf32, #tpu.memory_space<hbm>>) target(%dma_start3A_519 : memref<8x128xf32, #tpu.memory_space<vmem>>) target_semaphore(%arg22 : memref<!tpu.dma_semaphore, #tpu.memory_space<semaphore_mem>>)
      %slice3A_522 = vector.extract_strided_slice %select_n3A_106 {offsets = [15], sizes = [1], strides = [1]} : vector<16xi32> to vector<1xi32>
      %squeeze3A_523 = vector.extract %slice3A_522[0] : i32 from vector<1xi32>
      %shift_right_logical3A_524 = arith.constant 3 : i32
      %shift_right_logical3A_525 = arith.shrui %squeeze3A_523, %shift_right_logical3A_524 : i32
      %shift_left3A_526 = arith.constant 3 : i32
      %shift_left3A_527 = arith.shli %shift_right_logical3A_525, %shift_left3A_526 : i32
      %multiple_of3A_528 = tpu.assume_multiple %shift_left3A_527, 8 : i32
      %slice3A_529 = vector.extract_strided_slice %select_n3A_103 {offsets = [15], sizes = [1], strides = [1]} : vector<16xi32> to vector<1xi32>
      %squeeze3A_530 = vector.extract %slice3A_529[0] : i32 from vector<1xi32>
      %shift_right_logical3A_531 = arith.constant 7 : i32
      %shift_right_logical3A_532 = arith.shrui %squeeze3A_530, %shift_right_logical3A_531 : i32
      %shift_left3A_533 = arith.constant 7 : i32
      %shift_left3A_534 = arith.shli %shift_right_logical3A_532, %shift_left3A_533 : i32
      %multiple_of3A_535 = tpu.assume_multiple %shift_left3A_534, 128 : i32
      %add3A_536 = arith.constant 15 : i32
      %add3A_537 = arith.addi %mul3A_88, %add3A_536 : i32
      %dma_start3A_538 = arith.constant 0 : i32
      %dma_start3A_539 = arith.constant 0 : i32
      %dma_start3A_540 = tpu.memref_slice %arg18[%add3A_537, %dma_start3A_538, %dma_start3A_539] : memref<32x8x128xf32, #tpu.memory_space<vmem>> -> memref<1x8x128xf32, #tpu.memory_space<vmem>>
      %dma_start3A_541 = tpu.memref_squeeze %dma_start3A_540 : memref<1x8x128xf32, #tpu.memory_space<vmem>> -> memref<8x128xf32, #tpu.memory_space<vmem>>
      %dma_start3A_542 = tpu.memref_slice %arg3[%arg1, %multiple_of3A_528, %multiple_of3A_535] : memref<16x80x20000xf32, #tpu.memory_space<hbm>> -> memref<1x8x128xf32, #tpu.memory_space<hbm>>
      %dma_start3A_543 = tpu.memref_squeeze %dma_start3A_542 : memref<1x8x128xf32, #tpu.memory_space<hbm>> -> memref<8x128xf32, #tpu.memory_space<hbm>>
      %dma_start3A_544 = arith.constant 0 : i32
      %dma_start3A_545 = arith.constant 0 : i32
      %dma_start3A_546 = tpu.memref_slice %arg18[%add3A_537, %dma_start3A_544, %dma_start3A_545] : memref<32x8x128xf32, #tpu.memory_space<vmem>> -> memref<1x8x128xf32, #tpu.memory_space<vmem>>
      %dma_start3A_547 = tpu.memref_squeeze %dma_start3A_546 : memref<1x8x128xf32, #tpu.memory_space<vmem>> -> memref<8x128xf32, #tpu.memory_space<vmem>>
      %dma_start3A_548 = tpu.memref_slice %arg3[%arg1, %multiple_of3A_528, %multiple_of3A_535] : memref<16x80x20000xf32, #tpu.memory_space<hbm>> -> memref<1x8x128xf32, #tpu.memory_space<hbm>>
      %dma_start3A_549 = tpu.memref_squeeze %dma_start3A_548 : memref<1x8x128xf32, #tpu.memory_space<hbm>> -> memref<8x128xf32, #tpu.memory_space<hbm>>
      tpu.enqueue_dma source(%dma_start3A_549 : memref<8x128xf32, #tpu.memory_space<hbm>>) target(%dma_start3A_547 : memref<8x128xf32, #tpu.memory_space<vmem>>) target_semaphore(%arg22 : memref<!tpu.dma_semaphore, #tpu.memory_space<semaphore_mem>>)
      %gt3A_550 = arith.constant 0 : i32
      %gt3A_551 = arith.cmpi sgt, %while3A_84, %gt3A_550 : i32
      %convert_element_type3A_552 = arith.extui %gt3A_551 : i1 to i32
      %cond3A_553 = arith.constant 0 : i32
      %cond3A_554 = arith.cmpi ne, %convert_element_type3A_552, %cond3A_553 : i32
      scf.if %cond3A_554 {
        %add3A_555 = arith.addi %select_n3A_52, %while3A_84 : i32
        %sub3A_556 = arith.constant 1 : i32
        %sub3A_557 = arith.subi %add3A_555, %sub3A_556 : i32
        %sub3A_558 = arith.constant 1 : i32
        %sub3A_559 = arith.subi %while3A_84, %sub3A_558 : i32
        %and3A_560 = arith.constant 1 : i32
        %and3A_561 = arith.andi %sub3A_559, %and3A_560 : i32
        %mul3A_562 = arith.constant 16 : i32
        %mul3A_563 = arith.muli %and3A_561, %mul3A_562 : i32
        %mul3A_564 = arith.constant 16 : i32
        %mul3A_565 = arith.muli %sub3A_557, %mul3A_564 : i32
        %add3A_566 = vector.broadcast %mul3A_565 : i32 to vector<16xi32>
        %add3A_567 = arith.addi %iota3A, %add3A_566 : vector<16xi32>
        %lt3A_568 = arith.cmpi slt, %add3A_567, %min3A_9 : vector<16xi32>
        %jit3A_569 = arith.constant 0 : i32
        %broadcast_in_dim3A_570 = vector.broadcast %jit3A_569 : i32 to vector<16xi32>
        %select_n3A_571 = arith.select %lt3A_568, %add3A_567, %broadcast_in_dim3A_570 : vector<16xi1>, vector<16xi32>
        %gather3A_572 = tpu.vector_load_idx %arg15[%select_n3A_571] : memref<8032xi32, #tpu.memory_space<vmem>>[vector<16xi32>], vector<16xi32>,
        %jit3A_573 = arith.constant 0 : i32
        %broadcast_in_dim3A_574 = vector.broadcast %jit3A_573 : i32 to vector<16xi32>
        %select_n3A_575 = arith.select %lt3A_568, %gather3A_572, %broadcast_in_dim3A_574 : vector<16xi1>, vector<16xi32>
        %gather3A_576 = tpu.vector_load_idx %arg13[%select_n3A_575] : memref<8000xi32, #tpu.memory_space<vmem>>[vector<16xi32>], vector<16xi32>,
        %gather3A_577 = tpu.vector_load_idx %arg14[%select_n3A_575] : memref<8000xi32, #tpu.memory_space<vmem>>[vector<16xi32>], vector<16xi32>,
        %jit3A_578 = arith.constant 0 : i32
        %broadcast_in_dim3A_579 = vector.broadcast %jit3A_578 : i32 to vector<16xi32>
        %select_n3A_580 = arith.select %lt3A_568, %gather3A_576, %broadcast_in_dim3A_579 : vector<16xi1>, vector<16xi32>
        %jit3A_581 = arith.constant 0 : i32
        %broadcast_in_dim3A_582 = vector.broadcast %jit3A_581 : i32 to vector<16xi32>
        %select_n3A_583 = arith.select %lt3A_568, %gather3A_577, %broadcast_in_dim3A_582 : vector<16xi1>, vector<16xi32>
        %add3A_584 = arith.constant 0 : i32
        %add3A_585 = arith.addi %mul3A_563, %add3A_584 : i32
        %dma_wait3A = arith.constant 0 : i32
        %dma_wait3A_586 = arith.constant 0 : i32
        %dma_wait3A_587 = arith.constant 0 : i32
        %dma_wait3A_588 = tpu.memref_slice %arg18[%add3A_585, %dma_wait3A_586, %dma_wait3A_587] : memref<32x8x128xf32, #tpu.memory_space<vmem>> -> memref<1x8x128xf32, #tpu.memory_space<vmem>>
        %dma_wait3A_589 = tpu.memref_squeeze %dma_wait3A_588 : memref<1x8x128xf32, #tpu.memory_space<vmem>> -> memref<8x128xf32, #tpu.memory_space<vmem>>
        %dma_wait3A_590 = arith.constant 0 : i32
        %dma_wait3A_591 = arith.constant 0 : i32
        %dma_wait3A_592 = tpu.memref_slice %arg3[%dma_wait3A, %dma_wait3A_590, %dma_wait3A_591] : memref<16x80x20000xf32, #tpu.memory_space<hbm>> -> memref<1x8x128xf32, #tpu.memory_space<hbm>>
        %dma_wait3A_593 = tpu.memref_squeeze %dma_wait3A_592 : memref<1x8x128xf32, #tpu.memory_space<hbm>> -> memref<8x128xf32, #tpu.memory_space<hbm>>
        %dma_wait3A_594 = arith.constant 0 : i32
        %dma_wait3A_595 = arith.constant 0 : i32
        %dma_wait3A_596 = tpu.memref_slice %arg18[%add3A_585, %dma_wait3A_594, %dma_wait3A_595] : memref<32x8x128xf32, #tpu.memory_space<vmem>> -> memref<1x8x128xf32, #tpu.memory_space<vmem>>
        %dma_wait3A_597 = tpu.memref_squeeze %dma_wait3A_596 : memref<1x8x128xf32, #tpu.memory_space<vmem>> -> memref<8x128xf32, #tpu.memory_space<vmem>>
        %dma_wait3A_598 = arith.constant 0 : i32
        %dma_wait3A_599 = arith.constant 0 : i32
        %dma_wait3A_600 = tpu.memref_slice %arg3[%dma_wait3A, %dma_wait3A_598, %dma_wait3A_599] : memref<16x80x20000xf32, #tpu.memory_space<hbm>> -> memref<1x8x128xf32, #tpu.memory_space<hbm>>
        %dma_wait3A_601 = tpu.memref_squeeze %dma_wait3A_600 : memref<1x8x128xf32, #tpu.memory_space<hbm>> -> memref<8x128xf32, #tpu.memory_space<hbm>>
        tpu.wait_dma2 semaphore(%arg22 : memref<!tpu.dma_semaphore, #tpu.memory_space<semaphore_mem>>) src(%dma_wait3A_601 : memref<8x128xf32, #tpu.memory_space<hbm>>) dst(%dma_wait3A_597 : memref<8x128xf32, #tpu.memory_space<vmem>>)
        %add3A_602 = arith.constant 1 : i32
        %add3A_603 = arith.addi %mul3A_563, %add3A_602 : i32
        %dma_wait3A_604 = arith.constant 0 : i32
        %dma_wait3A_605 = arith.constant 0 : i32
        %dma_wait3A_606 = arith.constant 0 : i32
        %dma_wait3A_607 = tpu.memref_slice %arg18[%add3A_603, %dma_wait3A_605, %dma_wait3A_606] : memref<32x8x128xf32, #tpu.memory_space<vmem>> -> memref<1x8x128xf32, #tpu.memory_space<vmem>>
        %dma_wait3A_608 = tpu.memref_squeeze %dma_wait3A_607 : memref<1x8x128xf32, #tpu.memory_space<vmem>> -> memref<8x128xf32, #tpu.memory_space<vmem>>
        %dma_wait3A_609 = arith.constant 0 : i32
        %dma_wait3A_610 = arith.constant 0 : i32
        %dma_wait3A_611 = tpu.memref_slice %arg3[%dma_wait3A_604, %dma_wait3A_609, %dma_wait3A_610] : memref<16x80x20000xf32, #tpu.memory_space<hbm>> -> memref<1x8x128xf32, #tpu.memory_space<hbm>>
        %dma_wait3A_612 = tpu.memref_squeeze %dma_wait3A_611 : memref<1x8x128xf32, #tpu.memory_space<hbm>> -> memref<8x128xf32, #tpu.memory_space<hbm>>
        %dma_wait3A_613 = arith.constant 0 : i32
        %dma_wait3A_614 = arith.constant 0 : i32
        %dma_wait3A_615 = tpu.memref_slice %arg18[%add3A_603, %dma_wait3A_613, %dma_wait3A_614] : memref<32x8x128xf32, #tpu.memory_space<vmem>> -> memref<1x8x128xf32, #tpu.memory_space<vmem>>
        %dma_wait3A_616 = tpu.memref_squeeze %dma_wait3A_615 : memref<1x8x128xf32, #tpu.memory_space<vmem>> -> memref<8x128xf32, #tpu.memory_space<vmem>>
        %dma_wait3A_617 = arith.constant 0 : i32
        %dma_wait3A_618 = arith.constant 0 : i32
        %dma_wait3A_619 = tpu.memref_slice %arg3[%dma_wait3A_604, %dma_wait3A_617, %dma_wait3A_618] : memref<16x80x20000xf32, #tpu.memory_space<hbm>> -> memref<1x8x128xf32, #tpu.memory_space<hbm>>
        %dma_wait3A_620 = tpu.memref_squeeze %dma_wait3A_619 : memref<1x8x128xf32, #tpu.memory_space<hbm>> -> memref<8x128xf32, #tpu.memory_space<hbm>>
        tpu.wait_dma2 semaphore(%arg22 : memref<!tpu.dma_semaphore, #tpu.memory_space<semaphore_mem>>) src(%dma_wait3A_620 : memref<8x128xf32, #tpu.memory_space<hbm>>) dst(%dma_wait3A_616 : memref<8x128xf32, #tpu.memory_space<vmem>>)
        %add3A_621 = arith.constant 2 : i32
        %add3A_622 = arith.addi %mul3A_563, %add3A_621 : i32
        %dma_wait3A_623 = arith.constant 0 : i32
        %dma_wait3A_624 = arith.constant 0 : i32
        %dma_wait3A_625 = arith.constant 0 : i32
        %dma_wait3A_626 = tpu.memref_slice %arg18[%add3A_622, %dma_wait3A_624, %dma_wait3A_625] : memref<32x8x128xf32, #tpu.memory_space<vmem>> -> memref<1x8x128xf32, #tpu.memory_space<vmem>>
        %dma_wait3A_627 = tpu.memref_squeeze %dma_wait3A_626 : memref<1x8x128xf32, #tpu.memory_space<vmem>> -> memref<8x128xf32, #tpu.memory_space<vmem>>
        %dma_wait3A_628 = arith.constant 0 : i32
        %dma_wait3A_629 = arith.constant 0 : i32
        %dma_wait3A_630 = tpu.memref_slice %arg3[%dma_wait3A_623, %dma_wait3A_628, %dma_wait3A_629] : memref<16x80x20000xf32, #tpu.memory_space<hbm>> -> memref<1x8x128xf32, #tpu.memory_space<hbm>>
        %dma_wait3A_631 = tpu.memref_squeeze %dma_wait3A_630 : memref<1x8x128xf32, #tpu.memory_space<hbm>> -> memref<8x128xf32, #tpu.memory_space<hbm>>
        %dma_wait3A_632 = arith.constant 0 : i32
        %dma_wait3A_633 = arith.constant 0 : i32
        %dma_wait3A_634 = tpu.memref_slice %arg18[%add3A_622, %dma_wait3A_632, %dma_wait3A_633] : memref<32x8x128xf32, #tpu.memory_space<vmem>> -> memref<1x8x128xf32, #tpu.memory_space<vmem>>
        %dma_wait3A_635 = tpu.memref_squeeze %dma_wait3A_634 : memref<1x8x128xf32, #tpu.memory_space<vmem>> -> memref<8x128xf32, #tpu.memory_space<vmem>>
        %dma_wait3A_636 = arith.constant 0 : i32
        %dma_wait3A_637 = arith.constant 0 : i32
        %dma_wait3A_638 = tpu.memref_slice %arg3[%dma_wait3A_623, %dma_wait3A_636, %dma_wait3A_637] : memref<16x80x20000xf32, #tpu.memory_space<hbm>> -> memref<1x8x128xf32, #tpu.memory_space<hbm>>
        %dma_wait3A_639 = tpu.memref_squeeze %dma_wait3A_638 : memref<1x8x128xf32, #tpu.memory_space<hbm>> -> memref<8x128xf32, #tpu.memory_space<hbm>>
        tpu.wait_dma2 semaphore(%arg22 : memref<!tpu.dma_semaphore, #tpu.memory_space<semaphore_mem>>) src(%dma_wait3A_639 : memref<8x128xf32, #tpu.memory_space<hbm>>) dst(%dma_wait3A_635 : memref<8x128xf32, #tpu.memory_space<vmem>>)
        %add3A_640 = arith.constant 3 : i32
        %add3A_641 = arith.addi %mul3A_563, %add3A_640 : i32
        %dma_wait3A_642 = arith.constant 0 : i32
        %dma_wait3A_643 = arith.constant 0 : i32
        %dma_wait3A_644 = arith.constant 0 : i32
        %dma_wait3A_645 = tpu.memref_slice %arg18[%add3A_641, %dma_wait3A_643, %dma_wait3A_644] : memref<32x8x128xf32, #tpu.memory_space<vmem>> -> memref<1x8x128xf32, #tpu.memory_space<vmem>>
        %dma_wait3A_646 = tpu.memref_squeeze %dma_wait3A_645 : memref<1x8x128xf32, #tpu.memory_space<vmem>> -> memref<8x128xf32, #tpu.memory_space<vmem>>
        %dma_wait3A_647 = arith.constant 0 : i32
        %dma_wait3A_648 = arith.constant 0 : i32
        %dma_wait3A_649 = tpu.memref_slice %arg3[%dma_wait3A_642, %dma_wait3A_647, %dma_wait3A_648] : memref<16x80x20000xf32, #tpu.memory_space<hbm>> -> memref<1x8x128xf32, #tpu.memory_space<hbm>>
        %dma_wait3A_650 = tpu.memref_squeeze %dma_wait3A_649 : memref<1x8x128xf32, #tpu.memory_space<hbm>> -> memref<8x128xf32, #tpu.memory_space<hbm>>
        %dma_wait3A_651 = arith.constant 0 : i32
        %dma_wait3A_652 = arith.constant 0 : i32
        %dma_wait3A_653 = tpu.memref_slice %arg18[%add3A_641, %dma_wait3A_651, %dma_wait3A_652] : memref<32x8x128xf32, #tpu.memory_space<vmem>> -> memref<1x8x128xf32, #tpu.memory_space<vmem>>
        %dma_wait3A_654 = tpu.memref_squeeze %dma_wait3A_653 : memref<1x8x128xf32, #tpu.memory_space<vmem>> -> memref<8x128xf32, #tpu.memory_space<vmem>>
        %dma_wait3A_655 = arith.constant 0 : i32
        %dma_wait3A_656 = arith.constant 0 : i32
        %dma_wait3A_657 = tpu.memref_slice %arg3[%dma_wait3A_642, %dma_wait3A_655, %dma_wait3A_656] : memref<16x80x20000xf32, #tpu.memory_space<hbm>> -> memref<1x8x128xf32, #tpu.memory_space<hbm>>
        %dma_wait3A_658 = tpu.memref_squeeze %dma_wait3A_657 : memref<1x8x128xf32, #tpu.memory_space<hbm>> -> memref<8x128xf32, #tpu.memory_space<hbm>>
        tpu.wait_dma2 semaphore(%arg22 : memref<!tpu.dma_semaphore, #tpu.memory_space<semaphore_mem>>) src(%dma_wait3A_658 : memref<8x128xf32, #tpu.memory_space<hbm>>) dst(%dma_wait3A_654 : memref<8x128xf32, #tpu.memory_space<vmem>>)
        %add3A_659 = arith.constant 4 : i32
        %add3A_660 = arith.addi %mul3A_563, %add3A_659 : i32
        %dma_wait3A_661 = arith.constant 0 : i32
        %dma_wait3A_662 = arith.constant 0 : i32
        %dma_wait3A_663 = arith.constant 0 : i32
        %dma_wait3A_664 = tpu.memref_slice %arg18[%add3A_660, %dma_wait3A_662, %dma_wait3A_663] : memref<32x8x128xf32, #tpu.memory_space<vmem>> -> memref<1x8x128xf32, #tpu.memory_space<vmem>>
        %dma_wait3A_665 = tpu.memref_squeeze %dma_wait3A_664 : memref<1x8x128xf32, #tpu.memory_space<vmem>> -> memref<8x128xf32, #tpu.memory_space<vmem>>
        %dma_wait3A_666 = arith.constant 0 : i32
        %dma_wait3A_667 = arith.constant 0 : i32
        %dma_wait3A_668 = tpu.memref_slice %arg3[%dma_wait3A_661, %dma_wait3A_666, %dma_wait3A_667] : memref<16x80x20000xf32, #tpu.memory_space<hbm>> -> memref<1x8x128xf32, #tpu.memory_space<hbm>>
        %dma_wait3A_669 = tpu.memref_squeeze %dma_wait3A_668 : memref<1x8x128xf32, #tpu.memory_space<hbm>> -> memref<8x128xf32, #tpu.memory_space<hbm>>
        %dma_wait3A_670 = arith.constant 0 : i32
        %dma_wait3A_671 = arith.constant 0 : i32
        %dma_wait3A_672 = tpu.memref_slice %arg18[%add3A_660, %dma_wait3A_670, %dma_wait3A_671] : memref<32x8x128xf32, #tpu.memory_space<vmem>> -> memref<1x8x128xf32, #tpu.memory_space<vmem>>
        %dma_wait3A_673 = tpu.memref_squeeze %dma_wait3A_672 : memref<1x8x128xf32, #tpu.memory_space<vmem>> -> memref<8x128xf32, #tpu.memory_space<vmem>>
        %dma_wait3A_674 = arith.constant 0 : i32
        %dma_wait3A_675 = arith.constant 0 : i32
        %dma_wait3A_676 = tpu.memref_slice %arg3[%dma_wait3A_661, %dma_wait3A_674, %dma_wait3A_675] : memref<16x80x20000xf32, #tpu.memory_space<hbm>> -> memref<1x8x128xf32, #tpu.memory_space<hbm>>
        %dma_wait3A_677 = tpu.memref_squeeze %dma_wait3A_676 : memref<1x8x128xf32, #tpu.memory_space<hbm>> -> memref<8x128xf32, #tpu.memory_space<hbm>>
        tpu.wait_dma2 semaphore(%arg22 : memref<!tpu.dma_semaphore, #tpu.memory_space<semaphore_mem>>) src(%dma_wait3A_677 : memref<8x128xf32, #tpu.memory_space<hbm>>) dst(%dma_wait3A_673 : memref<8x128xf32, #tpu.memory_space<vmem>>)
        %add3A_678 = arith.constant 5 : i32
        %add3A_679 = arith.addi %mul3A_563, %add3A_678 : i32
        %dma_wait3A_680 = arith.constant 0 : i32
        %dma_wait3A_681 = arith.constant 0 : i32
        %dma_wait3A_682 = arith.constant 0 : i32
        %dma_wait3A_683 = tpu.memref_slice %arg18[%add3A_679, %dma_wait3A_681, %dma_wait3A_682] : memref<32x8x128xf32, #tpu.memory_space<vmem>> -> memref<1x8x128xf32, #tpu.memory_space<vmem>>
        %dma_wait3A_684 = tpu.memref_squeeze %dma_wait3A_683 : memref<1x8x128xf32, #tpu.memory_space<vmem>> -> memref<8x128xf32, #tpu.memory_space<vmem>>
        %dma_wait3A_685 = arith.constant 0 : i32
        %dma_wait3A_686 = arith.constant 0 : i32
        %dma_wait3A_687 = tpu.memref_slice %arg3[%dma_wait3A_680, %dma_wait3A_685, %dma_wait3A_686] : memref<16x80x20000xf32, #tpu.memory_space<hbm>> -> memref<1x8x128xf32, #tpu.memory_space<hbm>>
        %dma_wait3A_688 = tpu.memref_squeeze %dma_wait3A_687 : memref<1x8x128xf32, #tpu.memory_space<hbm>> -> memref<8x128xf32, #tpu.memory_space<hbm>>
        %dma_wait3A_689 = arith.constant 0 : i32
        %dma_wait3A_690 = arith.constant 0 : i32
        %dma_wait3A_691 = tpu.memref_slice %arg18[%add3A_679, %dma_wait3A_689, %dma_wait3A_690] : memref<32x8x128xf32, #tpu.memory_space<vmem>> -> memref<1x8x128xf32, #tpu.memory_space<vmem>>
        %dma_wait3A_692 = tpu.memref_squeeze %dma_wait3A_691 : memref<1x8x128xf32, #tpu.memory_space<vmem>> -> memref<8x128xf32, #tpu.memory_space<vmem>>
        %dma_wait3A_693 = arith.constant 0 : i32
        %dma_wait3A_694 = arith.constant 0 : i32
        %dma_wait3A_695 = tpu.memref_slice %arg3[%dma_wait3A_680, %dma_wait3A_693, %dma_wait3A_694] : memref<16x80x20000xf32, #tpu.memory_space<hbm>> -> memref<1x8x128xf32, #tpu.memory_space<hbm>>
        %dma_wait3A_696 = tpu.memref_squeeze %dma_wait3A_695 : memref<1x8x128xf32, #tpu.memory_space<hbm>> -> memref<8x128xf32, #tpu.memory_space<hbm>>
        tpu.wait_dma2 semaphore(%arg22 : memref<!tpu.dma_semaphore, #tpu.memory_space<semaphore_mem>>) src(%dma_wait3A_696 : memref<8x128xf32, #tpu.memory_space<hbm>>) dst(%dma_wait3A_692 : memref<8x128xf32, #tpu.memory_space<vmem>>)
        %add3A_697 = arith.constant 6 : i32
        %add3A_698 = arith.addi %mul3A_563, %add3A_697 : i32
        %dma_wait3A_699 = arith.constant 0 : i32
        %dma_wait3A_700 = arith.constant 0 : i32
        %dma_wait3A_701 = arith.constant 0 : i32
        %dma_wait3A_702 = tpu.memref_slice %arg18[%add3A_698, %dma_wait3A_700, %dma_wait3A_701] : memref<32x8x128xf32, #tpu.memory_space<vmem>> -> memref<1x8x128xf32, #tpu.memory_space<vmem>>
        %dma_wait3A_703 = tpu.memref_squeeze %dma_wait3A_702 : memref<1x8x128xf32, #tpu.memory_space<vmem>> -> memref<8x128xf32, #tpu.memory_space<vmem>>
        %dma_wait3A_704 = arith.constant 0 : i32
        %dma_wait3A_705 = arith.constant 0 : i32
        %dma_wait3A_706 = tpu.memref_slice %arg3[%dma_wait3A_699, %dma_wait3A_704, %dma_wait3A_705] : memref<16x80x20000xf32, #tpu.memory_space<hbm>> -> memref<1x8x128xf32, #tpu.memory_space<hbm>>
        %dma_wait3A_707 = tpu.memref_squeeze %dma_wait3A_706 : memref<1x8x128xf32, #tpu.memory_space<hbm>> -> memref<8x128xf32, #tpu.memory_space<hbm>>
        %dma_wait3A_708 = arith.constant 0 : i32
        %dma_wait3A_709 = arith.constant 0 : i32
        %dma_wait3A_710 = tpu.memref_slice %arg18[%add3A_698, %dma_wait3A_708, %dma_wait3A_709] : memref<32x8x128xf32, #tpu.memory_space<vmem>> -> memref<1x8x128xf32, #tpu.memory_space<vmem>>
        %dma_wait3A_711 = tpu.memref_squeeze %dma_wait3A_710 : memref<1x8x128xf32, #tpu.memory_space<vmem>> -> memref<8x128xf32, #tpu.memory_space<vmem>>
        %dma_wait3A_712 = arith.constant 0 : i32
        %dma_wait3A_713 = arith.constant 0 : i32
        %dma_wait3A_714 = tpu.memref_slice %arg3[%dma_wait3A_699, %dma_wait3A_712, %dma_wait3A_713] : memref<16x80x20000xf32, #tpu.memory_space<hbm>> -> memref<1x8x128xf32, #tpu.memory_space<hbm>>
        %dma_wait3A_715 = tpu.memref_squeeze %dma_wait3A_714 : memref<1x8x128xf32, #tpu.memory_space<hbm>> -> memref<8x128xf32, #tpu.memory_space<hbm>>
        tpu.wait_dma2 semaphore(%arg22 : memref<!tpu.dma_semaphore, #tpu.memory_space<semaphore_mem>>) src(%dma_wait3A_715 : memref<8x128xf32, #tpu.memory_space<hbm>>) dst(%dma_wait3A_711 : memref<8x128xf32, #tpu.memory_space<vmem>>)
        %add3A_716 = arith.constant 7 : i32
        %add3A_717 = arith.addi %mul3A_563, %add3A_716 : i32
        %dma_wait3A_718 = arith.constant 0 : i32
        %dma_wait3A_719 = arith.constant 0 : i32
        %dma_wait3A_720 = arith.constant 0 : i32
        %dma_wait3A_721 = tpu.memref_slice %arg18[%add3A_717, %dma_wait3A_719, %dma_wait3A_720] : memref<32x8x128xf32, #tpu.memory_space<vmem>> -> memref<1x8x128xf32, #tpu.memory_space<vmem>>
        %dma_wait3A_722 = tpu.memref_squeeze %dma_wait3A_721 : memref<1x8x128xf32, #tpu.memory_space<vmem>> -> memref<8x128xf32, #tpu.memory_space<vmem>>
        %dma_wait3A_723 = arith.constant 0 : i32
        %dma_wait3A_724 = arith.constant 0 : i32
        %dma_wait3A_725 = tpu.memref_slice %arg3[%dma_wait3A_718, %dma_wait3A_723, %dma_wait3A_724] : memref<16x80x20000xf32, #tpu.memory_space<hbm>> -> memref<1x8x128xf32, #tpu.memory_space<hbm>>
        %dma_wait3A_726 = tpu.memref_squeeze %dma_wait3A_725 : memref<1x8x128xf32, #tpu.memory_space<hbm>> -> memref<8x128xf32, #tpu.memory_space<hbm>>
        %dma_wait3A_727 = arith.constant 0 : i32
        %dma_wait3A_728 = arith.constant 0 : i32
        %dma_wait3A_729 = tpu.memref_slice %arg18[%add3A_717, %dma_wait3A_727, %dma_wait3A_728] : memref<32x8x128xf32, #tpu.memory_space<vmem>> -> memref<1x8x128xf32, #tpu.memory_space<vmem>>
        %dma_wait3A_730 = tpu.memref_squeeze %dma_wait3A_729 : memref<1x8x128xf32, #tpu.memory_space<vmem>> -> memref<8x128xf32, #tpu.memory_space<vmem>>
        %dma_wait3A_731 = arith.constant 0 : i32
        %dma_wait3A_732 = arith.constant 0 : i32
        %dma_wait3A_733 = tpu.memref_slice %arg3[%dma_wait3A_718, %dma_wait3A_731, %dma_wait3A_732] : memref<16x80x20000xf32, #tpu.memory_space<hbm>> -> memref<1x8x128xf32, #tpu.memory_space<hbm>>
        %dma_wait3A_734 = tpu.memref_squeeze %dma_wait3A_733 : memref<1x8x128xf32, #tpu.memory_space<hbm>> -> memref<8x128xf32, #tpu.memory_space<hbm>>
        tpu.wait_dma2 semaphore(%arg22 : memref<!tpu.dma_semaphore, #tpu.memory_space<semaphore_mem>>) src(%dma_wait3A_734 : memref<8x128xf32, #tpu.memory_space<hbm>>) dst(%dma_wait3A_730 : memref<8x128xf32, #tpu.memory_space<vmem>>)
        %add3A_735 = arith.constant 8 : i32
        %add3A_736 = arith.addi %mul3A_563, %add3A_735 : i32
        %dma_wait3A_737 = arith.constant 0 : i32
        %dma_wait3A_738 = arith.constant 0 : i32
        %dma_wait3A_739 = arith.constant 0 : i32
        %dma_wait3A_740 = tpu.memref_slice %arg18[%add3A_736, %dma_wait3A_738, %dma_wait3A_739] : memref<32x8x128xf32, #tpu.memory_space<vmem>> -> memref<1x8x128xf32, #tpu.memory_space<vmem>>
        %dma_wait3A_741 = tpu.memref_squeeze %dma_wait3A_740 : memref<1x8x128xf32, #tpu.memory_space<vmem>> -> memref<8x128xf32, #tpu.memory_space<vmem>>
        %dma_wait3A_742 = arith.constant 0 : i32
        %dma_wait3A_743 = arith.constant 0 : i32
        %dma_wait3A_744 = tpu.memref_slice %arg3[%dma_wait3A_737, %dma_wait3A_742, %dma_wait3A_743] : memref<16x80x20000xf32, #tpu.memory_space<hbm>> -> memref<1x8x128xf32, #tpu.memory_space<hbm>>
        %dma_wait3A_745 = tpu.memref_squeeze %dma_wait3A_744 : memref<1x8x128xf32, #tpu.memory_space<hbm>> -> memref<8x128xf32, #tpu.memory_space<hbm>>
        %dma_wait3A_746 = arith.constant 0 : i32
        %dma_wait3A_747 = arith.constant 0 : i32
        %dma_wait3A_748 = tpu.memref_slice %arg18[%add3A_736, %dma_wait3A_746, %dma_wait3A_747] : memref<32x8x128xf32, #tpu.memory_space<vmem>> -> memref<1x8x128xf32, #tpu.memory_space<vmem>>
        %dma_wait3A_749 = tpu.memref_squeeze %dma_wait3A_748 : memref<1x8x128xf32, #tpu.memory_space<vmem>> -> memref<8x128xf32, #tpu.memory_space<vmem>>
        %dma_wait3A_750 = arith.constant 0 : i32
        %dma_wait3A_751 = arith.constant 0 : i32
        %dma_wait3A_752 = tpu.memref_slice %arg3[%dma_wait3A_737, %dma_wait3A_750, %dma_wait3A_751] : memref<16x80x20000xf32, #tpu.memory_space<hbm>> -> memref<1x8x128xf32, #tpu.memory_space<hbm>>
        %dma_wait3A_753 = tpu.memref_squeeze %dma_wait3A_752 : memref<1x8x128xf32, #tpu.memory_space<hbm>> -> memref<8x128xf32, #tpu.memory_space<hbm>>
        tpu.wait_dma2 semaphore(%arg22 : memref<!tpu.dma_semaphore, #tpu.memory_space<semaphore_mem>>) src(%dma_wait3A_753 : memref<8x128xf32, #tpu.memory_space<hbm>>) dst(%dma_wait3A_749 : memref<8x128xf32, #tpu.memory_space<vmem>>)
        %add3A_754 = arith.constant 9 : i32
        %add3A_755 = arith.addi %mul3A_563, %add3A_754 : i32
        %dma_wait3A_756 = arith.constant 0 : i32
        %dma_wait3A_757 = arith.constant 0 : i32
        %dma_wait3A_758 = arith.constant 0 : i32
        %dma_wait3A_759 = tpu.memref_slice %arg18[%add3A_755, %dma_wait3A_757, %dma_wait3A_758] : memref<32x8x128xf32, #tpu.memory_space<vmem>> -> memref<1x8x128xf32, #tpu.memory_space<vmem>>
        %dma_wait3A_760 = tpu.memref_squeeze %dma_wait3A_759 : memref<1x8x128xf32, #tpu.memory_space<vmem>> -> memref<8x128xf32, #tpu.memory_space<vmem>>
        %dma_wait3A_761 = arith.constant 0 : i32
        %dma_wait3A_762 = arith.constant 0 : i32
        %dma_wait3A_763 = tpu.memref_slice %arg3[%dma_wait3A_756, %dma_wait3A_761, %dma_wait3A_762] : memref<16x80x20000xf32, #tpu.memory_space<hbm>> -> memref<1x8x128xf32, #tpu.memory_space<hbm>>
        %dma_wait3A_764 = tpu.memref_squeeze %dma_wait3A_763 : memref<1x8x128xf32, #tpu.memory_space<hbm>> -> memref<8x128xf32, #tpu.memory_space<hbm>>
        %dma_wait3A_765 = arith.constant 0 : i32
        %dma_wait3A_766 = arith.constant 0 : i32
        %dma_wait3A_767 = tpu.memref_slice %arg18[%add3A_755, %dma_wait3A_765, %dma_wait3A_766] : memref<32x8x128xf32, #tpu.memory_space<vmem>> -> memref<1x8x128xf32, #tpu.memory_space<vmem>>
        %dma_wait3A_768 = tpu.memref_squeeze %dma_wait3A_767 : memref<1x8x128xf32, #tpu.memory_space<vmem>> -> memref<8x128xf32, #tpu.memory_space<vmem>>
        %dma_wait3A_769 = arith.constant 0 : i32
        %dma_wait3A_770 = arith.constant 0 : i32
        %dma_wait3A_771 = tpu.memref_slice %arg3[%dma_wait3A_756, %dma_wait3A_769, %dma_wait3A_770] : memref<16x80x20000xf32, #tpu.memory_space<hbm>> -> memref<1x8x128xf32, #tpu.memory_space<hbm>>
        %dma_wait3A_772 = tpu.memref_squeeze %dma_wait3A_771 : memref<1x8x128xf32, #tpu.memory_space<hbm>> -> memref<8x128xf32, #tpu.memory_space<hbm>>
        tpu.wait_dma2 semaphore(%arg22 : memref<!tpu.dma_semaphore, #tpu.memory_space<semaphore_mem>>) src(%dma_wait3A_772 : memref<8x128xf32, #tpu.memory_space<hbm>>) dst(%dma_wait3A_768 : memref<8x128xf32, #tpu.memory_space<vmem>>)
        %add3A_773 = arith.constant 10 : i32
        %add3A_774 = arith.addi %mul3A_563, %add3A_773 : i32
        %dma_wait3A_775 = arith.constant 0 : i32
        %dma_wait3A_776 = arith.constant 0 : i32
        %dma_wait3A_777 = arith.constant 0 : i32
        %dma_wait3A_778 = tpu.memref_slice %arg18[%add3A_774, %dma_wait3A_776, %dma_wait3A_777] : memref<32x8x128xf32, #tpu.memory_space<vmem>> -> memref<1x8x128xf32, #tpu.memory_space<vmem>>
        %dma_wait3A_779 = tpu.memref_squeeze %dma_wait3A_778 : memref<1x8x128xf32, #tpu.memory_space<vmem>> -> memref<8x128xf32, #tpu.memory_space<vmem>>
        %dma_wait3A_780 = arith.constant 0 : i32
        %dma_wait3A_781 = arith.constant 0 : i32
        %dma_wait3A_782 = tpu.memref_slice %arg3[%dma_wait3A_775, %dma_wait3A_780, %dma_wait3A_781] : memref<16x80x20000xf32, #tpu.memory_space<hbm>> -> memref<1x8x128xf32, #tpu.memory_space<hbm>>
        %dma_wait3A_783 = tpu.memref_squeeze %dma_wait3A_782 : memref<1x8x128xf32, #tpu.memory_space<hbm>> -> memref<8x128xf32, #tpu.memory_space<hbm>>
        %dma_wait3A_784 = arith.constant 0 : i32
        %dma_wait3A_785 = arith.constant 0 : i32
        %dma_wait3A_786 = tpu.memref_slice %arg18[%add3A_774, %dma_wait3A_784, %dma_wait3A_785] : memref<32x8x128xf32, #tpu.memory_space<vmem>> -> memref<1x8x128xf32, #tpu.memory_space<vmem>>
        %dma_wait3A_787 = tpu.memref_squeeze %dma_wait3A_786 : memref<1x8x128xf32, #tpu.memory_space<vmem>> -> memref<8x128xf32, #tpu.memory_space<vmem>>
        %dma_wait3A_788 = arith.constant 0 : i32
        %dma_wait3A_789 = arith.constant 0 : i32
        %dma_wait3A_790 = tpu.memref_slice %arg3[%dma_wait3A_775, %dma_wait3A_788, %dma_wait3A_789] : memref<16x80x20000xf32, #tpu.memory_space<hbm>> -> memref<1x8x128xf32, #tpu.memory_space<hbm>>
        %dma_wait3A_791 = tpu.memref_squeeze %dma_wait3A_790 : memref<1x8x128xf32, #tpu.memory_space<hbm>> -> memref<8x128xf32, #tpu.memory_space<hbm>>
        tpu.wait_dma2 semaphore(%arg22 : memref<!tpu.dma_semaphore, #tpu.memory_space<semaphore_mem>>) src(%dma_wait3A_791 : memref<8x128xf32, #tpu.memory_space<hbm>>) dst(%dma_wait3A_787 : memref<8x128xf32, #tpu.memory_space<vmem>>)
        %add3A_792 = arith.constant 11 : i32
        %add3A_793 = arith.addi %mul3A_563, %add3A_792 : i32
        %dma_wait3A_794 = arith.constant 0 : i32
        %dma_wait3A_795 = arith.constant 0 : i32
        %dma_wait3A_796 = arith.constant 0 : i32
        %dma_wait3A_797 = tpu.memref_slice %arg18[%add3A_793, %dma_wait3A_795, %dma_wait3A_796] : memref<32x8x128xf32, #tpu.memory_space<vmem>> -> memref<1x8x128xf32, #tpu.memory_space<vmem>>
        %dma_wait3A_798 = tpu.memref_squeeze %dma_wait3A_797 : memref<1x8x128xf32, #tpu.memory_space<vmem>> -> memref<8x128xf32, #tpu.memory_space<vmem>>
        %dma_wait3A_799 = arith.constant 0 : i32
        %dma_wait3A_800 = arith.constant 0 : i32
        %dma_wait3A_801 = tpu.memref_slice %arg3[%dma_wait3A_794, %dma_wait3A_799, %dma_wait3A_800] : memref<16x80x20000xf32, #tpu.memory_space<hbm>> -> memref<1x8x128xf32, #tpu.memory_space<hbm>>
        %dma_wait3A_802 = tpu.memref_squeeze %dma_wait3A_801 : memref<1x8x128xf32, #tpu.memory_space<hbm>> -> memref<8x128xf32, #tpu.memory_space<hbm>>
        %dma_wait3A_803 = arith.constant 0 : i32
        %dma_wait3A_804 = arith.constant 0 : i32
        %dma_wait3A_805 = tpu.memref_slice %arg18[%add3A_793, %dma_wait3A_803, %dma_wait3A_804] : memref<32x8x128xf32, #tpu.memory_space<vmem>> -> memref<1x8x128xf32, #tpu.memory_space<vmem>>
        %dma_wait3A_806 = tpu.memref_squeeze %dma_wait3A_805 : memref<1x8x128xf32, #tpu.memory_space<vmem>> -> memref<8x128xf32, #tpu.memory_space<vmem>>
        %dma_wait3A_807 = arith.constant 0 : i32
        %dma_wait3A_808 = arith.constant 0 : i32
        %dma_wait3A_809 = tpu.memref_slice %arg3[%dma_wait3A_794, %dma_wait3A_807, %dma_wait3A_808] : memref<16x80x20000xf32, #tpu.memory_space<hbm>> -> memref<1x8x128xf32, #tpu.memory_space<hbm>>
        %dma_wait3A_810 = tpu.memref_squeeze %dma_wait3A_809 : memref<1x8x128xf32, #tpu.memory_space<hbm>> -> memref<8x128xf32, #tpu.memory_space<hbm>>
        tpu.wait_dma2 semaphore(%arg22 : memref<!tpu.dma_semaphore, #tpu.memory_space<semaphore_mem>>) src(%dma_wait3A_810 : memref<8x128xf32, #tpu.memory_space<hbm>>) dst(%dma_wait3A_806 : memref<8x128xf32, #tpu.memory_space<vmem>>)
        %add3A_811 = arith.constant 12 : i32
        %add3A_812 = arith.addi %mul3A_563, %add3A_811 : i32
        %dma_wait3A_813 = arith.constant 0 : i32
        %dma_wait3A_814 = arith.constant 0 : i32
        %dma_wait3A_815 = arith.constant 0 : i32
        %dma_wait3A_816 = tpu.memref_slice %arg18[%add3A_812, %dma_wait3A_814, %dma_wait3A_815] : memref<32x8x128xf32, #tpu.memory_space<vmem>> -> memref<1x8x128xf32, #tpu.memory_space<vmem>>
        %dma_wait3A_817 = tpu.memref_squeeze %dma_wait3A_816 : memref<1x8x128xf32, #tpu.memory_space<vmem>> -> memref<8x128xf32, #tpu.memory_space<vmem>>
        %dma_wait3A_818 = arith.constant 0 : i32
        %dma_wait3A_819 = arith.constant 0 : i32
        %dma_wait3A_820 = tpu.memref_slice %arg3[%dma_wait3A_813, %dma_wait3A_818, %dma_wait3A_819] : memref<16x80x20000xf32, #tpu.memory_space<hbm>> -> memref<1x8x128xf32, #tpu.memory_space<hbm>>
        %dma_wait3A_821 = tpu.memref_squeeze %dma_wait3A_820 : memref<1x8x128xf32, #tpu.memory_space<hbm>> -> memref<8x128xf32, #tpu.memory_space<hbm>>
        %dma_wait3A_822 = arith.constant 0 : i32
        %dma_wait3A_823 = arith.constant 0 : i32
        %dma_wait3A_824 = tpu.memref_slice %arg18[%add3A_812, %dma_wait3A_822, %dma_wait3A_823] : memref<32x8x128xf32, #tpu.memory_space<vmem>> -> memref<1x8x128xf32, #tpu.memory_space<vmem>>
        %dma_wait3A_825 = tpu.memref_squeeze %dma_wait3A_824 : memref<1x8x128xf32, #tpu.memory_space<vmem>> -> memref<8x128xf32, #tpu.memory_space<vmem>>
        %dma_wait3A_826 = arith.constant 0 : i32
        %dma_wait3A_827 = arith.constant 0 : i32
        %dma_wait3A_828 = tpu.memref_slice %arg3[%dma_wait3A_813, %dma_wait3A_826, %dma_wait3A_827] : memref<16x80x20000xf32, #tpu.memory_space<hbm>> -> memref<1x8x128xf32, #tpu.memory_space<hbm>>
        %dma_wait3A_829 = tpu.memref_squeeze %dma_wait3A_828 : memref<1x8x128xf32, #tpu.memory_space<hbm>> -> memref<8x128xf32, #tpu.memory_space<hbm>>
        tpu.wait_dma2 semaphore(%arg22 : memref<!tpu.dma_semaphore, #tpu.memory_space<semaphore_mem>>) src(%dma_wait3A_829 : memref<8x128xf32, #tpu.memory_space<hbm>>) dst(%dma_wait3A_825 : memref<8x128xf32, #tpu.memory_space<vmem>>)
        %add3A_830 = arith.constant 13 : i32
        %add3A_831 = arith.addi %mul3A_563, %add3A_830 : i32
        %dma_wait3A_832 = arith.constant 0 : i32
        %dma_wait3A_833 = arith.constant 0 : i32
        %dma_wait3A_834 = arith.constant 0 : i32
        %dma_wait3A_835 = tpu.memref_slice %arg18[%add3A_831, %dma_wait3A_833, %dma_wait3A_834] : memref<32x8x128xf32, #tpu.memory_space<vmem>> -> memref<1x8x128xf32, #tpu.memory_space<vmem>>
        %dma_wait3A_836 = tpu.memref_squeeze %dma_wait3A_835 : memref<1x8x128xf32, #tpu.memory_space<vmem>> -> memref<8x128xf32, #tpu.memory_space<vmem>>
        %dma_wait3A_837 = arith.constant 0 : i32
        %dma_wait3A_838 = arith.constant 0 : i32
        %dma_wait3A_839 = tpu.memref_slice %arg3[%dma_wait3A_832, %dma_wait3A_837, %dma_wait3A_838] : memref<16x80x20000xf32, #tpu.memory_space<hbm>> -> memref<1x8x128xf32, #tpu.memory_space<hbm>>
        %dma_wait3A_840 = tpu.memref_squeeze %dma_wait3A_839 : memref<1x8x128xf32, #tpu.memory_space<hbm>> -> memref<8x128xf32, #tpu.memory_space<hbm>>
        %dma_wait3A_841 = arith.constant 0 : i32
        %dma_wait3A_842 = arith.constant 0 : i32
        %dma_wait3A_843 = tpu.memref_slice %arg18[%add3A_831, %dma_wait3A_841, %dma_wait3A_842] : memref<32x8x128xf32, #tpu.memory_space<vmem>> -> memref<1x8x128xf32, #tpu.memory_space<vmem>>
        %dma_wait3A_844 = tpu.memref_squeeze %dma_wait3A_843 : memref<1x8x128xf32, #tpu.memory_space<vmem>> -> memref<8x128xf32, #tpu.memory_space<vmem>>
        %dma_wait3A_845 = arith.constant 0 : i32
        %dma_wait3A_846 = arith.constant 0 : i32
        %dma_wait3A_847 = tpu.memref_slice %arg3[%dma_wait3A_832, %dma_wait3A_845, %dma_wait3A_846] : memref<16x80x20000xf32, #tpu.memory_space<hbm>> -> memref<1x8x128xf32, #tpu.memory_space<hbm>>
        %dma_wait3A_848 = tpu.memref_squeeze %dma_wait3A_847 : memref<1x8x128xf32, #tpu.memory_space<hbm>> -> memref<8x128xf32, #tpu.memory_space<hbm>>
        tpu.wait_dma2 semaphore(%arg22 : memref<!tpu.dma_semaphore, #tpu.memory_space<semaphore_mem>>) src(%dma_wait3A_848 : memref<8x128xf32, #tpu.memory_space<hbm>>) dst(%dma_wait3A_844 : memref<8x128xf32, #tpu.memory_space<vmem>>)
        %add3A_849 = arith.constant 14 : i32
        %add3A_850 = arith.addi %mul3A_563, %add3A_849 : i32
        %dma_wait3A_851 = arith.constant 0 : i32
        %dma_wait3A_852 = arith.constant 0 : i32
        %dma_wait3A_853 = arith.constant 0 : i32
        %dma_wait3A_854 = tpu.memref_slice %arg18[%add3A_850, %dma_wait3A_852, %dma_wait3A_853] : memref<32x8x128xf32, #tpu.memory_space<vmem>> -> memref<1x8x128xf32, #tpu.memory_space<vmem>>
        %dma_wait3A_855 = tpu.memref_squeeze %dma_wait3A_854 : memref<1x8x128xf32, #tpu.memory_space<vmem>> -> memref<8x128xf32, #tpu.memory_space<vmem>>
        %dma_wait3A_856 = arith.constant 0 : i32
        %dma_wait3A_857 = arith.constant 0 : i32
        %dma_wait3A_858 = tpu.memref_slice %arg3[%dma_wait3A_851, %dma_wait3A_856, %dma_wait3A_857] : memref<16x80x20000xf32, #tpu.memory_space<hbm>> -> memref<1x8x128xf32, #tpu.memory_space<hbm>>
        %dma_wait3A_859 = tpu.memref_squeeze %dma_wait3A_858 : memref<1x8x128xf32, #tpu.memory_space<hbm>> -> memref<8x128xf32, #tpu.memory_space<hbm>>
        %dma_wait3A_860 = arith.constant 0 : i32
        %dma_wait3A_861 = arith.constant 0 : i32
        %dma_wait3A_862 = tpu.memref_slice %arg18[%add3A_850, %dma_wait3A_860, %dma_wait3A_861] : memref<32x8x128xf32, #tpu.memory_space<vmem>> -> memref<1x8x128xf32, #tpu.memory_space<vmem>>
        %dma_wait3A_863 = tpu.memref_squeeze %dma_wait3A_862 : memref<1x8x128xf32, #tpu.memory_space<vmem>> -> memref<8x128xf32, #tpu.memory_space<vmem>>
        %dma_wait3A_864 = arith.constant 0 : i32
        %dma_wait3A_865 = arith.constant 0 : i32
        %dma_wait3A_866 = tpu.memref_slice %arg3[%dma_wait3A_851, %dma_wait3A_864, %dma_wait3A_865] : memref<16x80x20000xf32, #tpu.memory_space<hbm>> -> memref<1x8x128xf32, #tpu.memory_space<hbm>>
        %dma_wait3A_867 = tpu.memref_squeeze %dma_wait3A_866 : memref<1x8x128xf32, #tpu.memory_space<hbm>> -> memref<8x128xf32, #tpu.memory_space<hbm>>
        tpu.wait_dma2 semaphore(%arg22 : memref<!tpu.dma_semaphore, #tpu.memory_space<semaphore_mem>>) src(%dma_wait3A_867 : memref<8x128xf32, #tpu.memory_space<hbm>>) dst(%dma_wait3A_863 : memref<8x128xf32, #tpu.memory_space<vmem>>)
        %add3A_868 = arith.constant 15 : i32
        %add3A_869 = arith.addi %mul3A_563, %add3A_868 : i32
        %dma_wait3A_870 = arith.constant 0 : i32
        %dma_wait3A_871 = arith.constant 0 : i32
        %dma_wait3A_872 = arith.constant 0 : i32
        %dma_wait3A_873 = tpu.memref_slice %arg18[%add3A_869, %dma_wait3A_871, %dma_wait3A_872] : memref<32x8x128xf32, #tpu.memory_space<vmem>> -> memref<1x8x128xf32, #tpu.memory_space<vmem>>
        %dma_wait3A_874 = tpu.memref_squeeze %dma_wait3A_873 : memref<1x8x128xf32, #tpu.memory_space<vmem>> -> memref<8x128xf32, #tpu.memory_space<vmem>>
        %dma_wait3A_875 = arith.constant 0 : i32
        %dma_wait3A_876 = arith.constant 0 : i32
        %dma_wait3A_877 = tpu.memref_slice %arg3[%dma_wait3A_870, %dma_wait3A_875, %dma_wait3A_876] : memref<16x80x20000xf32, #tpu.memory_space<hbm>> -> memref<1x8x128xf32, #tpu.memory_space<hbm>>
        %dma_wait3A_878 = tpu.memref_squeeze %dma_wait3A_877 : memref<1x8x128xf32, #tpu.memory_space<hbm>> -> memref<8x128xf32, #tpu.memory_space<hbm>>
        %dma_wait3A_879 = arith.constant 0 : i32
        %dma_wait3A_880 = arith.constant 0 : i32
        %dma_wait3A_881 = tpu.memref_slice %arg18[%add3A_869, %dma_wait3A_879, %dma_wait3A_880] : memref<32x8x128xf32, #tpu.memory_space<vmem>> -> memref<1x8x128xf32, #tpu.memory_space<vmem>>
        %dma_wait3A_882 = tpu.memref_squeeze %dma_wait3A_881 : memref<1x8x128xf32, #tpu.memory_space<vmem>> -> memref<8x128xf32, #tpu.memory_space<vmem>>
        %dma_wait3A_883 = arith.constant 0 : i32
        %dma_wait3A_884 = arith.constant 0 : i32
        %dma_wait3A_885 = tpu.memref_slice %arg3[%dma_wait3A_870, %dma_wait3A_883, %dma_wait3A_884] : memref<16x80x20000xf32, #tpu.memory_space<hbm>> -> memref<1x8x128xf32, #tpu.memory_space<hbm>>
        %dma_wait3A_886 = tpu.memref_squeeze %dma_wait3A_885 : memref<1x8x128xf32, #tpu.memory_space<hbm>> -> memref<8x128xf32, #tpu.memory_space<hbm>>
        tpu.wait_dma2 semaphore(%arg22 : memref<!tpu.dma_semaphore, #tpu.memory_space<semaphore_mem>>) src(%dma_wait3A_886 : memref<8x128xf32, #tpu.memory_space<hbm>>) dst(%dma_wait3A_882 : memref<8x128xf32, #tpu.memory_space<vmem>>)
        %broadcast_in_dim3A_887 = vector.broadcast %mul3A_563 : i32 to vector<16xi32>
        %add3A_888 = arith.addi %broadcast_in_dim3A_887, %iota3A : vector<16xi32>
        %and3A_889 = arith.constant 7 : i32
        %and3A_890 = vector.broadcast %and3A_889 : i32 to vector<16xi32>
        %and3A_891 = arith.andi %select_n3A_583, %and3A_890 : vector<16xi32>
        %and3A_892 = arith.constant 127 : i32
        %and3A_893 = vector.broadcast %and3A_892 : i32 to vector<16xi32>
        %and3A_894 = arith.andi %select_n3A_580, %and3A_893 : vector<16xi32>
        %gather3A_895 = tpu.vector_load_idx %arg18[%add3A_888, %and3A_891, %and3A_894] : memref<32x8x128xf32, #tpu.memory_space<vmem>>[vector<16xi32>, vector<16xi32>, vector<16xi32>], vector<16xf32>,
        %jit3A_896 = arith.constant 0.000000e+00 : f32
        %broadcast_in_dim3A_897 = vector.broadcast %jit3A_896 : f32 to vector<16xf32>
        %select_n3A_898 = arith.select %lt3A_568, %gather3A_895, %broadcast_in_dim3A_897 : vector<16xi1>, vector<16xf32>
        %mul3A_899 = arith.constant 16 : i32
        %mul3A_900 = arith.muli %sub3A_557, %mul3A_899 : i32
        %swap3A_901 = arith.index_cast %mul3A_900 : i32 to index
        %swap3A_902 = tpu.vector_load %arg19[%swap3A_901] {strides = array<i32>} : memref<1008xf32, #tpu.memory_space<vmem>>, vector<16xf32>,
        tpu.vector_store %arg19[%swap3A_901], %select_n3A_898 {strides = array<i32>} : memref<1008xf32, #tpu.memory_space<vmem>>, vector<16xf32>,
      } else {
      }
    }
    %gt3A = arith.constant 0 : i32
    %gt3A_62 = arith.cmpi sgt, %select_n3A_47, %gt3A : i32
    %convert_element_type3A = arith.extui %gt3A_62 : i1 to i32
    %cond3A = arith.constant 0 : i32
    %cond3A_63 = arith.cmpi ne, %convert_element_type3A, %cond3A : i32
    scf.if %cond3A_63 {
      %sub3A_84 = arith.constant 1 : i32
      %sub3A_85 = arith.subi %select_n3A_47, %sub3A_84 : i32
      %add3A_86 = arith.addi %select_n3A_52, %sub3A_85 : i32
      %and3A_87 = arith.constant 1 : i32
      %and3A_88 = arith.andi %sub3A_85, %and3A_87 : i32
      %mul3A = arith.constant 16 : i32
      %mul3A_89 = arith.muli %and3A_88, %mul3A : i32
      %mul3A_90 = arith.constant 16 : i32
      %mul3A_91 = arith.muli %add3A_86, %mul3A_90 : i32
      %add3A_92 = vector.broadcast %mul3A_91 : i32 to vector<16xi32>
      %add3A_93 = arith.addi %iota3A, %add3A_92 : vector<16xi32>
      %lt3A = arith.cmpi slt, %add3A_93, %min3A_9 : vector<16xi32>
      %jit3A_94 = arith.constant 0 : i32
      %broadcast_in_dim3A_95 = vector.broadcast %jit3A_94 : i32 to vector<16xi32>
      %select_n3A_96 = arith.select %lt3A, %add3A_93, %broadcast_in_dim3A_95 : vector<16xi1>, vector<16xi32>
      %gather3A = tpu.vector_load_idx %arg15[%select_n3A_96] : memref<8032xi32, #tpu.memory_space<vmem>>[vector<16xi32>], vector<16xi32>,
      %jit3A_97 = arith.constant 0 : i32
      %broadcast_in_dim3A_98 = vector.broadcast %jit3A_97 : i32 to vector<16xi32>
      %select_n3A_99 = arith.select %lt3A, %gather3A, %broadcast_in_dim3A_98 : vector<16xi1>, vector<16xi32>
      %gather3A_100 = tpu.vector_load_idx %arg13[%select_n3A_99] : memref<8000xi32, #tpu.memory_space<vmem>>[vector<16xi32>], vector<16xi32>,
      %gather3A_101 = tpu.vector_load_idx %arg14[%select_n3A_99] : memref<8000xi32, #tpu.memory_space<vmem>>[vector<16xi32>], vector<16xi32>,
      %jit3A_102 = arith.constant 0 : i32
      %broadcast_in_dim3A_103 = vector.broadcast %jit3A_102 : i32 to vector<16xi32>
      %select_n3A_104 = arith.select %lt3A, %gather3A_100, %broadcast_in_dim3A_103 : vector<16xi1>, vector<16xi32>
      %jit3A_105 = arith.constant 0 : i32
      %broadcast_in_dim3A_106 = vector.broadcast %jit3A_105 : i32 to vector<16xi32>
      %select_n3A_107 = arith.select %lt3A, %gather3A_101, %broadcast_in_dim3A_106 : vector<16xi1>, vector<16xi32>
      %add3A_108 = arith.constant 0 : i32
      %add3A_109 = arith.addi %mul3A_89, %add3A_108 : i32
      %dma_wait3A = arith.constant 0 : i32
      %dma_wait3A_110 = arith.constant 0 : i32
      %dma_wait3A_111 = arith.constant 0 : i32
      %dma_wait3A_112 = tpu.memref_slice %arg18[%add3A_109, %dma_wait3A_110, %dma_wait3A_111] : memref<32x8x128xf32, #tpu.memory_space<vmem>> -> memref<1x8x128xf32, #tpu.memory_space<vmem>>
      %dma_wait3A_113 = tpu.memref_squeeze %dma_wait3A_112 : memref<1x8x128xf32, #tpu.memory_space<vmem>> -> memref<8x128xf32, #tpu.memory_space<vmem>>
      %dma_wait3A_114 = arith.constant 0 : i32
      %dma_wait3A_115 = arith.constant 0 : i32
      %dma_wait3A_116 = tpu.memref_slice %arg3[%dma_wait3A, %dma_wait3A_114, %dma_wait3A_115] : memref<16x80x20000xf32, #tpu.memory_space<hbm>> -> memref<1x8x128xf32, #tpu.memory_space<hbm>>
      %dma_wait3A_117 = tpu.memref_squeeze %dma_wait3A_116 : memref<1x8x128xf32, #tpu.memory_space<hbm>> -> memref<8x128xf32, #tpu.memory_space<hbm>>
      %dma_wait3A_118 = arith.constant 0 : i32
      %dma_wait3A_119 = arith.constant 0 : i32
      %dma_wait3A_120 = tpu.memref_slice %arg18[%add3A_109, %dma_wait3A_118, %dma_wait3A_119] : memref<32x8x128xf32, #tpu.memory_space<vmem>> -> memref<1x8x128xf32, #tpu.memory_space<vmem>>
      %dma_wait3A_121 = tpu.memref_squeeze %dma_wait3A_120 : memref<1x8x128xf32, #tpu.memory_space<vmem>> -> memref<8x128xf32, #tpu.memory_space<vmem>>
      %dma_wait3A_122 = arith.constant 0 : i32
      %dma_wait3A_123 = arith.constant 0 : i32
      %dma_wait3A_124 = tpu.memref_slice %arg3[%dma_wait3A, %dma_wait3A_122, %dma_wait3A_123] : memref<16x80x20000xf32, #tpu.memory_space<hbm>> -> memref<1x8x128xf32, #tpu.memory_space<hbm>>
      %dma_wait3A_125 = tpu.memref_squeeze %dma_wait3A_124 : memref<1x8x128xf32, #tpu.memory_space<hbm>> -> memref<8x128xf32, #tpu.memory_space<hbm>>
      tpu.wait_dma2 semaphore(%arg22 : memref<!tpu.dma_semaphore, #tpu.memory_space<semaphore_mem>>) src(%dma_wait3A_125 : memref<8x128xf32, #tpu.memory_space<hbm>>) dst(%dma_wait3A_121 : memref<8x128xf32, #tpu.memory_space<vmem>>)
      %add3A_126 = arith.constant 1 : i32
      %add3A_127 = arith.addi %mul3A_89, %add3A_126 : i32
      %dma_wait3A_128 = arith.constant 0 : i32
      %dma_wait3A_129 = arith.constant 0 : i32
      %dma_wait3A_130 = arith.constant 0 : i32
      %dma_wait3A_131 = tpu.memref_slice %arg18[%add3A_127, %dma_wait3A_129, %dma_wait3A_130] : memref<32x8x128xf32, #tpu.memory_space<vmem>> -> memref<1x8x128xf32, #tpu.memory_space<vmem>>
      %dma_wait3A_132 = tpu.memref_squeeze %dma_wait3A_131 : memref<1x8x128xf32, #tpu.memory_space<vmem>> -> memref<8x128xf32, #tpu.memory_space<vmem>>
      %dma_wait3A_133 = arith.constant 0 : i32
      %dma_wait3A_134 = arith.constant 0 : i32
      %dma_wait3A_135 = tpu.memref_slice %arg3[%dma_wait3A_128, %dma_wait3A_133, %dma_wait3A_134] : memref<16x80x20000xf32, #tpu.memory_space<hbm>> -> memref<1x8x128xf32, #tpu.memory_space<hbm>>
      %dma_wait3A_136 = tpu.memref_squeeze %dma_wait3A_135 : memref<1x8x128xf32, #tpu.memory_space<hbm>> -> memref<8x128xf32, #tpu.memory_space<hbm>>
      %dma_wait3A_137 = arith.constant 0 : i32
      %dma_wait3A_138 = arith.constant 0 : i32
      %dma_wait3A_139 = tpu.memref_slice %arg18[%add3A_127, %dma_wait3A_137, %dma_wait3A_138] : memref<32x8x128xf32, #tpu.memory_space<vmem>> -> memref<1x8x128xf32, #tpu.memory_space<vmem>>
      %dma_wait3A_140 = tpu.memref_squeeze %dma_wait3A_139 : memref<1x8x128xf32, #tpu.memory_space<vmem>> -> memref<8x128xf32, #tpu.memory_space<vmem>>
      %dma_wait3A_141 = arith.constant 0 : i32
      %dma_wait3A_142 = arith.constant 0 : i32
      %dma_wait3A_143 = tpu.memref_slice %arg3[%dma_wait3A_128, %dma_wait3A_141, %dma_wait3A_142] : memref<16x80x20000xf32, #tpu.memory_space<hbm>> -> memref<1x8x128xf32, #tpu.memory_space<hbm>>
      %dma_wait3A_144 = tpu.memref_squeeze %dma_wait3A_143 : memref<1x8x128xf32, #tpu.memory_space<hbm>> -> memref<8x128xf32, #tpu.memory_space<hbm>>
      tpu.wait_dma2 semaphore(%arg22 : memref<!tpu.dma_semaphore, #tpu.memory_space<semaphore_mem>>) src(%dma_wait3A_144 : memref<8x128xf32, #tpu.memory_space<hbm>>) dst(%dma_wait3A_140 : memref<8x128xf32, #tpu.memory_space<vmem>>)
      %add3A_145 = arith.constant 2 : i32
      %add3A_146 = arith.addi %mul3A_89, %add3A_145 : i32
      %dma_wait3A_147 = arith.constant 0 : i32
      %dma_wait3A_148 = arith.constant 0 : i32
      %dma_wait3A_149 = arith.constant 0 : i32
      %dma_wait3A_150 = tpu.memref_slice %arg18[%add3A_146, %dma_wait3A_148, %dma_wait3A_149] : memref<32x8x128xf32, #tpu.memory_space<vmem>> -> memref<1x8x128xf32, #tpu.memory_space<vmem>>
      %dma_wait3A_151 = tpu.memref_squeeze %dma_wait3A_150 : memref<1x8x128xf32, #tpu.memory_space<vmem>> -> memref<8x128xf32, #tpu.memory_space<vmem>>
      %dma_wait3A_152 = arith.constant 0 : i32
      %dma_wait3A_153 = arith.constant 0 : i32
      %dma_wait3A_154 = tpu.memref_slice %arg3[%dma_wait3A_147, %dma_wait3A_152, %dma_wait3A_153] : memref<16x80x20000xf32, #tpu.memory_space<hbm>> -> memref<1x8x128xf32, #tpu.memory_space<hbm>>
      %dma_wait3A_155 = tpu.memref_squeeze %dma_wait3A_154 : memref<1x8x128xf32, #tpu.memory_space<hbm>> -> memref<8x128xf32, #tpu.memory_space<hbm>>
      %dma_wait3A_156 = arith.constant 0 : i32
      %dma_wait3A_157 = arith.constant 0 : i32
      %dma_wait3A_158 = tpu.memref_slice %arg18[%add3A_146, %dma_wait3A_156, %dma_wait3A_157] : memref<32x8x128xf32, #tpu.memory_space<vmem>> -> memref<1x8x128xf32, #tpu.memory_space<vmem>>
      %dma_wait3A_159 = tpu.memref_squeeze %dma_wait3A_158 : memref<1x8x128xf32, #tpu.memory_space<vmem>> -> memref<8x128xf32, #tpu.memory_space<vmem>>
      %dma_wait3A_160 = arith.constant 0 : i32
      %dma_wait3A_161 = arith.constant 0 : i32
      %dma_wait3A_162 = tpu.memref_slice %arg3[%dma_wait3A_147, %dma_wait3A_160, %dma_wait3A_161] : memref<16x80x20000xf32, #tpu.memory_space<hbm>> -> memref<1x8x128xf32, #tpu.memory_space<hbm>>
      %dma_wait3A_163 = tpu.memref_squeeze %dma_wait3A_162 : memref<1x8x128xf32, #tpu.memory_space<hbm>> -> memref<8x128xf32, #tpu.memory_space<hbm>>
      tpu.wait_dma2 semaphore(%arg22 : memref<!tpu.dma_semaphore, #tpu.memory_space<semaphore_mem>>) src(%dma_wait3A_163 : memref<8x128xf32, #tpu.memory_space<hbm>>) dst(%dma_wait3A_159 : memref<8x128xf32, #tpu.memory_space<vmem>>)
      %add3A_164 = arith.constant 3 : i32
      %add3A_165 = arith.addi %mul3A_89, %add3A_164 : i32
      %dma_wait3A_166 = arith.constant 0 : i32
      %dma_wait3A_167 = arith.constant 0 : i32
      %dma_wait3A_168 = arith.constant 0 : i32
      %dma_wait3A_169 = tpu.memref_slice %arg18[%add3A_165, %dma_wait3A_167, %dma_wait3A_168] : memref<32x8x128xf32, #tpu.memory_space<vmem>> -> memref<1x8x128xf32, #tpu.memory_space<vmem>>
      %dma_wait3A_170 = tpu.memref_squeeze %dma_wait3A_169 : memref<1x8x128xf32, #tpu.memory_space<vmem>> -> memref<8x128xf32, #tpu.memory_space<vmem>>
      %dma_wait3A_171 = arith.constant 0 : i32
      %dma_wait3A_172 = arith.constant 0 : i32
      %dma_wait3A_173 = tpu.memref_slice %arg3[%dma_wait3A_166, %dma_wait3A_171, %dma_wait3A_172] : memref<16x80x20000xf32, #tpu.memory_space<hbm>> -> memref<1x8x128xf32, #tpu.memory_space<hbm>>
      %dma_wait3A_174 = tpu.memref_squeeze %dma_wait3A_173 : memref<1x8x128xf32, #tpu.memory_space<hbm>> -> memref<8x128xf32, #tpu.memory_space<hbm>>
      %dma_wait3A_175 = arith.constant 0 : i32
      %dma_wait3A_176 = arith.constant 0 : i32
      %dma_wait3A_177 = tpu.memref_slice %arg18[%add3A_165, %dma_wait3A_175, %dma_wait3A_176] : memref<32x8x128xf32, #tpu.memory_space<vmem>> -> memref<1x8x128xf32, #tpu.memory_space<vmem>>
      %dma_wait3A_178 = tpu.memref_squeeze %dma_wait3A_177 : memref<1x8x128xf32, #tpu.memory_space<vmem>> -> memref<8x128xf32, #tpu.memory_space<vmem>>
      %dma_wait3A_179 = arith.constant 0 : i32
      %dma_wait3A_180 = arith.constant 0 : i32
      %dma_wait3A_181 = tpu.memref_slice %arg3[%dma_wait3A_166, %dma_wait3A_179, %dma_wait3A_180] : memref<16x80x20000xf32, #tpu.memory_space<hbm>> -> memref<1x8x128xf32, #tpu.memory_space<hbm>>
      %dma_wait3A_182 = tpu.memref_squeeze %dma_wait3A_181 : memref<1x8x128xf32, #tpu.memory_space<hbm>> -> memref<8x128xf32, #tpu.memory_space<hbm>>
      tpu.wait_dma2 semaphore(%arg22 : memref<!tpu.dma_semaphore, #tpu.memory_space<semaphore_mem>>) src(%dma_wait3A_182 : memref<8x128xf32, #tpu.memory_space<hbm>>) dst(%dma_wait3A_178 : memref<8x128xf32, #tpu.memory_space<vmem>>)
      %add3A_183 = arith.constant 4 : i32
      %add3A_184 = arith.addi %mul3A_89, %add3A_183 : i32
      %dma_wait3A_185 = arith.constant 0 : i32
      %dma_wait3A_186 = arith.constant 0 : i32
      %dma_wait3A_187 = arith.constant 0 : i32
      %dma_wait3A_188 = tpu.memref_slice %arg18[%add3A_184, %dma_wait3A_186, %dma_wait3A_187] : memref<32x8x128xf32, #tpu.memory_space<vmem>> -> memref<1x8x128xf32, #tpu.memory_space<vmem>>
      %dma_wait3A_189 = tpu.memref_squeeze %dma_wait3A_188 : memref<1x8x128xf32, #tpu.memory_space<vmem>> -> memref<8x128xf32, #tpu.memory_space<vmem>>
      %dma_wait3A_190 = arith.constant 0 : i32
      %dma_wait3A_191 = arith.constant 0 : i32
      %dma_wait3A_192 = tpu.memref_slice %arg3[%dma_wait3A_185, %dma_wait3A_190, %dma_wait3A_191] : memref<16x80x20000xf32, #tpu.memory_space<hbm>> -> memref<1x8x128xf32, #tpu.memory_space<hbm>>
      %dma_wait3A_193 = tpu.memref_squeeze %dma_wait3A_192 : memref<1x8x128xf32, #tpu.memory_space<hbm>> -> memref<8x128xf32, #tpu.memory_space<hbm>>
      %dma_wait3A_194 = arith.constant 0 : i32
      %dma_wait3A_195 = arith.constant 0 : i32
      %dma_wait3A_196 = tpu.memref_slice %arg18[%add3A_184, %dma_wait3A_194, %dma_wait3A_195] : memref<32x8x128xf32, #tpu.memory_space<vmem>> -> memref<1x8x128xf32, #tpu.memory_space<vmem>>
      %dma_wait3A_197 = tpu.memref_squeeze %dma_wait3A_196 : memref<1x8x128xf32, #tpu.memory_space<vmem>> -> memref<8x128xf32, #tpu.memory_space<vmem>>
      %dma_wait3A_198 = arith.constant 0 : i32
      %dma_wait3A_199 = arith.constant 0 : i32
      %dma_wait3A_200 = tpu.memref_slice %arg3[%dma_wait3A_185, %dma_wait3A_198, %dma_wait3A_199] : memref<16x80x20000xf32, #tpu.memory_space<hbm>> -> memref<1x8x128xf32, #tpu.memory_space<hbm>>
      %dma_wait3A_201 = tpu.memref_squeeze %dma_wait3A_200 : memref<1x8x128xf32, #tpu.memory_space<hbm>> -> memref<8x128xf32, #tpu.memory_space<hbm>>
      tpu.wait_dma2 semaphore(%arg22 : memref<!tpu.dma_semaphore, #tpu.memory_space<semaphore_mem>>) src(%dma_wait3A_201 : memref<8x128xf32, #tpu.memory_space<hbm>>) dst(%dma_wait3A_197 : memref<8x128xf32, #tpu.memory_space<vmem>>)
      %add3A_202 = arith.constant 5 : i32
      %add3A_203 = arith.addi %mul3A_89, %add3A_202 : i32
      %dma_wait3A_204 = arith.constant 0 : i32
      %dma_wait3A_205 = arith.constant 0 : i32
      %dma_wait3A_206 = arith.constant 0 : i32
      %dma_wait3A_207 = tpu.memref_slice %arg18[%add3A_203, %dma_wait3A_205, %dma_wait3A_206] : memref<32x8x128xf32, #tpu.memory_space<vmem>> -> memref<1x8x128xf32, #tpu.memory_space<vmem>>
      %dma_wait3A_208 = tpu.memref_squeeze %dma_wait3A_207 : memref<1x8x128xf32, #tpu.memory_space<vmem>> -> memref<8x128xf32, #tpu.memory_space<vmem>>
      %dma_wait3A_209 = arith.constant 0 : i32
      %dma_wait3A_210 = arith.constant 0 : i32
      %dma_wait3A_211 = tpu.memref_slice %arg3[%dma_wait3A_204, %dma_wait3A_209, %dma_wait3A_210] : memref<16x80x20000xf32, #tpu.memory_space<hbm>> -> memref<1x8x128xf32, #tpu.memory_space<hbm>>
      %dma_wait3A_212 = tpu.memref_squeeze %dma_wait3A_211 : memref<1x8x128xf32, #tpu.memory_space<hbm>> -> memref<8x128xf32, #tpu.memory_space<hbm>>
      %dma_wait3A_213 = arith.constant 0 : i32
      %dma_wait3A_214 = arith.constant 0 : i32
      %dma_wait3A_215 = tpu.memref_slice %arg18[%add3A_203, %dma_wait3A_213, %dma_wait3A_214] : memref<32x8x128xf32, #tpu.memory_space<vmem>> -> memref<1x8x128xf32, #tpu.memory_space<vmem>>
      %dma_wait3A_216 = tpu.memref_squeeze %dma_wait3A_215 : memref<1x8x128xf32, #tpu.memory_space<vmem>> -> memref<8x128xf32, #tpu.memory_space<vmem>>
      %dma_wait3A_217 = arith.constant 0 : i32
      %dma_wait3A_218 = arith.constant 0 : i32
      %dma_wait3A_219 = tpu.memref_slice %arg3[%dma_wait3A_204, %dma_wait3A_217, %dma_wait3A_218] : memref<16x80x20000xf32, #tpu.memory_space<hbm>> -> memref<1x8x128xf32, #tpu.memory_space<hbm>>
      %dma_wait3A_220 = tpu.memref_squeeze %dma_wait3A_219 : memref<1x8x128xf32, #tpu.memory_space<hbm>> -> memref<8x128xf32, #tpu.memory_space<hbm>>
      tpu.wait_dma2 semaphore(%arg22 : memref<!tpu.dma_semaphore, #tpu.memory_space<semaphore_mem>>) src(%dma_wait3A_220 : memref<8x128xf32, #tpu.memory_space<hbm>>) dst(%dma_wait3A_216 : memref<8x128xf32, #tpu.memory_space<vmem>>)
      %add3A_221 = arith.constant 6 : i32
      %add3A_222 = arith.addi %mul3A_89, %add3A_221 : i32
      %dma_wait3A_223 = arith.constant 0 : i32
      %dma_wait3A_224 = arith.constant 0 : i32
      %dma_wait3A_225 = arith.constant 0 : i32
      %dma_wait3A_226 = tpu.memref_slice %arg18[%add3A_222, %dma_wait3A_224, %dma_wait3A_225] : memref<32x8x128xf32, #tpu.memory_space<vmem>> -> memref<1x8x128xf32, #tpu.memory_space<vmem>>
      %dma_wait3A_227 = tpu.memref_squeeze %dma_wait3A_226 : memref<1x8x128xf32, #tpu.memory_space<vmem>> -> memref<8x128xf32, #tpu.memory_space<vmem>>
      %dma_wait3A_228 = arith.constant 0 : i32
      %dma_wait3A_229 = arith.constant 0 : i32
      %dma_wait3A_230 = tpu.memref_slice %arg3[%dma_wait3A_223, %dma_wait3A_228, %dma_wait3A_229] : memref<16x80x20000xf32, #tpu.memory_space<hbm>> -> memref<1x8x128xf32, #tpu.memory_space<hbm>>
      %dma_wait3A_231 = tpu.memref_squeeze %dma_wait3A_230 : memref<1x8x128xf32, #tpu.memory_space<hbm>> -> memref<8x128xf32, #tpu.memory_space<hbm>>
      %dma_wait3A_232 = arith.constant 0 : i32
      %dma_wait3A_233 = arith.constant 0 : i32
      %dma_wait3A_234 = tpu.memref_slice %arg18[%add3A_222, %dma_wait3A_232, %dma_wait3A_233] : memref<32x8x128xf32, #tpu.memory_space<vmem>> -> memref<1x8x128xf32, #tpu.memory_space<vmem>>
      %dma_wait3A_235 = tpu.memref_squeeze %dma_wait3A_234 : memref<1x8x128xf32, #tpu.memory_space<vmem>> -> memref<8x128xf32, #tpu.memory_space<vmem>>
      %dma_wait3A_236 = arith.constant 0 : i32
      %dma_wait3A_237 = arith.constant 0 : i32
      %dma_wait3A_238 = tpu.memref_slice %arg3[%dma_wait3A_223, %dma_wait3A_236, %dma_wait3A_237] : memref<16x80x20000xf32, #tpu.memory_space<hbm>> -> memref<1x8x128xf32, #tpu.memory_space<hbm>>
      %dma_wait3A_239 = tpu.memref_squeeze %dma_wait3A_238 : memref<1x8x128xf32, #tpu.memory_space<hbm>> -> memref<8x128xf32, #tpu.memory_space<hbm>>
      tpu.wait_dma2 semaphore(%arg22 : memref<!tpu.dma_semaphore, #tpu.memory_space<semaphore_mem>>) src(%dma_wait3A_239 : memref<8x128xf32, #tpu.memory_space<hbm>>) dst(%dma_wait3A_235 : memref<8x128xf32, #tpu.memory_space<vmem>>)
      %add3A_240 = arith.constant 7 : i32
      %add3A_241 = arith.addi %mul3A_89, %add3A_240 : i32
      %dma_wait3A_242 = arith.constant 0 : i32
      %dma_wait3A_243 = arith.constant 0 : i32
      %dma_wait3A_244 = arith.constant 0 : i32
      %dma_wait3A_245 = tpu.memref_slice %arg18[%add3A_241, %dma_wait3A_243, %dma_wait3A_244] : memref<32x8x128xf32, #tpu.memory_space<vmem>> -> memref<1x8x128xf32, #tpu.memory_space<vmem>>
      %dma_wait3A_246 = tpu.memref_squeeze %dma_wait3A_245 : memref<1x8x128xf32, #tpu.memory_space<vmem>> -> memref<8x128xf32, #tpu.memory_space<vmem>>
      %dma_wait3A_247 = arith.constant 0 : i32
      %dma_wait3A_248 = arith.constant 0 : i32
      %dma_wait3A_249 = tpu.memref_slice %arg3[%dma_wait3A_242, %dma_wait3A_247, %dma_wait3A_248] : memref<16x80x20000xf32, #tpu.memory_space<hbm>> -> memref<1x8x128xf32, #tpu.memory_space<hbm>>
      %dma_wait3A_250 = tpu.memref_squeeze %dma_wait3A_249 : memref<1x8x128xf32, #tpu.memory_space<hbm>> -> memref<8x128xf32, #tpu.memory_space<hbm>>
      %dma_wait3A_251 = arith.constant 0 : i32
      %dma_wait3A_252 = arith.constant 0 : i32
      %dma_wait3A_253 = tpu.memref_slice %arg18[%add3A_241, %dma_wait3A_251, %dma_wait3A_252] : memref<32x8x128xf32, #tpu.memory_space<vmem>> -> memref<1x8x128xf32, #tpu.memory_space<vmem>>
      %dma_wait3A_254 = tpu.memref_squeeze %dma_wait3A_253 : memref<1x8x128xf32, #tpu.memory_space<vmem>> -> memref<8x128xf32, #tpu.memory_space<vmem>>
      %dma_wait3A_255 = arith.constant 0 : i32
      %dma_wait3A_256 = arith.constant 0 : i32
      %dma_wait3A_257 = tpu.memref_slice %arg3[%dma_wait3A_242, %dma_wait3A_255, %dma_wait3A_256] : memref<16x80x20000xf32, #tpu.memory_space<hbm>> -> memref<1x8x128xf32, #tpu.memory_space<hbm>>
      %dma_wait3A_258 = tpu.memref_squeeze %dma_wait3A_257 : memref<1x8x128xf32, #tpu.memory_space<hbm>> -> memref<8x128xf32, #tpu.memory_space<hbm>>
      tpu.wait_dma2 semaphore(%arg22 : memref<!tpu.dma_semaphore, #tpu.memory_space<semaphore_mem>>) src(%dma_wait3A_258 : memref<8x128xf32, #tpu.memory_space<hbm>>) dst(%dma_wait3A_254 : memref<8x128xf32, #tpu.memory_space<vmem>>)
      %add3A_259 = arith.constant 8 : i32
      %add3A_260 = arith.addi %mul3A_89, %add3A_259 : i32
      %dma_wait3A_261 = arith.constant 0 : i32
      %dma_wait3A_262 = arith.constant 0 : i32
      %dma_wait3A_263 = arith.constant 0 : i32
      %dma_wait3A_264 = tpu.memref_slice %arg18[%add3A_260, %dma_wait3A_262, %dma_wait3A_263] : memref<32x8x128xf32, #tpu.memory_space<vmem>> -> memref<1x8x128xf32, #tpu.memory_space<vmem>>
      %dma_wait3A_265 = tpu.memref_squeeze %dma_wait3A_264 : memref<1x8x128xf32, #tpu.memory_space<vmem>> -> memref<8x128xf32, #tpu.memory_space<vmem>>
      %dma_wait3A_266 = arith.constant 0 : i32
      %dma_wait3A_267 = arith.constant 0 : i32
      %dma_wait3A_268 = tpu.memref_slice %arg3[%dma_wait3A_261, %dma_wait3A_266, %dma_wait3A_267] : memref<16x80x20000xf32, #tpu.memory_space<hbm>> -> memref<1x8x128xf32, #tpu.memory_space<hbm>>
      %dma_wait3A_269 = tpu.memref_squeeze %dma_wait3A_268 : memref<1x8x128xf32, #tpu.memory_space<hbm>> -> memref<8x128xf32, #tpu.memory_space<hbm>>
      %dma_wait3A_270 = arith.constant 0 : i32
      %dma_wait3A_271 = arith.constant 0 : i32
      %dma_wait3A_272 = tpu.memref_slice %arg18[%add3A_260, %dma_wait3A_270, %dma_wait3A_271] : memref<32x8x128xf32, #tpu.memory_space<vmem>> -> memref<1x8x128xf32, #tpu.memory_space<vmem>>
      %dma_wait3A_273 = tpu.memref_squeeze %dma_wait3A_272 : memref<1x8x128xf32, #tpu.memory_space<vmem>> -> memref<8x128xf32, #tpu.memory_space<vmem>>
      %dma_wait3A_274 = arith.constant 0 : i32
      %dma_wait3A_275 = arith.constant 0 : i32
      %dma_wait3A_276 = tpu.memref_slice %arg3[%dma_wait3A_261, %dma_wait3A_274, %dma_wait3A_275] : memref<16x80x20000xf32, #tpu.memory_space<hbm>> -> memref<1x8x128xf32, #tpu.memory_space<hbm>>
      %dma_wait3A_277 = tpu.memref_squeeze %dma_wait3A_276 : memref<1x8x128xf32, #tpu.memory_space<hbm>> -> memref<8x128xf32, #tpu.memory_space<hbm>>
      tpu.wait_dma2 semaphore(%arg22 : memref<!tpu.dma_semaphore, #tpu.memory_space<semaphore_mem>>) src(%dma_wait3A_277 : memref<8x128xf32, #tpu.memory_space<hbm>>) dst(%dma_wait3A_273 : memref<8x128xf32, #tpu.memory_space<vmem>>)
      %add3A_278 = arith.constant 9 : i32
      %add3A_279 = arith.addi %mul3A_89, %add3A_278 : i32
      %dma_wait3A_280 = arith.constant 0 : i32
      %dma_wait3A_281 = arith.constant 0 : i32
      %dma_wait3A_282 = arith.constant 0 : i32
      %dma_wait3A_283 = tpu.memref_slice %arg18[%add3A_279, %dma_wait3A_281, %dma_wait3A_282] : memref<32x8x128xf32, #tpu.memory_space<vmem>> -> memref<1x8x128xf32, #tpu.memory_space<vmem>>
      %dma_wait3A_284 = tpu.memref_squeeze %dma_wait3A_283 : memref<1x8x128xf32, #tpu.memory_space<vmem>> -> memref<8x128xf32, #tpu.memory_space<vmem>>
      %dma_wait3A_285 = arith.constant 0 : i32
      %dma_wait3A_286 = arith.constant 0 : i32
      %dma_wait3A_287 = tpu.memref_slice %arg3[%dma_wait3A_280, %dma_wait3A_285, %dma_wait3A_286] : memref<16x80x20000xf32, #tpu.memory_space<hbm>> -> memref<1x8x128xf32, #tpu.memory_space<hbm>>
      %dma_wait3A_288 = tpu.memref_squeeze %dma_wait3A_287 : memref<1x8x128xf32, #tpu.memory_space<hbm>> -> memref<8x128xf32, #tpu.memory_space<hbm>>
      %dma_wait3A_289 = arith.constant 0 : i32
      %dma_wait3A_290 = arith.constant 0 : i32
      %dma_wait3A_291 = tpu.memref_slice %arg18[%add3A_279, %dma_wait3A_289, %dma_wait3A_290] : memref<32x8x128xf32, #tpu.memory_space<vmem>> -> memref<1x8x128xf32, #tpu.memory_space<vmem>>
      %dma_wait3A_292 = tpu.memref_squeeze %dma_wait3A_291 : memref<1x8x128xf32, #tpu.memory_space<vmem>> -> memref<8x128xf32, #tpu.memory_space<vmem>>
      %dma_wait3A_293 = arith.constant 0 : i32
      %dma_wait3A_294 = arith.constant 0 : i32
      %dma_wait3A_295 = tpu.memref_slice %arg3[%dma_wait3A_280, %dma_wait3A_293, %dma_wait3A_294] : memref<16x80x20000xf32, #tpu.memory_space<hbm>> -> memref<1x8x128xf32, #tpu.memory_space<hbm>>
      %dma_wait3A_296 = tpu.memref_squeeze %dma_wait3A_295 : memref<1x8x128xf32, #tpu.memory_space<hbm>> -> memref<8x128xf32, #tpu.memory_space<hbm>>
      tpu.wait_dma2 semaphore(%arg22 : memref<!tpu.dma_semaphore, #tpu.memory_space<semaphore_mem>>) src(%dma_wait3A_296 : memref<8x128xf32, #tpu.memory_space<hbm>>) dst(%dma_wait3A_292 : memref<8x128xf32, #tpu.memory_space<vmem>>)
      %add3A_297 = arith.constant 10 : i32
      %add3A_298 = arith.addi %mul3A_89, %add3A_297 : i32
      %dma_wait3A_299 = arith.constant 0 : i32
      %dma_wait3A_300 = arith.constant 0 : i32
      %dma_wait3A_301 = arith.constant 0 : i32
      %dma_wait3A_302 = tpu.memref_slice %arg18[%add3A_298, %dma_wait3A_300, %dma_wait3A_301] : memref<32x8x128xf32, #tpu.memory_space<vmem>> -> memref<1x8x128xf32, #tpu.memory_space<vmem>>
      %dma_wait3A_303 = tpu.memref_squeeze %dma_wait3A_302 : memref<1x8x128xf32, #tpu.memory_space<vmem>> -> memref<8x128xf32, #tpu.memory_space<vmem>>
      %dma_wait3A_304 = arith.constant 0 : i32
      %dma_wait3A_305 = arith.constant 0 : i32
      %dma_wait3A_306 = tpu.memref_slice %arg3[%dma_wait3A_299, %dma_wait3A_304, %dma_wait3A_305] : memref<16x80x20000xf32, #tpu.memory_space<hbm>> -> memref<1x8x128xf32, #tpu.memory_space<hbm>>
      %dma_wait3A_307 = tpu.memref_squeeze %dma_wait3A_306 : memref<1x8x128xf32, #tpu.memory_space<hbm>> -> memref<8x128xf32, #tpu.memory_space<hbm>>
      %dma_wait3A_308 = arith.constant 0 : i32
      %dma_wait3A_309 = arith.constant 0 : i32
      %dma_wait3A_310 = tpu.memref_slice %arg18[%add3A_298, %dma_wait3A_308, %dma_wait3A_309] : memref<32x8x128xf32, #tpu.memory_space<vmem>> -> memref<1x8x128xf32, #tpu.memory_space<vmem>>
      %dma_wait3A_311 = tpu.memref_squeeze %dma_wait3A_310 : memref<1x8x128xf32, #tpu.memory_space<vmem>> -> memref<8x128xf32, #tpu.memory_space<vmem>>
      %dma_wait3A_312 = arith.constant 0 : i32
      %dma_wait3A_313 = arith.constant 0 : i32
      %dma_wait3A_314 = tpu.memref_slice %arg3[%dma_wait3A_299, %dma_wait3A_312, %dma_wait3A_313] : memref<16x80x20000xf32, #tpu.memory_space<hbm>> -> memref<1x8x128xf32, #tpu.memory_space<hbm>>
      %dma_wait3A_315 = tpu.memref_squeeze %dma_wait3A_314 : memref<1x8x128xf32, #tpu.memory_space<hbm>> -> memref<8x128xf32, #tpu.memory_space<hbm>>
      tpu.wait_dma2 semaphore(%arg22 : memref<!tpu.dma_semaphore, #tpu.memory_space<semaphore_mem>>) src(%dma_wait3A_315 : memref<8x128xf32, #tpu.memory_space<hbm>>) dst(%dma_wait3A_311 : memref<8x128xf32, #tpu.memory_space<vmem>>)
      %add3A_316 = arith.constant 11 : i32
      %add3A_317 = arith.addi %mul3A_89, %add3A_316 : i32
      %dma_wait3A_318 = arith.constant 0 : i32
      %dma_wait3A_319 = arith.constant 0 : i32
      %dma_wait3A_320 = arith.constant 0 : i32
      %dma_wait3A_321 = tpu.memref_slice %arg18[%add3A_317, %dma_wait3A_319, %dma_wait3A_320] : memref<32x8x128xf32, #tpu.memory_space<vmem>> -> memref<1x8x128xf32, #tpu.memory_space<vmem>>
      %dma_wait3A_322 = tpu.memref_squeeze %dma_wait3A_321 : memref<1x8x128xf32, #tpu.memory_space<vmem>> -> memref<8x128xf32, #tpu.memory_space<vmem>>
      %dma_wait3A_323 = arith.constant 0 : i32
      %dma_wait3A_324 = arith.constant 0 : i32
      %dma_wait3A_325 = tpu.memref_slice %arg3[%dma_wait3A_318, %dma_wait3A_323, %dma_wait3A_324] : memref<16x80x20000xf32, #tpu.memory_space<hbm>> -> memref<1x8x128xf32, #tpu.memory_space<hbm>>
      %dma_wait3A_326 = tpu.memref_squeeze %dma_wait3A_325 : memref<1x8x128xf32, #tpu.memory_space<hbm>> -> memref<8x128xf32, #tpu.memory_space<hbm>>
      %dma_wait3A_327 = arith.constant 0 : i32
      %dma_wait3A_328 = arith.constant 0 : i32
      %dma_wait3A_329 = tpu.memref_slice %arg18[%add3A_317, %dma_wait3A_327, %dma_wait3A_328] : memref<32x8x128xf32, #tpu.memory_space<vmem>> -> memref<1x8x128xf32, #tpu.memory_space<vmem>>
      %dma_wait3A_330 = tpu.memref_squeeze %dma_wait3A_329 : memref<1x8x128xf32, #tpu.memory_space<vmem>> -> memref<8x128xf32, #tpu.memory_space<vmem>>
      %dma_wait3A_331 = arith.constant 0 : i32
      %dma_wait3A_332 = arith.constant 0 : i32
      %dma_wait3A_333 = tpu.memref_slice %arg3[%dma_wait3A_318, %dma_wait3A_331, %dma_wait3A_332] : memref<16x80x20000xf32, #tpu.memory_space<hbm>> -> memref<1x8x128xf32, #tpu.memory_space<hbm>>
      %dma_wait3A_334 = tpu.memref_squeeze %dma_wait3A_333 : memref<1x8x128xf32, #tpu.memory_space<hbm>> -> memref<8x128xf32, #tpu.memory_space<hbm>>
      tpu.wait_dma2 semaphore(%arg22 : memref<!tpu.dma_semaphore, #tpu.memory_space<semaphore_mem>>) src(%dma_wait3A_334 : memref<8x128xf32, #tpu.memory_space<hbm>>) dst(%dma_wait3A_330 : memref<8x128xf32, #tpu.memory_space<vmem>>)
      %add3A_335 = arith.constant 12 : i32
      %add3A_336 = arith.addi %mul3A_89, %add3A_335 : i32
      %dma_wait3A_337 = arith.constant 0 : i32
      %dma_wait3A_338 = arith.constant 0 : i32
      %dma_wait3A_339 = arith.constant 0 : i32
      %dma_wait3A_340 = tpu.memref_slice %arg18[%add3A_336, %dma_wait3A_338, %dma_wait3A_339] : memref<32x8x128xf32, #tpu.memory_space<vmem>> -> memref<1x8x128xf32, #tpu.memory_space<vmem>>
      %dma_wait3A_341 = tpu.memref_squeeze %dma_wait3A_340 : memref<1x8x128xf32, #tpu.memory_space<vmem>> -> memref<8x128xf32, #tpu.memory_space<vmem>>
      %dma_wait3A_342 = arith.constant 0 : i32
      %dma_wait3A_343 = arith.constant 0 : i32
      %dma_wait3A_344 = tpu.memref_slice %arg3[%dma_wait3A_337, %dma_wait3A_342, %dma_wait3A_343] : memref<16x80x20000xf32, #tpu.memory_space<hbm>> -> memref<1x8x128xf32, #tpu.memory_space<hbm>>
      %dma_wait3A_345 = tpu.memref_squeeze %dma_wait3A_344 : memref<1x8x128xf32, #tpu.memory_space<hbm>> -> memref<8x128xf32, #tpu.memory_space<hbm>>
      %dma_wait3A_346 = arith.constant 0 : i32
      %dma_wait3A_347 = arith.constant 0 : i32
      %dma_wait3A_348 = tpu.memref_slice %arg18[%add3A_336, %dma_wait3A_346, %dma_wait3A_347] : memref<32x8x128xf32, #tpu.memory_space<vmem>> -> memref<1x8x128xf32, #tpu.memory_space<vmem>>
      %dma_wait3A_349 = tpu.memref_squeeze %dma_wait3A_348 : memref<1x8x128xf32, #tpu.memory_space<vmem>> -> memref<8x128xf32, #tpu.memory_space<vmem>>
      %dma_wait3A_350 = arith.constant 0 : i32
      %dma_wait3A_351 = arith.constant 0 : i32
      %dma_wait3A_352 = tpu.memref_slice %arg3[%dma_wait3A_337, %dma_wait3A_350, %dma_wait3A_351] : memref<16x80x20000xf32, #tpu.memory_space<hbm>> -> memref<1x8x128xf32, #tpu.memory_space<hbm>>
      %dma_wait3A_353 = tpu.memref_squeeze %dma_wait3A_352 : memref<1x8x128xf32, #tpu.memory_space<hbm>> -> memref<8x128xf32, #tpu.memory_space<hbm>>
      tpu.wait_dma2 semaphore(%arg22 : memref<!tpu.dma_semaphore, #tpu.memory_space<semaphore_mem>>) src(%dma_wait3A_353 : memref<8x128xf32, #tpu.memory_space<hbm>>) dst(%dma_wait3A_349 : memref<8x128xf32, #tpu.memory_space<vmem>>)
      %add3A_354 = arith.constant 13 : i32
      %add3A_355 = arith.addi %mul3A_89, %add3A_354 : i32
      %dma_wait3A_356 = arith.constant 0 : i32
      %dma_wait3A_357 = arith.constant 0 : i32
      %dma_wait3A_358 = arith.constant 0 : i32
      %dma_wait3A_359 = tpu.memref_slice %arg18[%add3A_355, %dma_wait3A_357, %dma_wait3A_358] : memref<32x8x128xf32, #tpu.memory_space<vmem>> -> memref<1x8x128xf32, #tpu.memory_space<vmem>>
      %dma_wait3A_360 = tpu.memref_squeeze %dma_wait3A_359 : memref<1x8x128xf32, #tpu.memory_space<vmem>> -> memref<8x128xf32, #tpu.memory_space<vmem>>
      %dma_wait3A_361 = arith.constant 0 : i32
      %dma_wait3A_362 = arith.constant 0 : i32
      %dma_wait3A_363 = tpu.memref_slice %arg3[%dma_wait3A_356, %dma_wait3A_361, %dma_wait3A_362] : memref<16x80x20000xf32, #tpu.memory_space<hbm>> -> memref<1x8x128xf32, #tpu.memory_space<hbm>>
      %dma_wait3A_364 = tpu.memref_squeeze %dma_wait3A_363 : memref<1x8x128xf32, #tpu.memory_space<hbm>> -> memref<8x128xf32, #tpu.memory_space<hbm>>
      %dma_wait3A_365 = arith.constant 0 : i32
      %dma_wait3A_366 = arith.constant 0 : i32
      %dma_wait3A_367 = tpu.memref_slice %arg18[%add3A_355, %dma_wait3A_365, %dma_wait3A_366] : memref<32x8x128xf32, #tpu.memory_space<vmem>> -> memref<1x8x128xf32, #tpu.memory_space<vmem>>
      %dma_wait3A_368 = tpu.memref_squeeze %dma_wait3A_367 : memref<1x8x128xf32, #tpu.memory_space<vmem>> -> memref<8x128xf32, #tpu.memory_space<vmem>>
      %dma_wait3A_369 = arith.constant 0 : i32
      %dma_wait3A_370 = arith.constant 0 : i32
      %dma_wait3A_371 = tpu.memref_slice %arg3[%dma_wait3A_356, %dma_wait3A_369, %dma_wait3A_370] : memref<16x80x20000xf32, #tpu.memory_space<hbm>> -> memref<1x8x128xf32, #tpu.memory_space<hbm>>
      %dma_wait3A_372 = tpu.memref_squeeze %dma_wait3A_371 : memref<1x8x128xf32, #tpu.memory_space<hbm>> -> memref<8x128xf32, #tpu.memory_space<hbm>>
      tpu.wait_dma2 semaphore(%arg22 : memref<!tpu.dma_semaphore, #tpu.memory_space<semaphore_mem>>) src(%dma_wait3A_372 : memref<8x128xf32, #tpu.memory_space<hbm>>) dst(%dma_wait3A_368 : memref<8x128xf32, #tpu.memory_space<vmem>>)
      %add3A_373 = arith.constant 14 : i32
      %add3A_374 = arith.addi %mul3A_89, %add3A_373 : i32
      %dma_wait3A_375 = arith.constant 0 : i32
      %dma_wait3A_376 = arith.constant 0 : i32
      %dma_wait3A_377 = arith.constant 0 : i32
      %dma_wait3A_378 = tpu.memref_slice %arg18[%add3A_374, %dma_wait3A_376, %dma_wait3A_377] : memref<32x8x128xf32, #tpu.memory_space<vmem>> -> memref<1x8x128xf32, #tpu.memory_space<vmem>>
      %dma_wait3A_379 = tpu.memref_squeeze %dma_wait3A_378 : memref<1x8x128xf32, #tpu.memory_space<vmem>> -> memref<8x128xf32, #tpu.memory_space<vmem>>
      %dma_wait3A_380 = arith.constant 0 : i32
      %dma_wait3A_381 = arith.constant 0 : i32
      %dma_wait3A_382 = tpu.memref_slice %arg3[%dma_wait3A_375, %dma_wait3A_380, %dma_wait3A_381] : memref<16x80x20000xf32, #tpu.memory_space<hbm>> -> memref<1x8x128xf32, #tpu.memory_space<hbm>>
      %dma_wait3A_383 = tpu.memref_squeeze %dma_wait3A_382 : memref<1x8x128xf32, #tpu.memory_space<hbm>> -> memref<8x128xf32, #tpu.memory_space<hbm>>
      %dma_wait3A_384 = arith.constant 0 : i32
      %dma_wait3A_385 = arith.constant 0 : i32
      %dma_wait3A_386 = tpu.memref_slice %arg18[%add3A_374, %dma_wait3A_384, %dma_wait3A_385] : memref<32x8x128xf32, #tpu.memory_space<vmem>> -> memref<1x8x128xf32, #tpu.memory_space<vmem>>
      %dma_wait3A_387 = tpu.memref_squeeze %dma_wait3A_386 : memref<1x8x128xf32, #tpu.memory_space<vmem>> -> memref<8x128xf32, #tpu.memory_space<vmem>>
      %dma_wait3A_388 = arith.constant 0 : i32
      %dma_wait3A_389 = arith.constant 0 : i32
      %dma_wait3A_390 = tpu.memref_slice %arg3[%dma_wait3A_375, %dma_wait3A_388, %dma_wait3A_389] : memref<16x80x20000xf32, #tpu.memory_space<hbm>> -> memref<1x8x128xf32, #tpu.memory_space<hbm>>
      %dma_wait3A_391 = tpu.memref_squeeze %dma_wait3A_390 : memref<1x8x128xf32, #tpu.memory_space<hbm>> -> memref<8x128xf32, #tpu.memory_space<hbm>>
      tpu.wait_dma2 semaphore(%arg22 : memref<!tpu.dma_semaphore, #tpu.memory_space<semaphore_mem>>) src(%dma_wait3A_391 : memref<8x128xf32, #tpu.memory_space<hbm>>) dst(%dma_wait3A_387 : memref<8x128xf32, #tpu.memory_space<vmem>>)
      %add3A_392 = arith.constant 15 : i32
      %add3A_393 = arith.addi %mul3A_89, %add3A_392 : i32
      %dma_wait3A_394 = arith.constant 0 : i32
      %dma_wait3A_395 = arith.constant 0 : i32
      %dma_wait3A_396 = arith.constant 0 : i32
      %dma_wait3A_397 = tpu.memref_slice %arg18[%add3A_393, %dma_wait3A_395, %dma_wait3A_396] : memref<32x8x128xf32, #tpu.memory_space<vmem>> -> memref<1x8x128xf32, #tpu.memory_space<vmem>>
      %dma_wait3A_398 = tpu.memref_squeeze %dma_wait3A_397 : memref<1x8x128xf32, #tpu.memory_space<vmem>> -> memref<8x128xf32, #tpu.memory_space<vmem>>
      %dma_wait3A_399 = arith.constant 0 : i32
      %dma_wait3A_400 = arith.constant 0 : i32
      %dma_wait3A_401 = tpu.memref_slice %arg3[%dma_wait3A_394, %dma_wait3A_399, %dma_wait3A_400] : memref<16x80x20000xf32, #tpu.memory_space<hbm>> -> memref<1x8x128xf32, #tpu.memory_space<hbm>>
      %dma_wait3A_402 = tpu.memref_squeeze %dma_wait3A_401 : memref<1x8x128xf32, #tpu.memory_space<hbm>> -> memref<8x128xf32, #tpu.memory_space<hbm>>
      %dma_wait3A_403 = arith.constant 0 : i32
      %dma_wait3A_404 = arith.constant 0 : i32
      %dma_wait3A_405 = tpu.memref_slice %arg18[%add3A_393, %dma_wait3A_403, %dma_wait3A_404] : memref<32x8x128xf32, #tpu.memory_space<vmem>> -> memref<1x8x128xf32, #tpu.memory_space<vmem>>
      %dma_wait3A_406 = tpu.memref_squeeze %dma_wait3A_405 : memref<1x8x128xf32, #tpu.memory_space<vmem>> -> memref<8x128xf32, #tpu.memory_space<vmem>>
      %dma_wait3A_407 = arith.constant 0 : i32
      %dma_wait3A_408 = arith.constant 0 : i32
      %dma_wait3A_409 = tpu.memref_slice %arg3[%dma_wait3A_394, %dma_wait3A_407, %dma_wait3A_408] : memref<16x80x20000xf32, #tpu.memory_space<hbm>> -> memref<1x8x128xf32, #tpu.memory_space<hbm>>
      %dma_wait3A_410 = tpu.memref_squeeze %dma_wait3A_409 : memref<1x8x128xf32, #tpu.memory_space<hbm>> -> memref<8x128xf32, #tpu.memory_space<hbm>>
      tpu.wait_dma2 semaphore(%arg22 : memref<!tpu.dma_semaphore, #tpu.memory_space<semaphore_mem>>) src(%dma_wait3A_410 : memref<8x128xf32, #tpu.memory_space<hbm>>) dst(%dma_wait3A_406 : memref<8x128xf32, #tpu.memory_space<vmem>>)
      %broadcast_in_dim3A_411 = vector.broadcast %mul3A_89 : i32 to vector<16xi32>
      %add3A_412 = arith.addi %broadcast_in_dim3A_411, %iota3A : vector<16xi32>
      %and3A_413 = arith.constant 7 : i32
      %and3A_414 = vector.broadcast %and3A_413 : i32 to vector<16xi32>
      %and3A_415 = arith.andi %select_n3A_107, %and3A_414 : vector<16xi32>
      %and3A_416 = arith.constant 127 : i32
      %and3A_417 = vector.broadcast %and3A_416 : i32 to vector<16xi32>
      %and3A_418 = arith.andi %select_n3A_104, %and3A_417 : vector<16xi32>
      %gather3A_419 = tpu.vector_load_idx %arg18[%add3A_412, %and3A_415, %and3A_418] : memref<32x8x128xf32, #tpu.memory_space<vmem>>[vector<16xi32>, vector<16xi32>, vector<16xi32>], vector<16xf32>,
      %jit3A_420 = arith.constant 0.000000e+00 : f32
      %broadcast_in_dim3A_421 = vector.broadcast %jit3A_420 : f32 to vector<16xf32>
      %select_n3A_422 = arith.select %lt3A, %gather3A_419, %broadcast_in_dim3A_421 : vector<16xi1>, vector<16xf32>
      %mul3A_423 = arith.constant 16 : i32
      %mul3A_424 = arith.muli %add3A_86, %mul3A_423 : i32
      %swap3A_425 = arith.index_cast %mul3A_424 : i32 to index
      %swap3A_426 = tpu.vector_load %arg19[%swap3A_425] {strides = array<i32>} : memref<1008xf32, #tpu.memory_space<vmem>>, vector<16xf32>,
      tpu.vector_store %arg19[%swap3A_425], %select_n3A_422 {strides = array<i32>} : memref<1008xf32, #tpu.memory_space<vmem>>, vector<16xf32>,
    } else {
    }
    %eq3A_64 = arith.constant 0 : i32
    %eq3A_65 = arith.cmpi eq, %arg0, %eq3A_64 : i32
    %convert_element_type3A_66 = arith.extui %eq3A_65 : i1 to i32
    %cond3A_67 = arith.constant 0 : i32
    %cond3A_68 = arith.cmpi ne, %convert_element_type3A_66, %cond3A_67 : i32
    scf.if %cond3A_68 {
      "tpu.region"() ({
        %run_scoped3A = tpu.sem_alloc : memref<!tpu.dma_semaphore, #tpu.memory_space<semaphore_mem>>
        %dma_start3A = arith.constant 0 : i32
        %dma_start3A_84 = tpu.memref_slice %arg9[%arg1, %dma_start3A] : memref<16x1008xf32, #tpu.memory_space<hbm>> -> memref<1x1008xf32, #tpu.memory_space<hbm>>
        %dma_start3A_85 = tpu.memref_squeeze %dma_start3A_84 : memref<1x1008xf32, #tpu.memory_space<hbm>> -> memref<1008xf32, #tpu.memory_space<hbm>>
        %dma_start3A_86 = arith.constant 0 : i32
        %dma_start3A_87 = tpu.memref_slice %arg9[%arg1, %dma_start3A_86] : memref<16x1008xf32, #tpu.memory_space<hbm>> -> memref<1x1008xf32, #tpu.memory_space<hbm>>
        %dma_start3A_88 = tpu.memref_squeeze %dma_start3A_87 : memref<1x1008xf32, #tpu.memory_space<hbm>> -> memref<1008xf32, #tpu.memory_space<hbm>>
        tpu.enqueue_dma source(%arg19 : memref<1008xf32, #tpu.memory_space<vmem>>) target(%dma_start3A_88 : memref<1008xf32, #tpu.memory_space<hbm>>) target_semaphore(%run_scoped3A : memref<!tpu.dma_semaphore, #tpu.memory_space<semaphore_mem>>)
        %dma_wait3A = arith.constant 0 : i32
        %dma_wait3A_89 = tpu.memref_slice %arg9[%arg1, %dma_wait3A] : memref<16x1008xf32, #tpu.memory_space<hbm>> -> memref<1x1008xf32, #tpu.memory_space<hbm>>
        %dma_wait3A_90 = tpu.memref_squeeze %dma_wait3A_89 : memref<1x1008xf32, #tpu.memory_space<hbm>> -> memref<1008xf32, #tpu.memory_space<hbm>>
        %dma_wait3A_91 = arith.constant 0 : i32
        %dma_wait3A_92 = tpu.memref_slice %arg9[%arg1, %dma_wait3A_91] : memref<16x1008xf32, #tpu.memory_space<hbm>> -> memref<1x1008xf32, #tpu.memory_space<hbm>>
        %dma_wait3A_93 = tpu.memref_squeeze %dma_wait3A_92 : memref<1x1008xf32, #tpu.memory_space<hbm>> -> memref<1008xf32, #tpu.memory_space<hbm>>
        tpu.wait_dma2 semaphore(%run_scoped3A : memref<!tpu.dma_semaphore, #tpu.memory_space<semaphore_mem>>) src(%arg19 : memref<1008xf32, #tpu.memory_space<vmem>>) dst(%dma_wait3A_93 : memref<1008xf32, #tpu.memory_space<hbm>>)
        tpu.yield
      }) : () -> ()
    } else {
    }
    %eq3A_69 = arith.constant 1 : i32
    %eq3A_70 = arith.cmpi eq, %arg0, %eq3A_69 : i32
    %convert_element_type3A_71 = arith.extui %eq3A_70 : i1 to i32
    %cond3A_72 = arith.constant 0 : i32
    %cond3A_73 = arith.cmpi ne, %convert_element_type3A_71, %cond3A_72 : i32
    scf.if %cond3A_73 {
      "tpu.region"() ({
        %run_scoped3A = tpu.sem_alloc : memref<!tpu.dma_semaphore, #tpu.memory_space<semaphore_mem>>
        %dma_start3A = arith.constant 0 : i32
        %dma_start3A_84 = tpu.memref_slice %arg10[%arg1, %dma_start3A] : memref<16x1008xf32, #tpu.memory_space<hbm>> -> memref<1x1008xf32, #tpu.memory_space<hbm>>
        %dma_start3A_85 = tpu.memref_squeeze %dma_start3A_84 : memref<1x1008xf32, #tpu.memory_space<hbm>> -> memref<1008xf32, #tpu.memory_space<hbm>>
        %dma_start3A_86 = arith.constant 0 : i32
        %dma_start3A_87 = tpu.memref_slice %arg10[%arg1, %dma_start3A_86] : memref<16x1008xf32, #tpu.memory_space<hbm>> -> memref<1x1008xf32, #tpu.memory_space<hbm>>
        %dma_start3A_88 = tpu.memref_squeeze %dma_start3A_87 : memref<1x1008xf32, #tpu.memory_space<hbm>> -> memref<1008xf32, #tpu.memory_space<hbm>>
        tpu.enqueue_dma source(%arg19 : memref<1008xf32, #tpu.memory_space<vmem>>) target(%dma_start3A_88 : memref<1008xf32, #tpu.memory_space<hbm>>) target_semaphore(%run_scoped3A : memref<!tpu.dma_semaphore, #tpu.memory_space<semaphore_mem>>)
        %dma_wait3A = arith.constant 0 : i32
        %dma_wait3A_89 = tpu.memref_slice %arg10[%arg1, %dma_wait3A] : memref<16x1008xf32, #tpu.memory_space<hbm>> -> memref<1x1008xf32, #tpu.memory_space<hbm>>
        %dma_wait3A_90 = tpu.memref_squeeze %dma_wait3A_89 : memref<1x1008xf32, #tpu.memory_space<hbm>> -> memref<1008xf32, #tpu.memory_space<hbm>>
        %dma_wait3A_91 = arith.constant 0 : i32
        %dma_wait3A_92 = tpu.memref_slice %arg10[%arg1, %dma_wait3A_91] : memref<16x1008xf32, #tpu.memory_space<hbm>> -> memref<1x1008xf32, #tpu.memory_space<hbm>>
        %dma_wait3A_93 = tpu.memref_squeeze %dma_wait3A_92 : memref<1x1008xf32, #tpu.memory_space<hbm>> -> memref<1008xf32, #tpu.memory_space<hbm>>
        tpu.wait_dma2 semaphore(%run_scoped3A : memref<!tpu.dma_semaphore, #tpu.memory_space<semaphore_mem>>) src(%arg19 : memref<1008xf32, #tpu.memory_space<vmem>>) dst(%dma_wait3A_93 : memref<1008xf32, #tpu.memory_space<hbm>>)
        tpu.yield
      }) : () -> ()
    } else {
    }
    %eq3A_74 = arith.constant 0 : i32
    %eq3A_75 = arith.cmpi eq, %arg0, %eq3A_74 : i32
    %convert_element_type3A_76 = arith.extui %eq3A_75 : i1 to i32
    %cond3A_77 = arith.constant 0 : i32
    %cond3A_78 = arith.cmpi ne, %convert_element_type3A_76, %cond3A_77 : i32
    scf.if %cond3A_78 {
      %broadcast_in_dim3A_84 = arith.constant 0.000000e+00 : f32
      %broadcast_in_dim3A_85 = vector.broadcast %broadcast_in_dim3A_84 : f32 to vector<16xf32>
      "tpu.region"() ({
        %run_scoped3A = tpu.sem_alloc : memref<!tpu.dma_semaphore, #tpu.memory_space<semaphore_mem>>
        %dma_start3A = arith.constant 0 : i32
        %dma_start3A_110 = arith.constant 0 : i32
        %dma_start3A_111 = tpu.memref_slice %arg16[%dma_start3A, %dma_start3A_110] : memref<4x10240xf32, #tpu.memory_space<vmem>> -> memref<4x10240xf32, #tpu.memory_space<vmem>>
        %dma_start3A_112 = arith.constant 0 : i32
        %dma_start3A_113 = arith.constant 0 : i32
        %dma_start3A_114 = tpu.memref_slice %arg2[%arg1, %dma_start3A_112, %dma_start3A_113] : memref<16x4x20000xf32, #tpu.memory_space<hbm>> -> memref<1x4x10240xf32, #tpu.memory_space<hbm>>
        %dma_start3A_115 = tpu.memref_squeeze %dma_start3A_114 : memref<1x4x10240xf32, #tpu.memory_space<hbm>> -> memref<4x10240xf32, #tpu.memory_space<hbm>>
        %dma_start3A_116 = arith.constant 0 : i32
        %dma_start3A_117 = arith.constant 0 : i32
        %dma_start3A_118 = tpu.memref_slice %arg16[%dma_start3A_116, %dma_start3A_117] : memref<4x10240xf32, #tpu.memory_space<vmem>> -> memref<4x10240xf32, #tpu.memory_space<vmem>>
        %dma_start3A_119 = arith.constant 0 : i32
        %dma_start3A_120 = arith.constant 0 : i32
        %dma_start3A_121 = tpu.memref_slice %arg2[%arg1, %dma_start3A_119, %dma_start3A_120] : memref<16x4x20000xf32, #tpu.memory_space<hbm>> -> memref<1x4x10240xf32, #tpu.memory_space<hbm>>
        %dma_start3A_122 = tpu.memref_squeeze %dma_start3A_121 : memref<1x4x10240xf32, #tpu.memory_space<hbm>> -> memref<4x10240xf32, #tpu.memory_space<hbm>>
        tpu.enqueue_dma source(%dma_start3A_122 : memref<4x10240xf32, #tpu.memory_space<hbm>>) target(%dma_start3A_118 : memref<4x10240xf32, #tpu.memory_space<vmem>>) target_semaphore(%run_scoped3A : memref<!tpu.dma_semaphore, #tpu.memory_space<semaphore_mem>>)
        %dma_wait3A = arith.constant 0 : i32
        %dma_wait3A_123 = arith.constant 0 : i32
        %dma_wait3A_124 = tpu.memref_slice %arg16[%dma_wait3A, %dma_wait3A_123] : memref<4x10240xf32, #tpu.memory_space<vmem>> -> memref<4x10240xf32, #tpu.memory_space<vmem>>
        %dma_wait3A_125 = arith.constant 0 : i32
        %dma_wait3A_126 = arith.constant 0 : i32
        %dma_wait3A_127 = tpu.memref_slice %arg2[%arg1, %dma_wait3A_125, %dma_wait3A_126] : memref<16x4x20000xf32, #tpu.memory_space<hbm>> -> memref<1x4x10240xf32, #tpu.memory_space<hbm>>
        %dma_wait3A_128 = tpu.memref_squeeze %dma_wait3A_127 : memref<1x4x10240xf32, #tpu.memory_space<hbm>> -> memref<4x10240xf32, #tpu.memory_space<hbm>>
        %dma_wait3A_129 = arith.constant 0 : i32
        %dma_wait3A_130 = arith.constant 0 : i32
        %dma_wait3A_131 = tpu.memref_slice %arg16[%dma_wait3A_129, %dma_wait3A_130] : memref<4x10240xf32, #tpu.memory_space<vmem>> -> memref<4x10240xf32, #tpu.memory_space<vmem>>
        %dma_wait3A_132 = arith.constant 0 : i32
        %dma_wait3A_133 = arith.constant 0 : i32
        %dma_wait3A_134 = tpu.memref_slice %arg2[%arg1, %dma_wait3A_132, %dma_wait3A_133] : memref<16x4x20000xf32, #tpu.memory_space<hbm>> -> memref<1x4x10240xf32, #tpu.memory_space<hbm>>
        %dma_wait3A_135 = tpu.memref_squeeze %dma_wait3A_134 : memref<1x4x10240xf32, #tpu.memory_space<hbm>> -> memref<4x10240xf32, #tpu.memory_space<hbm>>
        tpu.wait_dma2 semaphore(%run_scoped3A : memref<!tpu.dma_semaphore, #tpu.memory_space<semaphore_mem>>) src(%dma_wait3A_135 : memref<4x10240xf32, #tpu.memory_space<hbm>>) dst(%dma_wait3A_131 : memref<4x10240xf32, #tpu.memory_space<vmem>>)
        tpu.yield
      }) : () -> ()
      %scan3A_86 = arith.constant 0 : i32
      %scan3A_87 = arith.constant 0 : i32
      %scan3A_88 = arith.constant 63 : i32
      %scan3A_89 = arith.addi %scan3A_87, %scan3A_88 : i32
      %scan3A_90 = arith.constant 1 : i32
      %scan3A_91 = scf.for %scan3A_110 = %scan3A_87 to %scan3A_89 step %scan3A_90 iter_args(%scan3A_111 = %scan3A_86) -> (i32)  : i32 {
        %mul3A_112 = arith.constant 16 : i32
        %mul3A_113 = arith.muli %scan3A_110, %mul3A_112 : i32
        %add3A_114 = vector.broadcast %mul3A_113 : i32 to vector<16xi32>
        %add3A_115 = arith.addi %iota3A, %add3A_114 : vector<16xi32>
        %lt3A = arith.cmpi slt, %add3A_115, %min3A_9 : vector<16xi32>
        %jit3A_116 = arith.constant 0 : i32
        %broadcast_in_dim3A_117 = vector.broadcast %jit3A_116 : i32 to vector<16xi32>
        %select_n3A_118 = arith.select %lt3A, %add3A_115, %broadcast_in_dim3A_117 : vector<16xi1>, vector<16xi32>
        %gather3A = tpu.vector_load_idx %arg15[%select_n3A_118] : memref<8032xi32, #tpu.memory_space<vmem>>[vector<16xi32>], vector<16xi32>,
        %jit3A_119 = arith.constant 0 : i32
        %broadcast_in_dim3A_120 = vector.broadcast %jit3A_119 : i32 to vector<16xi32>
        %select_n3A_121 = arith.select %lt3A, %gather3A, %broadcast_in_dim3A_120 : vector<16xi1>, vector<16xi32>
        %gather3A_122 = tpu.vector_load_idx %arg13[%select_n3A_121] : memref<8000xi32, #tpu.memory_space<vmem>>[vector<16xi32>], vector<16xi32>,
        %gather3A_123 = tpu.vector_load_idx %arg14[%select_n3A_121] : memref<8000xi32, #tpu.memory_space<vmem>>[vector<16xi32>], vector<16xi32>,
        %jit3A_124 = arith.constant 0 : i32
        %broadcast_in_dim3A_125 = vector.broadcast %jit3A_124 : i32 to vector<16xi32>
        %select_n3A_126 = arith.select %lt3A, %gather3A_122, %broadcast_in_dim3A_125 : vector<16xi1>, vector<16xi32>
        %jit3A_127 = arith.constant 0 : i32
        %broadcast_in_dim3A_128 = vector.broadcast %jit3A_127 : i32 to vector<16xi32>
        %select_n3A_129 = arith.select %lt3A, %gather3A_123, %broadcast_in_dim3A_128 : vector<16xi1>, vector<16xi32>
        %mul3A_130 = arith.constant 16 : i32
        %mul3A_131 = arith.muli %scan3A_110, %mul3A_130 : i32
        %add3A_132 = vector.broadcast %mul3A_131 : i32 to vector<16xi32>
        %add3A_133 = arith.addi %iota3A, %add3A_132 : vector<16xi32>
        %ge3A = arith.constant 0 : i32
        %ge3A_134 = vector.broadcast %ge3A : i32 to vector<16xi32>
        %ge3A_135 = arith.cmpi sge, %select_n3A_126, %ge3A_134 : vector<16xi32>
        %and3A_136 = arith.andi %lt3A, %ge3A_135 : vector<16xi1>
        %lt3A_137 = arith.constant 10240 : i32
        %lt3A_138 = vector.broadcast %lt3A_137 : i32 to vector<16xi32>
        %lt3A_139 = arith.cmpi slt, %select_n3A_126, %lt3A_138 : vector<16xi32>
        %and3A_140 = arith.andi %and3A_136, %lt3A_139 : vector<16xi1>
        %sub3A_141 = arith.constant 0 : i32
        %sub3A_142 = vector.broadcast %sub3A_141 : i32 to vector<16xi32>
        %sub3A_143 = arith.subi %select_n3A_126, %sub3A_142 : vector<16xi32>
        %jit3A_144 = arith.constant 0 : i32
        %broadcast_in_dim3A_145 = vector.broadcast %jit3A_144 : i32 to vector<16xi32>
        %select_n3A_146 = arith.select %and3A_140, %sub3A_143, %broadcast_in_dim3A_145 : vector<16xi1>, vector<16xi32>
        %broadcast_in_dim3A_147 = arith.constant 0 : i32
        %broadcast_in_dim3A_148 = vector.broadcast %broadcast_in_dim3A_147 : i32 to vector<16xi32>
        %gather3A_149 = tpu.vector_load_idx %arg16[%broadcast_in_dim3A_148, %select_n3A_146] : memref<4x10240xf32, #tpu.memory_space<vmem>>[vector<16xi32>, vector<16xi32>], vector<16xf32>,
        %mul3A_150 = arith.constant 8 : i32
        %mul3A_151 = vector.broadcast %mul3A_150 : i32 to vector<16xi32>
        %mul3A_152 = arith.muli %add3A_133, %mul3A_151 : vector<16xi32>
        %add3A_153 = arith.constant 0 : i32
        %add3A_154 = vector.broadcast %add3A_153 : i32 to vector<16xi32>
        %add3A_155 = arith.addi %mul3A_152, %add3A_154 : vector<16xi32>
        %jit3A_156 = arith.constant 0.000000e+00 : f32
        %broadcast_in_dim3A_157 = vector.broadcast %jit3A_156 : f32 to vector<16xf32>
        %select_n3A_158 = arith.select %and3A_140, %gather3A_149, %broadcast_in_dim3A_157 : vector<16xi1>, vector<16xf32>
        tpu.vector_store_idx %arg17[%add3A_155], %select_n3A_158 : memref<8064xf32, #tpu.memory_space<vmem>>[vector<16xi32>], vector<16xf32>,
        %broadcast_in_dim3A_159 = arith.constant 1 : i32
        %broadcast_in_dim3A_160 = vector.broadcast %broadcast_in_dim3A_159 : i32 to vector<16xi32>
        %gather3A_161 = tpu.vector_load_idx %arg16[%broadcast_in_dim3A_160, %select_n3A_146] : memref<4x10240xf32, #tpu.memory_space<vmem>>[vector<16xi32>, vector<16xi32>], vector<16xf32>,
        %mul3A_162 = arith.constant 8 : i32
        %mul3A_163 = vector.broadcast %mul3A_162 : i32 to vector<16xi32>
        %mul3A_164 = arith.muli %add3A_133, %mul3A_163 : vector<16xi32>
        %add3A_165 = arith.constant 1 : i32
        %add3A_166 = vector.broadcast %add3A_165 : i32 to vector<16xi32>
        %add3A_167 = arith.addi %mul3A_164, %add3A_166 : vector<16xi32>
        %jit3A_168 = arith.constant 0.000000e+00 : f32
        %broadcast_in_dim3A_169 = vector.broadcast %jit3A_168 : f32 to vector<16xf32>
        %select_n3A_170 = arith.select %and3A_140, %gather3A_161, %broadcast_in_dim3A_169 : vector<16xi1>, vector<16xf32>
        tpu.vector_store_idx %arg17[%add3A_167], %select_n3A_170 : memref<8064xf32, #tpu.memory_space<vmem>>[vector<16xi32>], vector<16xf32>,
        %broadcast_in_dim3A_171 = arith.constant 2 : i32
        %broadcast_in_dim3A_172 = vector.broadcast %broadcast_in_dim3A_171 : i32 to vector<16xi32>
        %gather3A_173 = tpu.vector_load_idx %arg16[%broadcast_in_dim3A_172, %select_n3A_146] : memref<4x10240xf32, #tpu.memory_space<vmem>>[vector<16xi32>, vector<16xi32>], vector<16xf32>,
        %mul3A_174 = arith.constant 8 : i32
        %mul3A_175 = vector.broadcast %mul3A_174 : i32 to vector<16xi32>
        %mul3A_176 = arith.muli %add3A_133, %mul3A_175 : vector<16xi32>
        %add3A_177 = arith.constant 2 : i32
        %add3A_178 = vector.broadcast %add3A_177 : i32 to vector<16xi32>
        %add3A_179 = arith.addi %mul3A_176, %add3A_178 : vector<16xi32>
        %jit3A_180 = arith.constant 0.000000e+00 : f32
        %broadcast_in_dim3A_181 = vector.broadcast %jit3A_180 : f32 to vector<16xf32>
        %select_n3A_182 = arith.select %and3A_140, %gather3A_173, %broadcast_in_dim3A_181 : vector<16xi1>, vector<16xf32>
        tpu.vector_store_idx %arg17[%add3A_179], %select_n3A_182 : memref<8064xf32, #tpu.memory_space<vmem>>[vector<16xi32>], vector<16xf32>,
        %broadcast_in_dim3A_183 = arith.constant 3 : i32
        %broadcast_in_dim3A_184 = vector.broadcast %broadcast_in_dim3A_183 : i32 to vector<16xi32>
        %gather3A_185 = tpu.vector_load_idx %arg16[%broadcast_in_dim3A_184, %select_n3A_146] : memref<4x10240xf32, #tpu.memory_space<vmem>>[vector<16xi32>, vector<16xi32>], vector<16xf32>,
        %mul3A_186 = arith.constant 8 : i32
        %mul3A_187 = vector.broadcast %mul3A_186 : i32 to vector<16xi32>
        %mul3A_188 = arith.muli %add3A_133, %mul3A_187 : vector<16xi32>
        %add3A_189 = arith.constant 3 : i32
        %add3A_190 = vector.broadcast %add3A_189 : i32 to vector<16xi32>
        %add3A_191 = arith.addi %mul3A_188, %add3A_190 : vector<16xi32>
        %jit3A_192 = arith.constant 0.000000e+00 : f32
        %broadcast_in_dim3A_193 = vector.broadcast %jit3A_192 : f32 to vector<16xf32>
        %select_n3A_194 = arith.select %and3A_140, %gather3A_185, %broadcast_in_dim3A_193 : vector<16xi1>, vector<16xf32>
        tpu.vector_store_idx %arg17[%add3A_191], %select_n3A_194 : memref<8064xf32, #tpu.memory_space<vmem>>[vector<16xi32>], vector<16xf32>,
        %mul3A_195 = arith.constant 8 : i32
        %mul3A_196 = vector.broadcast %mul3A_195 : i32 to vector<16xi32>
        %mul3A_197 = arith.muli %add3A_133, %mul3A_196 : vector<16xi32>
        %add3A_198 = arith.constant 4 : i32
        %add3A_199 = vector.broadcast %add3A_198 : i32 to vector<16xi32>
        %add3A_200 = arith.addi %mul3A_197, %add3A_199 : vector<16xi32>
        tpu.vector_store_idx %arg17[%add3A_200], %broadcast_in_dim3A_85 : memref<8064xf32, #tpu.memory_space<vmem>>[vector<16xi32>], vector<16xf32>,
        %mul3A_201 = arith.constant 8 : i32
        %mul3A_202 = vector.broadcast %mul3A_201 : i32 to vector<16xi32>
        %mul3A_203 = arith.muli %add3A_133, %mul3A_202 : vector<16xi32>
        %add3A_204 = arith.constant 5 : i32
        %add3A_205 = vector.broadcast %add3A_204 : i32 to vector<16xi32>
        %add3A_206 = arith.addi %mul3A_203, %add3A_205 : vector<16xi32>
        tpu.vector_store_idx %arg17[%add3A_206], %broadcast_in_dim3A_85 : memref<8064xf32, #tpu.memory_space<vmem>>[vector<16xi32>], vector<16xf32>,
        %mul3A_207 = arith.constant 8 : i32
        %mul3A_208 = vector.broadcast %mul3A_207 : i32 to vector<16xi32>
        %mul3A_209 = arith.muli %add3A_133, %mul3A_208 : vector<16xi32>
        %add3A_210 = arith.constant 6 : i32
        %add3A_211 = vector.broadcast %add3A_210 : i32 to vector<16xi32>
        %add3A_212 = arith.addi %mul3A_209, %add3A_211 : vector<16xi32>
        tpu.vector_store_idx %arg17[%add3A_212], %broadcast_in_dim3A_85 : memref<8064xf32, #tpu.memory_space<vmem>>[vector<16xi32>], vector<16xf32>,
        %mul3A_213 = arith.constant 8 : i32
        %mul3A_214 = vector.broadcast %mul3A_213 : i32 to vector<16xi32>
        %mul3A_215 = arith.muli %add3A_133, %mul3A_214 : vector<16xi32>
        %add3A_216 = arith.constant 7 : i32
        %add3A_217 = vector.broadcast %add3A_216 : i32 to vector<16xi32>
        %add3A_218 = arith.addi %mul3A_215, %add3A_217 : vector<16xi32>
        tpu.vector_store_idx %arg17[%add3A_218], %broadcast_in_dim3A_85 : memref<8064xf32, #tpu.memory_space<vmem>>[vector<16xi32>], vector<16xf32>,
        %scan3A_219 = arith.constant 0 : i32
        scf.yield %scan3A_219 : i32
      }
      %scan3A_92 = arith.constant 63 : i32
      "tpu.region"() ({
        %run_scoped3A = tpu.sem_alloc : memref<!tpu.dma_semaphore, #tpu.memory_space<semaphore_mem>>
        %dma_start3A = arith.constant 0 : i32
        %dma_start3A_110 = arith.constant 0 : i32
        %dma_start3A_111 = tpu.memref_slice %arg16[%dma_start3A, %dma_start3A_110] : memref<4x10240xf32, #tpu.memory_space<vmem>> -> memref<4x10240xf32, #tpu.memory_space<vmem>>
        %dma_start3A_112 = arith.constant 0 : i32
        %dma_start3A_113 = arith.constant 9728 : i32
        %dma_start3A_114 = tpu.memref_slice %arg2[%arg1, %dma_start3A_112, %dma_start3A_113] : memref<16x4x20000xf32, #tpu.memory_space<hbm>> -> memref<1x4x10240xf32, #tpu.memory_space<hbm>>
        %dma_start3A_115 = tpu.memref_squeeze %dma_start3A_114 : memref<1x4x10240xf32, #tpu.memory_space<hbm>> -> memref<4x10240xf32, #tpu.memory_space<hbm>>
        %dma_start3A_116 = arith.constant 0 : i32
        %dma_start3A_117 = arith.constant 0 : i32
        %dma_start3A_118 = tpu.memref_slice %arg16[%dma_start3A_116, %dma_start3A_117] : memref<4x10240xf32, #tpu.memory_space<vmem>> -> memref<4x10240xf32, #tpu.memory_space<vmem>>
        %dma_start3A_119 = arith.constant 0 : i32
        %dma_start3A_120 = arith.constant 9728 : i32
        %dma_start3A_121 = tpu.memref_slice %arg2[%arg1, %dma_start3A_119, %dma_start3A_120] : memref<16x4x20000xf32, #tpu.memory_space<hbm>> -> memref<1x4x10240xf32, #tpu.memory_space<hbm>>
        %dma_start3A_122 = tpu.memref_squeeze %dma_start3A_121 : memref<1x4x10240xf32, #tpu.memory_space<hbm>> -> memref<4x10240xf32, #tpu.memory_space<hbm>>
        tpu.enqueue_dma source(%dma_start3A_122 : memref<4x10240xf32, #tpu.memory_space<hbm>>) target(%dma_start3A_118 : memref<4x10240xf32, #tpu.memory_space<vmem>>) target_semaphore(%run_scoped3A : memref<!tpu.dma_semaphore, #tpu.memory_space<semaphore_mem>>)
        %dma_wait3A = arith.constant 0 : i32
        %dma_wait3A_123 = arith.constant 0 : i32
        %dma_wait3A_124 = tpu.memref_slice %arg16[%dma_wait3A, %dma_wait3A_123] : memref<4x10240xf32, #tpu.memory_space<vmem>> -> memref<4x10240xf32, #tpu.memory_space<vmem>>
        %dma_wait3A_125 = arith.constant 0 : i32
        %dma_wait3A_126 = arith.constant 9728 : i32
        %dma_wait3A_127 = tpu.memref_slice %arg2[%arg1, %dma_wait3A_125, %dma_wait3A_126] : memref<16x4x20000xf32, #tpu.memory_space<hbm>> -> memref<1x4x10240xf32, #tpu.memory_space<hbm>>
        %dma_wait3A_128 = tpu.memref_squeeze %dma_wait3A_127 : memref<1x4x10240xf32, #tpu.memory_space<hbm>> -> memref<4x10240xf32, #tpu.memory_space<hbm>>
        %dma_wait3A_129 = arith.constant 0 : i32
        %dma_wait3A_130 = arith.constant 0 : i32
        %dma_wait3A_131 = tpu.memref_slice %arg16[%dma_wait3A_129, %dma_wait3A_130] : memref<4x10240xf32, #tpu.memory_space<vmem>> -> memref<4x10240xf32, #tpu.memory_space<vmem>>
        %dma_wait3A_132 = arith.constant 0 : i32
        %dma_wait3A_133 = arith.constant 9728 : i32
        %dma_wait3A_134 = tpu.memref_slice %arg2[%arg1, %dma_wait3A_132, %dma_wait3A_133] : memref<16x4x20000xf32, #tpu.memory_space<hbm>> -> memref<1x4x10240xf32, #tpu.memory_space<hbm>>
        %dma_wait3A_135 = tpu.memref_squeeze %dma_wait3A_134 : memref<1x4x10240xf32, #tpu.memory_space<hbm>> -> memref<4x10240xf32, #tpu.memory_space<hbm>>
        tpu.wait_dma2 semaphore(%run_scoped3A : memref<!tpu.dma_semaphore, #tpu.memory_space<semaphore_mem>>) src(%dma_wait3A_135 : memref<4x10240xf32, #tpu.memory_space<hbm>>) dst(%dma_wait3A_131 : memref<4x10240xf32, #tpu.memory_space<vmem>>)
        tpu.yield
      }) : () -> ()
      %scan3A_93 = arith.constant 0 : i32
      %scan3A_94 = arith.constant 0 : i32
      %scan3A_95 = arith.constant 63 : i32
      %scan3A_96 = arith.addi %scan3A_94, %scan3A_95 : i32
      %scan3A_97 = arith.constant 1 : i32
      %scan3A_98 = scf.for %scan3A_110 = %scan3A_94 to %scan3A_96 step %scan3A_97 iter_args(%scan3A_111 = %scan3A_93) -> (i32)  : i32 {
        %mul3A_112 = arith.constant 16 : i32
        %mul3A_113 = arith.muli %scan3A_110, %mul3A_112 : i32
        %add3A_114 = vector.broadcast %mul3A_113 : i32 to vector<16xi32>
        %add3A_115 = arith.addi %iota3A, %add3A_114 : vector<16xi32>
        %lt3A = arith.cmpi slt, %add3A_115, %min3A_9 : vector<16xi32>
        %jit3A_116 = arith.constant 0 : i32
        %broadcast_in_dim3A_117 = vector.broadcast %jit3A_116 : i32 to vector<16xi32>
        %select_n3A_118 = arith.select %lt3A, %add3A_115, %broadcast_in_dim3A_117 : vector<16xi1>, vector<16xi32>
        %gather3A = tpu.vector_load_idx %arg15[%select_n3A_118] : memref<8032xi32, #tpu.memory_space<vmem>>[vector<16xi32>], vector<16xi32>,
        %jit3A_119 = arith.constant 0 : i32
        %broadcast_in_dim3A_120 = vector.broadcast %jit3A_119 : i32 to vector<16xi32>
        %select_n3A_121 = arith.select %lt3A, %gather3A, %broadcast_in_dim3A_120 : vector<16xi1>, vector<16xi32>
        %gather3A_122 = tpu.vector_load_idx %arg13[%select_n3A_121] : memref<8000xi32, #tpu.memory_space<vmem>>[vector<16xi32>], vector<16xi32>,
        %gather3A_123 = tpu.vector_load_idx %arg14[%select_n3A_121] : memref<8000xi32, #tpu.memory_space<vmem>>[vector<16xi32>], vector<16xi32>,
        %jit3A_124 = arith.constant 0 : i32
        %broadcast_in_dim3A_125 = vector.broadcast %jit3A_124 : i32 to vector<16xi32>
        %select_n3A_126 = arith.select %lt3A, %gather3A_122, %broadcast_in_dim3A_125 : vector<16xi1>, vector<16xi32>
        %jit3A_127 = arith.constant 0 : i32
        %broadcast_in_dim3A_128 = vector.broadcast %jit3A_127 : i32 to vector<16xi32>
        %select_n3A_129 = arith.select %lt3A, %gather3A_123, %broadcast_in_dim3A_128 : vector<16xi1>, vector<16xi32>
        %mul3A_130 = arith.constant 16 : i32
        %mul3A_131 = arith.muli %scan3A_110, %mul3A_130 : i32
        %add3A_132 = vector.broadcast %mul3A_131 : i32 to vector<16xi32>
        %add3A_133 = arith.addi %iota3A, %add3A_132 : vector<16xi32>
        %ge3A = arith.constant 9728 : i32
        %ge3A_134 = vector.broadcast %ge3A : i32 to vector<16xi32>
        %ge3A_135 = arith.cmpi sge, %select_n3A_126, %ge3A_134 : vector<16xi32>
        %and3A_136 = arith.andi %lt3A, %ge3A_135 : vector<16xi1>
        %lt3A_137 = arith.constant 19968 : i32
        %lt3A_138 = vector.broadcast %lt3A_137 : i32 to vector<16xi32>
        %lt3A_139 = arith.cmpi slt, %select_n3A_126, %lt3A_138 : vector<16xi32>
        %and3A_140 = arith.andi %and3A_136, %lt3A_139 : vector<16xi1>
        %sub3A_141 = arith.constant 9728 : i32
        %sub3A_142 = vector.broadcast %sub3A_141 : i32 to vector<16xi32>
        %sub3A_143 = arith.subi %select_n3A_126, %sub3A_142 : vector<16xi32>
        %jit3A_144 = arith.constant 0 : i32
        %broadcast_in_dim3A_145 = vector.broadcast %jit3A_144 : i32 to vector<16xi32>
        %select_n3A_146 = arith.select %and3A_140, %sub3A_143, %broadcast_in_dim3A_145 : vector<16xi1>, vector<16xi32>
        %broadcast_in_dim3A_147 = arith.constant 0 : i32
        %broadcast_in_dim3A_148 = vector.broadcast %broadcast_in_dim3A_147 : i32 to vector<16xi32>
        %gather3A_149 = tpu.vector_load_idx %arg16[%broadcast_in_dim3A_148, %select_n3A_146] : memref<4x10240xf32, #tpu.memory_space<vmem>>[vector<16xi32>, vector<16xi32>], vector<16xf32>,
        %mul3A_150 = arith.constant 8 : i32
        %mul3A_151 = vector.broadcast %mul3A_150 : i32 to vector<16xi32>
        %mul3A_152 = arith.muli %add3A_133, %mul3A_151 : vector<16xi32>
        %add3A_153 = arith.constant 0 : i32
        %add3A_154 = vector.broadcast %add3A_153 : i32 to vector<16xi32>
        %add3A_155 = arith.addi %mul3A_152, %add3A_154 : vector<16xi32>
        %gather3A_156 = tpu.vector_load_idx %arg17[%add3A_155] : memref<8064xf32, #tpu.memory_space<vmem>>[vector<16xi32>], vector<16xf32>,
        %mul3A_157 = arith.constant 8 : i32
        %mul3A_158 = vector.broadcast %mul3A_157 : i32 to vector<16xi32>
        %mul3A_159 = arith.muli %add3A_133, %mul3A_158 : vector<16xi32>
        %add3A_160 = arith.constant 0 : i32
        %add3A_161 = vector.broadcast %add3A_160 : i32 to vector<16xi32>
        %add3A_162 = arith.addi %mul3A_159, %add3A_161 : vector<16xi32>
        %select_n3A_163 = arith.select %and3A_140, %gather3A_149, %gather3A_156 : vector<16xi1>, vector<16xf32>
        tpu.vector_store_idx %arg17[%add3A_162], %select_n3A_163 : memref<8064xf32, #tpu.memory_space<vmem>>[vector<16xi32>], vector<16xf32>,
        %broadcast_in_dim3A_164 = arith.constant 1 : i32
        %broadcast_in_dim3A_165 = vector.broadcast %broadcast_in_dim3A_164 : i32 to vector<16xi32>
        %gather3A_166 = tpu.vector_load_idx %arg16[%broadcast_in_dim3A_165, %select_n3A_146] : memref<4x10240xf32, #tpu.memory_space<vmem>>[vector<16xi32>, vector<16xi32>], vector<16xf32>,
        %mul3A_167 = arith.constant 8 : i32
        %mul3A_168 = vector.broadcast %mul3A_167 : i32 to vector<16xi32>
        %mul3A_169 = arith.muli %add3A_133, %mul3A_168 : vector<16xi32>
        %add3A_170 = arith.constant 1 : i32
        %add3A_171 = vector.broadcast %add3A_170 : i32 to vector<16xi32>
        %add3A_172 = arith.addi %mul3A_169, %add3A_171 : vector<16xi32>
        %gather3A_173 = tpu.vector_load_idx %arg17[%add3A_172] : memref<8064xf32, #tpu.memory_space<vmem>>[vector<16xi32>], vector<16xf32>,
        %mul3A_174 = arith.constant 8 : i32
        %mul3A_175 = vector.broadcast %mul3A_174 : i32 to vector<16xi32>
        %mul3A_176 = arith.muli %add3A_133, %mul3A_175 : vector<16xi32>
        %add3A_177 = arith.constant 1 : i32
        %add3A_178 = vector.broadcast %add3A_177 : i32 to vector<16xi32>
        %add3A_179 = arith.addi %mul3A_176, %add3A_178 : vector<16xi32>
        %select_n3A_180 = arith.select %and3A_140, %gather3A_166, %gather3A_173 : vector<16xi1>, vector<16xf32>
        tpu.vector_store_idx %arg17[%add3A_179], %select_n3A_180 : memref<8064xf32, #tpu.memory_space<vmem>>[vector<16xi32>], vector<16xf32>,
        %broadcast_in_dim3A_181 = arith.constant 2 : i32
        %broadcast_in_dim3A_182 = vector.broadcast %broadcast_in_dim3A_181 : i32 to vector<16xi32>
        %gather3A_183 = tpu.vector_load_idx %arg16[%broadcast_in_dim3A_182, %select_n3A_146] : memref<4x10240xf32, #tpu.memory_space<vmem>>[vector<16xi32>, vector<16xi32>], vector<16xf32>,
        %mul3A_184 = arith.constant 8 : i32
        %mul3A_185 = vector.broadcast %mul3A_184 : i32 to vector<16xi32>
        %mul3A_186 = arith.muli %add3A_133, %mul3A_185 : vector<16xi32>
        %add3A_187 = arith.constant 2 : i32
        %add3A_188 = vector.broadcast %add3A_187 : i32 to vector<16xi32>
        %add3A_189 = arith.addi %mul3A_186, %add3A_188 : vector<16xi32>
        %gather3A_190 = tpu.vector_load_idx %arg17[%add3A_189] : memref<8064xf32, #tpu.memory_space<vmem>>[vector<16xi32>], vector<16xf32>,
        %mul3A_191 = arith.constant 8 : i32
        %mul3A_192 = vector.broadcast %mul3A_191 : i32 to vector<16xi32>
        %mul3A_193 = arith.muli %add3A_133, %mul3A_192 : vector<16xi32>
        %add3A_194 = arith.constant 2 : i32
        %add3A_195 = vector.broadcast %add3A_194 : i32 to vector<16xi32>
        %add3A_196 = arith.addi %mul3A_193, %add3A_195 : vector<16xi32>
        %select_n3A_197 = arith.select %and3A_140, %gather3A_183, %gather3A_190 : vector<16xi1>, vector<16xf32>
        tpu.vector_store_idx %arg17[%add3A_196], %select_n3A_197 : memref<8064xf32, #tpu.memory_space<vmem>>[vector<16xi32>], vector<16xf32>,
        %broadcast_in_dim3A_198 = arith.constant 3 : i32
        %broadcast_in_dim3A_199 = vector.broadcast %broadcast_in_dim3A_198 : i32 to vector<16xi32>
        %gather3A_200 = tpu.vector_load_idx %arg16[%broadcast_in_dim3A_199, %select_n3A_146] : memref<4x10240xf32, #tpu.memory_space<vmem>>[vector<16xi32>, vector<16xi32>], vector<16xf32>,
        %mul3A_201 = arith.constant 8 : i32
        %mul3A_202 = vector.broadcast %mul3A_201 : i32 to vector<16xi32>
        %mul3A_203 = arith.muli %add3A_133, %mul3A_202 : vector<16xi32>
        %add3A_204 = arith.constant 3 : i32
        %add3A_205 = vector.broadcast %add3A_204 : i32 to vector<16xi32>
        %add3A_206 = arith.addi %mul3A_203, %add3A_205 : vector<16xi32>
        %gather3A_207 = tpu.vector_load_idx %arg17[%add3A_206] : memref<8064xf32, #tpu.memory_space<vmem>>[vector<16xi32>], vector<16xf32>,
        %mul3A_208 = arith.constant 8 : i32
        %mul3A_209 = vector.broadcast %mul3A_208 : i32 to vector<16xi32>
        %mul3A_210 = arith.muli %add3A_133, %mul3A_209 : vector<16xi32>
        %add3A_211 = arith.constant 3 : i32
        %add3A_212 = vector.broadcast %add3A_211 : i32 to vector<16xi32>
        %add3A_213 = arith.addi %mul3A_210, %add3A_212 : vector<16xi32>
        %select_n3A_214 = arith.select %and3A_140, %gather3A_200, %gather3A_207 : vector<16xi1>, vector<16xf32>
        tpu.vector_store_idx %arg17[%add3A_213], %select_n3A_214 : memref<8064xf32, #tpu.memory_space<vmem>>[vector<16xi32>], vector<16xf32>,
        %scan3A_215 = arith.constant 0 : i32
        scf.yield %scan3A_215 : i32
      }
      %scan3A_99 = arith.constant 63 : i32
      %mul3A = arith.constant 0 : i32
      %mul3A_100 = arith.muli %reduce_max3A_19, %mul3A : i32
      %add3A_101 = arith.constant 19968 : i32
      %add3A_102 = arith.addi %mul3A_100, %add3A_101 : i32
      %multiple_of3A = tpu.assume_multiple %add3A_102, 128 : i32
      "tpu.region"() ({
        %run_scoped3A = tpu.sem_alloc : memref<!tpu.dma_semaphore, #tpu.memory_space<semaphore_mem>>
        %dma_start3A = arith.constant 0 : i32
        %dma_start3A_110 = arith.constant 0 : i32
        %dma_start3A_111 = tpu.memref_slice %arg16[%dma_start3A, %dma_start3A_110] : memref<4x10240xf32, #tpu.memory_space<vmem>> -> memref<4x128xf32, #tpu.memory_space<vmem>>
        %dma_start3A_112 = arith.constant 0 : i32
        %dma_start3A_113 = tpu.memref_slice %arg2[%arg1, %dma_start3A_112, %multiple_of3A] : memref<16x4x20000xf32, #tpu.memory_space<hbm>> -> memref<1x4x128xf32, #tpu.memory_space<hbm>>
        %dma_start3A_114 = tpu.memref_squeeze %dma_start3A_113 : memref<1x4x128xf32, #tpu.memory_space<hbm>> -> memref<4x128xf32, #tpu.memory_space<hbm>>
        %dma_start3A_115 = arith.constant 0 : i32
        %dma_start3A_116 = arith.constant 0 : i32
        %dma_start3A_117 = tpu.memref_slice %arg16[%dma_start3A_115, %dma_start3A_116] : memref<4x10240xf32, #tpu.memory_space<vmem>> -> memref<4x128xf32, #tpu.memory_space<vmem>>
        %dma_start3A_118 = arith.constant 0 : i32
        %dma_start3A_119 = tpu.memref_slice %arg2[%arg1, %dma_start3A_118, %multiple_of3A] : memref<16x4x20000xf32, #tpu.memory_space<hbm>> -> memref<1x4x128xf32, #tpu.memory_space<hbm>>
        %dma_start3A_120 = tpu.memref_squeeze %dma_start3A_119 : memref<1x4x128xf32, #tpu.memory_space<hbm>> -> memref<4x128xf32, #tpu.memory_space<hbm>>
        tpu.enqueue_dma source(%dma_start3A_120 : memref<4x128xf32, #tpu.memory_space<hbm>>) target(%dma_start3A_117 : memref<4x128xf32, #tpu.memory_space<vmem>>) target_semaphore(%run_scoped3A : memref<!tpu.dma_semaphore, #tpu.memory_space<semaphore_mem>>)
        %dma_wait3A = arith.constant 0 : i32
        %dma_wait3A_121 = arith.constant 0 : i32
        %dma_wait3A_122 = tpu.memref_slice %arg16[%dma_wait3A, %dma_wait3A_121] : memref<4x10240xf32, #tpu.memory_space<vmem>> -> memref<4x128xf32, #tpu.memory_space<vmem>>
        %dma_wait3A_123 = arith.constant 0 : i32
        %dma_wait3A_124 = tpu.memref_slice %arg2[%arg1, %dma_wait3A_123, %multiple_of3A] : memref<16x4x20000xf32, #tpu.memory_space<hbm>> -> memref<1x4x128xf32, #tpu.memory_space<hbm>>
        %dma_wait3A_125 = tpu.memref_squeeze %dma_wait3A_124 : memref<1x4x128xf32, #tpu.memory_space<hbm>> -> memref<4x128xf32, #tpu.memory_space<hbm>>
        %dma_wait3A_126 = arith.constant 0 : i32
        %dma_wait3A_127 = arith.constant 0 : i32
        %dma_wait3A_128 = tpu.memref_slice %arg16[%dma_wait3A_126, %dma_wait3A_127] : memref<4x10240xf32, #tpu.memory_space<vmem>> -> memref<4x128xf32, #tpu.memory_space<vmem>>
        %dma_wait3A_129 = arith.constant 0 : i32
        %dma_wait3A_130 = tpu.memref_slice %arg2[%arg1, %dma_wait3A_129, %multiple_of3A] : memref<16x4x20000xf32, #tpu.memory_space<hbm>> -> memref<1x4x128xf32, #tpu.memory_space<hbm>>
        %dma_wait3A_131 = tpu.memref_squeeze %dma_wait3A_130 : memref<1x4x128xf32, #tpu.memory_space<hbm>> -> memref<4x128xf32, #tpu.memory_space<hbm>>
        tpu.wait_dma2 semaphore(%run_scoped3A : memref<!tpu.dma_semaphore, #tpu.memory_space<semaphore_mem>>) src(%dma_wait3A_131 : memref<4x128xf32, #tpu.memory_space<hbm>>) dst(%dma_wait3A_128 : memref<4x128xf32, #tpu.memory_space<vmem>>)
        tpu.yield
      }) : () -> ()
      %scan3A_103 = arith.constant 0 : i32
      %scan3A_104 = arith.constant 0 : i32
      %scan3A_105 = arith.constant 63 : i32
      %scan3A_106 = arith.addi %scan3A_104, %scan3A_105 : i32
      %scan3A_107 = arith.constant 1 : i32
      %scan3A_108 = scf.for %scan3A_110 = %scan3A_104 to %scan3A_106 step %scan3A_107 iter_args(%scan3A_111 = %scan3A_103) -> (i32)  : i32 {
        %mul3A_112 = arith.constant 16 : i32
        %mul3A_113 = arith.muli %scan3A_110, %mul3A_112 : i32
        %add3A_114 = vector.broadcast %mul3A_113 : i32 to vector<16xi32>
        %add3A_115 = arith.addi %iota3A, %add3A_114 : vector<16xi32>
        %lt3A = arith.cmpi slt, %add3A_115, %min3A_9 : vector<16xi32>
        %jit3A_116 = arith.constant 0 : i32
        %broadcast_in_dim3A_117 = vector.broadcast %jit3A_116 : i32 to vector<16xi32>
        %select_n3A_118 = arith.select %lt3A, %add3A_115, %broadcast_in_dim3A_117 : vector<16xi1>, vector<16xi32>
        %gather3A = tpu.vector_load_idx %arg15[%select_n3A_118] : memref<8032xi32, #tpu.memory_space<vmem>>[vector<16xi32>], vector<16xi32>,
        %jit3A_119 = arith.constant 0 : i32
        %broadcast_in_dim3A_120 = vector.broadcast %jit3A_119 : i32 to vector<16xi32>
        %select_n3A_121 = arith.select %lt3A, %gather3A, %broadcast_in_dim3A_120 : vector<16xi1>, vector<16xi32>
        %gather3A_122 = tpu.vector_load_idx %arg13[%select_n3A_121] : memref<8000xi32, #tpu.memory_space<vmem>>[vector<16xi32>], vector<16xi32>,
        %gather3A_123 = tpu.vector_load_idx %arg14[%select_n3A_121] : memref<8000xi32, #tpu.memory_space<vmem>>[vector<16xi32>], vector<16xi32>,
        %jit3A_124 = arith.constant 0 : i32
        %broadcast_in_dim3A_125 = vector.broadcast %jit3A_124 : i32 to vector<16xi32>
        %select_n3A_126 = arith.select %lt3A, %gather3A_122, %broadcast_in_dim3A_125 : vector<16xi1>, vector<16xi32>
        %jit3A_127 = arith.constant 0 : i32
        %broadcast_in_dim3A_128 = vector.broadcast %jit3A_127 : i32 to vector<16xi32>
        %select_n3A_129 = arith.select %lt3A, %gather3A_123, %broadcast_in_dim3A_128 : vector<16xi1>, vector<16xi32>
        %mul3A_130 = arith.constant 16 : i32
        %mul3A_131 = arith.muli %scan3A_110, %mul3A_130 : i32
        %add3A_132 = vector.broadcast %mul3A_131 : i32 to vector<16xi32>
        %add3A_133 = arith.addi %iota3A, %add3A_132 : vector<16xi32>
        %ge3A = arith.constant 19968 : i32
        %ge3A_134 = vector.broadcast %ge3A : i32 to vector<16xi32>
        %ge3A_135 = arith.cmpi sge, %select_n3A_126, %ge3A_134 : vector<16xi32>
        %and3A_136 = arith.andi %lt3A, %ge3A_135 : vector<16xi1>
        %lt3A_137 = arith.constant 20000 : i32
        %lt3A_138 = vector.broadcast %lt3A_137 : i32 to vector<16xi32>
        %lt3A_139 = arith.cmpi slt, %select_n3A_126, %lt3A_138 : vector<16xi32>
        %and3A_140 = arith.andi %and3A_136, %lt3A_139 : vector<16xi1>
        %sub3A_141 = arith.constant 19968 : i32
        %sub3A_142 = vector.broadcast %sub3A_141 : i32 to vector<16xi32>
        %sub3A_143 = arith.subi %select_n3A_126, %sub3A_142 : vector<16xi32>
        %jit3A_144 = arith.constant 0 : i32
        %broadcast_in_dim3A_145 = vector.broadcast %jit3A_144 : i32 to vector<16xi32>
        %select_n3A_146 = arith.select %and3A_140, %sub3A_143, %broadcast_in_dim3A_145 : vector<16xi1>, vector<16xi32>
        %broadcast_in_dim3A_147 = arith.constant 0 : i32
        %broadcast_in_dim3A_148 = vector.broadcast %broadcast_in_dim3A_147 : i32 to vector<16xi32>
        %gather3A_149 = tpu.vector_load_idx %arg16[%broadcast_in_dim3A_148, %select_n3A_146] : memref<4x10240xf32, #tpu.memory_space<vmem>>[vector<16xi32>, vector<16xi32>], vector<16xf32>,
        %mul3A_150 = arith.constant 8 : i32
        %mul3A_151 = vector.broadcast %mul3A_150 : i32 to vector<16xi32>
        %mul3A_152 = arith.muli %add3A_133, %mul3A_151 : vector<16xi32>
        %add3A_153 = arith.constant 0 : i32
        %add3A_154 = vector.broadcast %add3A_153 : i32 to vector<16xi32>
        %add3A_155 = arith.addi %mul3A_152, %add3A_154 : vector<16xi32>
        %gather3A_156 = tpu.vector_load_idx %arg17[%add3A_155] : memref<8064xf32, #tpu.memory_space<vmem>>[vector<16xi32>], vector<16xf32>,
        %mul3A_157 = arith.constant 8 : i32
        %mul3A_158 = vector.broadcast %mul3A_157 : i32 to vector<16xi32>
        %mul3A_159 = arith.muli %add3A_133, %mul3A_158 : vector<16xi32>
        %add3A_160 = arith.constant 0 : i32
        %add3A_161 = vector.broadcast %add3A_160 : i32 to vector<16xi32>
        %add3A_162 = arith.addi %mul3A_159, %add3A_161 : vector<16xi32>
        %select_n3A_163 = arith.select %and3A_140, %gather3A_149, %gather3A_156 : vector<16xi1>, vector<16xf32>
        tpu.vector_store_idx %arg17[%add3A_162], %select_n3A_163 : memref<8064xf32, #tpu.memory_space<vmem>>[vector<16xi32>], vector<16xf32>,
        %broadcast_in_dim3A_164 = arith.constant 1 : i32
        %broadcast_in_dim3A_165 = vector.broadcast %broadcast_in_dim3A_164 : i32 to vector<16xi32>
        %gather3A_166 = tpu.vector_load_idx %arg16[%broadcast_in_dim3A_165, %select_n3A_146] : memref<4x10240xf32, #tpu.memory_space<vmem>>[vector<16xi32>, vector<16xi32>], vector<16xf32>,
        %mul3A_167 = arith.constant 8 : i32
        %mul3A_168 = vector.broadcast %mul3A_167 : i32 to vector<16xi32>
        %mul3A_169 = arith.muli %add3A_133, %mul3A_168 : vector<16xi32>
        %add3A_170 = arith.constant 1 : i32
        %add3A_171 = vector.broadcast %add3A_170 : i32 to vector<16xi32>
        %add3A_172 = arith.addi %mul3A_169, %add3A_171 : vector<16xi32>
        %gather3A_173 = tpu.vector_load_idx %arg17[%add3A_172] : memref<8064xf32, #tpu.memory_space<vmem>>[vector<16xi32>], vector<16xf32>,
        %mul3A_174 = arith.constant 8 : i32
        %mul3A_175 = vector.broadcast %mul3A_174 : i32 to vector<16xi32>
        %mul3A_176 = arith.muli %add3A_133, %mul3A_175 : vector<16xi32>
        %add3A_177 = arith.constant 1 : i32
        %add3A_178 = vector.broadcast %add3A_177 : i32 to vector<16xi32>
        %add3A_179 = arith.addi %mul3A_176, %add3A_178 : vector<16xi32>
        %select_n3A_180 = arith.select %and3A_140, %gather3A_166, %gather3A_173 : vector<16xi1>, vector<16xf32>
        tpu.vector_store_idx %arg17[%add3A_179], %select_n3A_180 : memref<8064xf32, #tpu.memory_space<vmem>>[vector<16xi32>], vector<16xf32>,
        %broadcast_in_dim3A_181 = arith.constant 2 : i32
        %broadcast_in_dim3A_182 = vector.broadcast %broadcast_in_dim3A_181 : i32 to vector<16xi32>
        %gather3A_183 = tpu.vector_load_idx %arg16[%broadcast_in_dim3A_182, %select_n3A_146] : memref<4x10240xf32, #tpu.memory_space<vmem>>[vector<16xi32>, vector<16xi32>], vector<16xf32>,
        %mul3A_184 = arith.constant 8 : i32
        %mul3A_185 = vector.broadcast %mul3A_184 : i32 to vector<16xi32>
        %mul3A_186 = arith.muli %add3A_133, %mul3A_185 : vector<16xi32>
        %add3A_187 = arith.constant 2 : i32
        %add3A_188 = vector.broadcast %add3A_187 : i32 to vector<16xi32>
        %add3A_189 = arith.addi %mul3A_186, %add3A_188 : vector<16xi32>
        %gather3A_190 = tpu.vector_load_idx %arg17[%add3A_189] : memref<8064xf32, #tpu.memory_space<vmem>>[vector<16xi32>], vector<16xf32>,
        %mul3A_191 = arith.constant 8 : i32
        %mul3A_192 = vector.broadcast %mul3A_191 : i32 to vector<16xi32>
        %mul3A_193 = arith.muli %add3A_133, %mul3A_192 : vector<16xi32>
        %add3A_194 = arith.constant 2 : i32
        %add3A_195 = vector.broadcast %add3A_194 : i32 to vector<16xi32>
        %add3A_196 = arith.addi %mul3A_193, %add3A_195 : vector<16xi32>
        %select_n3A_197 = arith.select %and3A_140, %gather3A_183, %gather3A_190 : vector<16xi1>, vector<16xf32>
        tpu.vector_store_idx %arg17[%add3A_196], %select_n3A_197 : memref<8064xf32, #tpu.memory_space<vmem>>[vector<16xi32>], vector<16xf32>,
        %broadcast_in_dim3A_198 = arith.constant 3 : i32
        %broadcast_in_dim3A_199 = vector.broadcast %broadcast_in_dim3A_198 : i32 to vector<16xi32>
        %gather3A_200 = tpu.vector_load_idx %arg16[%broadcast_in_dim3A_199, %select_n3A_146] : memref<4x10240xf32, #tpu.memory_space<vmem>>[vector<16xi32>, vector<16xi32>], vector<16xf32>,
        %mul3A_201 = arith.constant 8 : i32
        %mul3A_202 = vector.broadcast %mul3A_201 : i32 to vector<16xi32>
        %mul3A_203 = arith.muli %add3A_133, %mul3A_202 : vector<16xi32>
        %add3A_204 = arith.constant 3 : i32
        %add3A_205 = vector.broadcast %add3A_204 : i32 to vector<16xi32>
        %add3A_206 = arith.addi %mul3A_203, %add3A_205 : vector<16xi32>
        %gather3A_207 = tpu.vector_load_idx %arg17[%add3A_206] : memref<8064xf32, #tpu.memory_space<vmem>>[vector<16xi32>], vector<16xf32>,
        %mul3A_208 = arith.constant 8 : i32
        %mul3A_209 = vector.broadcast %mul3A_208 : i32 to vector<16xi32>
        %mul3A_210 = arith.muli %add3A_133, %mul3A_209 : vector<16xi32>
        %add3A_211 = arith.constant 3 : i32
        %add3A_212 = vector.broadcast %add3A_211 : i32 to vector<16xi32>
        %add3A_213 = arith.addi %mul3A_210, %add3A_212 : vector<16xi32>
        %select_n3A_214 = arith.select %and3A_140, %gather3A_200, %gather3A_207 : vector<16xi1>, vector<16xf32>
        tpu.vector_store_idx %arg17[%add3A_213], %select_n3A_214 : memref<8064xf32, #tpu.memory_space<vmem>>[vector<16xi32>], vector<16xf32>,
        %scan3A_215 = arith.constant 0 : i32
        scf.yield %scan3A_215 : i32
      }
      %scan3A_109 = arith.constant 63 : i32
      "tpu.region"() ({
        %run_scoped3A = tpu.sem_alloc : memref<!tpu.dma_semaphore, #tpu.memory_space<semaphore_mem>>
        %dma_start3A = arith.constant 0 : i32
        %dma_start3A_110 = tpu.memref_slice %arg8[%arg1, %dma_start3A] : memref<16x8064xf32, #tpu.memory_space<hbm>> -> memref<1x8064xf32, #tpu.memory_space<hbm>>
        %dma_start3A_111 = tpu.memref_squeeze %dma_start3A_110 : memref<1x8064xf32, #tpu.memory_space<hbm>> -> memref<8064xf32, #tpu.memory_space<hbm>>
        %dma_start3A_112 = arith.constant 0 : i32
        %dma_start3A_113 = tpu.memref_slice %arg8[%arg1, %dma_start3A_112] : memref<16x8064xf32, #tpu.memory_space<hbm>> -> memref<1x8064xf32, #tpu.memory_space<hbm>>
        %dma_start3A_114 = tpu.memref_squeeze %dma_start3A_113 : memref<1x8064xf32, #tpu.memory_space<hbm>> -> memref<8064xf32, #tpu.memory_space<hbm>>
        tpu.enqueue_dma source(%arg17 : memref<8064xf32, #tpu.memory_space<vmem>>) target(%dma_start3A_114 : memref<8064xf32, #tpu.memory_space<hbm>>) target_semaphore(%run_scoped3A : memref<!tpu.dma_semaphore, #tpu.memory_space<semaphore_mem>>)
        %dma_wait3A = arith.constant 0 : i32
        %dma_wait3A_115 = tpu.memref_slice %arg8[%arg1, %dma_wait3A] : memref<16x8064xf32, #tpu.memory_space<hbm>> -> memref<1x8064xf32, #tpu.memory_space<hbm>>
        %dma_wait3A_116 = tpu.memref_squeeze %dma_wait3A_115 : memref<1x8064xf32, #tpu.memory_space<hbm>> -> memref<8064xf32, #tpu.memory_space<hbm>>
        %dma_wait3A_117 = arith.constant 0 : i32
        %dma_wait3A_118 = tpu.memref_slice %arg8[%arg1, %dma_wait3A_117] : memref<16x8064xf32, #tpu.memory_space<hbm>> -> memref<1x8064xf32, #tpu.memory_space<hbm>>
        %dma_wait3A_119 = tpu.memref_squeeze %dma_wait3A_118 : memref<1x8064xf32, #tpu.memory_space<hbm>> -> memref<8064xf32, #tpu.memory_space<hbm>>
        tpu.wait_dma2 semaphore(%run_scoped3A : memref<!tpu.dma_semaphore, #tpu.memory_space<semaphore_mem>>) src(%arg17 : memref<8064xf32, #tpu.memory_space<vmem>>) dst(%dma_wait3A_119 : memref<8064xf32, #tpu.memory_space<hbm>>)
        tpu.yield
      }) : () -> ()
    } else {
    }
    %eq3A_79 = arith.constant 1 : i32
    %eq3A_80 = arith.cmpi eq, %arg0, %eq3A_79 : i32
    %convert_element_type3A_81 = arith.extui %eq3A_80 : i1 to i32
    %cond3A_82 = arith.constant 0 : i32
    %cond3A_83 = arith.cmpi ne, %convert_element_type3A_81, %cond3A_82 : i32
    scf.if %cond3A_83 {
      %scan3A_84 = arith.constant 0 : i32
      %scan3A_85 = arith.constant 0 : i32
      %scan3A_86 = arith.constant 63 : i32
      %scan3A_87 = arith.addi %scan3A_85, %scan3A_86 : i32
      %scan3A_88 = arith.constant 1 : i32
      %scan3A_89 = scf.for %scan3A_91 = %scan3A_85 to %scan3A_87 step %scan3A_88 iter_args(%scan3A_92 = %scan3A_84) -> (i32)  : i32 {
        %mul3A = arith.constant 16 : i32
        %mul3A_93 = arith.muli %scan3A_91, %mul3A : i32
        %add3A_94 = vector.broadcast %mul3A_93 : i32 to vector<16xi32>
        %add3A_95 = arith.addi %iota3A, %add3A_94 : vector<16xi32>
        %lt3A = arith.cmpi slt, %add3A_95, %min3A_9 : vector<16xi32>
        %jit3A_96 = arith.constant 0 : i32
        %broadcast_in_dim3A_97 = vector.broadcast %jit3A_96 : i32 to vector<16xi32>
        %select_n3A_98 = arith.select %lt3A, %add3A_95, %broadcast_in_dim3A_97 : vector<16xi1>, vector<16xi32>
        %gather3A = tpu.vector_load_idx %arg15[%select_n3A_98] : memref<8032xi32, #tpu.memory_space<vmem>>[vector<16xi32>], vector<16xi32>,
        %jit3A_99 = arith.constant 0 : i32
        %broadcast_in_dim3A_100 = vector.broadcast %jit3A_99 : i32 to vector<16xi32>
        %select_n3A_101 = arith.select %lt3A, %gather3A, %broadcast_in_dim3A_100 : vector<16xi1>, vector<16xi32>
        %gather3A_102 = tpu.vector_load_idx %arg13[%select_n3A_101] : memref<8000xi32, #tpu.memory_space<vmem>>[vector<16xi32>], vector<16xi32>,
        %gather3A_103 = tpu.vector_load_idx %arg14[%select_n3A_101] : memref<8000xi32, #tpu.memory_space<vmem>>[vector<16xi32>], vector<16xi32>,
        %jit3A_104 = arith.constant 0 : i32
        %broadcast_in_dim3A_105 = vector.broadcast %jit3A_104 : i32 to vector<16xi32>
        %select_n3A_106 = arith.select %lt3A, %gather3A_102, %broadcast_in_dim3A_105 : vector<16xi1>, vector<16xi32>
        %jit3A_107 = arith.constant 0 : i32
        %broadcast_in_dim3A_108 = vector.broadcast %jit3A_107 : i32 to vector<16xi32>
        %select_n3A_109 = arith.select %lt3A, %gather3A_103, %broadcast_in_dim3A_108 : vector<16xi1>, vector<16xi32>
        %jit3A_110 = arith.constant 0 : i32
        %broadcast_in_dim3A_111 = vector.broadcast %jit3A_110 : i32 to vector<16xi32>
        %select_n3A_112 = arith.select %lt3A, %select_n3A_109, %broadcast_in_dim3A_111 : vector<16xi1>, vector<16xi32>
        %mul3A_113 = arith.constant 16 : i32
        %mul3A_114 = arith.muli %scan3A_91, %mul3A_113 : i32
        %swap3A_115 = arith.index_cast %mul3A_114 : i32 to index
        %swap3A_116 = tpu.vector_load %arg20[%swap3A_115] {strides = array<i32>} : memref<1008xi32, #tpu.memory_space<vmem>>, vector<16xi32>,
        tpu.vector_store %arg20[%swap3A_115], %select_n3A_112 {strides = array<i32>} : memref<1008xi32, #tpu.memory_space<vmem>>, vector<16xi32>,
        %scan3A_117 = arith.constant 0 : i32
        scf.yield %scan3A_117 : i32
      }
      %scan3A_90 = arith.constant 63 : i32
      "tpu.region"() ({
        %run_scoped3A = tpu.sem_alloc : memref<!tpu.dma_semaphore, #tpu.memory_space<semaphore_mem>>
        %dma_start3A = arith.constant 0 : i32
        %dma_start3A_91 = tpu.memref_slice %arg11[%arg1, %dma_start3A] : memref<16x1008xi32, #tpu.memory_space<hbm>> -> memref<1x1008xi32, #tpu.memory_space<hbm>>
        %dma_start3A_92 = tpu.memref_squeeze %dma_start3A_91 : memref<1x1008xi32, #tpu.memory_space<hbm>> -> memref<1008xi32, #tpu.memory_space<hbm>>
        %dma_start3A_93 = arith.constant 0 : i32
        %dma_start3A_94 = tpu.memref_slice %arg11[%arg1, %dma_start3A_93] : memref<16x1008xi32, #tpu.memory_space<hbm>> -> memref<1x1008xi32, #tpu.memory_space<hbm>>
        %dma_start3A_95 = tpu.memref_squeeze %dma_start3A_94 : memref<1x1008xi32, #tpu.memory_space<hbm>> -> memref<1008xi32, #tpu.memory_space<hbm>>
        tpu.enqueue_dma source(%arg20 : memref<1008xi32, #tpu.memory_space<vmem>>) target(%dma_start3A_95 : memref<1008xi32, #tpu.memory_space<hbm>>) target_semaphore(%run_scoped3A : memref<!tpu.dma_semaphore, #tpu.memory_space<semaphore_mem>>)
        %dma_wait3A = arith.constant 0 : i32
        %dma_wait3A_96 = tpu.memref_slice %arg11[%arg1, %dma_wait3A] : memref<16x1008xi32, #tpu.memory_space<hbm>> -> memref<1x1008xi32, #tpu.memory_space<hbm>>
        %dma_wait3A_97 = tpu.memref_squeeze %dma_wait3A_96 : memref<1x1008xi32, #tpu.memory_space<hbm>> -> memref<1008xi32, #tpu.memory_space<hbm>>
        %dma_wait3A_98 = arith.constant 0 : i32
        %dma_wait3A_99 = tpu.memref_slice %arg11[%arg1, %dma_wait3A_98] : memref<16x1008xi32, #tpu.memory_space<hbm>> -> memref<1x1008xi32, #tpu.memory_space<hbm>>
        %dma_wait3A_100 = tpu.memref_squeeze %dma_wait3A_99 : memref<1x1008xi32, #tpu.memory_space<hbm>> -> memref<1008xi32, #tpu.memory_space<hbm>>
        tpu.wait_dma2 semaphore(%run_scoped3A : memref<!tpu.dma_semaphore, #tpu.memory_space<semaphore_mem>>) src(%arg20 : memref<1008xi32, #tpu.memory_space<vmem>>) dst(%dma_wait3A_100 : memref<1008xi32, #tpu.memory_space<hbm>>)
        tpu.yield
      }) : () -> ()
      "tpu.region"() ({
        %run_scoped3A = tpu.sem_alloc : memref<!tpu.dma_semaphore, #tpu.memory_space<semaphore_mem>>
        %dma_start3A = arith.constant 0 : i32
        %dma_start3A_91 = tpu.memref_slice %arg7[%arg1, %dma_start3A] : memref<16x16xi32, #tpu.memory_space<hbm>> -> memref<1x16xi32, #tpu.memory_space<hbm>>
        %dma_start3A_92 = tpu.memref_squeeze %dma_start3A_91 : memref<1x16xi32, #tpu.memory_space<hbm>> -> memref<16xi32, #tpu.memory_space<hbm>>
        %dma_start3A_93 = arith.constant 0 : i32
        %dma_start3A_94 = tpu.memref_slice %arg7[%arg1, %dma_start3A_93] : memref<16x16xi32, #tpu.memory_space<hbm>> -> memref<1x16xi32, #tpu.memory_space<hbm>>
        %dma_start3A_95 = tpu.memref_squeeze %dma_start3A_94 : memref<1x16xi32, #tpu.memory_space<hbm>> -> memref<16xi32, #tpu.memory_space<hbm>>
        tpu.enqueue_dma source(%arg21 : memref<16xi32, #tpu.memory_space<vmem>>) target(%dma_start3A_95 : memref<16xi32, #tpu.memory_space<hbm>>) target_semaphore(%run_scoped3A : memref<!tpu.dma_semaphore, #tpu.memory_space<semaphore_mem>>)
        %dma_wait3A = arith.constant 0 : i32
        %dma_wait3A_96 = tpu.memref_slice %arg7[%arg1, %dma_wait3A] : memref<16x16xi32, #tpu.memory_space<hbm>> -> memref<1x16xi32, #tpu.memory_space<hbm>>
        %dma_wait3A_97 = tpu.memref_squeeze %dma_wait3A_96 : memref<1x16xi32, #tpu.memory_space<hbm>> -> memref<16xi32, #tpu.memory_space<hbm>>
        %dma_wait3A_98 = arith.constant 0 : i32
        %dma_wait3A_99 = tpu.memref_slice %arg7[%arg1, %dma_wait3A_98] : memref<16x16xi32, #tpu.memory_space<hbm>> -> memref<1x16xi32, #tpu.memory_space<hbm>>
        %dma_wait3A_100 = tpu.memref_squeeze %dma_wait3A_99 : memref<1x16xi32, #tpu.memory_space<hbm>> -> memref<16xi32, #tpu.memory_space<hbm>>
        tpu.wait_dma2 semaphore(%run_scoped3A : memref<!tpu.dma_semaphore, #tpu.memory_space<semaphore_mem>>) src(%arg21 : memref<16xi32, #tpu.memory_space<vmem>>) dst(%dma_wait3A_100 : memref<16xi32, #tpu.memory_space<hbm>>)
        tpu.yield
      }) : () -> ()
    } else {
    }
    return
  }
}

</mosaic_0001>

<sc_bundles>
// kernel: kernel.3.cloned.1.call-start
scs
__scs_entry_jumppad:
0x0: {  	(pc) =	sbr.rel $0x88, $3  }
0x1: {  	(tag) =	ssettag $0x0;
	lr =	simm.s32 $0x1  }
0x2: {  	[smem:$0x3F9E] =	sst lr;
	_ =	strace $0xD0000000  }
0x3: {  	_ = 	snop  }
0x4: {  	_ = 	snop  }
0x5: {  	_ = 	snop  }
0x6: {  	_ = 	snop  }
0x7: {  	_ = 	snop  }
__scs_overlays_trampoline_lowered:
0x8: {  	[smem:$0x3FAD] =	sst s0  }
0x9: {  	[smem:$0x3FAE] =	sst s1  }
0xa: {  	[smem:$0x3FAF] =	sst s2  }
0xb: {  	[smem:$0x3FB0] =	sst s3  }
0xc: {  	[smem:$0x3FB1] =	sst s4  }
0xd: {  	[smem:$0x3FB2] =	sst s5  }
0xe: {  	[smem:$0x3FB3] =	sst s6  }
0xf: {  	[smem:$0x3FB4] =	sst s7  }
0x10: {  	[smem:$0x3FB5] =	sst s8  }
0x11: {  	[smem:$0x3FB6] =	sst s9;
	s0 =	simm.s32 @!p0 $0x0  }
0x12: {  	s1 =	sld [smem:$0x3F9C];
	s0 =	simm.s32 @p0 $0x1  }
0x13: {  	[smem:$0x3FB7] =	sst s0;
	s0 =	simm.s32 @!p1 $0x0  }
0x14: {  	s2 =	sld [smem:$0x3F9B];
	s0 =	simm.s32 @p1 $0x1  }
0x15: {  	[smem:$0x3FB8] =	sst s0;
	s0 =	simm.s32 @!p2 $0x0  }
0x16: {  	s3 =	sld [smem:$0x3FDB];
	s0 =	simm.s32 @p2 $0x1  }
0x17: {  	s4 =	simm.s32 $0x1BF5;
	[smem:$0x3FBA] =	sst s0  }
0x18: {  	s0 =	sld [smem:$0x3F9D];
	_ =	swait.ge [sflag:s4], $0x0  }
0x19: {  	s7 =	sld [smem:$0x3F9E]  }
0x1a: {  	s8 =	sadd.s32 $0xFFFFE003, lr  }
0x1b: {  	s9 =	sadd.s32 $0xFFFFFEF7, lr;
	s5 =	simm.s32 $0xFFFFFFFF;
	p2 =	slt.u32 s8, $0xFFFFF086  }
0x1c: {  	p1 =	slt.u32 s9, $0xF7A;
	s5 =	simm.s32 @!p2 $0x0  }
0x1d: {  	s5 =	simm.s32 @p1 $0x1;
	p0 =	seq.s32 s7, s2  }
0x1e: {  	s7 =	smul.u32 @!p0 $0xF7A, s2;
	p2 =	seq.s32 @!p0 s5, $0x0  }
0x1f: {  	s9 =	smul.u32 $0xF7A, s1;
	s8 =	simm.s32 @!p0 $0x1BF5;
	p2 =	por !p2, p0  }
0x20: {  	[sflag:s8] =	ssyncset.s32 @!p0 $0xFFFFF086;
	s6 =	sadd.s32 @!p0 s3, s7;
	s7 =	simm.s32 @!p0 $0x108  }
0x21: {  	s3 =	sadd.s32 s3, s9;
	s6 =	sadd.s32 @!p0 $0x88, s6;
	s7 =	simm.s32 @p2 $0x1082  }
0x22: {  	[simem:s7], [sflag:s8] =	dma.local @!p0 [hbm:s6], $0xF7A  }
0x23: {  	s9 =	sor.u32 $0xD0000000, s2;
	s6 =	simm.s32 $0x108;
	_ =	swait.ge @!p0 [sflag:s8], $0x0  }
0x24: {  	s3 =	sadd.s32 $0x88, s3;
	s6 =	simm.s32 @!p1 $0x1082;
	[sflag:s4] =	ssyncset.s32 $0xFFFFF086  }
0x25: {  	[simem:s6], [sflag:s4] =	dma.local [hbm:s3], $0xF7A  }
0x26: {  	[smem:$0x3F9E] =	sst s1;
	(tag) =	ssettag s2;
	_ =	strace s9  }
0x27: {  	s1 =	sld [smem:$0x3FAE]  }
0x28: {  	s2 =	sld [smem:$0x3FAF]  }
0x29: {  	s4 =	sld [smem:$0x3FB1]  }
0x2a: {  	p0 =	seq.s32 s5, $0x0;
	s5 =	sld [smem:$0x3FB2]  }
0x2b: {  	s6 =	sld [smem:$0x3FB3]  }
0x2c: {  	s7 =	sld [smem:$0x3FB4]  }
0x2d: {  	s3 =	simm.s32 $0x108;
	s8 =	sld [smem:$0x3FB5]  }
0x2e: {  	s3 =	simm.s32 @!p0 $0x1082;
	s9 =	sld [smem:$0x3FB6]  }
0x2f: {  	lr =	sadd.s32 s0, s3;
	s0 =	sld [smem:$0x3FAD]  }
0x30: {  	s3 =	sld [smem:$0x3FB0]  }
0x31: {  	[smem:$0x3FB9] =	sst s10  }
0x32: {  	s10 =	sld [smem:$0x3FB7];
	_ =	sdelay $0x3  }
0x33: {  	p0 =	seq.s32 s10, $0x1;
	s10 =	sld [smem:$0x3FB9];
	_ =	sdelay $0x3  }
0x34: {  	[smem:$0x3FB9] =	sst s10  }
0x35: {  	s10 =	sld [smem:$0x3FB8];
	_ =	sdelay $0x3  }
0x36: {  	p1 =	seq.s32 s10, $0x1;
	s10 =	sld [smem:$0x3FB9];
	_ =	sdelay $0x3  }
0x37: {  	[smem:$0x3FB9] =	sst s10  }
0x38: {  	s10 =	sld [smem:$0x3FBA]  }
0x39: {  	_ = 	snop;
	(pc) =	sbr.ind lr, $3  }
0x3a: {  	_ = 	snop  }
0x3b: {  	_ = 	snop  }
0x3c: {  	p2 =	seq.s32 s10, $0x1;
	s10 =	sld [smem:$0x3FB9]  }
0x3d: {  	_ =	shalt  }
0x3e: {  	_ =	shalt  }
0x3f: {  	_ =	shalt  }
0x40: {  	_ =	shalt  }
0x41: {  	_ =	shalt  }
0x42: {  	_ =	shalt  }
0x43: {  	_ =	shalt  }
0x44: {  	_ =	shalt  }
0x45: {  	_ =	shalt  }
0x46: {  	_ =	shalt  }
0x47: {  	_ =	shalt  }
0x48: {  	_ =	shalt  }
0x49: {  	_ =	shalt  }
0x4a: {  	_ =	shalt  }
0x4b: {  	_ =	shalt  }
0x4c: {  	_ =	shalt  }
0x4d: {  	_ =	shalt  }
0x4e: {  	_ =	shalt  }
0x4f: {  	_ =	shalt  }
0x50: {  	_ =	shalt  }
0x51: {  	_ =	shalt  }
0x52: {  	_ =	shalt  }
0x53: {  	_ =	shalt  }
0x54: {  	_ =	shalt  }
0x55: {  	_ =	shalt  }
0x56: {  	_ =	shalt  }
0x57: {  	_ =	shalt  }
0x58: {  	_ =	shalt  }
0x59: {  	_ =	shalt  }
0x5a: {  	_ =	shalt  }
0x5b: {  	_ =	shalt  }
0x5c: {  	_ =	shalt  }
0x5d: {  	_ =	shalt  }
0x5e: {  	_ =	shalt  }
0x5f: {  	_ =	shalt  }
0x60: {  	_ =	shalt  }
0x61: {  	_ =	shalt  }
0x62: {  	_ =	shalt  }
0x63: {  	_ =	shalt  }
0x64: {  	_ =	shalt  }
0x65: {  	_ =	shalt  }
0x66: {  	_ =	shalt  }
0x67: {  	_ =	shalt  }
0x68: {  	_ =	shalt  }
0x69: {  	_ =	shalt  }
0x6a: {  	_ =	shalt  }
0x6b: {  	_ =	shalt  }
0x6c: {  	_ =	shalt  }
0x6d: {  	_ =	shalt  }
0x6e: {  	_ =	shalt  }
0x6f: {  	_ =	shalt  }
0x70: {  	_ =	shalt  }
0x71: {  	_ =	shalt  }
0x72: {  	_ =	shalt  }
0x73: {  	_ =	shalt  }
0x74: {  	_ =	shalt  }
0x75: {  	_ =	shalt  }
0x76: {  	_ =	shalt  }
0x77: {  	_ =	shalt  }
0x78: {  	_ =	shalt  }
0x79: {  	_ =	shalt  }
0x7a: {  	_ =	shalt  }
0x7b: {  	_ =	shalt  }
0x7c: {  	_ =	shalt  }
0x7d: {  	_ =	shalt  }
0x7e: {  	_ =	shalt  }
0x7f: {  	_ =	shalt  }
0x80: {  	_ =	shalt  }
0x81: {  	_ =	shalt  }
0x82: {  	_ =	shalt  }
0x83: {  	_ =	shalt  }
0x84: {  	_ =	shalt  }
0x85: {  	_ =	shalt  }
0x86: {  	_ =	shalt  }
0x87: {  	_ =	shalt  }
.Lfunc_end0:
.L_simem_size_0:
called_computation_lowered:
.L_overlay_start_0:
0x88: {  	s2 =	sld [smem:$0x3FD9]  }
0x89: {  	s3 =	sld [smem:$0x3FFE];
	_ =	sdelay $0x1  }
0x8a: {  	s1 =	srdreg.scid  }
0x8b: {  	s0 =	sand.u32 $0x1, s1  }
0x8c: {  	s14 =	sshll.u32 s0, $0xA;
	s2 =	sadd.s32 s3, s2  }
0x8d: {  	s2 =	sadd.s32 s2, s14  }
0x8e: {  	[smem:$0x3FC5] =	sst s2  }
0x8f: {  	_ = 	snop  }
0x90: {  	s2 =	sld [smem:$0x3FD0];
	_ =	sdelay $0x1  }
0x91: {  	s15 =	sld [smem:$0x3FC9]  }
0x92: {  	s5 =	simm.s32 $0xA;
	s6 =	simm.s32 $0x10;
	s4 =	sld [smem:$0x3FC8]  }
0x93: {  	[smem:s6], [sflag:s5] =	dma.local [hbm:s2], $0x1  }
0x94: {  	_ =	swait.eq [sflag:s5], $0x1  }
0x95: {  	s16 =	sld [smem:$0x11];
	[sflag:s5] =	ssyncset.done $0x0  }
0x96: {  	s17 =	sld [smem:$0x12];
	[sflag:s5] =	ssyncadd.s32 $0xFFFFFFFF  }
0x97: {  	s18 =	sld [smem:$0x13];
	(tm) =	ssettm $0x1  }
0x98: {  	s7 =	sld [smem:$0x3FFB];
	_ =	sdelay $0x3  }
0x99: {  	_ =	strace s7  }
0x9a: {  	s7 =	sld [smem:$0x3FFC];
	_ =	sdelay $0x3  }
0x9b: {  	_ =	strace s7  }
0x9c: {  	s7 =	sld [smem:$0x3FFD];
	_ =	sdelay $0x3  }
0x9d: {  	_ =	strace s7  }
0x9e: {  	_ =	strace $0x8FFFFFFF  }
0x9f: {  	s19 =	sld [smem:$0x3FDB];
	_ =	sdelay $0x1  }
0xa0: {  	s8 =	simm.s32 $_scs_section_size  }
0xa1: {  	s9 =	simm.s32 $_size__tile_overlayer_lowered;
	s10 =	simm.s32 $_tile_overlayer_lowered  }
0xa2: {  	s22 =	simm.s32 $0x1BFF;
	s21 =	sshll.u32 s10, $0x1;
	s7 =	sadd.s32 s8, s19  }
0xa3: {  	s11 =	simm.s32 $0x0;
	s20 =	sshll.u32 s9, $0x1;
	s9 =	sadd.s32 s21, s7  }
0xa4: {  	[timem:s11], [sflag:s22] =	dma.local [hbm:s9], s20  }
0xa5: {  	_ =	swait.ge [sflag:s22], s20  }
0xa6: {  	s8 =	ssub.s32 $0x0, s20;
	[sflag:s22] =	ssyncset.done $0x0  }
0xa7: {  	[sflag:s22] =	ssyncadd.s32 s8;
	_ =	sdelay $0x1  }
0xa8: {  	s23 =	simm.s32 $0x1B8B  }
0xa9: {  	_ =	swait.ge [sflag:s23], $0x1  }
0xaa: {  	[sflag:s23] =	ssyncset.done $0x0  }
0xab: {  	s25 =	simm.s32 $0x1B8E;
	s24 =	sld [smem:$0x3FFE];
	[sflag:s23] =	ssyncadd.s32 $0xFFFFFFFF  }
0xac: {  	s26 =	simm.s32 $execute0_lowered;
	[smem:$0x3FD2] =	sst s25  }
0xad: {  	s9 =	sshll.u32 s26, $0x1;
	_ =	strace $0x80000046;
	[dreg:$0x1] =	wrdreg $0xFFFFFFFF  }
0xae: {  	s28 =	simm.s32 $_size_execute0_lowered;
	s7 =	sadd.s32 s7, s9;
	[dreg:$0x0] =	wrdreg $0x0  }
0xaf: {  	s9 =	sshll.u32 s28, $0x1;
	[dreg:$0x2] =	wrdreg s7  }
0xb0: {  	[dreg:$0x3] =	wrdreg s9  }
0xb1: {  	[dreg:$0x4] =	wrdreg $0xC0  }
0xb2: {  	_ =	task [dreg:s11], $0x5FFFF  }
0xb3: {  	[dreg:$0x1] =	wrdreg $0xFFFFFFFF  }
0xb4: {  	[dreg:$0x0] =	wrdreg $0x60  }
0xb5: {  	[dreg:$0x2] =	wrdreg s15  }
0xb6: {  	[dreg:$0x3] =	wrdreg s4  }
0xb7: {  	[dreg:$0x4] =	wrdreg s24  }
0xb8: {  	[dreg:$0x5] =	wrdreg s16  }
0xb9: {  	[dreg:$0x6] =	wrdreg s17  }
0xba: {  	[dreg:$0x7] =	wrdreg s18  }
0xbb: {  	[dreg:$0x8] =	wrdreg $0x9  }
0xbc: {  	_ =	task.clear_ibuf [dreg:s11], $0x9FFFF;
	_ =	strace $0x90000046  }
0xbd: {  	s29 =	simm.s32 $0x9;
	_ =	strace $0x80000048  }
0xbe: {  	_ =	swait.ge [sflag:s29], $0x1  }
0xbf: {  	[sflag:s29] =	ssyncadd.s32 $0xFFFFFFFF  }
0xc0: {  	_ =	strace $0x90000048  }
0xc1: {  	_ =	sfence  }
0xc2: {  	s30 =	sld [smem:$0x0];
	_ =	sdelay $0x2  }
0xc3: {  	s31 =	sshll.u32 s1, $0xD;
	s1 =	sshrl.u32 s1, $0x2  }
0xc4: {  	s3 =	sand.u32 $0x4000, s31;
	s1 =	sadd.s32 s1, s30  }
0xc5: {  	s0 =	sor.u32 s3, s0;
	s1 =	sshll.u32 s1, $0x11  }
0xc6: {  	s0 =	sor.u32 s1, s0  }
0xc7: {  	s0 =	sadd.s32 $0x8F2B, s0  }
0xc8: {  	[sflag:s0] =	ssyncadd.remote.s32 $0x1  }
0xc9: {  	_ =	sfence.sel $0xFFFF  }
0xca: {  	[dreg:$0x0] =	wrdreg $0xFFFFFFFF;
	(pc) =	sbr.abs _section_cstart, $3  }
0xcb: {  	[dreg:$0x1] =	wrdreg $0xFFFFFFFF  }
0xcc: {  	_ =	task.clear_ibuf [dreg:s11], $0x2FFFF;
	_ =	strace $0x9FFFFFFF  }
0xcd: {  	(tm) =	ssettm $0x7FFFFFFF  }
tec
execute0_lowered:
.L_overlay_start_1:
0x0: {  	(tag) =	ssettag $0x1  }
0x1: {  	s0 =	rddreg [dreg:$0x0]  }
0x2: {  	s1 =	rddreg [dreg:$0x1]  }
0x3: {  	s2 =	rddreg [dreg:$0x2]  }
0x4: {  	s3 =	rddreg [dreg:$0x4]  }
0x5: {  	s25 =	stileid.u32;
	s10 =	rddreg [dreg:$0x5];
	s5 =	simm.s32 $0x0  }
0x6: {  	s13 =	srdreg.scid;
	s28 =	simm.s32 $0x11E00;
	s31 =	simm.s32 $0x0  }
0x7: {  	s4 =	sshll.u32 s25, $0x7;
	s8 =	sshrl.u32 s25, $0x3;
	[smem:$0x7FF] =	sst s5  }
0x8: {  	s19 =	sshll.u32 s25, $0x4;
	s23 =	sand.u32 $0x1, s13;
	s16 =	smul.u32 $0x13A00, s25  }
0x9: {  	s11 =	sand.u32 $0x380, s4;
	s6 =	sshll.u32 s8, $0xA;
	s9 =	smul.u32 $0xFC00, s8  }
0xa: {  	_ =	strace $0x80000047;
	s21 =	ssub.s32 $0x2, s23;
	s4 =	sand.u32 $0x400, s4  }
0xb: {  	s8 =	sshll.u32 s8, $0xD;
	p0 =	seq.s32 s23, $0x0;
	p1 =	sne.s32 s23, $0x0  }
0xc: {  	s23 =	simm.s32 $0x80;
	s6 =	sor.u32 s11, s6;
	s15 =	sshrl.u32 s21, $0x1  }
0xd: {  	s22 =	sshrl.u32 s16, $0x3;
	s24 =	sor.u32 s11, s8;
	s7 =	sshrl.u32 s6, $0x3  }
0xe: {  	s6 =	sadd.s32 $0x400, s2;
	s18 =	sor.u32 s11, s9;
	s9 =	sand.u32 $0x70, s19  }
0xf: {  	s17 =	ssub.s32 s21, s15;
	s19 =	simm.s32 $0x3F00;
	s21 =	simm.s32 $0x1  }
0x10: {  	s12 =	sadd.s32 s7, s2;
	s7 =	sshrl.u32 s18, $0x3;
	s14 =	sadd.s32 s9, s2  }
0x11: {  	s3 =	sadd.s32 s3, s9;
	s9 =	sadd.s32 s0, s22;
	s0 =	sshrl.u32 s24, $0x3  }
0x12: {  	s16 =	smax.u32 s17, $0x1;
	s17 =	simm.s32 $0x2;
	s18 =	simm.s32 $0x1F80  }
0x13: {  	s22 =	simm.s32 $0x13D80;
	s24 =	simm.s32 $0x400;
	s3 =	sadd.s32 s4, s3  }
0x14: {  	s20 =	sadd.s32 s7, s2;
	s26 =	sadd.s32 $0x1300, s9;
	[dreg:$0x8] =	wrdreg s3  }
.Ltmp0:
0x15: {  	s29 =	sadd.s32 $0x2700, s9;
	[dreg:$0x9] =	wrdreg s26;
	(pc) =	sbr.rel .LBB2_1-.Ltmp0, $4  }
0x16: {  	s14 =	sadd.s32 s4, s14;
	s0 =	sadd.s32 s10, s0;
	[dreg:$0xa] =	wrdreg s29  }
0x17: {  	s7 =	smul.u32 $0x188800, s25;
	s14 =	sadd.s32 $0x4A00, s14;
	[dreg:$0xc] =	wrdreg s0  }
0x18: {  	v1 =	vimm.s32 $0x0;
	v2 =	vlaneseq.u32;
	v4 =	vimm.f32 $0.0e+00;
	s15 =	sadd.s32 $0x800, s12;
	s30 =	sadd.s32 $0xA00, s20;
	[dreg:$0x7] =	wrdreg s14  }
0x19: {  	v0 =	vmov s25;
	v3 =	vor.u32 $0x1F50, v2;
	v5 =	vmul.u32 $0x400, v2;
	s20 =	simm.s32 $0x5E80;
	s26 =	simm.s32 $0x7E00;
	[dreg:$0xb] =	wrdreg s30  }
.LBB2_21:
0x1a: {  	vm1 =	vlt.s32 v8, v6  }
0x1b: {  	v6 =	vnsel vm1, $0x0, v8;
	_ =	sdelay $0x2  }
0x1c: {  	v7 =	vnsel vm0, $0x0, v7;
	s0 =	sadd.s32 $0x10, s0  }
0x1d: {  	[tilespmem:s0+$0x0] =	vst v7  }
0x1e: {  	v6 =	vld.idx.msk [tilespmem:v6+s20+$0x0], $0xffff;
	_ =	sdelay $0x3  }
0x1f: {  	vm15 =	vmmov vm1  }
0x20: {  	v6 =	vnsel vm15, $0x0, v6;
	_ =	sdelay $0x4  }
0x21: {  	v6 =	vld.idx.msk [tilespmem:v6+s19+$0x0], $0xffff;
	_ =	sdelay $0x4  }
0x22: {  	s0 =	sadd.s32 $0x10, s0;
	v6 =	vnsel vm15, $0x0, v6  }
0x23: {  	s29 =	rddreg [dreg:$0xc];
	s3 =	simm.s32 $0x1C180;
	[tilespmem:s0+$0x0] =	vst v6  }
0x24: {  	[hbm4b:s29+s23] =	stream.strided.scatter [tilespmem:s3], [sflag:$0x2], $0x400, s24, s23, $0x38;
	[tilespmem:$0x1C600] =	vst v63  }
0x25: {  	_ =	swait.ge [sflag:s17], $0x400  }
0x26: {  	[sflag:s17] =	ssyncset.done $0x0  }
0x27: {  	s30 =	simm.s32 $0x1C580;
	[sflag:s17] =	ssyncadd.s32 $0xFFFFFC00  }
0x28: {  	[hbm4b:s15+s5] =	stream.linear.scatter [tilespmem:s30], [sflag:$0x2], $0x80, $0x38;
	[tilespmem:$0x1C600] =	vst v63  }
0x29: {  	_ =	swait.ge [sflag:s17], $0x80  }
0x2a: {  	[sflag:s17] =	ssyncset.done $0x0  }
0x2b: {  	[sflag:s17] =	ssyncadd.s32 $0xFFFFFF80  }
.LBB2_22:
0x2c: {  	s31 =	sadd.s32 $0x1, s31  }
0x2d: {  	p2 =	sne.s32 s31, s16  }
.Ltmp1:
0x2e: {  	_ = 	snop;
	(pc) =	sbr.rel @!p2 .LBB2_23-.Ltmp1, $1  }
0x2f: {  	_ =	sdelay $0x3  }
.LBB2_1:
0x30: {  	[tilespmem:s5], [sflag:$0x2] =	stream.linear.gather [hbm4b:s6+s5], $0x1F80, $0x38;
	[tilespmem:$0x1C600] =	vst v63  }
0x31: {  	_ =	swait.ge [sflag:s17], $0x1F80  }
0x32: {  	[sflag:s17] =	ssyncset.done $0x0  }
0x33: {  	[sflag:s17] =	ssyncadd.s32 $0xFFFFE080  }
0x34: {  	[tilespmem:s18], [sflag:$0x2] =	stream.linear.gather [hbm4b:s2+s5], $0x1F80, $0x38;
	[tilespmem:$0x1C600] =	vst v63  }
0x35: {  	_ =	swait.ge [sflag:s17], $0x1F80  }
0x36: {  	[sflag:s17] =	ssyncset.done $0x0  }
0x37: {  	[sflag:s17] =	ssyncadd.s32 $0xFFFFE080  }
0x38: {  	s0 =	rddreg [dreg:$0x3]  }
0x39: {  	[tilespmem:s19], [sflag:$0x2] =	stream.linear.gather [hbm4b:s0+s5], $0x1F80, $0x38;
	[tilespmem:$0x1C600] =	vst v63  }
0x3a: {  	_ =	swait.ge [sflag:s17], $0x1F80  }
0x3b: {  	[sflag:s17] =	ssyncset.done $0x0  }
0x3c: {  	s3 =	simm.s32 $0x20;
	v6 =	vimm.s32 $0x0;
	s0 =	simm.s32 $0x30;
	[sflag:s17] =	ssyncadd.s32 $0xFFFFE080  }
.LBB2_2:
0x3d: {  	v7 =	vld [tilespmem:s3+$0xFFFFFFE0];
	_ =	sdelay $0x4  }
0x3e: {  	vm0 =	veq.s32 v7, v0  }
0x3f: {  	v7 =	vsel vm0, $0x1, v1  }
0x40: {  	(xrf0) =	vadd.scan.msk.s32 $0xffff, v7;
	_ =	sdelay $0x5  }
0x41: {  	v7, _, _ =	vpop (xrf0)  }
0x42: {  	v7 =	vadd.s32 v7, v6  }
0x43: {  	v7 =	vadd.s32 $0xFFFFFFFF, v7  }
0x44: {  	v7 =	vsel vm0, v7, v3;
	_ =	sdelay $0x2  }
0x45: {  	s4 =	sadd.s32 $0xFFFFFFD0, s0  }
0x46: {  	v8 =	vor.u32 s4, v2  }
0x47: {  	[tilespmem:v7+s20+$0x0] =	vst.idx.msk $0xffff, v8  }
0x48: {  	v7 =	vld [tilespmem:s3+$0xFFFFFFF0];
	_ =	sdelay $0x4  }
0x49: {  	vm1 =	veq.s32 v7, v0  }
0x4a: {  	v7 =	vsel vm1, $0x1, v1  }
0x4b: {  	(xrf0) =	vadd.scan.msk.s32 $0xffff, v7;
	_ =	sdelay $0x1  }
0x4c: {  	v7 =	vmpcnt.ones.xlane vm0;
	_ =	sdelay $0x3  }
0x4d: {  	v6 =	vadd.s32 v6, v7;
	v7, _, _ =	vpop (xrf0)  }
0x4e: {  	v7 =	vadd.s32 v7, v6  }
0x4f: {  	v7 =	vadd.s32 $0xFFFFFFFF, v7  }
0x50: {  	v7 =	vsel vm1, v7, v3;
	_ =	sdelay $0x2  }
0x51: {  	s29 =	sadd.s32 $0xFFFFFFE0, s0  }
0x52: {  	v8 =	vor.u32 s29, v2  }
0x53: {  	[tilespmem:v7+s20+$0x0] =	vst.idx.msk $0xffff, v8  }
0x54: {  	v7 =	vld [tilespmem:s3+$0x0];
	_ =	sdelay $0x4  }
0x55: {  	vm14 =	veq.s32 v7, v0  }
0x56: {  	v7 =	vsel vm14, $0x1, v1  }
0x57: {  	(xrf0) =	vadd.scan.msk.s32 $0xffff, v7;
	_ =	sdelay $0x1  }
0x58: {  	v7 =	vmpcnt.ones.xlane vm1;
	_ =	sdelay $0x3  }
0x59: {  	v6 =	vadd.s32 v6, v7;
	v7, _, _ =	vpop (xrf0)  }
0x5a: {  	v7 =	vadd.s32 v7, v6  }
0x5b: {  	v7 =	vadd.s32 $0xFFFFFFFF, v7  }
0x5c: {  	v7 =	vsel vm14, v7, v3;
	_ =	sdelay $0x2  }
0x5d: {  	s30 =	sadd.s32 $0xFFFFFFF0, s0  }
0x5e: {  	v8 =	vor.u32 s30, v2  }
0x5f: {  	[tilespmem:v7+s20+$0x0] =	vst.idx.msk $0xffff, v8  }
0x60: {  	v7 =	vld [tilespmem:s3+$0x10];
	_ =	sdelay $0x4  }
0x61: {  	vm15 =	veq.s32 v7, v0  }
0x62: {  	v7 =	vsel vm15, $0x1, v1  }
0x63: {  	(xrf0) =	vadd.scan.msk.s32 $0xffff, v7;
	_ =	sdelay $0x1  }
0x64: {  	v7 =	vmpcnt.ones.xlane vm14;
	_ =	sdelay $0x3  }
0x65: {  	v6 =	vadd.s32 v6, v7;
	v7, _, _ =	vpop (xrf0)  }
0x66: {  	v7 =	vadd.s32 v7, v6  }
0x67: {  	v7 =	vadd.s32 $0xFFFFFFFF, v7  }
0x68: {  	p2 =	sne.s32 s0, $0x1F30;
	v7 =	vsel vm15, v7, v3  }
.Ltmp2:
0x69: {  	_ = 	snop;
	(pc) =	sbr.rel @p2 .LBB2_2-.Ltmp2, $4  }
0x6a: {  	_ = 	snop  }
0x6b: {  	v8 =	vmpcnt.ones.xlane vm15  }
0x6c: {  	v9 =	vor.u32 s0, v2  }
0x6d: {  	s0 =	sadd.s32 $0x40, s0;
	s3 =	sadd.s32 $0x40, s3;
	v6 =	vadd.s32 v6, v8;
	[tilespmem:v7+s20+$0x0] =	vst.idx.msk $0xffff, v9  }
0x6e: {  	[tilespmem:$0x1C580] =	vst v6;
	s0 =	simm.s32 $0x40;
	s3 =	simm.s32 $0x0  }
.LBB2_4:
0x6f: {  	p2 =	sne.s32 s0, $0xF80;
	[tilespmem:s3+$0x1BD80] =	vst v4;
	s3 =	smov.u32 s0;
	s0 =	sadd.s32 $0x40, s0  }
.Ltmp3:
0x70: {  	(pc) =	sbr.rel @p2 .LBB2_4-.Ltmp3, $2  }
0x71: {  	_ =	sdelay $0x2  }
0x72: {  	s3 =	sshra.s32 s3, $0x2  }
0x73: {  	vm0 =	vlt.s32 v6, $0x3E8  }
0x74: {  	v6 =	vnsel vm0, $0x3E8, v6  }
0x75: {  	v7 =	vxor.u32 $0x80000000, v6  }
0x76: {  	(xrf0) =	vmax.scan.msk.u32 $0xffff, v7;
	_ =	sdelay $0x5  }
0x77: {  	v7, _, _ =	vpop (xrf0)  }
0x78: {  	(v2sf) =	vpush v7, $0xF;
	_ =	sdelay $0xe  }
0x79: {  	s0 =	spop (v2sf)  }
0x7a: {  	s0 =	sadd.s32 $0x8000000F, s0  }
0x7b: {  	s4 =	smulhi.u32 $0xAAAAAAAB, s0;
	_ =	sdelay $0x1  }
0x7c: {  	s0 =	sshrl.u32 s0, $0x4;
	s8 =	sshrl.u32 s4, $0x5  }
0x7d: {  	s0 =	ssub.s32 s0, s8  }
0x7e: {  	s4 =	smov.u32 s0  }
0x7f: {  	s4 =	smov.u32 @p0 s8  }
0x80: {  	p2 =	slt.s32 s4, $0x1  }
.Ltmp4:
0x81: {  	_ = 	snop;
	(pc) =	sbr.rel @p2 .LBB2_11-.Ltmp4, $2  }
0x82: {  	_ =	sdelay $0x2  }
0x83: {  	[tilespmem:s3+$0x1BD80] =	vst v4  }
.Ltmp5:
0x84: {  	(pc) =	sbr.rel .LBB2_7-.Ltmp5, $4  }
0x85: {  	s0 =	simm.s32 @!p0 $0x0  }
0x86: {  	s3 =	sshll.u32 s0, $0x6  }
0x87: {  	s29 =	ssub.s32 $0x0, s4;
	s25 =	simm.s32 $0x0;
	s3 =	sshra.s32 s3, $0x2  }
0x88: {  	s8 =	simm.s32 $0x0;
	s30 =	sadd.s32 $0x1BD70, s3;
	s3 =	sshll.u32 s0, $0x4  }
.LBB2_9:
0x89: {  	s8 =	sadd.s32 $0xFFFFFFFF, s8  }
0x8a: {  	p2 =	sne.s32 s29, s8  }
.Ltmp6:
0x8b: {  	_ = 	snop;
	(pc) =	sbr.rel @!p2 .LBB2_10-.Ltmp6, $2  }
0x8c: {  	_ =	sdelay $0x2  }
0x8d: {  	s25 =	sadd.s32 $0x10, s25;
	s30 =	sadd.s32 $0x10, s30  }
.LBB2_7:
0x8e: {  	s11 =	sadd.s32 s25, s3  }
0x8f: {  	v7 =	vor.u32 s11, v2  }
0x90: {  	vm0 =	vlt.s32 v7, v6  }
0x91: {  	v7 =	vnsel vm0, $0x0, v7;
	_ =	sdelay $0x4  }
0x92: {  	v7 =	vld.idx.msk [tilespmem:v7+s20+$0x0], $0xffff;
	_ =	sdelay $0x4  }
0x93: {  	v7 =	vnsel vm0, $0x0, v7;
	_ =	sdelay $0x4  }
0x94: {  	v8 =	vld.idx.msk [tilespmem:v7+s18+$0x0], $0xffff  }
0x95: {  	v7 =	vld.idx.msk [tilespmem:v7+s19+$0x0], $0xffff;
	_ =	sdelay $0x4  }
0x96: {  	v8 =	vnsel vm0, $0x0, v8;
	v9 =	vnsel vm0, $0x0, v7  }
0x97: {  	v7 =	vshll.u32 v8, $0x3;
	v8 =	vshrl.u32 v9, $0x3  }
0x98: {  	(v2sf) =	vpush v7, $0x0;
	v8 =	vmul.u32 $0x27400, v8;
	_ =	sdelay $0x1  }
0x99: {  	(v2sf) =	vpush v8, $0x0;
	_ =	sdelay $0x4  }
0x9a: {  	(v2sf) =	vpush v7, $0x1;
	_ =	sdelay $0x1  }
0x9b: {  	(v2sf) =	vpush v8, $0x1;
	_ =	sdelay $0x4  }
0x9c: {  	(v2sf) =	vpush v7, $0x2  }
0x9d: {  	s10 =	spop (v2sf)  }
0x9e: {  	(v2sf) =	vpush v8, $0x2;
	s10 =	sand.u32 $0x7FFFFC00, s10  }
0x9f: {  	s12 =	sadd.s32 s7, s10;
	s13 =	spop (v2sf)  }
0xa0: {  	s10 =	sand.u32 $0x10, s25;
	s13 =	sadd.s32 s13, s12  }
0xa1: {  	s12 =	sshll.u32 s10, $0xA;
	s13 =	sshrl.u32 s13, $0x3  }
0xa2: {  	s14 =	sor.u32 $0x13D80, s12;
	s13 =	sadd.s32 s1, s13  }
0xa3: {  	(v2sf) =	vpush v7, $0x3;
	[tilespmem:s14], [sflag:$0x1] =	stream.linear.gather [hbm4b:s13+s5], $0x400, $0x38;
	[tilespmem:$0x1C600] =	vst v63  }
0xa4: {  	s14 =	spop (v2sf)  }
0xa5: {  	(v2sf) =	vpush v8, $0x3;
	s13 =	sand.u32 $0x7FFFFC00, s14  }
0xa6: {  	s14 =	spop (v2sf);
	s13 =	sadd.s32 s7, s13  }
0xa7: {  	s13 =	sadd.s32 s14, s13  }
0xa8: {  	s13 =	sshrl.u32 s13, $0x3  }
0xa9: {  	s14 =	sadd.s32 $0x14180, s12;
	s13 =	sadd.s32 s1, s13  }
0xaa: {  	(v2sf) =	vpush v7, $0x4;
	[tilespmem:s14], [sflag:$0x1] =	stream.linear.gather [hbm4b:s13+s5], $0x400, $0x38;
	[tilespmem:$0x1C600] =	vst v63  }
0xab: {  	s14 =	spop (v2sf)  }
0xac: {  	(v2sf) =	vpush v8, $0x4;
	s13 =	sand.u32 $0x7FFFFC00, s14  }
0xad: {  	s13 =	sadd.s32 s7, s13;
	s14 =	spop (v2sf)  }
0xae: {  	s13 =	sadd.s32 s14, s13  }
0xaf: {  	s13 =	sshrl.u32 s13, $0x3  }
0xb0: {  	s14 =	sadd.s32 $0x14580, s12;
	s13 =	sadd.s32 s1, s13  }
0xb1: {  	(v2sf) =	vpush v7, $0x5;
	[tilespmem:s14], [sflag:$0x1] =	stream.linear.gather [hbm4b:s13+s5], $0x400, $0x38;
	[tilespmem:$0x1C600] =	vst v63  }
0xb2: {  	s14 =	spop (v2sf)  }
0xb3: {  	(v2sf) =	vpush v8, $0x5;
	s13 =	sand.u32 $0x7FFFFC00, s14  }
0xb4: {  	s13 =	sadd.s32 s7, s13;
	s14 =	spop (v2sf)  }
0xb5: {  	s13 =	sadd.s32 s14, s13  }
0xb6: {  	s13 =	sshrl.u32 s13, $0x3  }
0xb7: {  	s14 =	sadd.s32 $0x14980, s12;
	s13 =	sadd.s32 s1, s13  }
0xb8: {  	(v2sf) =	vpush v7, $0x6;
	[tilespmem:s14], [sflag:$0x1] =	stream.linear.gather [hbm4b:s13+s5], $0x400, $0x38;
	[tilespmem:$0x1C600] =	vst v63  }
0xb9: {  	s14 =	spop (v2sf)  }
0xba: {  	(v2sf) =	vpush v8, $0x6;
	s13 =	sand.u32 $0x7FFFFC00, s14  }
0xbb: {  	s13 =	sadd.s32 s7, s13;
	s14 =	spop (v2sf)  }
0xbc: {  	s13 =	sadd.s32 s14, s13  }
0xbd: {  	s13 =	sshrl.u32 s13, $0x3  }
0xbe: {  	s14 =	sadd.s32 $0x14D80, s12;
	s13 =	sadd.s32 s1, s13  }
0xbf: {  	(v2sf) =	vpush v7, $0x7;
	[tilespmem:s14], [sflag:$0x1] =	stream.linear.gather [hbm4b:s13+s5], $0x400, $0x38;
	[tilespmem:$0x1C600] =	vst v63  }
0xc0: {  	s14 =	spop (v2sf)  }
0xc1: {  	(v2sf) =	vpush v8, $0x7;
	s13 =	sand.u32 $0x7FFFFC00, s14  }
0xc2: {  	s13 =	sadd.s32 s7, s13;
	s14 =	spop (v2sf)  }
0xc3: {  	s13 =	sadd.s32 s14, s13  }
0xc4: {  	s13 =	sshrl.u32 s13, $0x3  }
0xc5: {  	s14 =	sadd.s32 $0x15180, s12;
	s13 =	sadd.s32 s1, s13  }
0xc6: {  	(v2sf) =	vpush v7, $0x8;
	[tilespmem:s14], [sflag:$0x1] =	stream.linear.gather [hbm4b:s13+s5], $0x400, $0x38;
	[tilespmem:$0x1C600] =	vst v63  }
0xc7: {  	s14 =	spop (v2sf)  }
0xc8: {  	(v2sf) =	vpush v8, $0x8;
	s13 =	sand.u32 $0x7FFFFC00, s14  }
0xc9: {  	s13 =	sadd.s32 s7, s13;
	s14 =	spop (v2sf)  }
0xca: {  	s13 =	sadd.s32 s14, s13  }
0xcb: {  	s13 =	sshrl.u32 s13, $0x3  }
0xcc: {  	s14 =	sadd.s32 $0x15580, s12;
	s13 =	sadd.s32 s1, s13  }
0xcd: {  	(v2sf) =	vpush v7, $0x9;
	[tilespmem:s14], [sflag:$0x1] =	stream.linear.gather [hbm4b:s13+s5], $0x400, $0x38;
	[tilespmem:$0x1C600] =	vst v63  }
0xce: {  	s14 =	spop (v2sf)  }
0xcf: {  	(v2sf) =	vpush v8, $0x9;
	s13 =	sand.u32 $0x7FFFFC00, s14  }
0xd0: {  	s13 =	sadd.s32 s7, s13;
	s14 =	spop (v2sf)  }
0xd1: {  	s13 =	sadd.s32 s14, s13  }
0xd2: {  	s13 =	sshrl.u32 s13, $0x3  }
0xd3: {  	s14 =	sadd.s32 $0x15980, s12;
	s13 =	sadd.s32 s1, s13  }
0xd4: {  	(v2sf) =	vpush v7, $0xA;
	[tilespmem:s14], [sflag:$0x1] =	stream.linear.gather [hbm4b:s13+s5], $0x400, $0x38;
	[tilespmem:$0x1C600] =	vst v63  }
0xd5: {  	s14 =	spop (v2sf)  }
0xd6: {  	(v2sf) =	vpush v8, $0xA;
	s13 =	sand.u32 $0x7FFFFC00, s14  }
0xd7: {  	s13 =	sadd.s32 s7, s13;
	s14 =	spop (v2sf)  }
0xd8: {  	s13 =	sadd.s32 s14, s13  }
0xd9: {  	s13 =	sshrl.u32 s13, $0x3  }
0xda: {  	s14 =	sadd.s32 $0x15D80, s12;
	s13 =	sadd.s32 s1, s13  }
0xdb: {  	(v2sf) =	vpush v7, $0xB;
	[tilespmem:s14], [sflag:$0x1] =	stream.linear.gather [hbm4b:s13+s5], $0x400, $0x38;
	[tilespmem:$0x1C600] =	vst v63  }
0xdc: {  	s14 =	spop (v2sf)  }
0xdd: {  	(v2sf) =	vpush v8, $0xB;
	s13 =	sand.u32 $0x7FFFFC00, s14  }
0xde: {  	s13 =	sadd.s32 s7, s13;
	s14 =	spop (v2sf)  }
0xdf: {  	s13 =	sadd.s32 s14, s13  }
0xe0: {  	s13 =	sshrl.u32 s13, $0x3  }
0xe1: {  	s14 =	sadd.s32 $0x16180, s12;
	s13 =	sadd.s32 s1, s13  }
0xe2: {  	(v2sf) =	vpush v7, $0xC;
	[tilespmem:s14], [sflag:$0x1] =	stream.linear.gather [hbm4b:s13+s5], $0x400, $0x38;
	[tilespmem:$0x1C600] =	vst v63  }
0xe3: {  	s14 =	spop (v2sf)  }
0xe4: {  	(v2sf) =	vpush v8, $0xC;
	s13 =	sand.u32 $0x7FFFFC00, s14  }
0xe5: {  	s13 =	sadd.s32 s7, s13;
	s14 =	spop (v2sf)  }
0xe6: {  	s13 =	sadd.s32 s14, s13  }
0xe7: {  	s13 =	sshrl.u32 s13, $0x3  }
0xe8: {  	s14 =	sadd.s32 $0x16580, s12;
	s13 =	sadd.s32 s1, s13  }
0xe9: {  	(v2sf) =	vpush v7, $0xD;
	[tilespmem:s14], [sflag:$0x1] =	stream.linear.gather [hbm4b:s13+s5], $0x400, $0x38;
	[tilespmem:$0x1C600] =	vst v63  }
0xea: {  	s14 =	spop (v2sf)  }
0xeb: {  	(v2sf) =	vpush v8, $0xD;
	s13 =	sand.u32 $0x7FFFFC00, s14  }
0xec: {  	s13 =	sadd.s32 s7, s13;
	s14 =	spop (v2sf)  }
0xed: {  	s13 =	sadd.s32 s14, s13  }
0xee: {  	s13 =	sshrl.u32 s13, $0x3  }
0xef: {  	s14 =	sadd.s32 $0x16980, s12;
	s13 =	sadd.s32 s1, s13  }
0xf0: {  	(v2sf) =	vpush v7, $0xE;
	[tilespmem:s14], [sflag:$0x1] =	stream.linear.gather [hbm4b:s13+s5], $0x400, $0x38;
	[tilespmem:$0x1C600] =	vst v63  }
0xf1: {  	s14 =	spop (v2sf)  }
0xf2: {  	(v2sf) =	vpush v8, $0xE;
	s13 =	sand.u32 $0x7FFFFC00, s14  }
0xf3: {  	s13 =	sadd.s32 s7, s13;
	s14 =	spop (v2sf)  }
0xf4: {  	s13 =	sadd.s32 s14, s13  }
0xf5: {  	s13 =	sshrl.u32 s13, $0x3  }
0xf6: {  	s14 =	sadd.s32 $0x16D80, s12;
	s13 =	sadd.s32 s1, s13  }
0xf7: {  	(v2sf) =	vpush v8, $0xF;
	[tilespmem:s14], [sflag:$0x1] =	stream.linear.gather [hbm4b:s13+s5], $0x400, $0x38;
	[tilespmem:$0x1C600] =	vst v63  }
0xf8: {  	s14 =	spop (v2sf);
	(v2sf) =	vpush v7, $0xF  }
0xf9: {  	s13 =	sand.u32 $0x7FFFFC00, s14  }
0xfa: {  	s14 =	spop (v2sf);
	s13 =	sadd.s32 s7, s13  }
0xfb: {  	s13 =	sadd.s32 s14, s13  }
0xfc: {  	s13 =	sshrl.u32 s13, $0x3  }
0xfd: {  	s14 =	sadd.s32 $0x17180, s12;
	s13 =	sadd.s32 s1, s13  }
0xfe: {  	[tilespmem:s14], [sflag:$0x1] =	stream.linear.gather [hbm4b:s13+s5], $0x400, $0x38;
	[tilespmem:$0x1C600] =	vst v63  }
0xff: {  	s14 =	spop (v2sf)  }
0x100: {  	s13 =	sand.u32 $0x7FFFFC00, s14  }
0x101: {  	s13 =	sadd.s32 s7, s13;
	s14 =	spop (v2sf)  }
0x102: {  	s13 =	sadd.s32 s14, s13  }
0x103: {  	s13 =	sshrl.u32 s13, $0x3  }
0x104: {  	s14 =	sadd.s32 $0x17580, s12;
	s13 =	sadd.s32 s1, s13  }
0x105: {  	[tilespmem:s14], [sflag:$0x1] =	stream.linear.gather [hbm4b:s13+s5], $0x400, $0x38;
	[tilespmem:$0x1C600] =	vst v63  }
0x106: {  	s13 =	spop (v2sf)  }
0x107: {  	s14 =	spop (v2sf)  }
0x108: {  	p2 =	seq.s32 s8, $0x0;
	s14 =	sand.u32 $0x7FFFFC00, s14  }
.Ltmp7:
0x109: {  	s14 =	sadd.s32 s7, s14;
	(pc) =	sbr.rel @p2 .LBB2_9-.Ltmp7, $4  }
0x10a: {  	s13 =	sadd.s32 s13, s14  }
0x10b: {  	s13 =	sshrl.u32 s13, $0x3  }
0x10c: {  	s12 =	sadd.s32 $0x17980, s12;
	s13 =	sadd.s32 s1, s13  }
0x10d: {  	[tilespmem:s12], [sflag:$0x1] =	stream.linear.gather [hbm4b:s13+s5], $0x400, $0x38;
	[tilespmem:$0x1C600] =	vst v63  }
0x10e: {  	s11 =	sadd.s32 $0xFFFFFFF0, s11  }
0x10f: {  	v7 =	vor.u32 s11, v2  }
0x110: {  	vm0 =	vlt.s32 v7, v6  }
0x111: {  	v7 =	vnsel vm0, $0x0, v7;
	_ =	sdelay $0x4  }
0x112: {  	v7 =	vld.idx.msk [tilespmem:v7+s20+$0x0], $0xffff;
	_ =	sdelay $0x4  }
0x113: {  	v7 =	vnsel vm0, $0x0, v7;
	_ =	sdelay $0x4  }
0x114: {  	v8 =	vld.idx.msk [tilespmem:v7+s18+$0x0], $0xffff  }
0x115: {  	v7 =	vld.idx.msk [tilespmem:v7+s19+$0x0], $0xffff;
	_ =	swait.ge [sflag:s21], $0x400  }
0x116: {  	[sflag:s21] =	ssyncset.done $0x0  }
0x117: {  	[sflag:s21] =	ssyncadd.s32 $0xFFFFFC00  }
0x118: {  	_ =	swait.ge [sflag:s21], $0x400  }
0x119: {  	[sflag:s21] =	ssyncset.done $0x0  }
0x11a: {  	[sflag:s21] =	ssyncadd.s32 $0xFFFFFC00  }
0x11b: {  	_ =	swait.ge [sflag:s21], $0x400  }
0x11c: {  	[sflag:s21] =	ssyncset.done $0x0  }
0x11d: {  	[sflag:s21] =	ssyncadd.s32 $0xFFFFFC00  }
0x11e: {  	_ =	swait.ge [sflag:s21], $0x400  }
0x11f: {  	[sflag:s21] =	ssyncset.done $0x0  }
0x120: {  	[sflag:s21] =	ssyncadd.s32 $0xFFFFFC00  }
0x121: {  	_ =	swait.ge [sflag:s21], $0x400  }
0x122: {  	[sflag:s21] =	ssyncset.done $0x0  }
0x123: {  	[sflag:s21] =	ssyncadd.s32 $0xFFFFFC00  }
0x124: {  	_ =	swait.ge [sflag:s21], $0x400  }
0x125: {  	[sflag:s21] =	ssyncset.done $0x0  }
0x126: {  	[sflag:s21] =	ssyncadd.s32 $0xFFFFFC00  }
0x127: {  	_ =	swait.ge [sflag:s21], $0x400  }
0x128: {  	[sflag:s21] =	ssyncset.done $0x0  }
0x129: {  	[sflag:s21] =	ssyncadd.s32 $0xFFFFFC00  }
0x12a: {  	_ =	swait.ge [sflag:s21], $0x400  }
0x12b: {  	[sflag:s21] =	ssyncset.done $0x0  }
0x12c: {  	[sflag:s21] =	ssyncadd.s32 $0xFFFFFC00  }
0x12d: {  	_ =	swait.ge [sflag:s21], $0x400  }
0x12e: {  	[sflag:s21] =	ssyncset.done $0x0  }
0x12f: {  	[sflag:s21] =	ssyncadd.s32 $0xFFFFFC00  }
0x130: {  	_ =	swait.ge [sflag:s21], $0x400  }
0x131: {  	[sflag:s21] =	ssyncset.done $0x0  }
0x132: {  	[sflag:s21] =	ssyncadd.s32 $0xFFFFFC00  }
0x133: {  	_ =	swait.ge [sflag:s21], $0x400  }
0x134: {  	[sflag:s21] =	ssyncset.done $0x0  }
0x135: {  	[sflag:s21] =	ssyncadd.s32 $0xFFFFFC00  }
0x136: {  	_ =	swait.ge [sflag:s21], $0x400  }
0x137: {  	[sflag:s21] =	ssyncset.done $0x0  }
0x138: {  	[sflag:s21] =	ssyncadd.s32 $0xFFFFFC00  }
0x139: {  	_ =	swait.ge [sflag:s21], $0x400  }
0x13a: {  	[sflag:s21] =	ssyncset.done $0x0  }
0x13b: {  	s10 =	sxor.u32 $0x10, s10;
	[sflag:s21] =	ssyncadd.s32 $0xFFFFFC00  }
0x13c: {  	v9 =	vmov s10;
	v7 =	vshll.u32 v7, $0x7;
	_ =	swait.ge [sflag:s21], $0x400  }
0x13d: {  	v9 =	vshll.u32 v9, $0xA;
	v7 =	vand.u32 $0x380, v7;
	[sflag:s21] =	ssyncset.done $0x0  }
0x13e: {  	v9 =	vor.u32 v5, v9;
	v8 =	vand.u32 $0x7F, v8;
	v7 =	vnsel vm0, $0x0, v7;
	[sflag:s21] =	ssyncadd.s32 $0xFFFFFC00  }
0x13f: {  	v8 =	vnsel vm0, $0x0, v8;
	v7 =	vor.u32 v9, v7;
	_ =	swait.ge [sflag:s21], $0x400  }
0x140: {  	v7 =	vor.u32 v8, v7;
	[sflag:s21] =	ssyncset.done $0x0  }
0x141: {  	[sflag:s21] =	ssyncadd.s32 $0xFFFFFC00  }
0x142: {  	_ =	swait.ge [sflag:s21], $0x400  }
0x143: {  	[sflag:s21] =	ssyncset.done $0x0  }
0x144: {  	[sflag:s21] =	ssyncadd.s32 $0xFFFFFC00  }
0x145: {  	v7 =	vld.idx.msk [tilespmem:v7+s22+$0x0], $0xffff;
	_ =	sdelay $0x1  }
.Ltmp8:
0x146: {  	_ = 	snop;
	(pc) =	sbr.rel .LBB2_9-.Ltmp8, $3  }
0x147: {  	_ =	sdelay $0x1  }
0x148: {  	v7 =	vnsel vm0, $0x0, v7  }
0x149: {  	[tilespmem:s30+$0x0] =	vst v7  }
.LBB2_10:
0x14a: {  	s3 =	sadd.s32 $0xFFFFFFFF, s4  }
0x14b: {  	s0 =	sadd.s32 s0, s3  }
0x14c: {  	s0 =	sshll.u32 s0, $0x4  }
0x14d: {  	v7 =	vor.u32 s0, v2  }
0x14e: {  	vm0 =	vlt.s32 v7, v6  }
0x14f: {  	v7 =	vnsel vm0, $0x0, v7;
	_ =	sdelay $0x4  }
0x150: {  	v7 =	vld.idx.msk [tilespmem:v7+s20+$0x0], $0xffff;
	_ =	sdelay $0x4  }
0x151: {  	v7 =	vnsel vm0, $0x0, v7;
	_ =	sdelay $0x4  }
0x152: {  	v8 =	vld.idx.msk [tilespmem:v7+s18+$0x0], $0xffff  }
0x153: {  	v7 =	vld.idx.msk [tilespmem:v7+s19+$0x0], $0xffff;
	_ =	swait.ge [sflag:s21], $0x400  }
0x154: {  	[sflag:s21] =	ssyncset.done $0x0  }
0x155: {  	[sflag:s21] =	ssyncadd.s32 $0xFFFFFC00  }
0x156: {  	_ =	swait.ge [sflag:s21], $0x400  }
0x157: {  	[sflag:s21] =	ssyncset.done $0x0  }
0x158: {  	[sflag:s21] =	ssyncadd.s32 $0xFFFFFC00  }
0x159: {  	_ =	swait.ge [sflag:s21], $0x400  }
0x15a: {  	[sflag:s21] =	ssyncset.done $0x0  }
0x15b: {  	[sflag:s21] =	ssyncadd.s32 $0xFFFFFC00  }
0x15c: {  	_ =	swait.ge [sflag:s21], $0x400  }
0x15d: {  	[sflag:s21] =	ssyncset.done $0x0  }
0x15e: {  	[sflag:s21] =	ssyncadd.s32 $0xFFFFFC00  }
0x15f: {  	_ =	swait.ge [sflag:s21], $0x400  }
0x160: {  	[sflag:s21] =	ssyncset.done $0x0  }
0x161: {  	[sflag:s21] =	ssyncadd.s32 $0xFFFFFC00  }
0x162: {  	_ =	swait.ge [sflag:s21], $0x400  }
0x163: {  	[sflag:s21] =	ssyncset.done $0x0  }
0x164: {  	[sflag:s21] =	ssyncadd.s32 $0xFFFFFC00  }
0x165: {  	_ =	swait.ge [sflag:s21], $0x400  }
0x166: {  	[sflag:s21] =	ssyncset.done $0x0  }
0x167: {  	[sflag:s21] =	ssyncadd.s32 $0xFFFFFC00  }
0x168: {  	_ =	swait.ge [sflag:s21], $0x400  }
0x169: {  	[sflag:s21] =	ssyncset.done $0x0  }
0x16a: {  	[sflag:s21] =	ssyncadd.s32 $0xFFFFFC00  }
0x16b: {  	_ =	swait.ge [sflag:s21], $0x400  }
0x16c: {  	[sflag:s21] =	ssyncset.done $0x0  }
0x16d: {  	[sflag:s21] =	ssyncadd.s32 $0xFFFFFC00  }
0x16e: {  	_ =	swait.ge [sflag:s21], $0x400  }
0x16f: {  	[sflag:s21] =	ssyncset.done $0x0  }
0x170: {  	[sflag:s21] =	ssyncadd.s32 $0xFFFFFC00  }
0x171: {  	_ =	swait.ge [sflag:s21], $0x400  }
0x172: {  	[sflag:s21] =	ssyncset.done $0x0  }
0x173: {  	[sflag:s21] =	ssyncadd.s32 $0xFFFFFC00  }
0x174: {  	_ =	swait.ge [sflag:s21], $0x400  }
0x175: {  	[sflag:s21] =	ssyncset.done $0x0  }
0x176: {  	[sflag:s21] =	ssyncadd.s32 $0xFFFFFC00  }
0x177: {  	_ =	swait.ge [sflag:s21], $0x400  }
0x178: {  	s3 =	sshll.u32 s3, $0x4;
	[sflag:s21] =	ssyncset.done $0x0  }
0x179: {  	s3 =	sand.u32 $0x10, s3;
	[sflag:s21] =	ssyncadd.s32 $0xFFFFFC00  }
0x17a: {  	v9 =	vmov s3;
	v7 =	vshll.u32 v7, $0x7;
	_ =	swait.ge [sflag:s21], $0x400  }
0x17b: {  	v9 =	vshll.u32 v9, $0xA;
	v7 =	vand.u32 $0x380, v7;
	[sflag:s21] =	ssyncset.done $0x0  }
0x17c: {  	v9 =	vor.u32 v5, v9;
	v8 =	vand.u32 $0x7F, v8;
	v7 =	vnsel vm0, $0x0, v7;
	[sflag:s21] =	ssyncadd.s32 $0xFFFFFC00  }
0x17d: {  	v8 =	vnsel vm0, $0x0, v8;
	v7 =	vor.u32 v9, v7;
	_ =	swait.ge [sflag:s21], $0x400  }
0x17e: {  	v7 =	vor.u32 v8, v7;
	[sflag:s21] =	ssyncset.done $0x0  }
0x17f: {  	[sflag:s21] =	ssyncadd.s32 $0xFFFFFC00  }
0x180: {  	_ =	swait.ge [sflag:s21], $0x400  }
0x181: {  	[sflag:s21] =	ssyncset.done $0x0  }
0x182: {  	[sflag:s21] =	ssyncadd.s32 $0xFFFFFC00  }
0x183: {  	v7 =	vld.idx.msk [tilespmem:v7+s22+$0x0], $0xffff;
	_ =	sdelay $0x4  }
0x184: {  	v7 =	vnsel vm0, $0x0, v7  }
0x185: {  	[tilespmem:s0+$0x1BD80] =	vst v7  }
.LBB2_11:
.Ltmp9:
0x186: {  	(pc) =	sbr.rel @p1 .LBB2_19-.Ltmp9, $1  }
0x187: {  	_ =	sdelay $0x3  }
0x188: {  	s0 =	rddreg [dreg:$0x8];
	s3 =	simm.s32 $0x1BD80;
	s29 =	simm.s32 $0x0  }
0x189: {  	[hbm4b:s0+s23] =	stream.strided.scatter [tilespmem:s3], [sflag:$0x2], $0x400, s24, s23, $0x38;
	[tilespmem:$0x1C600] =	vst v63  }
0x18a: {  	v7 =	vor.u32 s29, v2;
	_ =	swait.ge [sflag:s17], $0x400  }
0x18b: {  	vm0 =	vlt.s32 v7, v6;
	[sflag:s17] =	ssyncset.done $0x0  }
0x18c: {  	v8 =	vnsel vm0, $0x0, v7;
	[sflag:s17] =	ssyncadd.s32 $0xFFFFFC00  }
0x18d: {  	[tilespmem:s26], [sflag:$0x2] =	stream.linear.gather [hbm4b:s9+s29], $0xA000, $0x38;
	[tilespmem:$0x1C600] =	vst v63  }
0x18e: {  	_ =	swait.ge [sflag:s17], $0xA000  }
0x18f: {  	[sflag:s17] =	ssyncset.done $0x0  }
0x190: {  	[sflag:s17] =	ssyncadd.s32 $0xFFFF6000  }
0x191: {  	v8 =	vld.idx.msk [tilespmem:v8+s20+$0x0], $0xffff;
	_ =	sdelay $0x4  }
0x192: {  	v8 =	vnsel vm0, $0x0, v8;
	_ =	sdelay $0x4  }
0x193: {  	v8 =	vld.idx.msk [tilespmem:v8+s18+$0x0], $0xffff;
	_ =	sdelay $0x4  }
0x194: {  	vm1 =	vlt.u32 v8, $0x2800  }
0x195: {  	vm0 =	vmand vm0, vm1  }
0x196: {  	v8 =	vnsel vm0, $0x0, v8  }
0x197: {  	v9 =	vshll.u32 v8, $0x2  }
0x198: {  	v8 =	vand.u32 $0x7F, v8;
	v9 =	vand.u32 $0xFFFFFE00, v9  }
0x199: {  	v8 =	vor.u32 v8, v9;
	_ =	sdelay $0x4  }
0x19a: {  	v9 =	vld.idx.msk [tilespmem:v8+s26+$0x0], $0xffff  }
0x19b: {  	v10 =	vshll.u32 v7, $0x3  }
0x19c: {  	v7 =	vor.u32 $0x80, v8;
	_ =	sdelay $0x2  }
0x19d: {  	v9 =	vnsel vm0, $0x0, v9  }
0x19e: {  	[tilespmem:v10+s28+$0x0] =	vst.idx.msk $0xffff, v9  }
0x19f: {  	v7 =	vld.idx.msk [tilespmem:v7+s26+$0x0], $0xffff  }
0x1a0: {  	v9 =	vor.u32 $0x1, v10  }
0x1a1: {  	v11 =	vor.u32 $0x100, v8;
	_ =	sdelay $0x2  }
0x1a2: {  	v7 =	vnsel vm0, $0x0, v7  }
0x1a3: {  	[tilespmem:v9+s28+$0x0] =	vst.idx.msk $0xffff, v7  }
0x1a4: {  	v7 =	vld.idx.msk [tilespmem:v11+s26+$0x0], $0xffff  }
0x1a5: {  	v9 =	vor.u32 $0x2, v10  }
0x1a6: {  	v8 =	vor.u32 $0x180, v8;
	_ =	sdelay $0x2  }
0x1a7: {  	v7 =	vnsel vm0, $0x0, v7  }
0x1a8: {  	[tilespmem:v9+s28+$0x0] =	vst.idx.msk $0xffff, v7  }
0x1a9: {  	v7 =	vld.idx.msk [tilespmem:v8+s26+$0x0], $0xffff  }
0x1aa: {  	v8 =	vor.u32 $0x3, v10  }
0x1ab: {  	v9 =	vor.u32 $0x4, v10;
	_ =	sdelay $0x2  }
0x1ac: {  	s30 =	simm.s32 $0x10;
	v11 =	vor.u32 $0x5, v10;
	v7 =	vnsel vm0, $0x0, v7  }
0x1ad: {  	v12 =	vor.u32 $0x6, v10;
	[tilespmem:v8+s28+$0x0] =	vst.idx.msk $0xffff, v7;
	v7 =	vor.u32 s30, v2  }
0x1ae: {  	[tilespmem:v9+s28+$0x0] =	vst.idx.msk $0xffff, v4;
	vm1 =	vlt.s32 v7, v6;
	v9 =	vor.u32 $0x7, v10  }
0x1af: {  	v8 =	vnsel vm1, $0x0, v7;
	_ =	sdelay $0x1  }
0x1b0: {  	[tilespmem:v11+s28+$0x0] =	vst.idx.msk $0xffff, v4  }
0x1b1: {  	s0 =	simm.s32 $0x20;
	[tilespmem:v12+s28+$0x0] =	vst.idx.msk $0xffff, v4  }
.LBB2_13:
0x1b2: {  	p2 =	sne.s32 s0, $0x3E0;
	[tilespmem:v9+s28+$0x0] =	vst.idx.msk $0xffff, v4;
	s3 =	smov.u32 s0;
	s0 =	sadd.s32 $0x10, s0  }
0x1b3: {  	v8 =	vld.idx.msk [tilespmem:v8+s20+$0x0], $0xffff;
	_ =	sdelay $0x5  }
0x1b4: {  	v8 =	vnsel vm1, $0x0, v8;
	_ =	sdelay $0x4  }
0x1b5: {  	v8 =	vld.idx.msk [tilespmem:v8+s18+$0x0], $0xffff;
	_ =	sdelay $0x5  }
0x1b6: {  	vm0 =	vlt.u32 v8, $0x2800  }
0x1b7: {  	vm0 =	vmand vm1, vm0  }
0x1b8: {  	v8 =	vnsel vm0, $0x0, v8  }
0x1b9: {  	v9 =	vshll.u32 v8, $0x2  }
0x1ba: {  	v8 =	vand.u32 $0x7F, v8;
	v9 =	vand.u32 $0xFFFFFE00, v9  }
0x1bb: {  	v8 =	vor.u32 v8, v9;
	_ =	sdelay $0x4  }
0x1bc: {  	v9 =	vld.idx.msk [tilespmem:v8+s26+$0x0], $0xffff;
	_ =	sdelay $0x1  }
0x1bd: {  	v10 =	vshll.u32 v7, $0x3  }
0x1be: {  	v7 =	vor.u32 $0x80, v8;
	_ =	sdelay $0x2  }
0x1bf: {  	v9 =	vnsel vm0, $0x0, v9  }
0x1c0: {  	[tilespmem:v10+s28+$0x0] =	vst.idx.msk $0xffff, v9  }
0x1c1: {  	v7 =	vld.idx.msk [tilespmem:v7+s26+$0x0], $0xffff;
	_ =	sdelay $0x1  }
0x1c2: {  	v9 =	vor.u32 $0x1, v10  }
0x1c3: {  	v11 =	vor.u32 $0x100, v8;
	_ =	sdelay $0x2  }
0x1c4: {  	v7 =	vnsel vm0, $0x0, v7  }
0x1c5: {  	[tilespmem:v9+s28+$0x0] =	vst.idx.msk $0xffff, v7  }
0x1c6: {  	v7 =	vld.idx.msk [tilespmem:v11+s26+$0x0], $0xffff;
	_ =	sdelay $0x1  }
0x1c7: {  	v9 =	vor.u32 $0x2, v10  }
0x1c8: {  	v8 =	vor.u32 $0x180, v8;
	_ =	sdelay $0x2  }
0x1c9: {  	v7 =	vnsel vm0, $0x0, v7  }
0x1ca: {  	[tilespmem:v9+s28+$0x0] =	vst.idx.msk $0xffff, v7  }
0x1cb: {  	v8 =	vld.idx.msk [tilespmem:v8+s26+$0x0], $0xffff;
	_ =	sdelay $0x1  }
0x1cc: {  	v11 =	vor.u32 $0x3, v10  }
0x1cd: {  	v12 =	vor.u32 $0x4, v10  }
0x1ce: {  	v13 =	vor.u32 $0x5, v10  }
0x1cf: {  	v14 =	vor.u32 $0x6, v10;
	v7 =	vor.u32 s3, v2  }
.Ltmp10:
0x1d0: {  	v9 =	vor.u32 $0x7, v10;
	vm1 =	vlt.s32 v7, v6;
	v15 =	vnsel vm0, $0x0, v8;
	(pc) =	sbr.rel @p2 .LBB2_13-.Ltmp10, $4  }
0x1d1: {  	v8 =	vnsel vm1, $0x0, v7;
	[tilespmem:v11+s28+$0x0] =	vst.idx.msk $0xffff, v15  }
0x1d2: {  	[tilespmem:v12+s28+$0x0] =	vst.idx.msk $0xffff, v4  }
0x1d3: {  	[tilespmem:v13+s28+$0x0] =	vst.idx.msk $0xffff, v4  }
0x1d4: {  	[tilespmem:v14+s28+$0x0] =	vst.idx.msk $0xffff, v4  }
0x1d5: {  	_ =	sdelay $0x3  }
0x1d6: {  	[tilespmem:v9+s28+$0x0] =	vst.idx.msk $0xffff, v4  }
0x1d7: {  	v8 =	vld.idx.msk [tilespmem:v8+s20+$0x0], $0xffff;
	_ =	sdelay $0x4  }
0x1d8: {  	v8 =	vnsel vm1, $0x0, v8;
	_ =	sdelay $0x4  }
0x1d9: {  	v8 =	vld.idx.msk [tilespmem:v8+s18+$0x0], $0xffff;
	_ =	sdelay $0x4  }
0x1da: {  	vm0 =	vlt.u32 v8, $0x2800  }
0x1db: {  	vm0 =	vmand vm1, vm0  }
0x1dc: {  	v8 =	vnsel vm0, $0x0, v8  }
0x1dd: {  	v9 =	vshll.u32 v8, $0x2  }
0x1de: {  	v8 =	vand.u32 $0x7F, v8;
	v9 =	vand.u32 $0xFFFFFE00, v9  }
0x1df: {  	v8 =	vor.u32 v8, v9;
	_ =	sdelay $0x4  }
0x1e0: {  	v9 =	vld.idx.msk [tilespmem:v8+s26+$0x0], $0xffff  }
0x1e1: {  	v7 =	vshll.u32 v7, $0x3  }
0x1e2: {  	v10 =	vor.u32 $0x80, v8;
	_ =	sdelay $0x2  }
0x1e3: {  	v9 =	vnsel vm0, $0x0, v9  }
0x1e4: {  	[tilespmem:v7+s28+$0x0] =	vst.idx.msk $0xffff, v9  }
0x1e5: {  	v9 =	vld.idx.msk [tilespmem:v10+s26+$0x0], $0xffff  }
0x1e6: {  	v10 =	vor.u32 $0x1, v7  }
0x1e7: {  	v11 =	vor.u32 $0x100, v8;
	_ =	sdelay $0x2  }
0x1e8: {  	v9 =	vnsel vm0, $0x0, v9  }
0x1e9: {  	[tilespmem:v10+s28+$0x0] =	vst.idx.msk $0xffff, v9  }
0x1ea: {  	v9 =	vld.idx.msk [tilespmem:v11+s26+$0x0], $0xffff  }
0x1eb: {  	v10 =	vor.u32 $0x2, v7  }
0x1ec: {  	v8 =	vor.u32 $0x180, v8;
	_ =	sdelay $0x2  }
0x1ed: {  	v9 =	vnsel vm0, $0x0, v9  }
0x1ee: {  	[tilespmem:v10+s28+$0x0] =	vst.idx.msk $0xffff, v9  }
0x1ef: {  	v8 =	vld.idx.msk [tilespmem:v8+s26+$0x0], $0xffff  }
0x1f0: {  	v9 =	vor.u32 $0x3, v7  }
0x1f1: {  	v10 =	vor.u32 $0x4, v7  }
0x1f2: {  	v11 =	vor.u32 $0x5, v7  }
0x1f3: {  	v12 =	vor.u32 $0x6, v7  }
0x1f4: {  	v7 =	vor.u32 $0x7, v7;
	v8 =	vnsel vm0, $0x0, v8  }
0x1f5: {  	[tilespmem:v9+s28+$0x0] =	vst.idx.msk $0xffff, v8  }
0x1f6: {  	s0 =	simm.s32 $0x0;
	[tilespmem:v10+s28+$0x0] =	vst.idx.msk $0xffff, v4  }
0x1f7: {  	v8 =	vor.u32 s0, v2;
	[tilespmem:v11+s28+$0x0] =	vst.idx.msk $0xffff, v4  }
0x1f8: {  	vm0 =	vlt.s32 v8, v6;
	[tilespmem:v12+s28+$0x0] =	vst.idx.msk $0xffff, v4  }
0x1f9: {  	s3 =	rddreg [dreg:$0x9];
	[tilespmem:v7+s28+$0x0] =	vst.idx.msk $0xffff, v4;
	v7 =	vnsel vm0, $0x0, v8  }
0x1fa: {  	[tilespmem:s26], [sflag:$0x2] =	stream.linear.gather [hbm4b:s3+s0], $0xA000, $0x38;
	[tilespmem:$0x1C600] =	vst v63  }
0x1fb: {  	_ =	swait.ge [sflag:s17], $0xA000  }
0x1fc: {  	[sflag:s17] =	ssyncset.done $0x0  }
0x1fd: {  	[sflag:s17] =	ssyncadd.s32 $0xFFFF6000  }
0x1fe: {  	v7 =	vld.idx.msk [tilespmem:v7+s20+$0x0], $0xffff;
	_ =	sdelay $0x4  }
0x1ff: {  	v7 =	vnsel vm0, $0x0, v7;
	_ =	sdelay $0x4  }
0x200: {  	v7 =	vld.idx.msk [tilespmem:v7+s18+$0x0], $0xffff;
	_ =	sdelay $0x4  }
0x201: {  	v7 =	vadd.s32 $0xFFFFDA00, v7  }
0x202: {  	vm1 =	vlt.u32 v7, $0x2800  }
0x203: {  	vm0 =	vmand vm0, vm1  }
0x204: {  	v7 =	vnsel vm0, $0x0, v7  }
0x205: {  	v9 =	vshll.u32 v7, $0x2  }
0x206: {  	v8 =	vshll.u32 v8, $0x3;
	v7 =	vand.u32 $0x7F, v7;
	v9 =	vand.u32 $0xFFFFFE00, v9  }
0x207: {  	v7 =	vor.u32 v7, v9;
	_ =	sdelay $0x3  }
0x208: {  	v9 =	vld.idx.msk [tilespmem:v8+s28+$0x0], $0xffff  }
0x209: {  	v10 =	vld.idx.msk [tilespmem:v7+s26+$0x0], $0xffff;
	_ =	sdelay $0x1  }
0x20a: {  	v11 =	vor.u32 $0x80, v7  }
0x20b: {  	v63 =	vor.u32 $0x1, v8;
	_ =	sdelay $0x1  }
0x20c: {  	v9 =	vsel vm0, v10, v9  }
0x20d: {  	[tilespmem:v8+s28+$0x0] =	vst.idx.msk $0xffff, v9  }
0x20e: {  	v9 =	vld.idx.msk [tilespmem:v11+s26+$0x0], $0xffff  }
0x20f: {  	v10 =	vld.idx.msk [tilespmem:v63+s28+$0x0], $0xffff;
	_ =	sdelay $0x1  }
0x210: {  	v11 =	vor.u32 $0x100, v7  }
0x211: {  	v13 =	vor.u32 $0x2, v8;
	_ =	sdelay $0x1  }
0x212: {  	v9 =	vsel vm0, v9, v10  }
0x213: {  	[tilespmem:v63+s28+$0x0] =	vst.idx.msk $0xffff, v9  }
0x214: {  	v9 =	vld.idx.msk [tilespmem:v11+s26+$0x0], $0xffff  }
0x215: {  	v10 =	vld.idx.msk [tilespmem:v13+s28+$0x0], $0xffff;
	_ =	sdelay $0x1  }
0x216: {  	v11 =	vor.u32 $0x180, v7  }
0x217: {  	v8 =	vor.u32 $0x3, v8;
	_ =	sdelay $0x1  }
0x218: {  	v7 =	vsel vm0, v9, v10  }
0x219: {  	[tilespmem:v13+s28+$0x0] =	vst.idx.msk $0xffff, v7  }
0x21a: {  	s30 =	simm.s32 $0x10;
	v9 =	vld.idx.msk [tilespmem:v11+s26+$0x0], $0xffff  }
0x21b: {  	v7 =	vor.u32 s30, v2;
	v10 =	vld.idx.msk [tilespmem:v8+s28+$0x0], $0xffff  }
0x21c: {  	vm1 =	vlt.s32 v7, v6  }
0x21d: {  	s0 =	simm.s32 $0x20;
	v11 =	vnsel vm1, $0x0, v7  }
.LBB2_15:
0x21e: {  	p2 =	sne.s32 s0, $0x3E0;
	s3 =	smov.u32 s0;
	s0 =	sadd.s32 $0x10, s0  }
0x21f: {  	_ = 	snop  }
0x220: {  	v9 =	vsel vm0, v9, v10  }
0x221: {  	[tilespmem:v8+s28+$0x0] =	vst.idx.msk $0xffff, v9  }
0x222: {  	v8 =	vld.idx.msk [tilespmem:v11+s20+$0x0], $0xffff;
	_ =	sdelay $0x5  }
0x223: {  	v8 =	vnsel vm1, $0x0, v8;
	_ =	sdelay $0x4  }
0x224: {  	v8 =	vld.idx.msk [tilespmem:v8+s18+$0x0], $0xffff;
	_ =	sdelay $0x5  }
0x225: {  	v8 =	vadd.s32 $0xFFFFDA00, v8  }
0x226: {  	vm0 =	vlt.u32 v8, $0x2800  }
0x227: {  	vm0 =	vmand vm1, vm0  }
0x228: {  	v8 =	vnsel vm0, $0x0, v8  }
0x229: {  	v9 =	vshll.u32 v8, $0x2  }
0x22a: {  	v7 =	vshll.u32 v7, $0x3;
	v8 =	vand.u32 $0x7F, v8;
	v9 =	vand.u32 $0xFFFFFE00, v9  }
0x22b: {  	v8 =	vor.u32 v8, v9;
	_ =	sdelay $0x3  }
0x22c: {  	v9 =	vld.idx.msk [tilespmem:v7+s28+$0x0], $0xffff  }
0x22d: {  	v10 =	vld.idx.msk [tilespmem:v8+s26+$0x0], $0xffff;
	_ =	sdelay $0x2  }
0x22e: {  	v12 =	vor.u32 $0x1, v7;
	v11 =	vor.u32 $0x80, v8;
	_ =	sdelay $0x2  }
0x22f: {  	v9 =	vsel vm0, v10, v9  }
0x230: {  	[tilespmem:v7+s28+$0x0] =	vst.idx.msk $0xffff, v9  }
0x231: {  	v9 =	vld.idx.msk [tilespmem:v11+s26+$0x0], $0xffff  }
0x232: {  	v10 =	vld.idx.msk [tilespmem:v12+s28+$0x0], $0xffff;
	_ =	sdelay $0x2  }
0x233: {  	v13 =	vor.u32 $0x2, v7;
	v11 =	vor.u32 $0x100, v8;
	_ =	sdelay $0x2  }
0x234: {  	v9 =	vsel vm0, v9, v10  }
0x235: {  	[tilespmem:v12+s28+$0x0] =	vst.idx.msk $0xffff, v9  }
0x236: {  	v9 =	vld.idx.msk [tilespmem:v11+s26+$0x0], $0xffff  }
0x237: {  	v10 =	vld.idx.msk [tilespmem:v13+s28+$0x0], $0xffff;
	_ =	sdelay $0x2  }
0x238: {  	v11 =	vor.u32 $0x180, v8;
	v8 =	vor.u32 $0x3, v7;
	_ =	sdelay $0x2  }
0x239: {  	v7 =	vsel vm0, v9, v10  }
0x23a: {  	[tilespmem:v13+s28+$0x0] =	vst.idx.msk $0xffff, v7  }
.Ltmp11:
0x23b: {  	v9 =	vld.idx.msk [tilespmem:v11+s26+$0x0], $0xffff;
	(pc) =	sbr.rel @p2 .LBB2_15-.Ltmp11, $4  }
0x23c: {  	v10 =	vld.idx.msk [tilespmem:v8+s28+$0x0], $0xffff  }
0x23d: {  	v7 =	vor.u32 s3, v2  }
0x23e: {  	vm1 =	vlt.s32 v7, v6  }
0x23f: {  	v11 =	vnsel vm1, $0x0, v7  }
0x240: {  	_ =	sdelay $0x2  }
0x241: {  	v9 =	vsel vm0, v9, v10  }
0x242: {  	[tilespmem:v8+s28+$0x0] =	vst.idx.msk $0xffff, v9  }
0x243: {  	v8 =	vld.idx.msk [tilespmem:v11+s20+$0x0], $0xffff;
	_ =	sdelay $0x4  }
0x244: {  	v8 =	vnsel vm1, $0x0, v8;
	_ =	sdelay $0x4  }
0x245: {  	v8 =	vld.idx.msk [tilespmem:v8+s18+$0x0], $0xffff;
	_ =	sdelay $0x4  }
0x246: {  	v8 =	vadd.s32 $0xFFFFDA00, v8  }
0x247: {  	vm0 =	vlt.u32 v8, $0x2800  }
0x248: {  	vm0 =	vmand vm1, vm0  }
0x249: {  	v8 =	vnsel vm0, $0x0, v8  }
0x24a: {  	v9 =	vshll.u32 v8, $0x2  }
0x24b: {  	v7 =	vshll.u32 v7, $0x3;
	v8 =	vand.u32 $0x7F, v8;
	v9 =	vand.u32 $0xFFFFFE00, v9  }
0x24c: {  	v8 =	vor.u32 v8, v9;
	_ =	sdelay $0x3  }
0x24d: {  	v9 =	vld.idx.msk [tilespmem:v7+s28+$0x0], $0xffff  }
0x24e: {  	v10 =	vld.idx.msk [tilespmem:v8+s26+$0x0], $0xffff;
	_ =	sdelay $0x1  }
0x24f: {  	v11 =	vor.u32 $0x80, v8  }
0x250: {  	v12 =	vor.u32 $0x1, v7;
	_ =	sdelay $0x1  }
0x251: {  	v9 =	vsel vm0, v10, v9  }
0x252: {  	[tilespmem:v7+s28+$0x0] =	vst.idx.msk $0xffff, v9  }
0x253: {  	v9 =	vld.idx.msk [tilespmem:v11+s26+$0x0], $0xffff  }
0x254: {  	v10 =	vld.idx.msk [tilespmem:v12+s28+$0x0], $0xffff;
	_ =	sdelay $0x1  }
0x255: {  	v11 =	vor.u32 $0x100, v8  }
0x256: {  	v13 =	vor.u32 $0x2, v7;
	_ =	sdelay $0x1  }
0x257: {  	v9 =	vsel vm0, v9, v10  }
0x258: {  	[tilespmem:v12+s28+$0x0] =	vst.idx.msk $0xffff, v9  }
0x259: {  	v9 =	vld.idx.msk [tilespmem:v11+s26+$0x0], $0xffff  }
0x25a: {  	v10 =	vld.idx.msk [tilespmem:v13+s28+$0x0], $0xffff;
	_ =	sdelay $0x1  }
0x25b: {  	v8 =	vor.u32 $0x180, v8  }
0x25c: {  	v7 =	vor.u32 $0x3, v7;
	_ =	sdelay $0x1  }
0x25d: {  	v9 =	vsel vm0, v9, v10  }
0x25e: {  	[tilespmem:v13+s28+$0x0] =	vst.idx.msk $0xffff, v9  }
0x25f: {  	v8 =	vld.idx.msk [tilespmem:v8+s26+$0x0], $0xffff  }
0x260: {  	v9 =	vld.idx.msk [tilespmem:v7+s28+$0x0], $0xffff;
	_ =	sdelay $0x2  }
0x261: {  	s0 =	simm.s32 $0x0  }
0x262: {  	v10 =	vor.u32 s0, v2  }
0x263: {  	v8 =	vsel vm0, v8, v9;
	vm0 =	vlt.s32 v10, v6  }
0x264: {  	s3 =	rddreg [dreg:$0xa];
	[tilespmem:v7+s28+$0x0] =	vst.idx.msk $0xffff, v8;
	v7 =	vnsel vm0, $0x0, v10  }
0x265: {  	[tilespmem:s26], [sflag:$0x2] =	stream.linear.gather [hbm4b:s3+s0], $0x200, $0x38;
	[tilespmem:$0x1C600] =	vst v63  }
0x266: {  	_ =	swait.ge [sflag:s17], $0x200  }
0x267: {  	[sflag:s17] =	ssyncset.done $0x0  }
0x268: {  	[sflag:s17] =	ssyncadd.s32 $0xFFFFFE00  }
0x269: {  	v7 =	vld.idx.msk [tilespmem:v7+s20+$0x0], $0xffff;
	_ =	sdelay $0x4  }
0x26a: {  	v7 =	vnsel vm0, $0x0, v7;
	_ =	sdelay $0x4  }
0x26b: {  	v7 =	vld.idx.msk [tilespmem:v7+s18+$0x0], $0xffff;
	_ =	sdelay $0x4  }
0x26c: {  	v7 =	vnsel vm0, $0x0, v7  }
0x26d: {  	v8 =	vand.u32 $0xFFFFFFE0, v7  }
0x26e: {  	vm1 =	veq.s32 v8, $0x4E00  }
0x26f: {  	v7 =	vadd.s32 $0xFFFFB200, v7;
	vm0 =	vmand vm0, vm1  }
0x270: {  	v7 =	vnsel vm0, $0x0, v7  }
0x271: {  	v8 =	vshll.u32 v7, $0x2  }
0x272: {  	v9 =	vshll.u32 v10, $0x3;
	v7 =	vand.u32 $0x7F, v7;
	v8 =	vand.u32 $0xFFFFFE00, v8  }
0x273: {  	v7 =	vor.u32 v7, v8;
	_ =	sdelay $0x3  }
0x274: {  	v8 =	vld.idx.msk [tilespmem:v9+s28+$0x0], $0xffff  }
0x275: {  	v10 =	vld.idx.msk [tilespmem:v7+s26+$0x0], $0xffff;
	_ =	sdelay $0x1  }
0x276: {  	v11 =	vor.u32 $0x80, v7  }
0x277: {  	v61 =	vor.u32 $0x1, v9;
	_ =	sdelay $0x1  }
0x278: {  	v8 =	vsel vm0, v10, v8  }
0x279: {  	[tilespmem:v9+s28+$0x0] =	vst.idx.msk $0xffff, v8  }
0x27a: {  	v8 =	vld.idx.msk [tilespmem:v11+s26+$0x0], $0xffff  }
0x27b: {  	v10 =	vld.idx.msk [tilespmem:v61+s28+$0x0], $0xffff;
	_ =	sdelay $0x1  }
0x27c: {  	v11 =	vor.u32 $0x100, v7  }
0x27d: {  	v62 =	vor.u32 $0x2, v9;
	_ =	sdelay $0x1  }
0x27e: {  	v8 =	vsel vm0, v8, v10  }
0x27f: {  	[tilespmem:v61+s28+$0x0] =	vst.idx.msk $0xffff, v8  }
0x280: {  	v10 =	vld.idx.msk [tilespmem:v11+s26+$0x0], $0xffff  }
0x281: {  	v11 =	vld.idx.msk [tilespmem:v62+s28+$0x0], $0xffff;
	_ =	sdelay $0x1  }
0x282: {  	v63 =	vor.u32 $0x180, v7  }
0x283: {  	v8 =	vor.u32 $0x3, v9;
	_ =	sdelay $0x1  }
0x284: {  	v7 =	vsel vm0, v10, v11  }
0x285: {  	[tilespmem:v62+s28+$0x0] =	vst.idx.msk $0xffff, v7  }
0x286: {  	s30 =	simm.s32 $0x10;
	v9 =	vld.idx.msk [tilespmem:v63+s26+$0x0], $0xffff  }
0x287: {  	v7 =	vor.u32 s30, v2;
	v10 =	vld.idx.msk [tilespmem:v8+s28+$0x0], $0xffff  }
0x288: {  	vm1 =	vlt.s32 v7, v6  }
0x289: {  	s0 =	simm.s32 $0x20;
	v11 =	vnsel vm1, $0x0, v7  }
.LBB2_17:
0x28a: {  	p2 =	sne.s32 s0, $0x3E0;
	s3 =	smov.u32 s0;
	s0 =	sadd.s32 $0x10, s0  }
0x28b: {  	_ = 	snop  }
0x28c: {  	v9 =	vsel vm0, v9, v10  }
0x28d: {  	[tilespmem:v8+s28+$0x0] =	vst.idx.msk $0xffff, v9  }
0x28e: {  	v8 =	vld.idx.msk [tilespmem:v11+s20+$0x0], $0xffff;
	_ =	sdelay $0x5  }
0x28f: {  	v8 =	vnsel vm1, $0x0, v8;
	_ =	sdelay $0x4  }
0x290: {  	v8 =	vld.idx.msk [tilespmem:v8+s18+$0x0], $0xffff;
	_ =	sdelay $0x5  }
0x291: {  	v8 =	vnsel vm1, $0x0, v8  }
0x292: {  	v9 =	vand.u32 $0xFFFFFFE0, v8  }
0x293: {  	vm0 =	veq.s32 v9, $0x4E00  }
0x294: {  	v8 =	vadd.s32 $0xFFFFB200, v8;
	vm0 =	vmand vm1, vm0  }
0x295: {  	v8 =	vnsel vm0, $0x0, v8  }
0x296: {  	v9 =	vshll.u32 v8, $0x2  }
0x297: {  	v7 =	vshll.u32 v7, $0x3;
	v8 =	vand.u32 $0x7F, v8;
	v9 =	vand.u32 $0xFFFFFE00, v9  }
0x298: {  	v8 =	vor.u32 v8, v9;
	_ =	sdelay $0x3  }
0x299: {  	v9 =	vld.idx.msk [tilespmem:v7+s28+$0x0], $0xffff  }
0x29a: {  	v10 =	vld.idx.msk [tilespmem:v8+s26+$0x0], $0xffff;
	_ =	sdelay $0x2  }
0x29b: {  	v12 =	vor.u32 $0x1, v7;
	v11 =	vor.u32 $0x80, v8;
	_ =	sdelay $0x2  }
0x29c: {  	v9 =	vsel vm0, v10, v9  }
0x29d: {  	[tilespmem:v7+s28+$0x0] =	vst.idx.msk $0xffff, v9  }
0x29e: {  	v9 =	vld.idx.msk [tilespmem:v11+s26+$0x0], $0xffff  }
0x29f: {  	v10 =	vld.idx.msk [tilespmem:v12+s28+$0x0], $0xffff;
	_ =	sdelay $0x2  }
0x2a0: {  	v13 =	vor.u32 $0x2, v7;
	v11 =	vor.u32 $0x100, v8;
	_ =	sdelay $0x2  }
0x2a1: {  	v9 =	vsel vm0, v9, v10  }
0x2a2: {  	[tilespmem:v12+s28+$0x0] =	vst.idx.msk $0xffff, v9  }
0x2a3: {  	v9 =	vld.idx.msk [tilespmem:v11+s26+$0x0], $0xffff  }
0x2a4: {  	v10 =	vld.idx.msk [tilespmem:v13+s28+$0x0], $0xffff;
	_ =	sdelay $0x2  }
0x2a5: {  	v11 =	vor.u32 $0x180, v8;
	v8 =	vor.u32 $0x3, v7;
	_ =	sdelay $0x2  }
0x2a6: {  	v7 =	vsel vm0, v9, v10  }
0x2a7: {  	[tilespmem:v13+s28+$0x0] =	vst.idx.msk $0xffff, v7  }
.Ltmp12:
0x2a8: {  	v9 =	vld.idx.msk [tilespmem:v11+s26+$0x0], $0xffff;
	(pc) =	sbr.rel @p2 .LBB2_17-.Ltmp12, $4  }
0x2a9: {  	v10 =	vld.idx.msk [tilespmem:v8+s28+$0x0], $0xffff  }
0x2aa: {  	v7 =	vor.u32 s3, v2  }
0x2ab: {  	vm1 =	vlt.s32 v7, v6  }
0x2ac: {  	v11 =	vnsel vm1, $0x0, v7  }
0x2ad: {  	_ =	sdelay $0x2  }
0x2ae: {  	v6 =	vsel vm0, v9, v10  }
0x2af: {  	[tilespmem:v8+s28+$0x0] =	vst.idx.msk $0xffff, v6  }
0x2b0: {  	v6 =	vld.idx.msk [tilespmem:v11+s20+$0x0], $0xffff;
	_ =	sdelay $0x4  }
0x2b1: {  	v6 =	vnsel vm1, $0x0, v6;
	_ =	sdelay $0x4  }
0x2b2: {  	v6 =	vld.idx.msk [tilespmem:v6+s18+$0x0], $0xffff;
	_ =	sdelay $0x4  }
0x2b3: {  	v6 =	vnsel vm1, $0x0, v6  }
0x2b4: {  	v55 =	vand.u32 $0xFFFFFFE0, v6  }
0x2b5: {  	vm15 =	veq.s32 v55, $0x4E00  }
0x2b6: {  	v6 =	vadd.s32 $0xFFFFB200, v6;
	vm0 =	vmand vm1, vm15  }
0x2b7: {  	v6 =	vnsel vm0, $0x0, v6  }
0x2b8: {  	v56 =	vshll.u32 v6, $0x2  }
0x2b9: {  	v7 =	vshll.u32 v7, $0x3;
	v6 =	vand.u32 $0x7F, v6;
	v8 =	vand.u32 $0xFFFFFE00, v56  }
0x2ba: {  	v6 =	vor.u32 v6, v8;
	_ =	sdelay $0x3  }
0x2bb: {  	v57 =	vld.idx.msk [tilespmem:v7+s28+$0x0], $0xffff  }
0x2bc: {  	v58 =	vld.idx.msk [tilespmem:v6+s26+$0x0], $0xffff;
	_ =	sdelay $0x1  }
0x2bd: {  	v59 =	vor.u32 $0x80, v6  }
0x2be: {  	v60 =	vor.u32 $0x1, v7;
	_ =	sdelay $0x1  }
0x2bf: {  	v8 =	vsel vm0, v58, v57  }
0x2c0: {  	[tilespmem:v7+s28+$0x0] =	vst.idx.msk $0xffff, v8  }
0x2c1: {  	v8 =	vld.idx.msk [tilespmem:v59+s26+$0x0], $0xffff  }
0x2c2: {  	v61 =	vld.idx.msk [tilespmem:v60+s28+$0x0], $0xffff;
	_ =	sdelay $0x1  }
0x2c3: {  	v62 =	vor.u32 $0x100, v6  }
0x2c4: {  	v12 =	vor.u32 $0x2, v7;
	_ =	sdelay $0x1  }
0x2c5: {  	v8 =	vsel vm0, v8, v61  }
0x2c6: {  	[tilespmem:v60+s28+$0x0] =	vst.idx.msk $0xffff, v8  }
0x2c7: {  	v8 =	vld.idx.msk [tilespmem:v62+s26+$0x0], $0xffff  }
0x2c8: {  	v63 =	vld.idx.msk [tilespmem:v12+s28+$0x0], $0xffff;
	_ =	sdelay $0x1  }
0x2c9: {  	v6 =	vor.u32 $0x180, v6  }
0x2ca: {  	v7 =	vor.u32 $0x3, v7;
	_ =	sdelay $0x1  }
0x2cb: {  	v8 =	vsel vm0, v8, v63  }
0x2cc: {  	[tilespmem:v12+s28+$0x0] =	vst.idx.msk $0xffff, v8  }
0x2cd: {  	v6 =	vld.idx.msk [tilespmem:v6+s26+$0x0], $0xffff  }
0x2ce: {  	v8 =	vld.idx.msk [tilespmem:v7+s28+$0x0], $0xffff;
	_ =	sdelay $0x4  }
0x2cf: {  	v6 =	vsel vm0, v6, v8  }
.Ltmp13:
0x2d0: {  	s0 =	rddreg [dreg:$0xb];
	[tilespmem:v7+s28+$0x0] =	vst.idx.msk $0xffff, v6;
	(pc) =	sbr.rel .LBB2_22-.Ltmp13, $4  }
0x2d1: {  	[hbm4b:s0+s23] =	stream.strided.scatter [tilespmem:s28], [sflag:$0x2], $0x1F80, s24, s23, $0x38;
	[tilespmem:$0x1C600] =	vst v63  }
0x2d2: {  	_ =	swait.ge [sflag:s17], $0x1F80  }
0x2d3: {  	[sflag:s17] =	ssyncset.done $0x0  }
0x2d4: {  	[sflag:s17] =	ssyncadd.s32 $0xFFFFE080  }
.LBB2_19:
0x2d5: {  	s0 =	simm.s32 $0x0  }
0x2d6: {  	v7 =	vor.u32 s0, v2  }
0x2d7: {  	vm0 =	vlt.s32 v7, v6  }
0x2d8: {  	s25 =	rddreg [dreg:$0x7];
	s3 =	simm.s32 $0x1BD80;
	v7 =	vnsel vm0, $0x0, v7  }
0x2d9: {  	[hbm4b:s25+s23] =	stream.strided.scatter [tilespmem:s3], [sflag:$0x2], $0x400, s24, s23, $0x38;
	[tilespmem:$0x1C600] =	vst v63  }
0x2da: {  	_ =	swait.ge [sflag:s17], $0x400  }
0x2db: {  	[sflag:s17] =	ssyncset.done $0x0  }
0x2dc: {  	[sflag:s17] =	ssyncadd.s32 $0xFFFFFC00  }
0x2dd: {  	v7 =	vld.idx.msk [tilespmem:v7+s20+$0x0], $0xffff;
	_ =	sdelay $0x3  }
0x2de: {  	vm0 =	vmmov vm0  }
0x2df: {  	v7 =	vnsel vm0, $0x0, v7;
	_ =	sdelay $0x3  }
0x2e0: {  	s29 =	simm.s32 $0x10  }
0x2e1: {  	v8 =	vor.u32 s29, v2;
	v7 =	vld.idx.msk [tilespmem:v7+s19+$0x0], $0xffff  }
0x2e2: {  	vm1 =	vlt.s32 v8, v6  }
0x2e3: {  	v8 =	vnsel vm1, $0x0, v8;
	_ =	sdelay $0x2  }
0x2e4: {  	s0 =	simm.s32 $0x1C180;
	v7 =	vnsel vm0, $0x0, v7  }
0x2e5: {  	[tilespmem:s0+$0x0] =	vst v7  }
0x2e6: {  	v7 =	vld.idx.msk [tilespmem:v8+s20+$0x0], $0xffff;
	_ =	sdelay $0x3  }
0x2e7: {  	vm0 =	vmmov vm1  }
0x2e8: {  	v7 =	vnsel vm0, $0x0, v7;
	_ =	sdelay $0x3  }
0x2e9: {  	s30 =	simm.s32 $0x20  }
0x2ea: {  	s3 =	simm.s32 $0x30;
	v8 =	vor.u32 s30, v2;
	v7 =	vld.idx.msk [tilespmem:v7+s19+$0x0], $0xffff  }
.LBB2_20:
0x2eb: {  	p2 =	sne.s32 s3, $0x3E0;
	vm1 =	vlt.s32 v8, v6  }
0x2ec: {  	v8 =	vnsel vm1, $0x0, v8;
	_ =	sdelay $0x2  }
0x2ed: {  	v7 =	vnsel vm0, $0x0, v7;
	s0 =	sadd.s32 $0x10, s0;
	vm0 =	vmmov vm1  }
0x2ee: {  	[tilespmem:s0+$0x0] =	vst v7  }
0x2ef: {  	v7 =	vld.idx.msk [tilespmem:v8+s20+$0x0], $0xffff;
	_ =	sdelay $0x5  }
0x2f0: {  	v7 =	vnsel vm0, $0x0, v7;
	_ =	sdelay $0x1  }
.Ltmp14:
0x2f1: {  	(pc) =	sbr.rel @p2 .LBB2_20-.Ltmp14, $3  }
0x2f2: {  	_ =	sdelay $0x1  }
0x2f3: {  	v7 =	vld.idx.msk [tilespmem:v7+s19+$0x0], $0xffff  }
0x2f4: {  	v8 =	vor.u32 s3, v2;
	s3 =	sadd.s32 $0x10, s3  }
.Ltmp15:
0x2f5: {  	_ = 	snop;
	(pc) =	sbr.rel .LBB2_21-.Ltmp15, $1  }
0x2f6: {  	_ =	sdelay $0x3  }
.LBB2_23:
0x2f7: {  	_ =	sfence.sel $0x180000  }
0x2f8: {  	[bflag:$0x0] =	sbarrier.arrive $0xFFFF  }
0x2f9: {  	_ =	strace $0x90000047  }
0x2fa: {  	s0 =	stileid.u32;
	[bflag:$0x2] =	sbarrier.arrive $0xFFFF  }
0x2fb: {  	p0 =	sne.s32 s0, $0x0;
	s0 =	rddreg [dreg:$0x6]  }
0x2fc: {  	s0 =	sadd.s32 @!p0 $0x100000, s0  }
0x2fd: {  	[sflag:s0] =	ssyncadd.tile.s32 @!p0 $0x1;
	_ =	shalt  }
.Lfunc_end2:
_tile_overlayer_lowered:
.L_overlay_start_2:
0x2fe: {  	(tag) =	ssettag $0x2  }
0x2ff: {  	s0 =	rddreg [dreg:$0x0];
	s2 =	stileid.u32  }
0x300: {  	s1 =	rddreg [dreg:$0x1];
	p0 =	sne.s32 s2, $0x0  }
0x301: {  	s3 =	rddreg [dreg:$0x2];
	[bflag:$0x3] =	sbarrier.arrive $0xFFFF;
	s2 =	simm.s32 @!p0 $0x1C02  }
0x302: {  	[timem:s3], [sflag:s2] =	dma.local @!p0 [hbm:s0], s1  }
0x303: {  	s0 =	simm.s32 @!p0 $0x2  }
0x304: {  	_ =	swait.ge @!p0 [sflag:s0], s1  }
0x305: {  	s1 =	ssub.s32 @!p0 $0x0, s1;
	[sflag:s0] =	ssyncset.done @!p0 $0x0  }
0x306: {  	[sflag:s0] =	ssyncadd.s32 @!p0 s1  }
0x307: {  	[bflag:$0x3] =	sbarrier.arrive $0xFFFF  }
0x308: {  	_ =	shalt  }

</sc_bundles>
